<compile_context>
chip_gen: v7x
topology: tpu7x:2x2x1
jax: 0.10.2.dev20260603
libtpu: 0.0.44.dev20260713+nightly
codegen_flags: <defaults>
</compile_context>

<pallas_src>
import functools

import jax
import jax.numpy as jnp
from jax import lax
from jax.experimental import pallas as pl
from jax.experimental.pallas import tpu as pltpu
from jax.experimental.pallas import tpu_sc as plsc

NC = 2
NS = 16
NW = NC * NS
CH = 128
L = 16


def _round_up(a, b):
    return (a + b - 1) // b * b




@functools.lru_cache(maxsize=None)
def _make_sc_scatter(N, D, CPW):
    N_ACC = _round_up(N + 1, NS * 8)
    RPT = N_ACC // NS
    assert CPW >= 3 and CPW % 2 == 1
    nfull, rem = divmod(RPT, CH)

    mesh = plsc.VectorSubcoreMesh(core_axis_name="c", subcore_axis_name="s",
                                  num_cores=NC, num_subcores=NS)

    out_type = jax.ShapeDtypeStruct((NC, N_ACC, D), jnp.float32)
    scratch = [
        pltpu.VMEM_SHARED((N_ACC, D), jnp.float32),
        pltpu.VMEM((2, CH), jnp.int32),
        pltpu.VMEM((2, CH), jnp.int32),
        pltpu.VMEM((CH, D), jnp.float32),
        pltpu.VMEM((CH, D), jnp.float32),
        pltpu.SemaphoreType.DMA,
        pltpu.SemaphoreType.DMA,
        pltpu.SemaphoreType.DMA,
        pltpu.SemaphoreType.DMA,
    ]

    def body(y, idxr, outS, acc, ib0, ib1, rowsA, rowsB,
             semA, semB, semI0, semI1):
        c = lax.axis_index("c")
        s = lax.axis_index("s")
        w = c * NS + s
        base = s * RPT

        z16 = jnp.zeros((L,), jnp.float32)

        def zrow(i, carry):
            for k in range(D // L):
                rowsA[i, pl.ds(L * k, L)] = z16
            return carry
        lax.fori_loop(0, CH, zrow, 0)
        for b in range(nfull):
            pltpu.sync_copy(rowsA, acc.at[pl.ds(base + b * CH, CH)])
        if rem:
            pltpu.sync_copy(rowsA.at[pl.ds(0, rem)],
                            acc.at[pl.ds(base + nfull * CH, rem)])

        plsc.subcore_barrier()

        pltpu.sync_copy(idxr.at[w, 0], ib0)
        pltpu.async_copy(idxr.at[w, 1], ib1, semI1)
        pltpu.async_copy(y.at[ib0.at[0]], rowsA, semA)

        def pair(jj, carry):
            j0 = 2 * jj
            pltpu.make_async_copy(y.at[ib0.at[0]], rowsA, semA).wait()
            pltpu.make_async_copy(idxr.at[w, 0], ib1, semI1).wait()
            pltpu.async_copy(y.at[ib1.at[0]], rowsB, semB)
            pltpu.sync_copy(rowsA, acc.at[ib0.at[1]], add=True)
            pltpu.async_copy(idxr.at[w, j0 + 2], ib0, semI0)
            pltpu.make_async_copy(y.at[ib1.at[0]], rowsB, semB).wait()
            pltpu.make_async_copy(idxr.at[w, 0], ib0, semI0).wait()
            pltpu.async_copy(y.at[ib0.at[0]], rowsA, semA)
            pltpu.sync_copy(rowsB, acc.at[ib1.at[1]], add=True)
            pltpu.async_copy(idxr.at[w, j0 + 3], ib1, semI1)
            return carry
        lax.fori_loop(0, (CPW - 1) // 2, pair, 0)

        pltpu.make_async_copy(y.at[ib0.at[0]], rowsA, semA).wait()
        pltpu.sync_copy(rowsA, acc.at[ib0.at[1]], add=True)
        pltpu.make_async_copy(idxr.at[w, 0], ib1, semI1).wait()

        pltpu.sync_copy(acc.at[ib0.at[1]], rowsB)

        plsc.subcore_barrier()

        bufs = (rowsA, rowsB)
        sems = (semA, semB)
        pieces = [(b * CH, CH) for b in range(nfull)]
        if rem:
            pieces.append((nfull * CH, rem))
        for i, (off, sz) in enumerate(pieces):
            buf = bufs[i % 2].at[pl.ds(0, sz)]
            sem = sems[i % 2]
            if i >= 2:
                poff, psz = pieces[i - 2]
                pltpu.make_async_copy(
                    bufs[i % 2].at[pl.ds(0, psz)],
                    outS.at[c, pl.ds(base + poff, psz)], sem).wait()
            pltpu.sync_copy(acc.at[pl.ds(base + off, sz)], buf)
            pltpu.async_copy(buf, outS.at[c, pl.ds(base + off, sz)], sem)
        for i in range(max(0, len(pieces) - 2), len(pieces)):
            poff, psz = pieces[i]
            pltpu.make_async_copy(
                bufs[i % 2].at[pl.ds(0, psz)],
                outS.at[c, pl.ds(base + poff, psz)], sems[i % 2]).wait()

    return pl.kernel(body, out_type=out_type, mesh=mesh,
                     scratch_types=scratch)




@functools.lru_cache(maxsize=None)
def _make_sc_count(N, CPW):
    D = 128
    N_ACC = _round_up(N + 1, NS * 8)
    RPT = N_ACC // NS
    nfull, rem = divmod(RPT, CH)

    mesh = plsc.VectorSubcoreMesh(core_axis_name="c", subcore_axis_name="s",
                                  num_cores=NC, num_subcores=NS)

    out_type = jax.ShapeDtypeStruct((NC, N_ACC, D), jnp.float32)
    scratch = [
        pltpu.VMEM_SHARED((N_ACC, D), jnp.float32),
        pltpu.VMEM((CPW + 1, CH), jnp.int32),
        pltpu.VMEM((CH, D), jnp.float32),
        pltpu.VMEM((CH, D), jnp.float32),
        pltpu.SemaphoreType.DMA,
        pltpu.SemaphoreType.DMA,
    ]

    def body(dstr, outC, acc, dstv, rowsA, rowsB, semA, semB):
        c = lax.axis_index("c")
        s = lax.axis_index("s")
        w = c * NS + s
        base = s * RPT

        z16 = jnp.zeros((L,), jnp.float32)
        one16 = jnp.ones((L,), jnp.float32)

        def zrow(i, carry):
            for k in range(D // L):
                rowsA[i, pl.ds(L * k, L)] = z16
            return carry
        lax.fori_loop(0, CH, zrow, 0)
        for b in range(nfull):
            pltpu.sync_copy(rowsA, acc.at[pl.ds(base + b * CH, CH)])
        if rem:
            pltpu.sync_copy(rowsA.at[pl.ds(0, rem)],
                            acc.at[pl.ds(base + nfull * CH, rem)])

        def orow(i, carry):
            for k in range(D // L):
                rowsA[i, pl.ds(L * k, L)] = one16
            return carry
        lax.fori_loop(0, CH, orow, 0)

        pltpu.sync_copy(dstr.at[w], dstv)

        plsc.subcore_barrier()

        def step(j, carry):
            pltpu.sync_copy(rowsA, acc.at[dstv.at[j]], add=True)
            return carry
        lax.fori_loop(0, CPW, step, 0)

        pltpu.sync_copy(acc.at[dstv.at[0]], rowsB)

        plsc.subcore_barrier()

        bufs = (rowsB, rowsA)
        sems = (semB, semA)
        pieces = [(b * CH, CH) for b in range(nfull)]
        if rem:
            pieces.append((nfull * CH, rem))
        for i, (off, sz) in enumerate(pieces):
            buf = bufs[i % 2].at[pl.ds(0, sz)]
            sem = sems[i % 2]
            if i >= 2:
                poff, psz = pieces[i - 2]
                pltpu.make_async_copy(
                    bufs[i % 2].at[pl.ds(0, psz)],
                    outC.at[c, pl.ds(base + poff, psz)], sem).wait()
            pltpu.sync_copy(acc.at[pl.ds(base + off, sz)], buf)
            pltpu.async_copy(buf, outC.at[c, pl.ds(base + off, sz)], sem)
        for i in range(max(0, len(pieces) - 2), len(pieces)):
            poff, psz = pieces[i]
            pltpu.make_async_copy(
                bufs[i % 2].at[pl.ds(0, psz)],
                outC.at[c, pl.ds(base + poff, psz)], sems[i % 2]).wait()

    return pl.kernel(body, out_type=out_type, mesh=mesh,
                     scratch_types=scratch)




def _mm(a, b):
    return lax.dot_general(a, b, (((1,), (0,)), ((), ())),
                           precision=lax.Precision.HIGHEST,
                           preferred_element_type=jnp.float32)


@functools.lru_cache(maxsize=None)
def _make_tc_in(N, D, BLK):
    grid = (N // BLK,)

    def body(x_ref, wl_ref, b_ref, wr_ref, yl_ref, yr_ref):
        xb = x_ref[...]
        yl_ref[...] = _mm(xb, wl_ref[...])
        yr_ref[...] = _mm(xb, wr_ref[...]) + b_ref[...]

    return pl.pallas_call(
        body,
        grid=grid,
        in_specs=[
            pl.BlockSpec((BLK, D), lambda i: (i, 0)),
            pl.BlockSpec((D, D), lambda i: (0, 0)),
            pl.BlockSpec((1, D), lambda i: (0, 0)),
            pl.BlockSpec((D, D), lambda i: (0, 0)),
        ],
        out_specs=[
            pl.BlockSpec((BLK, D), lambda i: (i, 0)),
            pl.BlockSpec((BLK, D), lambda i: (i, 0)),
        ],
        out_shape=[
            jax.ShapeDtypeStruct((N, D), jnp.float32),
            jax.ShapeDtypeStruct((N, D), jnp.float32),
        ],
    )


def _combine(S_ref, C_ref, yrp_ref):
    agg = S_ref[0] + S_ref[1]
    cnt = C_ref[0, :, 0:1] + C_ref[1, :, 0:1]
    inv = 1.0 / jnp.maximum(cnt, 1.0)
    return agg * inv + yrp_ref[...]


@functools.lru_cache(maxsize=None)
def _make_tc_mid(N, N_ACC, D, BLK):
    grid = (N // BLK,)

    def body(S_ref, C_ref, yrp_ref, wl_ref, b_ref, wr_ref, yl_ref, yr_ref):
        h = jnp.maximum(_combine(S_ref, C_ref, yrp_ref), 0.0)
        yl_ref[...] = _mm(h, wl_ref[...])
        yr_ref[...] = _mm(h, wr_ref[...]) + b_ref[...]

    return pl.pallas_call(
        body,
        grid=grid,
        in_specs=[
            pl.BlockSpec((NC, BLK, D), lambda i: (0, i, 0)),
            pl.BlockSpec((NC, BLK, 128), lambda i: (0, i, 0)),
            pl.BlockSpec((BLK, D), lambda i: (i, 0)),
            pl.BlockSpec((D, D), lambda i: (0, 0)),
            pl.BlockSpec((1, D), lambda i: (0, 0)),
            pl.BlockSpec((D, D), lambda i: (0, 0)),
        ],
        out_specs=[
            pl.BlockSpec((BLK, D), lambda i: (i, 0)),
            pl.BlockSpec((BLK, D), lambda i: (i, 0)),
        ],
        out_shape=[
            jax.ShapeDtypeStruct((N, D), jnp.float32),
            jax.ShapeDtypeStruct((N, D), jnp.float32),
        ],
    )


@functools.lru_cache(maxsize=None)
def _make_tc_out(N, N_ACC, D, BLK):
    grid = (N // BLK,)

    def body(S_ref, C_ref, yrp_ref, out_ref):
        out_ref[...] = _combine(S_ref, C_ref, yrp_ref)

    return pl.pallas_call(
        body,
        grid=grid,
        in_specs=[
            pl.BlockSpec((NC, BLK, D), lambda i: (0, i, 0)),
            pl.BlockSpec((NC, BLK, 128), lambda i: (0, i, 0)),
            pl.BlockSpec((BLK, D), lambda i: (i, 0)),
        ],
        out_specs=pl.BlockSpec((BLK, D), lambda i: (i, 0)),
        out_shape=jax.ShapeDtypeStruct((N, D), jnp.float32),
    )




def kernel(x, edge_index, W1l, b1l, W1r, W2l, b2l, W2r, W3l, b3l, W3r):
    N, D = x.shape
    E = edge_index.shape[1]

    CPW = -(-E // (NW * CH))
    if CPW % 2 == 0:
        CPW += 1
    E_pad = NW * CPW * CH
    N_ACC = _round_up(N + 1, NS * 8)
    BLK = 1000
    assert N % BLK == 0 and N % NS == 0 and D % L == 0

    src = edge_index[0]
    dst = edge_index[1]
    pad = E_pad - E
    srcp = jnp.concatenate(
        [src, jnp.zeros((pad,), jnp.int32)]).reshape(NW, CPW, CH)
    dstp = jnp.concatenate(
        [dst, jnp.full((pad,), N, jnp.int32)]).reshape(NW, CPW, CH)
    idx = jnp.stack([srcp, dstp], axis=2)
    idx = jnp.pad(idx, ((0, 0), (0, 1), (0, 0), (0, 0)),
                  constant_values=N)
    dsts = jnp.pad(dstp, ((0, 0), (0, 1), (0, 0)),
                   constant_values=N)

    sc_scatter = _make_sc_scatter(N, D, CPW)
    sc_count = _make_sc_count(N, CPW)
    tc_in = _make_tc_in(N, D, BLK)
    tc_mid = _make_tc_mid(N, N_ACC, D, BLK)
    tc_out = _make_tc_out(N, N_ACC, D, BLK)

    b1 = b1l.reshape(1, D)
    b2 = b2l.reshape(1, D)
    b3 = b3l.reshape(1, D)

    C = sc_count(dsts)
    yl1, yr1 = tc_in(x, W1l, b1, W1r)
    S1 = sc_scatter(yl1, idx)
    yl2, yr2 = tc_mid(S1, C, yr1, W2l, b2, W2r)
    S2 = sc_scatter(yl2, idx)
    yl3, yr3 = tc_mid(S2, C, yr2, W3l, b3, W3r)
    S3 = sc_scatter(yl3, idx)
    return tc_out(S3, C, yr3)

# --- scband reference (transcript-rebuilt; emitter-appended) ---
"""Pipeline reference for scband-gnnencoder-13142599925846 (READ-ONLY COPY).

The authoritative reference and input builder live on the scoring server;
editing this copy changes nothing except your own understanding.
"""

import jax, jax.numpy as jnp
import numpy as np

N = 10000
E = 320000
D_IN = 128
HID = 128
OUT = 128


def _sage_conv(x, src, dst, Wl, bl, Wr, num_nodes):
    # PyG SAGEConv (mean aggr): out = lin_l(mean_j x_j) + lin_r(x)
    msgs = x[src]
    s = jax.ops.segment_sum(msgs, dst, num_segments=num_nodes)
    cnt = jax.ops.segment_sum(jnp.ones((src.shape[0],), x.dtype), dst, num_segments=num_nodes)
    agg = s / jnp.maximum(cnt, 1.0)[:, None]
    return agg @ Wl + bl + x @ Wr


def setup_inputs(seed: int = 0):
    key = jax.random.key(seed)
    ks = jax.random.split(key, 12)
    x = jax.random.normal(ks[0], (N, D_IN), dtype=jnp.float32)
    edge_index = jax.random.randint(ks[1], (2, E), 0, N, dtype=jnp.int32)
    s_in = 1.0 / np.sqrt(D_IN)
    s_h = 1.0 / np.sqrt(HID)
    W1l = jax.random.normal(ks[2], (D_IN, HID), dtype=jnp.float32) * s_in
    b1l = jnp.zeros((HID,), dtype=jnp.float32)
    W1r = jax.random.normal(ks[3], (D_IN, HID), dtype=jnp.float32) * s_in
    W2l = jax.random.normal(ks[4], (HID, HID), dtype=jnp.float32) * s_h
    b2l = jnp.zeros((HID,), dtype=jnp.float32)
    W2r = jax.random.normal(ks[5], (HID, HID), dtype=jnp.float32) * s_h
    W3l = jax.random.normal(ks[6], (HID, OUT), dtype=jnp.float32) * s_h
    b3l = jnp.zeros((OUT,), dtype=jnp.float32)
    W3r = jax.random.normal(ks[7], (HID, OUT), dtype=jnp.float32) * s_h
    return {"x": x, "edge_index": edge_index, "W1l": W1l, "b1l": b1l, "W1r": W1r,
            "W2l": W2l, "b2l": b2l, "W2r": W2r, "W3l": W3l, "b3l": b3l, "W3r": W3r}


def reference(x, edge_index, W1l, b1l, W1r, W2l, b2l, W2r, W3l, b3l, W3r):
    src = edge_index[0]
    dst = edge_index[1]
    h = jax.nn.relu(_sage_conv(x, src, dst, W1l, b1l, W1r, N))
    h = jax.nn.relu(_sage_conv(h, src, dst, W2l, b2l, W2r, N))
    out = _sage_conv(h, src, dst, W3l, b3l, W3r, N)
    return out

if __name__ == "__main__":
    import jax
    _d = setup_inputs()
    print(jax.jit(kernel)(*tuple(_d.values())))

</pallas_src>

<mosaic_0001>
#map = affine_map<(d0, d1) -> (0, 0, 0)>
module attributes {stable_mosaic.version = 14 : i64} {
  func.func @body(%arg0: i32, %arg1: i32, %arg2: memref<32x80x128xi32, #tpu.memory_space<hbm>>, %arg3: memref<2x10112x128xf32, #tpu.memory_space<hbm>>, %arg4: memref<10112x128xf32, #tpu.memory_space<vmem_shared>>, %arg5: memref<80x128xi32, #tpu.memory_space<vmem>>, %arg6: memref<128x128xf32, #tpu.memory_space<vmem>>, %arg7: memref<128x128xf32, #tpu.memory_space<vmem>>, %arg8: memref<!tpu.dma_semaphore, #tpu.memory_space<semaphore_mem>>, %arg9: memref<!tpu.dma_semaphore, #tpu.memory_space<semaphore_mem>>) attributes {dimension_semantics = [#tpu.dimension_semantics<core_parallel>, #tpu.dimension_semantics<subcore_parallel>], iteration_bounds = array<i64: 2, 16>, scalar_prefetch = 0 : i64, scratch_operands = 6 : i64, tpu.core_type = #tpu.core_type<sc_vector_subcore>, window_params = [{transform_indices = #map}, {transform_indices = #map}]} {
    %mul3A = arith.constant 16 : i32
    %mul3A_0 = arith.muli %arg0, %mul3A : i32
    %add3A = arith.addi %mul3A_0, %arg1 : i32
    %mul3A_1 = arith.constant 632 : i32
    %mul3A_2 = arith.muli %arg1, %mul3A_1 : i32
    %broadcast_in_dim3A = arith.constant 0.000000e+00 : f32
    %broadcast_in_dim3A_3 = vector.broadcast %broadcast_in_dim3A : f32 to vector<16xf32>
    %broadcast_in_dim3A_4 = arith.constant 1.000000e+00 : f32
    %broadcast_in_dim3A_5 = vector.broadcast %broadcast_in_dim3A_4 : f32 to vector<16xf32>
    %scan3A = arith.constant 0 : i32
    %scan3A_6 = arith.constant 0 : i32
    %scan3A_7 = arith.constant 128 : i32
    %scan3A_8 = arith.addi %scan3A_6, %scan3A_7 : i32
    %scan3A_9 = arith.constant 1 : i32
    scf.for %scan3A_182 = %scan3A_6 to %scan3A_8 step %scan3A_9  : i32 {
      %swap3A = arith.index_cast %scan3A_182 : i32 to index
      %swap3A_183 = arith.constant 0 : index
      %swap3A_184 = tpu.vector_load %arg6[%swap3A, %swap3A_183] {strides = array<i32>} : memref<128x128xf32, #tpu.memory_space<vmem>>, vector<1x16xf32>,
      %swap3A_185 = vector.shape_cast %swap3A_184 : vector<1x16xf32> to vector<16xf32>
      %swap3A_186 = vector.shape_cast %broadcast_in_dim3A_3 : vector<16xf32> to vector<1x16xf32>
      tpu.vector_store %arg6[%swap3A, %swap3A_183], %swap3A_186 {strides = array<i32>} : memref<128x128xf32, #tpu.memory_space<vmem>>, vector<1x16xf32>,
      %swap3A_187 = arith.index_cast %scan3A_182 : i32 to index
      %swap3A_188 = arith.constant 16 : index
      %swap3A_189 = tpu.vector_load %arg6[%swap3A_187, %swap3A_188] {strides = array<i32>} : memref<128x128xf32, #tpu.memory_space<vmem>>, vector<1x16xf32>,
      %swap3A_190 = vector.shape_cast %swap3A_189 : vector<1x16xf32> to vector<16xf32>
      %swap3A_191 = vector.shape_cast %broadcast_in_dim3A_3 : vector<16xf32> to vector<1x16xf32>
      tpu.vector_store %arg6[%swap3A_187, %swap3A_188], %swap3A_191 {strides = array<i32>} : memref<128x128xf32, #tpu.memory_space<vmem>>, vector<1x16xf32>,
      %swap3A_192 = arith.index_cast %scan3A_182 : i32 to index
      %swap3A_193 = arith.constant 32 : index
      %swap3A_194 = tpu.vector_load %arg6[%swap3A_192, %swap3A_193] {strides = array<i32>} : memref<128x128xf32, #tpu.memory_space<vmem>>, vector<1x16xf32>,
      %swap3A_195 = vector.shape_cast %swap3A_194 : vector<1x16xf32> to vector<16xf32>
      %swap3A_196 = vector.shape_cast %broadcast_in_dim3A_3 : vector<16xf32> to vector<1x16xf32>
      tpu.vector_store %arg6[%swap3A_192, %swap3A_193], %swap3A_196 {strides = array<i32>} : memref<128x128xf32, #tpu.memory_space<vmem>>, vector<1x16xf32>,
      %swap3A_197 = arith.index_cast %scan3A_182 : i32 to index
      %swap3A_198 = arith.constant 48 : index
      %swap3A_199 = tpu.vector_load %arg6[%swap3A_197, %swap3A_198] {strides = array<i32>} : memref<128x128xf32, #tpu.memory_space<vmem>>, vector<1x16xf32>,
      %swap3A_200 = vector.shape_cast %swap3A_199 : vector<1x16xf32> to vector<16xf32>
      %swap3A_201 = vector.shape_cast %broadcast_in_dim3A_3 : vector<16xf32> to vector<1x16xf32>
      tpu.vector_store %arg6[%swap3A_197, %swap3A_198], %swap3A_201 {strides = array<i32>} : memref<128x128xf32, #tpu.memory_space<vmem>>, vector<1x16xf32>,
      %swap3A_202 = arith.index_cast %scan3A_182 : i32 to index
      %swap3A_203 = arith.constant 64 : index
      %swap3A_204 = tpu.vector_load %arg6[%swap3A_202, %swap3A_203] {strides = array<i32>} : memref<128x128xf32, #tpu.memory_space<vmem>>, vector<1x16xf32>,
      %swap3A_205 = vector.shape_cast %swap3A_204 : vector<1x16xf32> to vector<16xf32>
      %swap3A_206 = vector.shape_cast %broadcast_in_dim3A_3 : vector<16xf32> to vector<1x16xf32>
      tpu.vector_store %arg6[%swap3A_202, %swap3A_203], %swap3A_206 {strides = array<i32>} : memref<128x128xf32, #tpu.memory_space<vmem>>, vector<1x16xf32>,
      %swap3A_207 = arith.index_cast %scan3A_182 : i32 to index
      %swap3A_208 = arith.constant 80 : index
      %swap3A_209 = tpu.vector_load %arg6[%swap3A_207, %swap3A_208] {strides = array<i32>} : memref<128x128xf32, #tpu.memory_space<vmem>>, vector<1x16xf32>,
      %swap3A_210 = vector.shape_cast %swap3A_209 : vector<1x16xf32> to vector<16xf32>
      %swap3A_211 = vector.shape_cast %broadcast_in_dim3A_3 : vector<16xf32> to vector<1x16xf32>
      tpu.vector_store %arg6[%swap3A_207, %swap3A_208], %swap3A_211 {strides = array<i32>} : memref<128x128xf32, #tpu.memory_space<vmem>>, vector<1x16xf32>,
      %swap3A_212 = arith.index_cast %scan3A_182 : i32 to index
      %swap3A_213 = arith.constant 96 : index
      %swap3A_214 = tpu.vector_load %arg6[%swap3A_212, %swap3A_213] {strides = array<i32>} : memref<128x128xf32, #tpu.memory_space<vmem>>, vector<1x16xf32>,
      %swap3A_215 = vector.shape_cast %swap3A_214 : vector<1x16xf32> to vector<16xf32>
      %swap3A_216 = vector.shape_cast %broadcast_in_dim3A_3 : vector<16xf32> to vector<1x16xf32>
      tpu.vector_store %arg6[%swap3A_212, %swap3A_213], %swap3A_216 {strides = array<i32>} : memref<128x128xf32, #tpu.memory_space<vmem>>, vector<1x16xf32>,
      %swap3A_217 = arith.index_cast %scan3A_182 : i32 to index
      %swap3A_218 = arith.constant 112 : index
      %swap3A_219 = tpu.vector_load %arg6[%swap3A_217, %swap3A_218] {strides = array<i32>} : memref<128x128xf32, #tpu.memory_space<vmem>>, vector<1x16xf32>,
      %swap3A_220 = vector.shape_cast %swap3A_219 : vector<1x16xf32> to vector<16xf32>
      %swap3A_221 = vector.shape_cast %broadcast_in_dim3A_3 : vector<16xf32> to vector<1x16xf32>
      tpu.vector_store %arg6[%swap3A_217, %swap3A_218], %swap3A_221 {strides = array<i32>} : memref<128x128xf32, #tpu.memory_space<vmem>>, vector<1x16xf32>,
    }
    %scan3A_10 = arith.constant 128 : i32
    %add3A_11 = arith.constant 0 : i32
    %add3A_12 = arith.addi %mul3A_2, %add3A_11 : i32
    "tpu.region"() ({
      %run_scoped3A_182 = tpu.sem_alloc : memref<!tpu.dma_semaphore, #tpu.memory_space<semaphore_mem>>
      %dma_start3A_183 = arith.constant 0 : i32
      %dma_start3A_184 = tpu.memref_slice %arg4[%add3A_12, %dma_start3A_183] : memref<10112x128xf32, #tpu.memory_space<vmem_shared>> -> memref<128x128xf32, #tpu.memory_space<vmem_shared>>
      %dma_start3A_185 = arith.constant 0 : i32
      %dma_start3A_186 = tpu.memref_slice %arg4[%add3A_12, %dma_start3A_185] : memref<10112x128xf32, #tpu.memory_space<vmem_shared>> -> memref<128x128xf32, #tpu.memory_space<vmem_shared>>
      tpu.enqueue_dma source(%arg6 : memref<128x128xf32, #tpu.memory_space<vmem>>) target(%dma_start3A_186 : memref<128x128xf32, #tpu.memory_space<vmem_shared>>) target_semaphore(%run_scoped3A_182 : memref<!tpu.dma_semaphore, #tpu.memory_space<semaphore_mem>>)
      %dma_wait3A_187 = arith.constant 0 : i32
      %dma_wait3A_188 = tpu.memref_slice %arg4[%add3A_12, %dma_wait3A_187] : memref<10112x128xf32, #tpu.memory_space<vmem_shared>> -> memref<128x128xf32, #tpu.memory_space<vmem_shared>>
      %dma_wait3A_189 = arith.constant 0 : i32
      %dma_wait3A_190 = tpu.memref_slice %arg4[%add3A_12, %dma_wait3A_189] : memref<10112x128xf32, #tpu.memory_space<vmem_shared>> -> memref<128x128xf32, #tpu.memory_space<vmem_shared>>
      tpu.wait_dma2 semaphore(%run_scoped3A_182 : memref<!tpu.dma_semaphore, #tpu.memory_space<semaphore_mem>>) src(%arg6 : memref<128x128xf32, #tpu.memory_space<vmem>>) dst(%dma_wait3A_190 : memref<128x128xf32, #tpu.memory_space<vmem_shared>>)
      tpu.yield
    }) : () -> ()
    %add3A_13 = arith.constant 128 : i32
    %add3A_14 = arith.addi %mul3A_2, %add3A_13 : i32
    "tpu.region"() ({
      %run_scoped3A_182 = tpu.sem_alloc : memref<!tpu.dma_semaphore, #tpu.memory_space<semaphore_mem>>
      %dma_start3A_183 = arith.constant 0 : i32
      %dma_start3A_184 = tpu.memref_slice %arg4[%add3A_14, %dma_start3A_183] : memref<10112x128xf32, #tpu.memory_space<vmem_shared>> -> memref<128x128xf32, #tpu.memory_space<vmem_shared>>
      %dma_start3A_185 = arith.constant 0 : i32
      %dma_start3A_186 = tpu.memref_slice %arg4[%add3A_14, %dma_start3A_185] : memref<10112x128xf32, #tpu.memory_space<vmem_shared>> -> memref<128x128xf32, #tpu.memory_space<vmem_shared>>
      tpu.enqueue_dma source(%arg6 : memref<128x128xf32, #tpu.memory_space<vmem>>) target(%dma_start3A_186 : memref<128x128xf32, #tpu.memory_space<vmem_shared>>) target_semaphore(%run_scoped3A_182 : memref<!tpu.dma_semaphore, #tpu.memory_space<semaphore_mem>>)
      %dma_wait3A_187 = arith.constant 0 : i32
      %dma_wait3A_188 = tpu.memref_slice %arg4[%add3A_14, %dma_wait3A_187] : memref<10112x128xf32, #tpu.memory_space<vmem_shared>> -> memref<128x128xf32, #tpu.memory_space<vmem_shared>>
      %dma_wait3A_189 = arith.constant 0 : i32
      %dma_wait3A_190 = tpu.memref_slice %arg4[%add3A_14, %dma_wait3A_189] : memref<10112x128xf32, #tpu.memory_space<vmem_shared>> -> memref<128x128xf32, #tpu.memory_space<vmem_shared>>
      tpu.wait_dma2 semaphore(%run_scoped3A_182 : memref<!tpu.dma_semaphore, #tpu.memory_space<semaphore_mem>>) src(%arg6 : memref<128x128xf32, #tpu.memory_space<vmem>>) dst(%dma_wait3A_190 : memref<128x128xf32, #tpu.memory_space<vmem_shared>>)
      tpu.yield
    }) : () -> ()
    %add3A_15 = arith.constant 256 : i32
    %add3A_16 = arith.addi %mul3A_2, %add3A_15 : i32
    "tpu.region"() ({
      %run_scoped3A_182 = tpu.sem_alloc : memref<!tpu.dma_semaphore, #tpu.memory_space<semaphore_mem>>
      %dma_start3A_183 = arith.constant 0 : i32
      %dma_start3A_184 = tpu.memref_slice %arg4[%add3A_16, %dma_start3A_183] : memref<10112x128xf32, #tpu.memory_space<vmem_shared>> -> memref<128x128xf32, #tpu.memory_space<vmem_shared>>
      %dma_start3A_185 = arith.constant 0 : i32
      %dma_start3A_186 = tpu.memref_slice %arg4[%add3A_16, %dma_start3A_185] : memref<10112x128xf32, #tpu.memory_space<vmem_shared>> -> memref<128x128xf32, #tpu.memory_space<vmem_shared>>
      tpu.enqueue_dma source(%arg6 : memref<128x128xf32, #tpu.memory_space<vmem>>) target(%dma_start3A_186 : memref<128x128xf32, #tpu.memory_space<vmem_shared>>) target_semaphore(%run_scoped3A_182 : memref<!tpu.dma_semaphore, #tpu.memory_space<semaphore_mem>>)
      %dma_wait3A_187 = arith.constant 0 : i32
      %dma_wait3A_188 = tpu.memref_slice %arg4[%add3A_16, %dma_wait3A_187] : memref<10112x128xf32, #tpu.memory_space<vmem_shared>> -> memref<128x128xf32, #tpu.memory_space<vmem_shared>>
      %dma_wait3A_189 = arith.constant 0 : i32
      %dma_wait3A_190 = tpu.memref_slice %arg4[%add3A_16, %dma_wait3A_189] : memref<10112x128xf32, #tpu.memory_space<vmem_shared>> -> memref<128x128xf32, #tpu.memory_space<vmem_shared>>
      tpu.wait_dma2 semaphore(%run_scoped3A_182 : memref<!tpu.dma_semaphore, #tpu.memory_space<semaphore_mem>>) src(%arg6 : memref<128x128xf32, #tpu.memory_space<vmem>>) dst(%dma_wait3A_190 : memref<128x128xf32, #tpu.memory_space<vmem_shared>>)
      tpu.yield
    }) : () -> ()
    %add3A_17 = arith.constant 384 : i32
    %add3A_18 = arith.addi %mul3A_2, %add3A_17 : i32
    "tpu.region"() ({
      %run_scoped3A_182 = tpu.sem_alloc : memref<!tpu.dma_semaphore, #tpu.memory_space<semaphore_mem>>
      %dma_start3A_183 = arith.constant 0 : i32
      %dma_start3A_184 = tpu.memref_slice %arg4[%add3A_18, %dma_start3A_183] : memref<10112x128xf32, #tpu.memory_space<vmem_shared>> -> memref<128x128xf32, #tpu.memory_space<vmem_shared>>
      %dma_start3A_185 = arith.constant 0 : i32
      %dma_start3A_186 = tpu.memref_slice %arg4[%add3A_18, %dma_start3A_185] : memref<10112x128xf32, #tpu.memory_space<vmem_shared>> -> memref<128x128xf32, #tpu.memory_space<vmem_shared>>
      tpu.enqueue_dma source(%arg6 : memref<128x128xf32, #tpu.memory_space<vmem>>) target(%dma_start3A_186 : memref<128x128xf32, #tpu.memory_space<vmem_shared>>) target_semaphore(%run_scoped3A_182 : memref<!tpu.dma_semaphore, #tpu.memory_space<semaphore_mem>>)
      %dma_wait3A_187 = arith.constant 0 : i32
      %dma_wait3A_188 = tpu.memref_slice %arg4[%add3A_18, %dma_wait3A_187] : memref<10112x128xf32, #tpu.memory_space<vmem_shared>> -> memref<128x128xf32, #tpu.memory_space<vmem_shared>>
      %dma_wait3A_189 = arith.constant 0 : i32
      %dma_wait3A_190 = tpu.memref_slice %arg4[%add3A_18, %dma_wait3A_189] : memref<10112x128xf32, #tpu.memory_space<vmem_shared>> -> memref<128x128xf32, #tpu.memory_space<vmem_shared>>
      tpu.wait_dma2 semaphore(%run_scoped3A_182 : memref<!tpu.dma_semaphore, #tpu.memory_space<semaphore_mem>>) src(%arg6 : memref<128x128xf32, #tpu.memory_space<vmem>>) dst(%dma_wait3A_190 : memref<128x128xf32, #tpu.memory_space<vmem_shared>>)
      tpu.yield
    }) : () -> ()
    %add3A_19 = arith.constant 512 : i32
    %add3A_20 = arith.addi %mul3A_2, %add3A_19 : i32
    "tpu.region"() ({
      %run_scoped3A_182 = tpu.sem_alloc : memref<!tpu.dma_semaphore, #tpu.memory_space<semaphore_mem>>
      %dma_start3A_183 = arith.constant 0 : i32
      %dma_start3A_184 = arith.constant 0 : i32
      %dma_start3A_185 = tpu.memref_slice %arg6[%dma_start3A_183, %dma_start3A_184] : memref<128x128xf32, #tpu.memory_space<vmem>> -> memref<120x128xf32, #tpu.memory_space<vmem>>
      %dma_start3A_186 = arith.constant 0 : i32
      %dma_start3A_187 = tpu.memref_slice %arg4[%add3A_20, %dma_start3A_186] : memref<10112x128xf32, #tpu.memory_space<vmem_shared>> -> memref<120x128xf32, #tpu.memory_space<vmem_shared>>
      %dma_start3A_188 = arith.constant 0 : i32
      %dma_start3A_189 = tpu.memref_slice %arg4[%add3A_20, %dma_start3A_188] : memref<10112x128xf32, #tpu.memory_space<vmem_shared>> -> memref<120x128xf32, #tpu.memory_space<vmem_shared>>
      %dma_start3A_190 = arith.constant 0 : i32
      %dma_start3A_191 = arith.constant 0 : i32
      %dma_start3A_192 = tpu.memref_slice %arg6[%dma_start3A_190, %dma_start3A_191] : memref<128x128xf32, #tpu.memory_space<vmem>> -> memref<120x128xf32, #tpu.memory_space<vmem>>
      tpu.enqueue_dma source(%dma_start3A_192 : memref<120x128xf32, #tpu.memory_space<vmem>>) target(%dma_start3A_189 : memref<120x128xf32, #tpu.memory_space<vmem_shared>>) target_semaphore(%run_scoped3A_182 : memref<!tpu.dma_semaphore, #tpu.memory_space<semaphore_mem>>)
      %dma_wait3A_193 = arith.constant 0 : i32
      %dma_wait3A_194 = arith.constant 0 : i32
      %dma_wait3A_195 = tpu.memref_slice %arg6[%dma_wait3A_193, %dma_wait3A_194] : memref<128x128xf32, #tpu.memory_space<vmem>> -> memref<120x128xf32, #tpu.memory_space<vmem>>
      %dma_wait3A_196 = arith.constant 0 : i32
      %dma_wait3A_197 = tpu.memref_slice %arg4[%add3A_20, %dma_wait3A_196] : memref<10112x128xf32, #tpu.memory_space<vmem_shared>> -> memref<120x128xf32, #tpu.memory_space<vmem_shared>>
      %dma_wait3A_198 = arith.constant 0 : i32
      %dma_wait3A_199 = tpu.memref_slice %arg4[%add3A_20, %dma_wait3A_198] : memref<10112x128xf32, #tpu.memory_space<vmem_shared>> -> memref<120x128xf32, #tpu.memory_space<vmem_shared>>
      %dma_wait3A_200 = arith.constant 0 : i32
      %dma_wait3A_201 = arith.constant 0 : i32
      %dma_wait3A_202 = tpu.memref_slice %arg6[%dma_wait3A_200, %dma_wait3A_201] : memref<128x128xf32, #tpu.memory_space<vmem>> -> memref<120x128xf32, #tpu.memory_space<vmem>>
      tpu.wait_dma2 semaphore(%run_scoped3A_182 : memref<!tpu.dma_semaphore, #tpu.memory_space<semaphore_mem>>) src(%dma_wait3A_202 : memref<120x128xf32, #tpu.memory_space<vmem>>) dst(%dma_wait3A_199 : memref<120x128xf32, #tpu.memory_space<vmem_shared>>)
      tpu.yield
    }) : () -> ()
    %scan3A_21 = arith.constant 0 : i32
    %scan3A_22 = arith.constant 0 : i32
    %scan3A_23 = arith.constant 128 : i32
    %scan3A_24 = arith.addi %scan3A_22, %scan3A_23 : i32
    %scan3A_25 = arith.constant 1 : i32
    scf.for %scan3A_182 = %scan3A_22 to %scan3A_24 step %scan3A_25  : i32 {
      %swap3A = arith.index_cast %scan3A_182 : i32 to index
      %swap3A_183 = arith.constant 0 : index
      %swap3A_184 = tpu.vector_load %arg6[%swap3A, %swap3A_183] {strides = array<i32>} : memref<128x128xf32, #tpu.memory_space<vmem>>, vector<1x16xf32>,
      %swap3A_185 = vector.shape_cast %swap3A_184 : vector<1x16xf32> to vector<16xf32>
      %swap3A_186 = vector.shape_cast %broadcast_in_dim3A_5 : vector<16xf32> to vector<1x16xf32>
      tpu.vector_store %arg6[%swap3A, %swap3A_183], %swap3A_186 {strides = array<i32>} : memref<128x128xf32, #tpu.memory_space<vmem>>, vector<1x16xf32>,
      %swap3A_187 = arith.index_cast %scan3A_182 : i32 to index
      %swap3A_188 = arith.constant 16 : index
      %swap3A_189 = tpu.vector_load %arg6[%swap3A_187, %swap3A_188] {strides = array<i32>} : memref<128x128xf32, #tpu.memory_space<vmem>>, vector<1x16xf32>,
      %swap3A_190 = vector.shape_cast %swap3A_189 : vector<1x16xf32> to vector<16xf32>
      %swap3A_191 = vector.shape_cast %broadcast_in_dim3A_5 : vector<16xf32> to vector<1x16xf32>
      tpu.vector_store %arg6[%swap3A_187, %swap3A_188], %swap3A_191 {strides = array<i32>} : memref<128x128xf32, #tpu.memory_space<vmem>>, vector<1x16xf32>,
      %swap3A_192 = arith.index_cast %scan3A_182 : i32 to index
      %swap3A_193 = arith.constant 32 : index
      %swap3A_194 = tpu.vector_load %arg6[%swap3A_192, %swap3A_193] {strides = array<i32>} : memref<128x128xf32, #tpu.memory_space<vmem>>, vector<1x16xf32>,
      %swap3A_195 = vector.shape_cast %swap3A_194 : vector<1x16xf32> to vector<16xf32>
      %swap3A_196 = vector.shape_cast %broadcast_in_dim3A_5 : vector<16xf32> to vector<1x16xf32>
      tpu.vector_store %arg6[%swap3A_192, %swap3A_193], %swap3A_196 {strides = array<i32>} : memref<128x128xf32, #tpu.memory_space<vmem>>, vector<1x16xf32>,
      %swap3A_197 = arith.index_cast %scan3A_182 : i32 to index
      %swap3A_198 = arith.constant 48 : index
      %swap3A_199 = tpu.vector_load %arg6[%swap3A_197, %swap3A_198] {strides = array<i32>} : memref<128x128xf32, #tpu.memory_space<vmem>>, vector<1x16xf32>,
      %swap3A_200 = vector.shape_cast %swap3A_199 : vector<1x16xf32> to vector<16xf32>
      %swap3A_201 = vector.shape_cast %broadcast_in_dim3A_5 : vector<16xf32> to vector<1x16xf32>
      tpu.vector_store %arg6[%swap3A_197, %swap3A_198], %swap3A_201 {strides = array<i32>} : memref<128x128xf32, #tpu.memory_space<vmem>>, vector<1x16xf32>,
      %swap3A_202 = arith.index_cast %scan3A_182 : i32 to index
      %swap3A_203 = arith.constant 64 : index
      %swap3A_204 = tpu.vector_load %arg6[%swap3A_202, %swap3A_203] {strides = array<i32>} : memref<128x128xf32, #tpu.memory_space<vmem>>, vector<1x16xf32>,
      %swap3A_205 = vector.shape_cast %swap3A_204 : vector<1x16xf32> to vector<16xf32>
      %swap3A_206 = vector.shape_cast %broadcast_in_dim3A_5 : vector<16xf32> to vector<1x16xf32>
      tpu.vector_store %arg6[%swap3A_202, %swap3A_203], %swap3A_206 {strides = array<i32>} : memref<128x128xf32, #tpu.memory_space<vmem>>, vector<1x16xf32>,
      %swap3A_207 = arith.index_cast %scan3A_182 : i32 to index
      %swap3A_208 = arith.constant 80 : index
      %swap3A_209 = tpu.vector_load %arg6[%swap3A_207, %swap3A_208] {strides = array<i32>} : memref<128x128xf32, #tpu.memory_space<vmem>>, vector<1x16xf32>,
      %swap3A_210 = vector.shape_cast %swap3A_209 : vector<1x16xf32> to vector<16xf32>
      %swap3A_211 = vector.shape_cast %broadcast_in_dim3A_5 : vector<16xf32> to vector<1x16xf32>
      tpu.vector_store %arg6[%swap3A_207, %swap3A_208], %swap3A_211 {strides = array<i32>} : memref<128x128xf32, #tpu.memory_space<vmem>>, vector<1x16xf32>,
      %swap3A_212 = arith.index_cast %scan3A_182 : i32 to index
      %swap3A_213 = arith.constant 96 : index
      %swap3A_214 = tpu.vector_load %arg6[%swap3A_212, %swap3A_213] {strides = array<i32>} : memref<128x128xf32, #tpu.memory_space<vmem>>, vector<1x16xf32>,
      %swap3A_215 = vector.shape_cast %swap3A_214 : vector<1x16xf32> to vector<16xf32>
      %swap3A_216 = vector.shape_cast %broadcast_in_dim3A_5 : vector<16xf32> to vector<1x16xf32>
      tpu.vector_store %arg6[%swap3A_212, %swap3A_213], %swap3A_216 {strides = array<i32>} : memref<128x128xf32, #tpu.memory_space<vmem>>, vector<1x16xf32>,
      %swap3A_217 = arith.index_cast %scan3A_182 : i32 to index
      %swap3A_218 = arith.constant 112 : index
      %swap3A_219 = tpu.vector_load %arg6[%swap3A_217, %swap3A_218] {strides = array<i32>} : memref<128x128xf32, #tpu.memory_space<vmem>>, vector<1x16xf32>,
      %swap3A_220 = vector.shape_cast %swap3A_219 : vector<1x16xf32> to vector<16xf32>
      %swap3A_221 = vector.shape_cast %broadcast_in_dim3A_5 : vector<16xf32> to vector<1x16xf32>
      tpu.vector_store %arg6[%swap3A_217, %swap3A_218], %swap3A_221 {strides = array<i32>} : memref<128x128xf32, #tpu.memory_space<vmem>>, vector<1x16xf32>,
    }
    %scan3A_26 = arith.constant 128 : i32
    "tpu.region"() ({
      %run_scoped3A_182 = tpu.sem_alloc : memref<!tpu.dma_semaphore, #tpu.memory_space<semaphore_mem>>
      %dma_start3A_183 = arith.constant 0 : i32
      %dma_start3A_184 = arith.constant 0 : i32
      %dma_start3A_185 = tpu.memref_slice %arg2[%add3A, %dma_start3A_183, %dma_start3A_184] : memref<32x80x128xi32, #tpu.memory_space<hbm>> -> memref<1x80x128xi32, #tpu.memory_space<hbm>>
      %dma_start3A_186 = tpu.memref_squeeze %dma_start3A_185 : memref<1x80x128xi32, #tpu.memory_space<hbm>> -> memref<80x128xi32, #tpu.memory_space<hbm>>
      %dma_start3A_187 = arith.constant 0 : i32
      %dma_start3A_188 = arith.constant 0 : i32
      %dma_start3A_189 = tpu.memref_slice %arg2[%add3A, %dma_start3A_187, %dma_start3A_188] : memref<32x80x128xi32, #tpu.memory_space<hbm>> -> memref<1x80x128xi32, #tpu.memory_space<hbm>>
      %dma_start3A_190 = tpu.memref_squeeze %dma_start3A_189 : memref<1x80x128xi32, #tpu.memory_space<hbm>> -> memref<80x128xi32, #tpu.memory_space<hbm>>
      tpu.enqueue_dma source(%dma_start3A_190 : memref<80x128xi32, #tpu.memory_space<hbm>>) target(%arg5 : memref<80x128xi32, #tpu.memory_space<vmem>>) target_semaphore(%run_scoped3A_182 : memref<!tpu.dma_semaphore, #tpu.memory_space<semaphore_mem>>)
      %dma_wait3A_191 = arith.constant 0 : i32
      %dma_wait3A_192 = arith.constant 0 : i32
      %dma_wait3A_193 = tpu.memref_slice %arg2[%add3A, %dma_wait3A_191, %dma_wait3A_192] : memref<32x80x128xi32, #tpu.memory_space<hbm>> -> memref<1x80x128xi32, #tpu.memory_space<hbm>>
      %dma_wait3A_194 = tpu.memref_squeeze %dma_wait3A_193 : memref<1x80x128xi32, #tpu.memory_space<hbm>> -> memref<80x128xi32, #tpu.memory_space<hbm>>
      %dma_wait3A_195 = arith.constant 0 : i32
      %dma_wait3A_196 = arith.constant 0 : i32
      %dma_wait3A_197 = tpu.memref_slice %arg2[%add3A, %dma_wait3A_195, %dma_wait3A_196] : memref<32x80x128xi32, #tpu.memory_space<hbm>> -> memref<1x80x128xi32, #tpu.memory_space<hbm>>
      %dma_wait3A_198 = tpu.memref_squeeze %dma_wait3A_197 : memref<1x80x128xi32, #tpu.memory_space<hbm>> -> memref<80x128xi32, #tpu.memory_space<hbm>>
      tpu.wait_dma2 semaphore(%run_scoped3A_182 : memref<!tpu.dma_semaphore, #tpu.memory_space<semaphore_mem>>) src(%dma_wait3A_198 : memref<80x128xi32, #tpu.memory_space<hbm>>) dst(%arg5 : memref<80x128xi32, #tpu.memory_space<vmem>>)
      tpu.yield
    }) : () -> ()
    %barrier3A = arith.constant 0 : index
    tpu.barrier barrier_id(%barrier3A)
    %scan3A_27 = arith.constant 0 : i32
    %scan3A_28 = arith.constant 0 : i32
    %scan3A_29 = arith.constant 79 : i32
    %scan3A_30 = arith.addi %scan3A_28, %scan3A_29 : i32
    %scan3A_31 = arith.constant 1 : i32
    scf.for %scan3A_182 = %scan3A_28 to %scan3A_30 step %scan3A_31  : i32 {
      "tpu.region"() ({
        %run_scoped3A_183 = tpu.sem_alloc : memref<!tpu.dma_semaphore, #tpu.memory_space<semaphore_mem>>
        %dma_start3A_184 = arith.constant 0 : i32
        %dma_start3A_185 = tpu.memref_slice %arg5[%scan3A_182, %dma_start3A_184] : memref<80x128xi32, #tpu.memory_space<vmem>> -> memref<1x128xi32, #tpu.memory_space<vmem>>
        %dma_start3A_186 = tpu.memref_squeeze %dma_start3A_185 : memref<1x128xi32, #tpu.memory_space<vmem>> -> memref<128xi32, #tpu.memory_space<vmem>>
        %dma_start3A_187 = arith.constant 0 : i32
        %dma_start3A_188 = arith.constant 0 : i32
        %dma_start3A_189 = tpu.memref_slice %arg4[%dma_start3A_187, %dma_start3A_188] : memref<10112x128xf32, #tpu.memory_space<vmem_shared>> -> memref<10112x128xf32, #tpu.memory_space<vmem_shared>>
        tpu.enqueue_indirect_dma source(%arg6 : memref<128x128xf32, #tpu.memory_space<vmem>>) target(%dma_start3A_189 : memref<10112x128xf32, #tpu.memory_space<vmem_shared>>) offsets(%dma_start3A_186 : memref<128xi32, #tpu.memory_space<vmem>>) semaphore(%run_scoped3A_183 : memref<!tpu.dma_semaphore, #tpu.memory_space<semaphore_mem>>) {add = true}
        %dma_wait3A_190 = arith.constant 0 : i32
        %dma_wait3A_191 = tpu.memref_slice %arg5[%scan3A_182, %dma_wait3A_190] : memref<80x128xi32, #tpu.memory_space<vmem>> -> memref<1x128xi32, #tpu.memory_space<vmem>>
        %dma_wait3A_192 = tpu.memref_squeeze %dma_wait3A_191 : memref<1x128xi32, #tpu.memory_space<vmem>> -> memref<128xi32, #tpu.memory_space<vmem>>
        %dma_wait3A_193 = arith.constant 0 : i32
        %dma_wait3A_194 = arith.constant 0 : i32
        %dma_wait3A_195 = tpu.memref_slice %arg4[%dma_wait3A_193, %dma_wait3A_194] : memref<10112x128xf32, #tpu.memory_space<vmem_shared>> -> memref<10112x128xf32, #tpu.memory_space<vmem_shared>>
        tpu.wait_indirect_dma semaphore(%run_scoped3A_183 : memref<!tpu.dma_semaphore, #tpu.memory_space<semaphore_mem>>) src(%arg6 : memref<128x128xf32, #tpu.memory_space<vmem>>) dst(%dma_wait3A_195 : memref<10112x128xf32, #tpu.memory_space<vmem_shared>>)
        tpu.yield
      }) : () -> ()
    }
    %scan3A_32 = arith.constant 79 : i32
    %run_scoped3A = arith.constant 0 : i32
    "tpu.region"() ({
      %run_scoped3A_182 = tpu.sem_alloc : memref<!tpu.dma_semaphore, #tpu.memory_space<semaphore_mem>>
      %dma_start3A_183 = arith.constant 0 : i32
      %dma_start3A_184 = tpu.memref_slice %arg5[%run_scoped3A, %dma_start3A_183] : memref<80x128xi32, #tpu.memory_space<vmem>> -> memref<1x128xi32, #tpu.memory_space<vmem>>
      %dma_start3A_185 = tpu.memref_squeeze %dma_start3A_184 : memref<1x128xi32, #tpu.memory_space<vmem>> -> memref<128xi32, #tpu.memory_space<vmem>>
      %dma_start3A_186 = arith.constant 0 : i32
      %dma_start3A_187 = arith.constant 0 : i32
      %dma_start3A_188 = tpu.memref_slice %arg4[%dma_start3A_186, %dma_start3A_187] : memref<10112x128xf32, #tpu.memory_space<vmem_shared>> -> memref<10112x128xf32, #tpu.memory_space<vmem_shared>>
      tpu.enqueue_indirect_dma source(%dma_start3A_188 : memref<10112x128xf32, #tpu.memory_space<vmem_shared>>) target(%arg7 : memref<128x128xf32, #tpu.memory_space<vmem>>) offsets(%dma_start3A_185 : memref<128xi32, #tpu.memory_space<vmem>>) semaphore(%run_scoped3A_182 : memref<!tpu.dma_semaphore, #tpu.memory_space<semaphore_mem>>)
      %dma_wait3A_189 = arith.constant 0 : i32
      %dma_wait3A_190 = tpu.memref_slice %arg5[%run_scoped3A, %dma_wait3A_189] : memref<80x128xi32, #tpu.memory_space<vmem>> -> memref<1x128xi32, #tpu.memory_space<vmem>>
      %dma_wait3A_191 = tpu.memref_squeeze %dma_wait3A_190 : memref<1x128xi32, #tpu.memory_space<vmem>> -> memref<128xi32, #tpu.memory_space<vmem>>
      %dma_wait3A_192 = arith.constant 0 : i32
      %dma_wait3A_193 = arith.constant 0 : i32
      %dma_wait3A_194 = tpu.memref_slice %arg4[%dma_wait3A_192, %dma_wait3A_193] : memref<10112x128xf32, #tpu.memory_space<vmem_shared>> -> memref<10112x128xf32, #tpu.memory_space<vmem_shared>>
      tpu.wait_indirect_dma semaphore(%run_scoped3A_182 : memref<!tpu.dma_semaphore, #tpu.memory_space<semaphore_mem>>) src(%dma_wait3A_194 : memref<10112x128xf32, #tpu.memory_space<vmem_shared>>) dst(%arg7 : memref<128x128xf32, #tpu.memory_space<vmem>>)
      tpu.yield
    }) : () -> ()
    %barrier3A_33 = arith.constant 0 : index
    tpu.barrier barrier_id(%barrier3A_33)
    %add3A_34 = arith.constant 0 : i32
    %add3A_35 = arith.addi %mul3A_2, %add3A_34 : i32
    "tpu.region"() ({
      %run_scoped3A_182 = tpu.sem_alloc : memref<!tpu.dma_semaphore, #tpu.memory_space<semaphore_mem>>
      %dma_start3A_183 = arith.constant 0 : i32
      %dma_start3A_184 = arith.constant 0 : i32
      %dma_start3A_185 = tpu.memref_slice %arg7[%dma_start3A_183, %dma_start3A_184] : memref<128x128xf32, #tpu.memory_space<vmem>> -> memref<128x128xf32, #tpu.memory_space<vmem>>
      %dma_start3A_186 = arith.constant 0 : i32
      %dma_start3A_187 = tpu.memref_slice %arg4[%add3A_35, %dma_start3A_186] : memref<10112x128xf32, #tpu.memory_space<vmem_shared>> -> memref<128x128xf32, #tpu.memory_space<vmem_shared>>
      %dma_start3A_188 = arith.constant 0 : i32
      %dma_start3A_189 = arith.constant 0 : i32
      %dma_start3A_190 = tpu.memref_slice %arg7[%dma_start3A_188, %dma_start3A_189] : memref<128x128xf32, #tpu.memory_space<vmem>> -> memref<128x128xf32, #tpu.memory_space<vmem>>
      %dma_start3A_191 = arith.constant 0 : i32
      %dma_start3A_192 = tpu.memref_slice %arg4[%add3A_35, %dma_start3A_191] : memref<10112x128xf32, #tpu.memory_space<vmem_shared>> -> memref<128x128xf32, #tpu.memory_space<vmem_shared>>
      tpu.enqueue_dma source(%dma_start3A_192 : memref<128x128xf32, #tpu.memory_space<vmem_shared>>) target(%dma_start3A_190 : memref<128x128xf32, #tpu.memory_space<vmem>>) target_semaphore(%run_scoped3A_182 : memref<!tpu.dma_semaphore, #tpu.memory_space<semaphore_mem>>)
      %dma_wait3A_193 = arith.constant 0 : i32
      %dma_wait3A_194 = arith.constant 0 : i32
      %dma_wait3A_195 = tpu.memref_slice %arg7[%dma_wait3A_193, %dma_wait3A_194] : memref<128x128xf32, #tpu.memory_space<vmem>> -> memref<128x128xf32, #tpu.memory_space<vmem>>
      %dma_wait3A_196 = arith.constant 0 : i32
      %dma_wait3A_197 = tpu.memref_slice %arg4[%add3A_35, %dma_wait3A_196] : memref<10112x128xf32, #tpu.memory_space<vmem_shared>> -> memref<128x128xf32, #tpu.memory_space<vmem_shared>>
      %dma_wait3A_198 = arith.constant 0 : i32
      %dma_wait3A_199 = arith.constant 0 : i32
      %dma_wait3A_200 = tpu.memref_slice %arg7[%dma_wait3A_198, %dma_wait3A_199] : memref<128x128xf32, #tpu.memory_space<vmem>> -> memref<128x128xf32, #tpu.memory_space<vmem>>
      %dma_wait3A_201 = arith.constant 0 : i32
      %dma_wait3A_202 = tpu.memref_slice %arg4[%add3A_35, %dma_wait3A_201] : memref<10112x128xf32, #tpu.memory_space<vmem_shared>> -> memref<128x128xf32, #tpu.memory_space<vmem_shared>>
      tpu.wait_dma2 semaphore(%run_scoped3A_182 : memref<!tpu.dma_semaphore, #tpu.memory_space<semaphore_mem>>) src(%dma_wait3A_202 : memref<128x128xf32, #tpu.memory_space<vmem_shared>>) dst(%dma_wait3A_200 : memref<128x128xf32, #tpu.memory_space<vmem>>)
      tpu.yield
    }) : () -> ()
    %add3A_36 = arith.constant 0 : i32
    %add3A_37 = arith.addi %mul3A_2, %add3A_36 : i32
    %dma_start3A = arith.constant 0 : i32
    %dma_start3A_38 = arith.constant 0 : i32
    %dma_start3A_39 = tpu.memref_slice %arg7[%dma_start3A, %dma_start3A_38] : memref<128x128xf32, #tpu.memory_space<vmem>> -> memref<128x128xf32, #tpu.memory_space<vmem>>
    %dma_start3A_40 = arith.constant 0 : i32
    %dma_start3A_41 = tpu.memref_slice %arg3[%arg0, %add3A_37, %dma_start3A_40] : memref<2x10112x128xf32, #tpu.memory_space<hbm>> -> memref<1x128x128xf32, #tpu.memory_space<hbm>>
    %dma_start3A_42 = tpu.memref_squeeze %dma_start3A_41 : memref<1x128x128xf32, #tpu.memory_space<hbm>> -> memref<128x128xf32, #tpu.memory_space<hbm>>
    %dma_start3A_43 = arith.constant 0 : i32
    %dma_start3A_44 = tpu.memref_slice %arg3[%arg0, %add3A_37, %dma_start3A_43] : memref<2x10112x128xf32, #tpu.memory_space<hbm>> -> memref<1x128x128xf32, #tpu.memory_space<hbm>>
    %dma_start3A_45 = tpu.memref_squeeze %dma_start3A_44 : memref<1x128x128xf32, #tpu.memory_space<hbm>> -> memref<128x128xf32, #tpu.memory_space<hbm>>
    %dma_start3A_46 = arith.constant 0 : i32
    %dma_start3A_47 = arith.constant 0 : i32
    %dma_start3A_48 = tpu.memref_slice %arg7[%dma_start3A_46, %dma_start3A_47] : memref<128x128xf32, #tpu.memory_space<vmem>> -> memref<128x128xf32, #tpu.memory_space<vmem>>
    tpu.enqueue_dma source(%dma_start3A_48 : memref<128x128xf32, #tpu.memory_space<vmem>>) target(%dma_start3A_45 : memref<128x128xf32, #tpu.memory_space<hbm>>) target_semaphore(%arg9 : memref<!tpu.dma_semaphore, #tpu.memory_space<semaphore_mem>>)
    %add3A_49 = arith.constant 128 : i32
    %add3A_50 = arith.addi %mul3A_2, %add3A_49 : i32
    "tpu.region"() ({
      %run_scoped3A_182 = tpu.sem_alloc : memref<!tpu.dma_semaphore, #tpu.memory_space<semaphore_mem>>
      %dma_start3A_183 = arith.constant 0 : i32
      %dma_start3A_184 = arith.constant 0 : i32
      %dma_start3A_185 = tpu.memref_slice %arg6[%dma_start3A_183, %dma_start3A_184] : memref<128x128xf32, #tpu.memory_space<vmem>> -> memref<128x128xf32, #tpu.memory_space<vmem>>
      %dma_start3A_186 = arith.constant 0 : i32
      %dma_start3A_187 = tpu.memref_slice %arg4[%add3A_50, %dma_start3A_186] : memref<10112x128xf32, #tpu.memory_space<vmem_shared>> -> memref<128x128xf32, #tpu.memory_space<vmem_shared>>
      %dma_start3A_188 = arith.constant 0 : i32
      %dma_start3A_189 = arith.constant 0 : i32
      %dma_start3A_190 = tpu.memref_slice %arg6[%dma_start3A_188, %dma_start3A_189] : memref<128x128xf32, #tpu.memory_space<vmem>> -> memref<128x128xf32, #tpu.memory_space<vmem>>
      %dma_start3A_191 = arith.constant 0 : i32
      %dma_start3A_192 = tpu.memref_slice %arg4[%add3A_50, %dma_start3A_191] : memref<10112x128xf32, #tpu.memory_space<vmem_shared>> -> memref<128x128xf32, #tpu.memory_space<vmem_shared>>
      tpu.enqueue_dma source(%dma_start3A_192 : memref<128x128xf32, #tpu.memory_space<vmem_shared>>) target(%dma_start3A_190 : memref<128x128xf32, #tpu.memory_space<vmem>>) target_semaphore(%run_scoped3A_182 : memref<!tpu.dma_semaphore, #tpu.memory_space<semaphore_mem>>)
      %dma_wait3A_193 = arith.constant 0 : i32
      %dma_wait3A_194 = arith.constant 0 : i32
      %dma_wait3A_195 = tpu.memref_slice %arg6[%dma_wait3A_193, %dma_wait3A_194] : memref<128x128xf32, #tpu.memory_space<vmem>> -> memref<128x128xf32, #tpu.memory_space<vmem>>
      %dma_wait3A_196 = arith.constant 0 : i32
      %dma_wait3A_197 = tpu.memref_slice %arg4[%add3A_50, %dma_wait3A_196] : memref<10112x128xf32, #tpu.memory_space<vmem_shared>> -> memref<128x128xf32, #tpu.memory_space<vmem_shared>>
      %dma_wait3A_198 = arith.constant 0 : i32
      %dma_wait3A_199 = arith.constant 0 : i32
      %dma_wait3A_200 = tpu.memref_slice %arg6[%dma_wait3A_198, %dma_wait3A_199] : memref<128x128xf32, #tpu.memory_space<vmem>> -> memref<128x128xf32, #tpu.memory_space<vmem>>
      %dma_wait3A_201 = arith.constant 0 : i32
      %dma_wait3A_202 = tpu.memref_slice %arg4[%add3A_50, %dma_wait3A_201] : memref<10112x128xf32, #tpu.memory_space<vmem_shared>> -> memref<128x128xf32, #tpu.memory_space<vmem_shared>>
      tpu.wait_dma2 semaphore(%run_scoped3A_182 : memref<!tpu.dma_semaphore, #tpu.memory_space<semaphore_mem>>) src(%dma_wait3A_202 : memref<128x128xf32, #tpu.memory_space<vmem_shared>>) dst(%dma_wait3A_200 : memref<128x128xf32, #tpu.memory_space<vmem>>)
      tpu.yield
    }) : () -> ()
    %add3A_51 = arith.constant 128 : i32
    %add3A_52 = arith.addi %mul3A_2, %add3A_51 : i32
    %dma_start3A_53 = arith.constant 0 : i32
    %dma_start3A_54 = arith.constant 0 : i32
    %dma_start3A_55 = tpu.memref_slice %arg6[%dma_start3A_53, %dma_start3A_54] : memref<128x128xf32, #tpu.memory_space<vmem>> -> memref<128x128xf32, #tpu.memory_space<vmem>>
    %dma_start3A_56 = arith.constant 0 : i32
    %dma_start3A_57 = tpu.memref_slice %arg3[%arg0, %add3A_52, %dma_start3A_56] : memref<2x10112x128xf32, #tpu.memory_space<hbm>> -> memref<1x128x128xf32, #tpu.memory_space<hbm>>
    %dma_start3A_58 = tpu.memref_squeeze %dma_start3A_57 : memref<1x128x128xf32, #tpu.memory_space<hbm>> -> memref<128x128xf32, #tpu.memory_space<hbm>>
    %dma_start3A_59 = arith.constant 0 : i32
    %dma_start3A_60 = tpu.memref_slice %arg3[%arg0, %add3A_52, %dma_start3A_59] : memref<2x10112x128xf32, #tpu.memory_space<hbm>> -> memref<1x128x128xf32, #tpu.memory_space<hbm>>
    %dma_start3A_61 = tpu.memref_squeeze %dma_start3A_60 : memref<1x128x128xf32, #tpu.memory_space<hbm>> -> memref<128x128xf32, #tpu.memory_space<hbm>>
    %dma_start3A_62 = arith.constant 0 : i32
    %dma_start3A_63 = arith.constant 0 : i32
    %dma_start3A_64 = tpu.memref_slice %arg6[%dma_start3A_62, %dma_start3A_63] : memref<128x128xf32, #tpu.memory_space<vmem>> -> memref<128x128xf32, #tpu.memory_space<vmem>>
    tpu.enqueue_dma source(%dma_start3A_64 : memref<128x128xf32, #tpu.memory_space<vmem>>) target(%dma_start3A_61 : memref<128x128xf32, #tpu.memory_space<hbm>>) target_semaphore(%arg8 : memref<!tpu.dma_semaphore, #tpu.memory_space<semaphore_mem>>)
    %add3A_65 = arith.constant 0 : i32
    %add3A_66 = arith.addi %mul3A_2, %add3A_65 : i32
    %dma_wait3A = arith.constant 0 : i32
    %dma_wait3A_67 = arith.constant 0 : i32
    %dma_wait3A_68 = tpu.memref_slice %arg7[%dma_wait3A, %dma_wait3A_67] : memref<128x128xf32, #tpu.memory_space<vmem>> -> memref<128x128xf32, #tpu.memory_space<vmem>>
    %dma_wait3A_69 = arith.constant 0 : i32
    %dma_wait3A_70 = tpu.memref_slice %arg3[%arg0, %add3A_66, %dma_wait3A_69] : memref<2x10112x128xf32, #tpu.memory_space<hbm>> -> memref<1x128x128xf32, #tpu.memory_space<hbm>>
    %dma_wait3A_71 = tpu.memref_squeeze %dma_wait3A_70 : memref<1x128x128xf32, #tpu.memory_space<hbm>> -> memref<128x128xf32, #tpu.memory_space<hbm>>
    %dma_wait3A_72 = arith.constant 0 : i32
    %dma_wait3A_73 = tpu.memref_slice %arg3[%arg0, %add3A_66, %dma_wait3A_72] : memref<2x10112x128xf32, #tpu.memory_space<hbm>> -> memref<1x128x128xf32, #tpu.memory_space<hbm>>
    %dma_wait3A_74 = tpu.memref_squeeze %dma_wait3A_73 : memref<1x128x128xf32, #tpu.memory_space<hbm>> -> memref<128x128xf32, #tpu.memory_space<hbm>>
    %dma_wait3A_75 = arith.constant 0 : i32
    %dma_wait3A_76 = arith.constant 0 : i32
    %dma_wait3A_77 = tpu.memref_slice %arg7[%dma_wait3A_75, %dma_wait3A_76] : memref<128x128xf32, #tpu.memory_space<vmem>> -> memref<128x128xf32, #tpu.memory_space<vmem>>
    tpu.wait_dma2 semaphore(%arg9 : memref<!tpu.dma_semaphore, #tpu.memory_space<semaphore_mem>>) src(%dma_wait3A_77 : memref<128x128xf32, #tpu.memory_space<vmem>>) dst(%dma_wait3A_74 : memref<128x128xf32, #tpu.memory_space<hbm>>)
    %add3A_78 = arith.constant 256 : i32
    %add3A_79 = arith.addi %mul3A_2, %add3A_78 : i32
    "tpu.region"() ({
      %run_scoped3A_182 = tpu.sem_alloc : memref<!tpu.dma_semaphore, #tpu.memory_space<semaphore_mem>>
      %dma_start3A_183 = arith.constant 0 : i32
      %dma_start3A_184 = arith.constant 0 : i32
      %dma_start3A_185 = tpu.memref_slice %arg7[%dma_start3A_183, %dma_start3A_184] : memref<128x128xf32, #tpu.memory_space<vmem>> -> memref<128x128xf32, #tpu.memory_space<vmem>>
      %dma_start3A_186 = arith.constant 0 : i32
      %dma_start3A_187 = tpu.memref_slice %arg4[%add3A_79, %dma_start3A_186] : memref<10112x128xf32, #tpu.memory_space<vmem_shared>> -> memref<128x128xf32, #tpu.memory_space<vmem_shared>>
      %dma_start3A_188 = arith.constant 0 : i32
      %dma_start3A_189 = arith.constant 0 : i32
      %dma_start3A_190 = tpu.memref_slice %arg7[%dma_start3A_188, %dma_start3A_189] : memref<128x128xf32, #tpu.memory_space<vmem>> -> memref<128x128xf32, #tpu.memory_space<vmem>>
      %dma_start3A_191 = arith.constant 0 : i32
      %dma_start3A_192 = tpu.memref_slice %arg4[%add3A_79, %dma_start3A_191] : memref<10112x128xf32, #tpu.memory_space<vmem_shared>> -> memref<128x128xf32, #tpu.memory_space<vmem_shared>>
      tpu.enqueue_dma source(%dma_start3A_192 : memref<128x128xf32, #tpu.memory_space<vmem_shared>>) target(%dma_start3A_190 : memref<128x128xf32, #tpu.memory_space<vmem>>) target_semaphore(%run_scoped3A_182 : memref<!tpu.dma_semaphore, #tpu.memory_space<semaphore_mem>>)
      %dma_wait3A_193 = arith.constant 0 : i32
      %dma_wait3A_194 = arith.constant 0 : i32
      %dma_wait3A_195 = tpu.memref_slice %arg7[%dma_wait3A_193, %dma_wait3A_194] : memref<128x128xf32, #tpu.memory_space<vmem>> -> memref<128x128xf32, #tpu.memory_space<vmem>>
      %dma_wait3A_196 = arith.constant 0 : i32
      %dma_wait3A_197 = tpu.memref_slice %arg4[%add3A_79, %dma_wait3A_196] : memref<10112x128xf32, #tpu.memory_space<vmem_shared>> -> memref<128x128xf32, #tpu.memory_space<vmem_shared>>
      %dma_wait3A_198 = arith.constant 0 : i32
      %dma_wait3A_199 = arith.constant 0 : i32
      %dma_wait3A_200 = tpu.memref_slice %arg7[%dma_wait3A_198, %dma_wait3A_199] : memref<128x128xf32, #tpu.memory_space<vmem>> -> memref<128x128xf32, #tpu.memory_space<vmem>>
      %dma_wait3A_201 = arith.constant 0 : i32
      %dma_wait3A_202 = tpu.memref_slice %arg4[%add3A_79, %dma_wait3A_201] : memref<10112x128xf32, #tpu.memory_space<vmem_shared>> -> memref<128x128xf32, #tpu.memory_space<vmem_shared>>
      tpu.wait_dma2 semaphore(%run_scoped3A_182 : memref<!tpu.dma_semaphore, #tpu.memory_space<semaphore_mem>>) src(%dma_wait3A_202 : memref<128x128xf32, #tpu.memory_space<vmem_shared>>) dst(%dma_wait3A_200 : memref<128x128xf32, #tpu.memory_space<vmem>>)
      tpu.yield
    }) : () -> ()
    %add3A_80 = arith.constant 256 : i32
    %add3A_81 = arith.addi %mul3A_2, %add3A_80 : i32
    %dma_start3A_82 = arith.constant 0 : i32
    %dma_start3A_83 = arith.constant 0 : i32
    %dma_start3A_84 = tpu.memref_slice %arg7[%dma_start3A_82, %dma_start3A_83] : memref<128x128xf32, #tpu.memory_space<vmem>> -> memref<128x128xf32, #tpu.memory_space<vmem>>
    %dma_start3A_85 = arith.constant 0 : i32
    %dma_start3A_86 = tpu.memref_slice %arg3[%arg0, %add3A_81, %dma_start3A_85] : memref<2x10112x128xf32, #tpu.memory_space<hbm>> -> memref<1x128x128xf32, #tpu.memory_space<hbm>>
    %dma_start3A_87 = tpu.memref_squeeze %dma_start3A_86 : memref<1x128x128xf32, #tpu.memory_space<hbm>> -> memref<128x128xf32, #tpu.memory_space<hbm>>
    %dma_start3A_88 = arith.constant 0 : i32
    %dma_start3A_89 = tpu.memref_slice %arg3[%arg0, %add3A_81, %dma_start3A_88] : memref<2x10112x128xf32, #tpu.memory_space<hbm>> -> memref<1x128x128xf32, #tpu.memory_space<hbm>>
    %dma_start3A_90 = tpu.memref_squeeze %dma_start3A_89 : memref<1x128x128xf32, #tpu.memory_space<hbm>> -> memref<128x128xf32, #tpu.memory_space<hbm>>
    %dma_start3A_91 = arith.constant 0 : i32
    %dma_start3A_92 = arith.constant 0 : i32
    %dma_start3A_93 = tpu.memref_slice %arg7[%dma_start3A_91, %dma_start3A_92] : memref<128x128xf32, #tpu.memory_space<vmem>> -> memref<128x128xf32, #tpu.memory_space<vmem>>
    tpu.enqueue_dma source(%dma_start3A_93 : memref<128x128xf32, #tpu.memory_space<vmem>>) target(%dma_start3A_90 : memref<128x128xf32, #tpu.memory_space<hbm>>) target_semaphore(%arg9 : memref<!tpu.dma_semaphore, #tpu.memory_space<semaphore_mem>>)
    %add3A_94 = arith.constant 128 : i32
    %add3A_95 = arith.addi %mul3A_2, %add3A_94 : i32
    %dma_wait3A_96 = arith.constant 0 : i32
    %dma_wait3A_97 = arith.constant 0 : i32
    %dma_wait3A_98 = tpu.memref_slice %arg6[%dma_wait3A_96, %dma_wait3A_97] : memref<128x128xf32, #tpu.memory_space<vmem>> -> memref<128x128xf32, #tpu.memory_space<vmem>>
    %dma_wait3A_99 = arith.constant 0 : i32
    %dma_wait3A_100 = tpu.memref_slice %arg3[%arg0, %add3A_95, %dma_wait3A_99] : memref<2x10112x128xf32, #tpu.memory_space<hbm>> -> memref<1x128x128xf32, #tpu.memory_space<hbm>>
    %dma_wait3A_101 = tpu.memref_squeeze %dma_wait3A_100 : memref<1x128x128xf32, #tpu.memory_space<hbm>> -> memref<128x128xf32, #tpu.memory_space<hbm>>
    %dma_wait3A_102 = arith.constant 0 : i32
    %dma_wait3A_103 = tpu.memref_slice %arg3[%arg0, %add3A_95, %dma_wait3A_102] : memref<2x10112x128xf32, #tpu.memory_space<hbm>> -> memref<1x128x128xf32, #tpu.memory_space<hbm>>
    %dma_wait3A_104 = tpu.memref_squeeze %dma_wait3A_103 : memref<1x128x128xf32, #tpu.memory_space<hbm>> -> memref<128x128xf32, #tpu.memory_space<hbm>>
    %dma_wait3A_105 = arith.constant 0 : i32
    %dma_wait3A_106 = arith.constant 0 : i32
    %dma_wait3A_107 = tpu.memref_slice %arg6[%dma_wait3A_105, %dma_wait3A_106] : memref<128x128xf32, #tpu.memory_space<vmem>> -> memref<128x128xf32, #tpu.memory_space<vmem>>
    tpu.wait_dma2 semaphore(%arg8 : memref<!tpu.dma_semaphore, #tpu.memory_space<semaphore_mem>>) src(%dma_wait3A_107 : memref<128x128xf32, #tpu.memory_space<vmem>>) dst(%dma_wait3A_104 : memref<128x128xf32, #tpu.memory_space<hbm>>)
    %add3A_108 = arith.constant 384 : i32
    %add3A_109 = arith.addi %mul3A_2, %add3A_108 : i32
    "tpu.region"() ({
      %run_scoped3A_182 = tpu.sem_alloc : memref<!tpu.dma_semaphore, #tpu.memory_space<semaphore_mem>>
      %dma_start3A_183 = arith.constant 0 : i32
      %dma_start3A_184 = arith.constant 0 : i32
      %dma_start3A_185 = tpu.memref_slice %arg6[%dma_start3A_183, %dma_start3A_184] : memref<128x128xf32, #tpu.memory_space<vmem>> -> memref<128x128xf32, #tpu.memory_space<vmem>>
      %dma_start3A_186 = arith.constant 0 : i32
      %dma_start3A_187 = tpu.memref_slice %arg4[%add3A_109, %dma_start3A_186] : memref<10112x128xf32, #tpu.memory_space<vmem_shared>> -> memref<128x128xf32, #tpu.memory_space<vmem_shared>>
      %dma_start3A_188 = arith.constant 0 : i32
      %dma_start3A_189 = arith.constant 0 : i32
      %dma_start3A_190 = tpu.memref_slice %arg6[%dma_start3A_188, %dma_start3A_189] : memref<128x128xf32, #tpu.memory_space<vmem>> -> memref<128x128xf32, #tpu.memory_space<vmem>>
      %dma_start3A_191 = arith.constant 0 : i32
      %dma_start3A_192 = tpu.memref_slice %arg4[%add3A_109, %dma_start3A_191] : memref<10112x128xf32, #tpu.memory_space<vmem_shared>> -> memref<128x128xf32, #tpu.memory_space<vmem_shared>>
      tpu.enqueue_dma source(%dma_start3A_192 : memref<128x128xf32, #tpu.memory_space<vmem_shared>>) target(%dma_start3A_190 : memref<128x128xf32, #tpu.memory_space<vmem>>) target_semaphore(%run_scoped3A_182 : memref<!tpu.dma_semaphore, #tpu.memory_space<semaphore_mem>>)
      %dma_wait3A_193 = arith.constant 0 : i32
      %dma_wait3A_194 = arith.constant 0 : i32
      %dma_wait3A_195 = tpu.memref_slice %arg6[%dma_wait3A_193, %dma_wait3A_194] : memref<128x128xf32, #tpu.memory_space<vmem>> -> memref<128x128xf32, #tpu.memory_space<vmem>>
      %dma_wait3A_196 = arith.constant 0 : i32
      %dma_wait3A_197 = tpu.memref_slice %arg4[%add3A_109, %dma_wait3A_196] : memref<10112x128xf32, #tpu.memory_space<vmem_shared>> -> memref<128x128xf32, #tpu.memory_space<vmem_shared>>
      %dma_wait3A_198 = arith.constant 0 : i32
      %dma_wait3A_199 = arith.constant 0 : i32
      %dma_wait3A_200 = tpu.memref_slice %arg6[%dma_wait3A_198, %dma_wait3A_199] : memref<128x128xf32, #tpu.memory_space<vmem>> -> memref<128x128xf32, #tpu.memory_space<vmem>>
      %dma_wait3A_201 = arith.constant 0 : i32
      %dma_wait3A_202 = tpu.memref_slice %arg4[%add3A_109, %dma_wait3A_201] : memref<10112x128xf32, #tpu.memory_space<vmem_shared>> -> memref<128x128xf32, #tpu.memory_space<vmem_shared>>
      tpu.wait_dma2 semaphore(%run_scoped3A_182 : memref<!tpu.dma_semaphore, #tpu.memory_space<semaphore_mem>>) src(%dma_wait3A_202 : memref<128x128xf32, #tpu.memory_space<vmem_shared>>) dst(%dma_wait3A_200 : memref<128x128xf32, #tpu.memory_space<vmem>>)
      tpu.yield
    }) : () -> ()
    %add3A_110 = arith.constant 384 : i32
    %add3A_111 = arith.addi %mul3A_2, %add3A_110 : i32
    %dma_start3A_112 = arith.constant 0 : i32
    %dma_start3A_113 = arith.constant 0 : i32
    %dma_start3A_114 = tpu.memref_slice %arg6[%dma_start3A_112, %dma_start3A_113] : memref<128x128xf32, #tpu.memory_space<vmem>> -> memref<128x128xf32, #tpu.memory_space<vmem>>
    %dma_start3A_115 = arith.constant 0 : i32
    %dma_start3A_116 = tpu.memref_slice %arg3[%arg0, %add3A_111, %dma_start3A_115] : memref<2x10112x128xf32, #tpu.memory_space<hbm>> -> memref<1x128x128xf32, #tpu.memory_space<hbm>>
    %dma_start3A_117 = tpu.memref_squeeze %dma_start3A_116 : memref<1x128x128xf32, #tpu.memory_space<hbm>> -> memref<128x128xf32, #tpu.memory_space<hbm>>
    %dma_start3A_118 = arith.constant 0 : i32
    %dma_start3A_119 = tpu.memref_slice %arg3[%arg0, %add3A_111, %dma_start3A_118] : memref<2x10112x128xf32, #tpu.memory_space<hbm>> -> memref<1x128x128xf32, #tpu.memory_space<hbm>>
    %dma_start3A_120 = tpu.memref_squeeze %dma_start3A_119 : memref<1x128x128xf32, #tpu.memory_space<hbm>> -> memref<128x128xf32, #tpu.memory_space<hbm>>
    %dma_start3A_121 = arith.constant 0 : i32
    %dma_start3A_122 = arith.constant 0 : i32
    %dma_start3A_123 = tpu.memref_slice %arg6[%dma_start3A_121, %dma_start3A_122] : memref<128x128xf32, #tpu.memory_space<vmem>> -> memref<128x128xf32, #tpu.memory_space<vmem>>
    tpu.enqueue_dma source(%dma_start3A_123 : memref<128x128xf32, #tpu.memory_space<vmem>>) target(%dma_start3A_120 : memref<128x128xf32, #tpu.memory_space<hbm>>) target_semaphore(%arg8 : memref<!tpu.dma_semaphore, #tpu.memory_space<semaphore_mem>>)
    %add3A_124 = arith.constant 256 : i32
    %add3A_125 = arith.addi %mul3A_2, %add3A_124 : i32
    %dma_wait3A_126 = arith.constant 0 : i32
    %dma_wait3A_127 = arith.constant 0 : i32
    %dma_wait3A_128 = tpu.memref_slice %arg7[%dma_wait3A_126, %dma_wait3A_127] : memref<128x128xf32, #tpu.memory_space<vmem>> -> memref<128x128xf32, #tpu.memory_space<vmem>>
    %dma_wait3A_129 = arith.constant 0 : i32
    %dma_wait3A_130 = tpu.memref_slice %arg3[%arg0, %add3A_125, %dma_wait3A_129] : memref<2x10112x128xf32, #tpu.memory_space<hbm>> -> memref<1x128x128xf32, #tpu.memory_space<hbm>>
    %dma_wait3A_131 = tpu.memref_squeeze %dma_wait3A_130 : memref<1x128x128xf32, #tpu.memory_space<hbm>> -> memref<128x128xf32, #tpu.memory_space<hbm>>
    %dma_wait3A_132 = arith.constant 0 : i32
    %dma_wait3A_133 = tpu.memref_slice %arg3[%arg0, %add3A_125, %dma_wait3A_132] : memref<2x10112x128xf32, #tpu.memory_space<hbm>> -> memref<1x128x128xf32, #tpu.memory_space<hbm>>
    %dma_wait3A_134 = tpu.memref_squeeze %dma_wait3A_133 : memref<1x128x128xf32, #tpu.memory_space<hbm>> -> memref<128x128xf32, #tpu.memory_space<hbm>>
    %dma_wait3A_135 = arith.constant 0 : i32
    %dma_wait3A_136 = arith.constant 0 : i32
    %dma_wait3A_137 = tpu.memref_slice %arg7[%dma_wait3A_135, %dma_wait3A_136] : memref<128x128xf32, #tpu.memory_space<vmem>> -> memref<128x128xf32, #tpu.memory_space<vmem>>
    tpu.wait_dma2 semaphore(%arg9 : memref<!tpu.dma_semaphore, #tpu.memory_space<semaphore_mem>>) src(%dma_wait3A_137 : memref<128x128xf32, #tpu.memory_space<vmem>>) dst(%dma_wait3A_134 : memref<128x128xf32, #tpu.memory_space<hbm>>)
    %add3A_138 = arith.constant 512 : i32
    %add3A_139 = arith.addi %mul3A_2, %add3A_138 : i32
    "tpu.region"() ({
      %run_scoped3A_182 = tpu.sem_alloc : memref<!tpu.dma_semaphore, #tpu.memory_space<semaphore_mem>>
      %dma_start3A_183 = arith.constant 0 : i32
      %dma_start3A_184 = arith.constant 0 : i32
      %dma_start3A_185 = tpu.memref_slice %arg7[%dma_start3A_183, %dma_start3A_184] : memref<128x128xf32, #tpu.memory_space<vmem>> -> memref<120x128xf32, #tpu.memory_space<vmem>>
      %dma_start3A_186 = arith.constant 0 : i32
      %dma_start3A_187 = tpu.memref_slice %arg4[%add3A_139, %dma_start3A_186] : memref<10112x128xf32, #tpu.memory_space<vmem_shared>> -> memref<120x128xf32, #tpu.memory_space<vmem_shared>>
      %dma_start3A_188 = arith.constant 0 : i32
      %dma_start3A_189 = arith.constant 0 : i32
      %dma_start3A_190 = tpu.memref_slice %arg7[%dma_start3A_188, %dma_start3A_189] : memref<128x128xf32, #tpu.memory_space<vmem>> -> memref<120x128xf32, #tpu.memory_space<vmem>>
      %dma_start3A_191 = arith.constant 0 : i32
      %dma_start3A_192 = tpu.memref_slice %arg4[%add3A_139, %dma_start3A_191] : memref<10112x128xf32, #tpu.memory_space<vmem_shared>> -> memref<120x128xf32, #tpu.memory_space<vmem_shared>>
      tpu.enqueue_dma source(%dma_start3A_192 : memref<120x128xf32, #tpu.memory_space<vmem_shared>>) target(%dma_start3A_190 : memref<120x128xf32, #tpu.memory_space<vmem>>) target_semaphore(%run_scoped3A_182 : memref<!tpu.dma_semaphore, #tpu.memory_space<semaphore_mem>>)
      %dma_wait3A_193 = arith.constant 0 : i32
      %dma_wait3A_194 = arith.constant 0 : i32
      %dma_wait3A_195 = tpu.memref_slice %arg7[%dma_wait3A_193, %dma_wait3A_194] : memref<128x128xf32, #tpu.memory_space<vmem>> -> memref<120x128xf32, #tpu.memory_space<vmem>>
      %dma_wait3A_196 = arith.constant 0 : i32
      %dma_wait3A_197 = tpu.memref_slice %arg4[%add3A_139, %dma_wait3A_196] : memref<10112x128xf32, #tpu.memory_space<vmem_shared>> -> memref<120x128xf32, #tpu.memory_space<vmem_shared>>
      %dma_wait3A_198 = arith.constant 0 : i32
      %dma_wait3A_199 = arith.constant 0 : i32
      %dma_wait3A_200 = tpu.memref_slice %arg7[%dma_wait3A_198, %dma_wait3A_199] : memref<128x128xf32, #tpu.memory_space<vmem>> -> memref<120x128xf32, #tpu.memory_space<vmem>>
      %dma_wait3A_201 = arith.constant 0 : i32
      %dma_wait3A_202 = tpu.memref_slice %arg4[%add3A_139, %dma_wait3A_201] : memref<10112x128xf32, #tpu.memory_space<vmem_shared>> -> memref<120x128xf32, #tpu.memory_space<vmem_shared>>
      tpu.wait_dma2 semaphore(%run_scoped3A_182 : memref<!tpu.dma_semaphore, #tpu.memory_space<semaphore_mem>>) src(%dma_wait3A_202 : memref<120x128xf32, #tpu.memory_space<vmem_shared>>) dst(%dma_wait3A_200 : memref<120x128xf32, #tpu.memory_space<vmem>>)
      tpu.yield
    }) : () -> ()
    %add3A_140 = arith.constant 512 : i32
    %add3A_141 = arith.addi %mul3A_2, %add3A_140 : i32
    %dma_start3A_142 = arith.constant 0 : i32
    %dma_start3A_143 = arith.constant 0 : i32
    %dma_start3A_144 = tpu.memref_slice %arg7[%dma_start3A_142, %dma_start3A_143] : memref<128x128xf32, #tpu.memory_space<vmem>> -> memref<120x128xf32, #tpu.memory_space<vmem>>
    %dma_start3A_145 = arith.constant 0 : i32
    %dma_start3A_146 = tpu.memref_slice %arg3[%arg0, %add3A_141, %dma_start3A_145] : memref<2x10112x128xf32, #tpu.memory_space<hbm>> -> memref<1x120x128xf32, #tpu.memory_space<hbm>>
    %dma_start3A_147 = tpu.memref_squeeze %dma_start3A_146 : memref<1x120x128xf32, #tpu.memory_space<hbm>> -> memref<120x128xf32, #tpu.memory_space<hbm>>
    %dma_start3A_148 = arith.constant 0 : i32
    %dma_start3A_149 = tpu.memref_slice %arg3[%arg0, %add3A_141, %dma_start3A_148] : memref<2x10112x128xf32, #tpu.memory_space<hbm>> -> memref<1x120x128xf32, #tpu.memory_space<hbm>>
    %dma_start3A_150 = tpu.memref_squeeze %dma_start3A_149 : memref<1x120x128xf32, #tpu.memory_space<hbm>> -> memref<120x128xf32, #tpu.memory_space<hbm>>
    %dma_start3A_151 = arith.constant 0 : i32
    %dma_start3A_152 = arith.constant 0 : i32
    %dma_start3A_153 = tpu.memref_slice %arg7[%dma_start3A_151, %dma_start3A_152] : memref<128x128xf32, #tpu.memory_space<vmem>> -> memref<120x128xf32, #tpu.memory_space<vmem>>
    tpu.enqueue_dma source(%dma_start3A_153 : memref<120x128xf32, #tpu.memory_space<vmem>>) target(%dma_start3A_150 : memref<120x128xf32, #tpu.memory_space<hbm>>) target_semaphore(%arg9 : memref<!tpu.dma_semaphore, #tpu.memory_space<semaphore_mem>>)
    %add3A_154 = arith.constant 384 : i32
    %add3A_155 = arith.addi %mul3A_2, %add3A_154 : i32
    %dma_wait3A_156 = arith.constant 0 : i32
    %dma_wait3A_157 = arith.constant 0 : i32
    %dma_wait3A_158 = tpu.memref_slice %arg6[%dma_wait3A_156, %dma_wait3A_157] : memref<128x128xf32, #tpu.memory_space<vmem>> -> memref<128x128xf32, #tpu.memory_space<vmem>>
    %dma_wait3A_159 = arith.constant 0 : i32
    %dma_wait3A_160 = tpu.memref_slice %arg3[%arg0, %add3A_155, %dma_wait3A_159] : memref<2x10112x128xf32, #tpu.memory_space<hbm>> -> memref<1x128x128xf32, #tpu.memory_space<hbm>>
    %dma_wait3A_161 = tpu.memref_squeeze %dma_wait3A_160 : memref<1x128x128xf32, #tpu.memory_space<hbm>> -> memref<128x128xf32, #tpu.memory_space<hbm>>
    %dma_wait3A_162 = arith.constant 0 : i32
    %dma_wait3A_163 = tpu.memref_slice %arg3[%arg0, %add3A_155, %dma_wait3A_162] : memref<2x10112x128xf32, #tpu.memory_space<hbm>> -> memref<1x128x128xf32, #tpu.memory_space<hbm>>
    %dma_wait3A_164 = tpu.memref_squeeze %dma_wait3A_163 : memref<1x128x128xf32, #tpu.memory_space<hbm>> -> memref<128x128xf32, #tpu.memory_space<hbm>>
    %dma_wait3A_165 = arith.constant 0 : i32
    %dma_wait3A_166 = arith.constant 0 : i32
    %dma_wait3A_167 = tpu.memref_slice %arg6[%dma_wait3A_165, %dma_wait3A_166] : memref<128x128xf32, #tpu.memory_space<vmem>> -> memref<128x128xf32, #tpu.memory_space<vmem>>
    tpu.wait_dma2 semaphore(%arg8 : memref<!tpu.dma_semaphore, #tpu.memory_space<semaphore_mem>>) src(%dma_wait3A_167 : memref<128x128xf32, #tpu.memory_space<vmem>>) dst(%dma_wait3A_164 : memref<128x128xf32, #tpu.memory_space<hbm>>)
    %add3A_168 = arith.constant 512 : i32
    %add3A_169 = arith.addi %mul3A_2, %add3A_168 : i32
    %dma_wait3A_170 = arith.constant 0 : i32
    %dma_wait3A_171 = arith.constant 0 : i32
    %dma_wait3A_172 = tpu.memref_slice %arg7[%dma_wait3A_170, %dma_wait3A_171] : memref<128x128xf32, #tpu.memory_space<vmem>> -> memref<120x128xf32, #tpu.memory_space<vmem>>
    %dma_wait3A_173 = arith.constant 0 : i32
    %dma_wait3A_174 = tpu.memref_slice %arg3[%arg0, %add3A_169, %dma_wait3A_173] : memref<2x10112x128xf32, #tpu.memory_space<hbm>> -> memref<1x120x128xf32, #tpu.memory_space<hbm>>
    %dma_wait3A_175 = tpu.memref_squeeze %dma_wait3A_174 : memref<1x120x128xf32, #tpu.memory_space<hbm>> -> memref<120x128xf32, #tpu.memory_space<hbm>>
    %dma_wait3A_176 = arith.constant 0 : i32
    %dma_wait3A_177 = tpu.memref_slice %arg3[%arg0, %add3A_169, %dma_wait3A_176] : memref<2x10112x128xf32, #tpu.memory_space<hbm>> -> memref<1x120x128xf32, #tpu.memory_space<hbm>>
    %dma_wait3A_178 = tpu.memref_squeeze %dma_wait3A_177 : memref<1x120x128xf32, #tpu.memory_space<hbm>> -> memref<120x128xf32, #tpu.memory_space<hbm>>
    %dma_wait3A_179 = arith.constant 0 : i32
    %dma_wait3A_180 = arith.constant 0 : i32
    %dma_wait3A_181 = tpu.memref_slice %arg7[%dma_wait3A_179, %dma_wait3A_180] : memref<128x128xf32, #tpu.memory_space<vmem>> -> memref<120x128xf32, #tpu.memory_space<vmem>>
    tpu.wait_dma2 semaphore(%arg9 : memref<!tpu.dma_semaphore, #tpu.memory_space<semaphore_mem>>) src(%dma_wait3A_181 : memref<120x128xf32, #tpu.memory_space<vmem>>) dst(%dma_wait3A_178 : memref<120x128xf32, #tpu.memory_space<hbm>>)
    return
  }
}

#map = affine_map<(d0, d1) -> (0, 0)>
#map1 = affine_map<(d0, d1) -> (0, 0, 0, 0)>
#map2 = affine_map<(d0, d1) -> (0, 0, 0)>
module attributes {stable_mosaic.version = 14 : i64} {
  func.func @body(%arg0: i32, %arg1: i32, %arg2: memref<10000x128xf32, #tpu.memory_space<hbm>>, %arg3: memref<32x80x2x128xi32, #tpu.memory_space<hbm>>, %arg4: memref<2x10112x128xf32, #tpu.memory_space<hbm>>, %arg5: memref<10112x128xf32, #tpu.memory_space<vmem_shared>>, %arg6: memref<2x128xi32, #tpu.memory_space<vmem>>, %arg7: memref<2x128xi32, #tpu.memory_space<vmem>>, %arg8: memref<128x128xf32, #tpu.memory_space<vmem>>, %arg9: memref<128x128xf32, #tpu.memory_space<vmem>>, %arg10: memref<!tpu.dma_semaphore, #tpu.memory_space<semaphore_mem>>, %arg11: memref<!tpu.dma_semaphore, #tpu.memory_space<semaphore_mem>>, %arg12: memref<!tpu.dma_semaphore, #tpu.memory_space<semaphore_mem>>, %arg13: memref<!tpu.dma_semaphore, #tpu.memory_space<semaphore_mem>>) attributes {dimension_semantics = [#tpu.dimension_semantics<core_parallel>, #tpu.dimension_semantics<subcore_parallel>], iteration_bounds = array<i64: 2, 16>, scalar_prefetch = 0 : i64, scratch_operands = 9 : i64, tpu.core_type = #tpu.core_type<sc_vector_subcore>, window_params = [{transform_indices = #map}, {transform_indices = #map1}, {transform_indices = #map2}]} {
    %mul3A = arith.constant 16 : i32
    %mul3A_0 = arith.muli %arg0, %mul3A : i32
    %add3A = arith.addi %mul3A_0, %arg1 : i32
    %mul3A_1 = arith.constant 632 : i32
    %mul3A_2 = arith.muli %arg1, %mul3A_1 : i32
    %broadcast_in_dim3A = arith.constant 0.000000e+00 : f32
    %broadcast_in_dim3A_3 = vector.broadcast %broadcast_in_dim3A : f32 to vector<16xf32>
    %scan3A = arith.constant 0 : i32
    %scan3A_4 = arith.constant 0 : i32
    %scan3A_5 = arith.constant 128 : i32
    %scan3A_6 = arith.addi %scan3A_4, %scan3A_5 : i32
    %scan3A_7 = arith.constant 1 : i32
    scf.for %scan3A_208 = %scan3A_4 to %scan3A_6 step %scan3A_7  : i32 {
      %swap3A = arith.index_cast %scan3A_208 : i32 to index
      %swap3A_209 = arith.constant 0 : index
      %swap3A_210 = tpu.vector_load %arg8[%swap3A, %swap3A_209] {strides = array<i32>} : memref<128x128xf32, #tpu.memory_space<vmem>>, vector<1x16xf32>,
      %swap3A_211 = vector.shape_cast %swap3A_210 : vector<1x16xf32> to vector<16xf32>
      %swap3A_212 = vector.shape_cast %broadcast_in_dim3A_3 : vector<16xf32> to vector<1x16xf32>
      tpu.vector_store %arg8[%swap3A, %swap3A_209], %swap3A_212 {strides = array<i32>} : memref<128x128xf32, #tpu.memory_space<vmem>>, vector<1x16xf32>,
      %swap3A_213 = arith.index_cast %scan3A_208 : i32 to index
      %swap3A_214 = arith.constant 16 : index
      %swap3A_215 = tpu.vector_load %arg8[%swap3A_213, %swap3A_214] {strides = array<i32>} : memref<128x128xf32, #tpu.memory_space<vmem>>, vector<1x16xf32>,
      %swap3A_216 = vector.shape_cast %swap3A_215 : vector<1x16xf32> to vector<16xf32>
      %swap3A_217 = vector.shape_cast %broadcast_in_dim3A_3 : vector<16xf32> to vector<1x16xf32>
      tpu.vector_store %arg8[%swap3A_213, %swap3A_214], %swap3A_217 {strides = array<i32>} : memref<128x128xf32, #tpu.memory_space<vmem>>, vector<1x16xf32>,
      %swap3A_218 = arith.index_cast %scan3A_208 : i32 to index
      %swap3A_219 = arith.constant 32 : index
      %swap3A_220 = tpu.vector_load %arg8[%swap3A_218, %swap3A_219] {strides = array<i32>} : memref<128x128xf32, #tpu.memory_space<vmem>>, vector<1x16xf32>,
      %swap3A_221 = vector.shape_cast %swap3A_220 : vector<1x16xf32> to vector<16xf32>
      %swap3A_222 = vector.shape_cast %broadcast_in_dim3A_3 : vector<16xf32> to vector<1x16xf32>
      tpu.vector_store %arg8[%swap3A_218, %swap3A_219], %swap3A_222 {strides = array<i32>} : memref<128x128xf32, #tpu.memory_space<vmem>>, vector<1x16xf32>,
      %swap3A_223 = arith.index_cast %scan3A_208 : i32 to index
      %swap3A_224 = arith.constant 48 : index
      %swap3A_225 = tpu.vector_load %arg8[%swap3A_223, %swap3A_224] {strides = array<i32>} : memref<128x128xf32, #tpu.memory_space<vmem>>, vector<1x16xf32>,
      %swap3A_226 = vector.shape_cast %swap3A_225 : vector<1x16xf32> to vector<16xf32>
      %swap3A_227 = vector.shape_cast %broadcast_in_dim3A_3 : vector<16xf32> to vector<1x16xf32>
      tpu.vector_store %arg8[%swap3A_223, %swap3A_224], %swap3A_227 {strides = array<i32>} : memref<128x128xf32, #tpu.memory_space<vmem>>, vector<1x16xf32>,
      %swap3A_228 = arith.index_cast %scan3A_208 : i32 to index
      %swap3A_229 = arith.constant 64 : index
      %swap3A_230 = tpu.vector_load %arg8[%swap3A_228, %swap3A_229] {strides = array<i32>} : memref<128x128xf32, #tpu.memory_space<vmem>>, vector<1x16xf32>,
      %swap3A_231 = vector.shape_cast %swap3A_230 : vector<1x16xf32> to vector<16xf32>
      %swap3A_232 = vector.shape_cast %broadcast_in_dim3A_3 : vector<16xf32> to vector<1x16xf32>
      tpu.vector_store %arg8[%swap3A_228, %swap3A_229], %swap3A_232 {strides = array<i32>} : memref<128x128xf32, #tpu.memory_space<vmem>>, vector<1x16xf32>,
      %swap3A_233 = arith.index_cast %scan3A_208 : i32 to index
      %swap3A_234 = arith.constant 80 : index
      %swap3A_235 = tpu.vector_load %arg8[%swap3A_233, %swap3A_234] {strides = array<i32>} : memref<128x128xf32, #tpu.memory_space<vmem>>, vector<1x16xf32>,
      %swap3A_236 = vector.shape_cast %swap3A_235 : vector<1x16xf32> to vector<16xf32>
      %swap3A_237 = vector.shape_cast %broadcast_in_dim3A_3 : vector<16xf32> to vector<1x16xf32>
      tpu.vector_store %arg8[%swap3A_233, %swap3A_234], %swap3A_237 {strides = array<i32>} : memref<128x128xf32, #tpu.memory_space<vmem>>, vector<1x16xf32>,
      %swap3A_238 = arith.index_cast %scan3A_208 : i32 to index
      %swap3A_239 = arith.constant 96 : index
      %swap3A_240 = tpu.vector_load %arg8[%swap3A_238, %swap3A_239] {strides = array<i32>} : memref<128x128xf32, #tpu.memory_space<vmem>>, vector<1x16xf32>,
      %swap3A_241 = vector.shape_cast %swap3A_240 : vector<1x16xf32> to vector<16xf32>
      %swap3A_242 = vector.shape_cast %broadcast_in_dim3A_3 : vector<16xf32> to vector<1x16xf32>
      tpu.vector_store %arg8[%swap3A_238, %swap3A_239], %swap3A_242 {strides = array<i32>} : memref<128x128xf32, #tpu.memory_space<vmem>>, vector<1x16xf32>,
      %swap3A_243 = arith.index_cast %scan3A_208 : i32 to index
      %swap3A_244 = arith.constant 112 : index
      %swap3A_245 = tpu.vector_load %arg8[%swap3A_243, %swap3A_244] {strides = array<i32>} : memref<128x128xf32, #tpu.memory_space<vmem>>, vector<1x16xf32>,
      %swap3A_246 = vector.shape_cast %swap3A_245 : vector<1x16xf32> to vector<16xf32>
      %swap3A_247 = vector.shape_cast %broadcast_in_dim3A_3 : vector<16xf32> to vector<1x16xf32>
      tpu.vector_store %arg8[%swap3A_243, %swap3A_244], %swap3A_247 {strides = array<i32>} : memref<128x128xf32, #tpu.memory_space<vmem>>, vector<1x16xf32>,
    }
    %scan3A_8 = arith.constant 128 : i32
    %add3A_9 = arith.constant 0 : i32
    %add3A_10 = arith.addi %mul3A_2, %add3A_9 : i32
    "tpu.region"() ({
      %run_scoped3A_208 = tpu.sem_alloc : memref<!tpu.dma_semaphore, #tpu.memory_space<semaphore_mem>>
      %dma_start3A_209 = arith.constant 0 : i32
      %dma_start3A_210 = tpu.memref_slice %arg5[%add3A_10, %dma_start3A_209] : memref<10112x128xf32, #tpu.memory_space<vmem_shared>> -> memref<128x128xf32, #tpu.memory_space<vmem_shared>>
      %dma_start3A_211 = arith.constant 0 : i32
      %dma_start3A_212 = tpu.memref_slice %arg5[%add3A_10, %dma_start3A_211] : memref<10112x128xf32, #tpu.memory_space<vmem_shared>> -> memref<128x128xf32, #tpu.memory_space<vmem_shared>>
      tpu.enqueue_dma source(%arg8 : memref<128x128xf32, #tpu.memory_space<vmem>>) target(%dma_start3A_212 : memref<128x128xf32, #tpu.memory_space<vmem_shared>>) target_semaphore(%run_scoped3A_208 : memref<!tpu.dma_semaphore, #tpu.memory_space<semaphore_mem>>)
      %dma_wait3A_213 = arith.constant 0 : i32
      %dma_wait3A_214 = tpu.memref_slice %arg5[%add3A_10, %dma_wait3A_213] : memref<10112x128xf32, #tpu.memory_space<vmem_shared>> -> memref<128x128xf32, #tpu.memory_space<vmem_shared>>
      %dma_wait3A_215 = arith.constant 0 : i32
      %dma_wait3A_216 = tpu.memref_slice %arg5[%add3A_10, %dma_wait3A_215] : memref<10112x128xf32, #tpu.memory_space<vmem_shared>> -> memref<128x128xf32, #tpu.memory_space<vmem_shared>>
      tpu.wait_dma2 semaphore(%run_scoped3A_208 : memref<!tpu.dma_semaphore, #tpu.memory_space<semaphore_mem>>) src(%arg8 : memref<128x128xf32, #tpu.memory_space<vmem>>) dst(%dma_wait3A_216 : memref<128x128xf32, #tpu.memory_space<vmem_shared>>)
      tpu.yield
    }) : () -> ()
    %add3A_11 = arith.constant 128 : i32
    %add3A_12 = arith.addi %mul3A_2, %add3A_11 : i32
    "tpu.region"() ({
      %run_scoped3A_208 = tpu.sem_alloc : memref<!tpu.dma_semaphore, #tpu.memory_space<semaphore_mem>>
      %dma_start3A_209 = arith.constant 0 : i32
      %dma_start3A_210 = tpu.memref_slice %arg5[%add3A_12, %dma_start3A_209] : memref<10112x128xf32, #tpu.memory_space<vmem_shared>> -> memref<128x128xf32, #tpu.memory_space<vmem_shared>>
      %dma_start3A_211 = arith.constant 0 : i32
      %dma_start3A_212 = tpu.memref_slice %arg5[%add3A_12, %dma_start3A_211] : memref<10112x128xf32, #tpu.memory_space<vmem_shared>> -> memref<128x128xf32, #tpu.memory_space<vmem_shared>>
      tpu.enqueue_dma source(%arg8 : memref<128x128xf32, #tpu.memory_space<vmem>>) target(%dma_start3A_212 : memref<128x128xf32, #tpu.memory_space<vmem_shared>>) target_semaphore(%run_scoped3A_208 : memref<!tpu.dma_semaphore, #tpu.memory_space<semaphore_mem>>)
      %dma_wait3A_213 = arith.constant 0 : i32
      %dma_wait3A_214 = tpu.memref_slice %arg5[%add3A_12, %dma_wait3A_213] : memref<10112x128xf32, #tpu.memory_space<vmem_shared>> -> memref<128x128xf32, #tpu.memory_space<vmem_shared>>
      %dma_wait3A_215 = arith.constant 0 : i32
      %dma_wait3A_216 = tpu.memref_slice %arg5[%add3A_12, %dma_wait3A_215] : memref<10112x128xf32, #tpu.memory_space<vmem_shared>> -> memref<128x128xf32, #tpu.memory_space<vmem_shared>>
      tpu.wait_dma2 semaphore(%run_scoped3A_208 : memref<!tpu.dma_semaphore, #tpu.memory_space<semaphore_mem>>) src(%arg8 : memref<128x128xf32, #tpu.memory_space<vmem>>) dst(%dma_wait3A_216 : memref<128x128xf32, #tpu.memory_space<vmem_shared>>)
      tpu.yield
    }) : () -> ()
    %add3A_13 = arith.constant 256 : i32
    %add3A_14 = arith.addi %mul3A_2, %add3A_13 : i32
    "tpu.region"() ({
      %run_scoped3A_208 = tpu.sem_alloc : memref<!tpu.dma_semaphore, #tpu.memory_space<semaphore_mem>>
      %dma_start3A_209 = arith.constant 0 : i32
      %dma_start3A_210 = tpu.memref_slice %arg5[%add3A_14, %dma_start3A_209] : memref<10112x128xf32, #tpu.memory_space<vmem_shared>> -> memref<128x128xf32, #tpu.memory_space<vmem_shared>>
      %dma_start3A_211 = arith.constant 0 : i32
      %dma_start3A_212 = tpu.memref_slice %arg5[%add3A_14, %dma_start3A_211] : memref<10112x128xf32, #tpu.memory_space<vmem_shared>> -> memref<128x128xf32, #tpu.memory_space<vmem_shared>>
      tpu.enqueue_dma source(%arg8 : memref<128x128xf32, #tpu.memory_space<vmem>>) target(%dma_start3A_212 : memref<128x128xf32, #tpu.memory_space<vmem_shared>>) target_semaphore(%run_scoped3A_208 : memref<!tpu.dma_semaphore, #tpu.memory_space<semaphore_mem>>)
      %dma_wait3A_213 = arith.constant 0 : i32
      %dma_wait3A_214 = tpu.memref_slice %arg5[%add3A_14, %dma_wait3A_213] : memref<10112x128xf32, #tpu.memory_space<vmem_shared>> -> memref<128x128xf32, #tpu.memory_space<vmem_shared>>
      %dma_wait3A_215 = arith.constant 0 : i32
      %dma_wait3A_216 = tpu.memref_slice %arg5[%add3A_14, %dma_wait3A_215] : memref<10112x128xf32, #tpu.memory_space<vmem_shared>> -> memref<128x128xf32, #tpu.memory_space<vmem_shared>>
      tpu.wait_dma2 semaphore(%run_scoped3A_208 : memref<!tpu.dma_semaphore, #tpu.memory_space<semaphore_mem>>) src(%arg8 : memref<128x128xf32, #tpu.memory_space<vmem>>) dst(%dma_wait3A_216 : memref<128x128xf32, #tpu.memory_space<vmem_shared>>)
      tpu.yield
    }) : () -> ()
    %add3A_15 = arith.constant 384 : i32
    %add3A_16 = arith.addi %mul3A_2, %add3A_15 : i32
    "tpu.region"() ({
      %run_scoped3A_208 = tpu.sem_alloc : memref<!tpu.dma_semaphore, #tpu.memory_space<semaphore_mem>>
      %dma_start3A_209 = arith.constant 0 : i32
      %dma_start3A_210 = tpu.memref_slice %arg5[%add3A_16, %dma_start3A_209] : memref<10112x128xf32, #tpu.memory_space<vmem_shared>> -> memref<128x128xf32, #tpu.memory_space<vmem_shared>>
      %dma_start3A_211 = arith.constant 0 : i32
      %dma_start3A_212 = tpu.memref_slice %arg5[%add3A_16, %dma_start3A_211] : memref<10112x128xf32, #tpu.memory_space<vmem_shared>> -> memref<128x128xf32, #tpu.memory_space<vmem_shared>>
      tpu.enqueue_dma source(%arg8 : memref<128x128xf32, #tpu.memory_space<vmem>>) target(%dma_start3A_212 : memref<128x128xf32, #tpu.memory_space<vmem_shared>>) target_semaphore(%run_scoped3A_208 : memref<!tpu.dma_semaphore, #tpu.memory_space<semaphore_mem>>)
      %dma_wait3A_213 = arith.constant 0 : i32
      %dma_wait3A_214 = tpu.memref_slice %arg5[%add3A_16, %dma_wait3A_213] : memref<10112x128xf32, #tpu.memory_space<vmem_shared>> -> memref<128x128xf32, #tpu.memory_space<vmem_shared>>
      %dma_wait3A_215 = arith.constant 0 : i32
      %dma_wait3A_216 = tpu.memref_slice %arg5[%add3A_16, %dma_wait3A_215] : memref<10112x128xf32, #tpu.memory_space<vmem_shared>> -> memref<128x128xf32, #tpu.memory_space<vmem_shared>>
      tpu.wait_dma2 semaphore(%run_scoped3A_208 : memref<!tpu.dma_semaphore, #tpu.memory_space<semaphore_mem>>) src(%arg8 : memref<128x128xf32, #tpu.memory_space<vmem>>) dst(%dma_wait3A_216 : memref<128x128xf32, #tpu.memory_space<vmem_shared>>)
      tpu.yield
    }) : () -> ()
    %add3A_17 = arith.constant 512 : i32
    %add3A_18 = arith.addi %mul3A_2, %add3A_17 : i32
    "tpu.region"() ({
      %run_scoped3A_208 = tpu.sem_alloc : memref<!tpu.dma_semaphore, #tpu.memory_space<semaphore_mem>>
      %dma_start3A_209 = arith.constant 0 : i32
      %dma_start3A_210 = arith.constant 0 : i32
      %dma_start3A_211 = tpu.memref_slice %arg8[%dma_start3A_209, %dma_start3A_210] : memref<128x128xf32, #tpu.memory_space<vmem>> -> memref<120x128xf32, #tpu.memory_space<vmem>>
      %dma_start3A_212 = arith.constant 0 : i32
      %dma_start3A_213 = tpu.memref_slice %arg5[%add3A_18, %dma_start3A_212] : memref<10112x128xf32, #tpu.memory_space<vmem_shared>> -> memref<120x128xf32, #tpu.memory_space<vmem_shared>>
      %dma_start3A_214 = arith.constant 0 : i32
      %dma_start3A_215 = tpu.memref_slice %arg5[%add3A_18, %dma_start3A_214] : memref<10112x128xf32, #tpu.memory_space<vmem_shared>> -> memref<120x128xf32, #tpu.memory_space<vmem_shared>>
      %dma_start3A_216 = arith.constant 0 : i32
      %dma_start3A_217 = arith.constant 0 : i32
      %dma_start3A_218 = tpu.memref_slice %arg8[%dma_start3A_216, %dma_start3A_217] : memref<128x128xf32, #tpu.memory_space<vmem>> -> memref<120x128xf32, #tpu.memory_space<vmem>>
      tpu.enqueue_dma source(%dma_start3A_218 : memref<120x128xf32, #tpu.memory_space<vmem>>) target(%dma_start3A_215 : memref<120x128xf32, #tpu.memory_space<vmem_shared>>) target_semaphore(%run_scoped3A_208 : memref<!tpu.dma_semaphore, #tpu.memory_space<semaphore_mem>>)
      %dma_wait3A_219 = arith.constant 0 : i32
      %dma_wait3A_220 = arith.constant 0 : i32
      %dma_wait3A_221 = tpu.memref_slice %arg8[%dma_wait3A_219, %dma_wait3A_220] : memref<128x128xf32, #tpu.memory_space<vmem>> -> memref<120x128xf32, #tpu.memory_space<vmem>>
      %dma_wait3A_222 = arith.constant 0 : i32
      %dma_wait3A_223 = tpu.memref_slice %arg5[%add3A_18, %dma_wait3A_222] : memref<10112x128xf32, #tpu.memory_space<vmem_shared>> -> memref<120x128xf32, #tpu.memory_space<vmem_shared>>
      %dma_wait3A_224 = arith.constant 0 : i32
      %dma_wait3A_225 = tpu.memref_slice %arg5[%add3A_18, %dma_wait3A_224] : memref<10112x128xf32, #tpu.memory_space<vmem_shared>> -> memref<120x128xf32, #tpu.memory_space<vmem_shared>>
      %dma_wait3A_226 = arith.constant 0 : i32
      %dma_wait3A_227 = arith.constant 0 : i32
      %dma_wait3A_228 = tpu.memref_slice %arg8[%dma_wait3A_226, %dma_wait3A_227] : memref<128x128xf32, #tpu.memory_space<vmem>> -> memref<120x128xf32, #tpu.memory_space<vmem>>
      tpu.wait_dma2 semaphore(%run_scoped3A_208 : memref<!tpu.dma_semaphore, #tpu.memory_space<semaphore_mem>>) src(%dma_wait3A_228 : memref<120x128xf32, #tpu.memory_space<vmem>>) dst(%dma_wait3A_225 : memref<120x128xf32, #tpu.memory_space<vmem_shared>>)
      tpu.yield
    }) : () -> ()
    %barrier3A = arith.constant 0 : index
    tpu.barrier barrier_id(%barrier3A)
    %run_scoped3A = arith.constant 0 : i32
    "tpu.region"() ({
      %run_scoped3A_208 = tpu.sem_alloc : memref<!tpu.dma_semaphore, #tpu.memory_space<semaphore_mem>>
      %dma_start3A_209 = arith.constant 0 : i32
      %dma_start3A_210 = arith.constant 0 : i32
      %dma_start3A_211 = tpu.memref_slice %arg3[%add3A, %run_scoped3A, %dma_start3A_209, %dma_start3A_210] : memref<32x80x2x128xi32, #tpu.memory_space<hbm>> -> memref<1x1x2x128xi32, #tpu.memory_space<hbm>>
      %dma_start3A_212 = tpu.memref_squeeze %dma_start3A_211 : memref<1x1x2x128xi32, #tpu.memory_space<hbm>> -> memref<2x128xi32, #tpu.memory_space<hbm>>
      %dma_start3A_213 = arith.constant 0 : i32
      %dma_start3A_214 = arith.constant 0 : i32
      %dma_start3A_215 = tpu.memref_slice %arg3[%add3A, %run_scoped3A, %dma_start3A_213, %dma_start3A_214] : memref<32x80x2x128xi32, #tpu.memory_space<hbm>> -> memref<1x1x2x128xi32, #tpu.memory_space<hbm>>
      %dma_start3A_216 = tpu.memref_squeeze %dma_start3A_215 : memref<1x1x2x128xi32, #tpu.memory_space<hbm>> -> memref<2x128xi32, #tpu.memory_space<hbm>>
      tpu.enqueue_dma source(%dma_start3A_216 : memref<2x128xi32, #tpu.memory_space<hbm>>) target(%arg6 : memref<2x128xi32, #tpu.memory_space<vmem>>) target_semaphore(%run_scoped3A_208 : memref<!tpu.dma_semaphore, #tpu.memory_space<semaphore_mem>>)
      %dma_wait3A_217 = arith.constant 0 : i32
      %dma_wait3A_218 = arith.constant 0 : i32
      %dma_wait3A_219 = tpu.memref_slice %arg3[%add3A, %run_scoped3A, %dma_wait3A_217, %dma_wait3A_218] : memref<32x80x2x128xi32, #tpu.memory_space<hbm>> -> memref<1x1x2x128xi32, #tpu.memory_space<hbm>>
      %dma_wait3A_220 = tpu.memref_squeeze %dma_wait3A_219 : memref<1x1x2x128xi32, #tpu.memory_space<hbm>> -> memref<2x128xi32, #tpu.memory_space<hbm>>
      %dma_wait3A_221 = arith.constant 0 : i32
      %dma_wait3A_222 = arith.constant 0 : i32
      %dma_wait3A_223 = tpu.memref_slice %arg3[%add3A, %run_scoped3A, %dma_wait3A_221, %dma_wait3A_222] : memref<32x80x2x128xi32, #tpu.memory_space<hbm>> -> memref<1x1x2x128xi32, #tpu.memory_space<hbm>>
      %dma_wait3A_224 = tpu.memref_squeeze %dma_wait3A_223 : memref<1x1x2x128xi32, #tpu.memory_space<hbm>> -> memref<2x128xi32, #tpu.memory_space<hbm>>
      tpu.wait_dma2 semaphore(%run_scoped3A_208 : memref<!tpu.dma_semaphore, #tpu.memory_space<semaphore_mem>>) src(%dma_wait3A_224 : memref<2x128xi32, #tpu.memory_space<hbm>>) dst(%arg6 : memref<2x128xi32, #tpu.memory_space<vmem>>)
      tpu.yield
    }) : () -> ()
    %dma_start3A = arith.constant 1 : i32
    %dma_start3A_19 = arith.constant 0 : i32
    %dma_start3A_20 = arith.constant 0 : i32
    %dma_start3A_21 = tpu.memref_slice %arg3[%add3A, %dma_start3A, %dma_start3A_19, %dma_start3A_20] : memref<32x80x2x128xi32, #tpu.memory_space<hbm>> -> memref<1x1x2x128xi32, #tpu.memory_space<hbm>>
    %dma_start3A_22 = tpu.memref_squeeze %dma_start3A_21 : memref<1x1x2x128xi32, #tpu.memory_space<hbm>> -> memref<2x128xi32, #tpu.memory_space<hbm>>
    %dma_start3A_23 = arith.constant 0 : i32
    %dma_start3A_24 = arith.constant 0 : i32
    %dma_start3A_25 = tpu.memref_slice %arg3[%add3A, %dma_start3A, %dma_start3A_23, %dma_start3A_24] : memref<32x80x2x128xi32, #tpu.memory_space<hbm>> -> memref<1x1x2x128xi32, #tpu.memory_space<hbm>>
    %dma_start3A_26 = tpu.memref_squeeze %dma_start3A_25 : memref<1x1x2x128xi32, #tpu.memory_space<hbm>> -> memref<2x128xi32, #tpu.memory_space<hbm>>
    tpu.enqueue_dma source(%dma_start3A_26 : memref<2x128xi32, #tpu.memory_space<hbm>>) target(%arg7 : memref<2x128xi32, #tpu.memory_space<vmem>>) target_semaphore(%arg13 : memref<!tpu.dma_semaphore, #tpu.memory_space<semaphore_mem>>)
    %dma_start3A_27 = arith.constant 0 : i32
    %dma_start3A_28 = arith.constant 0 : i32
    %dma_start3A_29 = tpu.memref_slice %arg6[%dma_start3A_27, %dma_start3A_28] : memref<2x128xi32, #tpu.memory_space<vmem>> -> memref<1x128xi32, #tpu.memory_space<vmem>>
    %dma_start3A_30 = tpu.memref_squeeze %dma_start3A_29 : memref<1x128xi32, #tpu.memory_space<vmem>> -> memref<128xi32, #tpu.memory_space<vmem>>
    %dma_start3A_31 = arith.constant 0 : i32
    %dma_start3A_32 = arith.constant 0 : i32
    %dma_start3A_33 = tpu.memref_slice %arg2[%dma_start3A_31, %dma_start3A_32] : memref<10000x128xf32, #tpu.memory_space<hbm>> -> memref<10000x128xf32, #tpu.memory_space<hbm>>
    tpu.enqueue_indirect_dma source(%dma_start3A_33 : memref<10000x128xf32, #tpu.memory_space<hbm>>) target(%arg8 : memref<128x128xf32, #tpu.memory_space<vmem>>) offsets(%dma_start3A_30 : memref<128xi32, #tpu.memory_space<vmem>>) semaphore(%arg10 : memref<!tpu.dma_semaphore, #tpu.memory_space<semaphore_mem>>)
    %scan3A_34 = arith.constant 0 : i32
    %scan3A_35 = arith.constant 0 : i32
    %scan3A_36 = arith.constant 39 : i32
    %scan3A_37 = arith.addi %scan3A_35, %scan3A_36 : i32
    %scan3A_38 = arith.constant 1 : i32
    scf.for %scan3A_208 = %scan3A_35 to %scan3A_37 step %scan3A_38  : i32 {
      %mul3A_209 = arith.constant 2 : i32
      %mul3A_210 = arith.muli %mul3A_209, %scan3A_208 : i32
      %dma_wait3A_211 = arith.constant 0 : i32
      %dma_wait3A_212 = arith.constant 0 : i32
      %dma_wait3A_213 = tpu.memref_slice %arg6[%dma_wait3A_211, %dma_wait3A_212] : memref<2x128xi32, #tpu.memory_space<vmem>> -> memref<1x128xi32, #tpu.memory_space<vmem>>
      %dma_wait3A_214 = tpu.memref_squeeze %dma_wait3A_213 : memref<1x128xi32, #tpu.memory_space<vmem>> -> memref<128xi32, #tpu.memory_space<vmem>>
      %dma_wait3A_215 = arith.constant 0 : i32
      %dma_wait3A_216 = arith.constant 0 : i32
      %dma_wait3A_217 = tpu.memref_slice %arg2[%dma_wait3A_215, %dma_wait3A_216] : memref<10000x128xf32, #tpu.memory_space<hbm>> -> memref<10000x128xf32, #tpu.memory_space<hbm>>
      tpu.wait_indirect_dma semaphore(%arg10 : memref<!tpu.dma_semaphore, #tpu.memory_space<semaphore_mem>>) src(%dma_wait3A_217 : memref<10000x128xf32, #tpu.memory_space<hbm>>) dst(%arg8 : memref<128x128xf32, #tpu.memory_space<vmem>>)
      %dma_wait3A_218 = arith.constant 0 : i32
      %dma_wait3A_219 = arith.constant 0 : i32
      %dma_wait3A_220 = arith.constant 0 : i32
      %dma_wait3A_221 = tpu.memref_slice %arg3[%add3A, %dma_wait3A_218, %dma_wait3A_219, %dma_wait3A_220] : memref<32x80x2x128xi32, #tpu.memory_space<hbm>> -> memref<1x1x2x128xi32, #tpu.memory_space<hbm>>
      %dma_wait3A_222 = tpu.memref_squeeze %dma_wait3A_221 : memref<1x1x2x128xi32, #tpu.memory_space<hbm>> -> memref<2x128xi32, #tpu.memory_space<hbm>>
      %dma_wait3A_223 = arith.constant 0 : i32
      %dma_wait3A_224 = arith.constant 0 : i32
      %dma_wait3A_225 = tpu.memref_slice %arg3[%add3A, %dma_wait3A_218, %dma_wait3A_223, %dma_wait3A_224] : memref<32x80x2x128xi32, #tpu.memory_space<hbm>> -> memref<1x1x2x128xi32, #tpu.memory_space<hbm>>
      %dma_wait3A_226 = tpu.memref_squeeze %dma_wait3A_225 : memref<1x1x2x128xi32, #tpu.memory_space<hbm>> -> memref<2x128xi32, #tpu.memory_space<hbm>>
      tpu.wait_dma2 semaphore(%arg13 : memref<!tpu.dma_semaphore, #tpu.memory_space<semaphore_mem>>) src(%dma_wait3A_226 : memref<2x128xi32, #tpu.memory_space<hbm>>) dst(%arg7 : memref<2x128xi32, #tpu.memory_space<vmem>>)
      %dma_start3A_227 = arith.constant 0 : i32
      %dma_start3A_228 = arith.constant 0 : i32
      %dma_start3A_229 = tpu.memref_slice %arg7[%dma_start3A_227, %dma_start3A_228] : memref<2x128xi32, #tpu.memory_space<vmem>> -> memref<1x128xi32, #tpu.memory_space<vmem>>
      %dma_start3A_230 = tpu.memref_squeeze %dma_start3A_229 : memref<1x128xi32, #tpu.memory_space<vmem>> -> memref<128xi32, #tpu.memory_space<vmem>>
      %dma_start3A_231 = arith.constant 0 : i32
      %dma_start3A_232 = arith.constant 0 : i32
      %dma_start3A_233 = tpu.memref_slice %arg2[%dma_start3A_231, %dma_start3A_232] : memref<10000x128xf32, #tpu.memory_space<hbm>> -> memref<10000x128xf32, #tpu.memory_space<hbm>>
      tpu.enqueue_indirect_dma source(%dma_start3A_233 : memref<10000x128xf32, #tpu.memory_space<hbm>>) target(%arg9 : memref<128x128xf32, #tpu.memory_space<vmem>>) offsets(%dma_start3A_230 : memref<128xi32, #tpu.memory_space<vmem>>) semaphore(%arg11 : memref<!tpu.dma_semaphore, #tpu.memory_space<semaphore_mem>>)
      %run_scoped3A_234 = arith.constant 1 : i32
      "tpu.region"() ({
        %run_scoped3A_279 = tpu.sem_alloc : memref<!tpu.dma_semaphore, #tpu.memory_space<semaphore_mem>>
        %dma_start3A_280 = arith.constant 0 : i32
        %dma_start3A_281 = tpu.memref_slice %arg6[%run_scoped3A_234, %dma_start3A_280] : memref<2x128xi32, #tpu.memory_space<vmem>> -> memref<1x128xi32, #tpu.memory_space<vmem>>
        %dma_start3A_282 = tpu.memref_squeeze %dma_start3A_281 : memref<1x128xi32, #tpu.memory_space<vmem>> -> memref<128xi32, #tpu.memory_space<vmem>>
        %dma_start3A_283 = arith.constant 0 : i32
        %dma_start3A_284 = arith.constant 0 : i32
        %dma_start3A_285 = tpu.memref_slice %arg5[%dma_start3A_283, %dma_start3A_284] : memref<10112x128xf32, #tpu.memory_space<vmem_shared>> -> memref<10112x128xf32, #tpu.memory_space<vmem_shared>>
        tpu.enqueue_indirect_dma source(%arg8 : memref<128x128xf32, #tpu.memory_space<vmem>>) target(%dma_start3A_285 : memref<10112x128xf32, #tpu.memory_space<vmem_shared>>) offsets(%dma_start3A_282 : memref<128xi32, #tpu.memory_space<vmem>>) semaphore(%run_scoped3A_279 : memref<!tpu.dma_semaphore, #tpu.memory_space<semaphore_mem>>) {add = true}
        %dma_wait3A_286 = arith.constant 0 : i32
        %dma_wait3A_287 = tpu.memref_slice %arg6[%run_scoped3A_234, %dma_wait3A_286] : memref<2x128xi32, #tpu.memory_space<vmem>> -> memref<1x128xi32, #tpu.memory_space<vmem>>
        %dma_wait3A_288 = tpu.memref_squeeze %dma_wait3A_287 : memref<1x128xi32, #tpu.memory_space<vmem>> -> memref<128xi32, #tpu.memory_space<vmem>>
        %dma_wait3A_289 = arith.constant 0 : i32
        %dma_wait3A_290 = arith.constant 0 : i32
        %dma_wait3A_291 = tpu.memref_slice %arg5[%dma_wait3A_289, %dma_wait3A_290] : memref<10112x128xf32, #tpu.memory_space<vmem_shared>> -> memref<10112x128xf32, #tpu.memory_space<vmem_shared>>
        tpu.wait_indirect_dma semaphore(%run_scoped3A_279 : memref<!tpu.dma_semaphore, #tpu.memory_space<semaphore_mem>>) src(%arg8 : memref<128x128xf32, #tpu.memory_space<vmem>>) dst(%dma_wait3A_291 : memref<10112x128xf32, #tpu.memory_space<vmem_shared>>)
        tpu.yield
      }) : () -> ()
      %add3A_235 = arith.constant 2 : i32
      %add3A_236 = arith.addi %mul3A_210, %add3A_235 : i32
      %dma_start3A_237 = arith.constant 0 : i32
      %dma_start3A_238 = arith.constant 0 : i32
      %dma_start3A_239 = tpu.memref_slice %arg3[%add3A, %add3A_236, %dma_start3A_237, %dma_start3A_238] : memref<32x80x2x128xi32, #tpu.memory_space<hbm>> -> memref<1x1x2x128xi32, #tpu.memory_space<hbm>>
      %dma_start3A_240 = tpu.memref_squeeze %dma_start3A_239 : memref<1x1x2x128xi32, #tpu.memory_space<hbm>> -> memref<2x128xi32, #tpu.memory_space<hbm>>
      %dma_start3A_241 = arith.constant 0 : i32
      %dma_start3A_242 = arith.constant 0 : i32
      %dma_start3A_243 = tpu.memref_slice %arg3[%add3A, %add3A_236, %dma_start3A_241, %dma_start3A_242] : memref<32x80x2x128xi32, #tpu.memory_space<hbm>> -> memref<1x1x2x128xi32, #tpu.memory_space<hbm>>
      %dma_start3A_244 = tpu.memref_squeeze %dma_start3A_243 : memref<1x1x2x128xi32, #tpu.memory_space<hbm>> -> memref<2x128xi32, #tpu.memory_space<hbm>>
      tpu.enqueue_dma source(%dma_start3A_244 : memref<2x128xi32, #tpu.memory_space<hbm>>) target(%arg6 : memref<2x128xi32, #tpu.memory_space<vmem>>) target_semaphore(%arg12 : memref<!tpu.dma_semaphore, #tpu.memory_space<semaphore_mem>>)
      %dma_wait3A_245 = arith.constant 0 : i32
      %dma_wait3A_246 = arith.constant 0 : i32
      %dma_wait3A_247 = tpu.memref_slice %arg7[%dma_wait3A_245, %dma_wait3A_246] : memref<2x128xi32, #tpu.memory_space<vmem>> -> memref<1x128xi32, #tpu.memory_space<vmem>>
      %dma_wait3A_248 = tpu.memref_squeeze %dma_wait3A_247 : memref<1x128xi32, #tpu.memory_space<vmem>> -> memref<128xi32, #tpu.memory_space<vmem>>
      %dma_wait3A_249 = arith.constant 0 : i32
      %dma_wait3A_250 = arith.constant 0 : i32
      %dma_wait3A_251 = tpu.memref_slice %arg2[%dma_wait3A_249, %dma_wait3A_250] : memref<10000x128xf32, #tpu.memory_space<hbm>> -> memref<10000x128xf32, #tpu.memory_space<hbm>>
      tpu.wait_indirect_dma semaphore(%arg11 : memref<!tpu.dma_semaphore, #tpu.memory_space<semaphore_mem>>) src(%dma_wait3A_251 : memref<10000x128xf32, #tpu.memory_space<hbm>>) dst(%arg9 : memref<128x128xf32, #tpu.memory_space<vmem>>)
      %dma_wait3A_252 = arith.constant 0 : i32
      %dma_wait3A_253 = arith.constant 0 : i32
      %dma_wait3A_254 = arith.constant 0 : i32
      %dma_wait3A_255 = tpu.memref_slice %arg3[%add3A, %dma_wait3A_252, %dma_wait3A_253, %dma_wait3A_254] : memref<32x80x2x128xi32, #tpu.memory_space<hbm>> -> memref<1x1x2x128xi32, #tpu.memory_space<hbm>>
      %dma_wait3A_256 = tpu.memref_squeeze %dma_wait3A_255 : memref<1x1x2x128xi32, #tpu.memory_space<hbm>> -> memref<2x128xi32, #tpu.memory_space<hbm>>
      %dma_wait3A_257 = arith.constant 0 : i32
      %dma_wait3A_258 = arith.constant 0 : i32
      %dma_wait3A_259 = tpu.memref_slice %arg3[%add3A, %dma_wait3A_252, %dma_wait3A_257, %dma_wait3A_258] : memref<32x80x2x128xi32, #tpu.memory_space<hbm>> -> memref<1x1x2x128xi32, #tpu.memory_space<hbm>>
      %dma_wait3A_260 = tpu.memref_squeeze %dma_wait3A_259 : memref<1x1x2x128xi32, #tpu.memory_space<hbm>> -> memref<2x128xi32, #tpu.memory_space<hbm>>
      tpu.wait_dma2 semaphore(%arg12 : memref<!tpu.dma_semaphore, #tpu.memory_space<semaphore_mem>>) src(%dma_wait3A_260 : memref<2x128xi32, #tpu.memory_space<hbm>>) dst(%arg6 : memref<2x128xi32, #tpu.memory_space<vmem>>)
      %dma_start3A_261 = arith.constant 0 : i32
      %dma_start3A_262 = arith.constant 0 : i32
      %dma_start3A_263 = tpu.memref_slice %arg6[%dma_start3A_261, %dma_start3A_262] : memref<2x128xi32, #tpu.memory_space<vmem>> -> memref<1x128xi32, #tpu.memory_space<vmem>>
      %dma_start3A_264 = tpu.memref_squeeze %dma_start3A_263 : memref<1x128xi32, #tpu.memory_space<vmem>> -> memref<128xi32, #tpu.memory_space<vmem>>
      %dma_start3A_265 = arith.constant 0 : i32
      %dma_start3A_266 = arith.constant 0 : i32
      %dma_start3A_267 = tpu.memref_slice %arg2[%dma_start3A_265, %dma_start3A_266] : memref<10000x128xf32, #tpu.memory_space<hbm>> -> memref<10000x128xf32, #tpu.memory_space<hbm>>
      tpu.enqueue_indirect_dma source(%dma_start3A_267 : memref<10000x128xf32, #tpu.memory_space<hbm>>) target(%arg8 : memref<128x128xf32, #tpu.memory_space<vmem>>) offsets(%dma_start3A_264 : memref<128xi32, #tpu.memory_space<vmem>>) semaphore(%arg10 : memref<!tpu.dma_semaphore, #tpu.memory_space<semaphore_mem>>)
      %run_scoped3A_268 = arith.constant 1 : i32
      "tpu.region"() ({
        %run_scoped3A_279 = tpu.sem_alloc : memref<!tpu.dma_semaphore, #tpu.memory_space<semaphore_mem>>
        %dma_start3A_280 = arith.constant 0 : i32
        %dma_start3A_281 = tpu.memref_slice %arg7[%run_scoped3A_268, %dma_start3A_280] : memref<2x128xi32, #tpu.memory_space<vmem>> -> memref<1x128xi32, #tpu.memory_space<vmem>>
        %dma_start3A_282 = tpu.memref_squeeze %dma_start3A_281 : memref<1x128xi32, #tpu.memory_space<vmem>> -> memref<128xi32, #tpu.memory_space<vmem>>
        %dma_start3A_283 = arith.constant 0 : i32
        %dma_start3A_284 = arith.constant 0 : i32
        %dma_start3A_285 = tpu.memref_slice %arg5[%dma_start3A_283, %dma_start3A_284] : memref<10112x128xf32, #tpu.memory_space<vmem_shared>> -> memref<10112x128xf32, #tpu.memory_space<vmem_shared>>
        tpu.enqueue_indirect_dma source(%arg9 : memref<128x128xf32, #tpu.memory_space<vmem>>) target(%dma_start3A_285 : memref<10112x128xf32, #tpu.memory_space<vmem_shared>>) offsets(%dma_start3A_282 : memref<128xi32, #tpu.memory_space<vmem>>) semaphore(%run_scoped3A_279 : memref<!tpu.dma_semaphore, #tpu.memory_space<semaphore_mem>>) {add = true}
        %dma_wait3A_286 = arith.constant 0 : i32
        %dma_wait3A_287 = tpu.memref_slice %arg7[%run_scoped3A_268, %dma_wait3A_286] : memref<2x128xi32, #tpu.memory_space<vmem>> -> memref<1x128xi32, #tpu.memory_space<vmem>>
        %dma_wait3A_288 = tpu.memref_squeeze %dma_wait3A_287 : memref<1x128xi32, #tpu.memory_space<vmem>> -> memref<128xi32, #tpu.memory_space<vmem>>
        %dma_wait3A_289 = arith.constant 0 : i32
        %dma_wait3A_290 = arith.constant 0 : i32
        %dma_wait3A_291 = tpu.memref_slice %arg5[%dma_wait3A_289, %dma_wait3A_290] : memref<10112x128xf32, #tpu.memory_space<vmem_shared>> -> memref<10112x128xf32, #tpu.memory_space<vmem_shared>>
        tpu.wait_indirect_dma semaphore(%run_scoped3A_279 : memref<!tpu.dma_semaphore, #tpu.memory_space<semaphore_mem>>) src(%arg9 : memref<128x128xf32, #tpu.memory_space<vmem>>) dst(%dma_wait3A_291 : memref<10112x128xf32, #tpu.memory_space<vmem_shared>>)
        tpu.yield
      }) : () -> ()
      %add3A_269 = arith.constant 3 : i32
      %add3A_270 = arith.addi %mul3A_210, %add3A_269 : i32
      %dma_start3A_271 = arith.constant 0 : i32
      %dma_start3A_272 = arith.constant 0 : i32
      %dma_start3A_273 = tpu.memref_slice %arg3[%add3A, %add3A_270, %dma_start3A_271, %dma_start3A_272] : memref<32x80x2x128xi32, #tpu.memory_space<hbm>> -> memref<1x1x2x128xi32, #tpu.memory_space<hbm>>
      %dma_start3A_274 = tpu.memref_squeeze %dma_start3A_273 : memref<1x1x2x128xi32, #tpu.memory_space<hbm>> -> memref<2x128xi32, #tpu.memory_space<hbm>>
      %dma_start3A_275 = arith.constant 0 : i32
      %dma_start3A_276 = arith.constant 0 : i32
      %dma_start3A_277 = tpu.memref_slice %arg3[%add3A, %add3A_270, %dma_start3A_275, %dma_start3A_276] : memref<32x80x2x128xi32, #tpu.memory_space<hbm>> -> memref<1x1x2x128xi32, #tpu.memory_space<hbm>>
      %dma_start3A_278 = tpu.memref_squeeze %dma_start3A_277 : memref<1x1x2x128xi32, #tpu.memory_space<hbm>> -> memref<2x128xi32, #tpu.memory_space<hbm>>
      tpu.enqueue_dma source(%dma_start3A_278 : memref<2x128xi32, #tpu.memory_space<hbm>>) target(%arg7 : memref<2x128xi32, #tpu.memory_space<vmem>>) target_semaphore(%arg13 : memref<!tpu.dma_semaphore, #tpu.memory_space<semaphore_mem>>)
    }
    %scan3A_39 = arith.constant 39 : i32
    %dma_wait3A = arith.constant 0 : i32
    %dma_wait3A_40 = arith.constant 0 : i32
    %dma_wait3A_41 = tpu.memref_slice %arg6[%dma_wait3A, %dma_wait3A_40] : memref<2x128xi32, #tpu.memory_space<vmem>> -> memref<1x128xi32, #tpu.memory_space<vmem>>
    %dma_wait3A_42 = tpu.memref_squeeze %dma_wait3A_41 : memref<1x128xi32, #tpu.memory_space<vmem>> -> memref<128xi32, #tpu.memory_space<vmem>>
    %dma_wait3A_43 = arith.constant 0 : i32
    %dma_wait3A_44 = arith.constant 0 : i32
    %dma_wait3A_45 = tpu.memref_slice %arg2[%dma_wait3A_43, %dma_wait3A_44] : memref<10000x128xf32, #tpu.memory_space<hbm>> -> memref<10000x128xf32, #tpu.memory_space<hbm>>
    tpu.wait_indirect_dma semaphore(%arg10 : memref<!tpu.dma_semaphore, #tpu.memory_space<semaphore_mem>>) src(%dma_wait3A_45 : memref<10000x128xf32, #tpu.memory_space<hbm>>) dst(%arg8 : memref<128x128xf32, #tpu.memory_space<vmem>>)
    %run_scoped3A_46 = arith.constant 1 : i32
    "tpu.region"() ({
      %run_scoped3A_208 = tpu.sem_alloc : memref<!tpu.dma_semaphore, #tpu.memory_space<semaphore_mem>>
      %dma_start3A_209 = arith.constant 0 : i32
      %dma_start3A_210 = tpu.memref_slice %arg6[%run_scoped3A_46, %dma_start3A_209] : memref<2x128xi32, #tpu.memory_space<vmem>> -> memref<1x128xi32, #tpu.memory_space<vmem>>
      %dma_start3A_211 = tpu.memref_squeeze %dma_start3A_210 : memref<1x128xi32, #tpu.memory_space<vmem>> -> memref<128xi32, #tpu.memory_space<vmem>>
      %dma_start3A_212 = arith.constant 0 : i32
      %dma_start3A_213 = arith.constant 0 : i32
      %dma_start3A_214 = tpu.memref_slice %arg5[%dma_start3A_212, %dma_start3A_213] : memref<10112x128xf32, #tpu.memory_space<vmem_shared>> -> memref<10112x128xf32, #tpu.memory_space<vmem_shared>>
      tpu.enqueue_indirect_dma source(%arg8 : memref<128x128xf32, #tpu.memory_space<vmem>>) target(%dma_start3A_214 : memref<10112x128xf32, #tpu.memory_space<vmem_shared>>) offsets(%dma_start3A_211 : memref<128xi32, #tpu.memory_space<vmem>>) semaphore(%run_scoped3A_208 : memref<!tpu.dma_semaphore, #tpu.memory_space<semaphore_mem>>) {add = true}
      %dma_wait3A_215 = arith.constant 0 : i32
      %dma_wait3A_216 = tpu.memref_slice %arg6[%run_scoped3A_46, %dma_wait3A_215] : memref<2x128xi32, #tpu.memory_space<vmem>> -> memref<1x128xi32, #tpu.memory_space<vmem>>
      %dma_wait3A_217 = tpu.memref_squeeze %dma_wait3A_216 : memref<1x128xi32, #tpu.memory_space<vmem>> -> memref<128xi32, #tpu.memory_space<vmem>>
      %dma_wait3A_218 = arith.constant 0 : i32
      %dma_wait3A_219 = arith.constant 0 : i32
      %dma_wait3A_220 = tpu.memref_slice %arg5[%dma_wait3A_218, %dma_wait3A_219] : memref<10112x128xf32, #tpu.memory_space<vmem_shared>> -> memref<10112x128xf32, #tpu.memory_space<vmem_shared>>
      tpu.wait_indirect_dma semaphore(%run_scoped3A_208 : memref<!tpu.dma_semaphore, #tpu.memory_space<semaphore_mem>>) src(%arg8 : memref<128x128xf32, #tpu.memory_space<vmem>>) dst(%dma_wait3A_220 : memref<10112x128xf32, #tpu.memory_space<vmem_shared>>)
      tpu.yield
    }) : () -> ()
    %dma_wait3A_47 = arith.constant 0 : i32
    %dma_wait3A_48 = arith.constant 0 : i32
    %dma_wait3A_49 = arith.constant 0 : i32
    %dma_wait3A_50 = tpu.memref_slice %arg3[%add3A, %dma_wait3A_47, %dma_wait3A_48, %dma_wait3A_49] : memref<32x80x2x128xi32, #tpu.memory_space<hbm>> -> memref<1x1x2x128xi32, #tpu.memory_space<hbm>>
    %dma_wait3A_51 = tpu.memref_squeeze %dma_wait3A_50 : memref<1x1x2x128xi32, #tpu.memory_space<hbm>> -> memref<2x128xi32, #tpu.memory_space<hbm>>
    %dma_wait3A_52 = arith.constant 0 : i32
    %dma_wait3A_53 = arith.constant 0 : i32
    %dma_wait3A_54 = tpu.memref_slice %arg3[%add3A, %dma_wait3A_47, %dma_wait3A_52, %dma_wait3A_53] : memref<32x80x2x128xi32, #tpu.memory_space<hbm>> -> memref<1x1x2x128xi32, #tpu.memory_space<hbm>>
    %dma_wait3A_55 = tpu.memref_squeeze %dma_wait3A_54 : memref<1x1x2x128xi32, #tpu.memory_space<hbm>> -> memref<2x128xi32, #tpu.memory_space<hbm>>
    tpu.wait_dma2 semaphore(%arg13 : memref<!tpu.dma_semaphore, #tpu.memory_space<semaphore_mem>>) src(%dma_wait3A_55 : memref<2x128xi32, #tpu.memory_space<hbm>>) dst(%arg7 : memref<2x128xi32, #tpu.memory_space<vmem>>)
    %run_scoped3A_56 = arith.constant 1 : i32
    "tpu.region"() ({
      %run_scoped3A_208 = tpu.sem_alloc : memref<!tpu.dma_semaphore, #tpu.memory_space<semaphore_mem>>
      %dma_start3A_209 = arith.constant 0 : i32
      %dma_start3A_210 = tpu.memref_slice %arg6[%run_scoped3A_56, %dma_start3A_209] : memref<2x128xi32, #tpu.memory_space<vmem>> -> memref<1x128xi32, #tpu.memory_space<vmem>>
      %dma_start3A_211 = tpu.memref_squeeze %dma_start3A_210 : memref<1x128xi32, #tpu.memory_space<vmem>> -> memref<128xi32, #tpu.memory_space<vmem>>
      %dma_start3A_212 = arith.constant 0 : i32
      %dma_start3A_213 = arith.constant 0 : i32
      %dma_start3A_214 = tpu.memref_slice %arg5[%dma_start3A_212, %dma_start3A_213] : memref<10112x128xf32, #tpu.memory_space<vmem_shared>> -> memref<10112x128xf32, #tpu.memory_space<vmem_shared>>
      tpu.enqueue_indirect_dma source(%dma_start3A_214 : memref<10112x128xf32, #tpu.memory_space<vmem_shared>>) target(%arg9 : memref<128x128xf32, #tpu.memory_space<vmem>>) offsets(%dma_start3A_211 : memref<128xi32, #tpu.memory_space<vmem>>) semaphore(%run_scoped3A_208 : memref<!tpu.dma_semaphore, #tpu.memory_space<semaphore_mem>>)
      %dma_wait3A_215 = arith.constant 0 : i32
      %dma_wait3A_216 = tpu.memref_slice %arg6[%run_scoped3A_56, %dma_wait3A_215] : memref<2x128xi32, #tpu.memory_space<vmem>> -> memref<1x128xi32, #tpu.memory_space<vmem>>
      %dma_wait3A_217 = tpu.memref_squeeze %dma_wait3A_216 : memref<1x128xi32, #tpu.memory_space<vmem>> -> memref<128xi32, #tpu.memory_space<vmem>>
      %dma_wait3A_218 = arith.constant 0 : i32
      %dma_wait3A_219 = arith.constant 0 : i32
      %dma_wait3A_220 = tpu.memref_slice %arg5[%dma_wait3A_218, %dma_wait3A_219] : memref<10112x128xf32, #tpu.memory_space<vmem_shared>> -> memref<10112x128xf32, #tpu.memory_space<vmem_shared>>
      tpu.wait_indirect_dma semaphore(%run_scoped3A_208 : memref<!tpu.dma_semaphore, #tpu.memory_space<semaphore_mem>>) src(%dma_wait3A_220 : memref<10112x128xf32, #tpu.memory_space<vmem_shared>>) dst(%arg9 : memref<128x128xf32, #tpu.memory_space<vmem>>)
      tpu.yield
    }) : () -> ()
    %barrier3A_57 = arith.constant 0 : index
    tpu.barrier barrier_id(%barrier3A_57)
    %add3A_58 = arith.constant 0 : i32
    %add3A_59 = arith.addi %mul3A_2, %add3A_58 : i32
    "tpu.region"() ({
      %run_scoped3A_208 = tpu.sem_alloc : memref<!tpu.dma_semaphore, #tpu.memory_space<semaphore_mem>>
      %dma_start3A_209 = arith.constant 0 : i32
      %dma_start3A_210 = arith.constant 0 : i32
      %dma_start3A_211 = tpu.memref_slice %arg8[%dma_start3A_209, %dma_start3A_210] : memref<128x128xf32, #tpu.memory_space<vmem>> -> memref<128x128xf32, #tpu.memory_space<vmem>>
      %dma_start3A_212 = arith.constant 0 : i32
      %dma_start3A_213 = tpu.memref_slice %arg5[%add3A_59, %dma_start3A_212] : memref<10112x128xf32, #tpu.memory_space<vmem_shared>> -> memref<128x128xf32, #tpu.memory_space<vmem_shared>>
      %dma_start3A_214 = arith.constant 0 : i32
      %dma_start3A_215 = arith.constant 0 : i32
      %dma_start3A_216 = tpu.memref_slice %arg8[%dma_start3A_214, %dma_start3A_215] : memref<128x128xf32, #tpu.memory_space<vmem>> -> memref<128x128xf32, #tpu.memory_space<vmem>>
      %dma_start3A_217 = arith.constant 0 : i32
      %dma_start3A_218 = tpu.memref_slice %arg5[%add3A_59, %dma_start3A_217] : memref<10112x128xf32, #tpu.memory_space<vmem_shared>> -> memref<128x128xf32, #tpu.memory_space<vmem_shared>>
      tpu.enqueue_dma source(%dma_start3A_218 : memref<128x128xf32, #tpu.memory_space<vmem_shared>>) target(%dma_start3A_216 : memref<128x128xf32, #tpu.memory_space<vmem>>) target_semaphore(%run_scoped3A_208 : memref<!tpu.dma_semaphore, #tpu.memory_space<semaphore_mem>>)
      %dma_wait3A_219 = arith.constant 0 : i32
      %dma_wait3A_220 = arith.constant 0 : i32
      %dma_wait3A_221 = tpu.memref_slice %arg8[%dma_wait3A_219, %dma_wait3A_220] : memref<128x128xf32, #tpu.memory_space<vmem>> -> memref<128x128xf32, #tpu.memory_space<vmem>>
      %dma_wait3A_222 = arith.constant 0 : i32
      %dma_wait3A_223 = tpu.memref_slice %arg5[%add3A_59, %dma_wait3A_222] : memref<10112x128xf32, #tpu.memory_space<vmem_shared>> -> memref<128x128xf32, #tpu.memory_space<vmem_shared>>
      %dma_wait3A_224 = arith.constant 0 : i32
      %dma_wait3A_225 = arith.constant 0 : i32
      %dma_wait3A_226 = tpu.memref_slice %arg8[%dma_wait3A_224, %dma_wait3A_225] : memref<128x128xf32, #tpu.memory_space<vmem>> -> memref<128x128xf32, #tpu.memory_space<vmem>>
      %dma_wait3A_227 = arith.constant 0 : i32
      %dma_wait3A_228 = tpu.memref_slice %arg5[%add3A_59, %dma_wait3A_227] : memref<10112x128xf32, #tpu.memory_space<vmem_shared>> -> memref<128x128xf32, #tpu.memory_space<vmem_shared>>
      tpu.wait_dma2 semaphore(%run_scoped3A_208 : memref<!tpu.dma_semaphore, #tpu.memory_space<semaphore_mem>>) src(%dma_wait3A_228 : memref<128x128xf32, #tpu.memory_space<vmem_shared>>) dst(%dma_wait3A_226 : memref<128x128xf32, #tpu.memory_space<vmem>>)
      tpu.yield
    }) : () -> ()
    %add3A_60 = arith.constant 0 : i32
    %add3A_61 = arith.addi %mul3A_2, %add3A_60 : i32
    %dma_start3A_62 = arith.constant 0 : i32
    %dma_start3A_63 = arith.constant 0 : i32
    %dma_start3A_64 = tpu.memref_slice %arg8[%dma_start3A_62, %dma_start3A_63] : memref<128x128xf32, #tpu.memory_space<vmem>> -> memref<128x128xf32, #tpu.memory_space<vmem>>
    %dma_start3A_65 = arith.constant 0 : i32
    %dma_start3A_66 = tpu.memref_slice %arg4[%arg0, %add3A_61, %dma_start3A_65] : memref<2x10112x128xf32, #tpu.memory_space<hbm>> -> memref<1x128x128xf32, #tpu.memory_space<hbm>>
    %dma_start3A_67 = tpu.memref_squeeze %dma_start3A_66 : memref<1x128x128xf32, #tpu.memory_space<hbm>> -> memref<128x128xf32, #tpu.memory_space<hbm>>
    %dma_start3A_68 = arith.constant 0 : i32
    %dma_start3A_69 = tpu.memref_slice %arg4[%arg0, %add3A_61, %dma_start3A_68] : memref<2x10112x128xf32, #tpu.memory_space<hbm>> -> memref<1x128x128xf32, #tpu.memory_space<hbm>>
    %dma_start3A_70 = tpu.memref_squeeze %dma_start3A_69 : memref<1x128x128xf32, #tpu.memory_space<hbm>> -> memref<128x128xf32, #tpu.memory_space<hbm>>
    %dma_start3A_71 = arith.constant 0 : i32
    %dma_start3A_72 = arith.constant 0 : i32
    %dma_start3A_73 = tpu.memref_slice %arg8[%dma_start3A_71, %dma_start3A_72] : memref<128x128xf32, #tpu.memory_space<vmem>> -> memref<128x128xf32, #tpu.memory_space<vmem>>
    tpu.enqueue_dma source(%dma_start3A_73 : memref<128x128xf32, #tpu.memory_space<vmem>>) target(%dma_start3A_70 : memref<128x128xf32, #tpu.memory_space<hbm>>) target_semaphore(%arg10 : memref<!tpu.dma_semaphore, #tpu.memory_space<semaphore_mem>>)
    %add3A_74 = arith.constant 128 : i32
    %add3A_75 = arith.addi %mul3A_2, %add3A_74 : i32
    "tpu.region"() ({
      %run_scoped3A_208 = tpu.sem_alloc : memref<!tpu.dma_semaphore, #tpu.memory_space<semaphore_mem>>
      %dma_start3A_209 = arith.constant 0 : i32
      %dma_start3A_210 = arith.constant 0 : i32
      %dma_start3A_211 = tpu.memref_slice %arg9[%dma_start3A_209, %dma_start3A_210] : memref<128x128xf32, #tpu.memory_space<vmem>> -> memref<128x128xf32, #tpu.memory_space<vmem>>
      %dma_start3A_212 = arith.constant 0 : i32
      %dma_start3A_213 = tpu.memref_slice %arg5[%add3A_75, %dma_start3A_212] : memref<10112x128xf32, #tpu.memory_space<vmem_shared>> -> memref<128x128xf32, #tpu.memory_space<vmem_shared>>
      %dma_start3A_214 = arith.constant 0 : i32
      %dma_start3A_215 = arith.constant 0 : i32
      %dma_start3A_216 = tpu.memref_slice %arg9[%dma_start3A_214, %dma_start3A_215] : memref<128x128xf32, #tpu.memory_space<vmem>> -> memref<128x128xf32, #tpu.memory_space<vmem>>
      %dma_start3A_217 = arith.constant 0 : i32
      %dma_start3A_218 = tpu.memref_slice %arg5[%add3A_75, %dma_start3A_217] : memref<10112x128xf32, #tpu.memory_space<vmem_shared>> -> memref<128x128xf32, #tpu.memory_space<vmem_shared>>
      tpu.enqueue_dma source(%dma_start3A_218 : memref<128x128xf32, #tpu.memory_space<vmem_shared>>) target(%dma_start3A_216 : memref<128x128xf32, #tpu.memory_space<vmem>>) target_semaphore(%run_scoped3A_208 : memref<!tpu.dma_semaphore, #tpu.memory_space<semaphore_mem>>)
      %dma_wait3A_219 = arith.constant 0 : i32
      %dma_wait3A_220 = arith.constant 0 : i32
      %dma_wait3A_221 = tpu.memref_slice %arg9[%dma_wait3A_219, %dma_wait3A_220] : memref<128x128xf32, #tpu.memory_space<vmem>> -> memref<128x128xf32, #tpu.memory_space<vmem>>
      %dma_wait3A_222 = arith.constant 0 : i32
      %dma_wait3A_223 = tpu.memref_slice %arg5[%add3A_75, %dma_wait3A_222] : memref<10112x128xf32, #tpu.memory_space<vmem_shared>> -> memref<128x128xf32, #tpu.memory_space<vmem_shared>>
      %dma_wait3A_224 = arith.constant 0 : i32
      %dma_wait3A_225 = arith.constant 0 : i32
      %dma_wait3A_226 = tpu.memref_slice %arg9[%dma_wait3A_224, %dma_wait3A_225] : memref<128x128xf32, #tpu.memory_space<vmem>> -> memref<128x128xf32, #tpu.memory_space<vmem>>
      %dma_wait3A_227 = arith.constant 0 : i32
      %dma_wait3A_228 = tpu.memref_slice %arg5[%add3A_75, %dma_wait3A_227] : memref<10112x128xf32, #tpu.memory_space<vmem_shared>> -> memref<128x128xf32, #tpu.memory_space<vmem_shared>>
      tpu.wait_dma2 semaphore(%run_scoped3A_208 : memref<!tpu.dma_semaphore, #tpu.memory_space<semaphore_mem>>) src(%dma_wait3A_228 : memref<128x128xf32, #tpu.memory_space<vmem_shared>>) dst(%dma_wait3A_226 : memref<128x128xf32, #tpu.memory_space<vmem>>)
      tpu.yield
    }) : () -> ()
    %add3A_76 = arith.constant 128 : i32
    %add3A_77 = arith.addi %mul3A_2, %add3A_76 : i32
    %dma_start3A_78 = arith.constant 0 : i32
    %dma_start3A_79 = arith.constant 0 : i32
    %dma_start3A_80 = tpu.memref_slice %arg9[%dma_start3A_78, %dma_start3A_79] : memref<128x128xf32, #tpu.memory_space<vmem>> -> memref<128x128xf32, #tpu.memory_space<vmem>>
    %dma_start3A_81 = arith.constant 0 : i32
    %dma_start3A_82 = tpu.memref_slice %arg4[%arg0, %add3A_77, %dma_start3A_81] : memref<2x10112x128xf32, #tpu.memory_space<hbm>> -> memref<1x128x128xf32, #tpu.memory_space<hbm>>
    %dma_start3A_83 = tpu.memref_squeeze %dma_start3A_82 : memref<1x128x128xf32, #tpu.memory_space<hbm>> -> memref<128x128xf32, #tpu.memory_space<hbm>>
    %dma_start3A_84 = arith.constant 0 : i32
    %dma_start3A_85 = tpu.memref_slice %arg4[%arg0, %add3A_77, %dma_start3A_84] : memref<2x10112x128xf32, #tpu.memory_space<hbm>> -> memref<1x128x128xf32, #tpu.memory_space<hbm>>
    %dma_start3A_86 = tpu.memref_squeeze %dma_start3A_85 : memref<1x128x128xf32, #tpu.memory_space<hbm>> -> memref<128x128xf32, #tpu.memory_space<hbm>>
    %dma_start3A_87 = arith.constant 0 : i32
    %dma_start3A_88 = arith.constant 0 : i32
    %dma_start3A_89 = tpu.memref_slice %arg9[%dma_start3A_87, %dma_start3A_88] : memref<128x128xf32, #tpu.memory_space<vmem>> -> memref<128x128xf32, #tpu.memory_space<vmem>>
    tpu.enqueue_dma source(%dma_start3A_89 : memref<128x128xf32, #tpu.memory_space<vmem>>) target(%dma_start3A_86 : memref<128x128xf32, #tpu.memory_space<hbm>>) target_semaphore(%arg11 : memref<!tpu.dma_semaphore, #tpu.memory_space<semaphore_mem>>)
    %add3A_90 = arith.constant 0 : i32
    %add3A_91 = arith.addi %mul3A_2, %add3A_90 : i32
    %dma_wait3A_92 = arith.constant 0 : i32
    %dma_wait3A_93 = arith.constant 0 : i32
    %dma_wait3A_94 = tpu.memref_slice %arg8[%dma_wait3A_92, %dma_wait3A_93] : memref<128x128xf32, #tpu.memory_space<vmem>> -> memref<128x128xf32, #tpu.memory_space<vmem>>
    %dma_wait3A_95 = arith.constant 0 : i32
    %dma_wait3A_96 = tpu.memref_slice %arg4[%arg0, %add3A_91, %dma_wait3A_95] : memref<2x10112x128xf32, #tpu.memory_space<hbm>> -> memref<1x128x128xf32, #tpu.memory_space<hbm>>
    %dma_wait3A_97 = tpu.memref_squeeze %dma_wait3A_96 : memref<1x128x128xf32, #tpu.memory_space<hbm>> -> memref<128x128xf32, #tpu.memory_space<hbm>>
    %dma_wait3A_98 = arith.constant 0 : i32
    %dma_wait3A_99 = tpu.memref_slice %arg4[%arg0, %add3A_91, %dma_wait3A_98] : memref<2x10112x128xf32, #tpu.memory_space<hbm>> -> memref<1x128x128xf32, #tpu.memory_space<hbm>>
    %dma_wait3A_100 = tpu.memref_squeeze %dma_wait3A_99 : memref<1x128x128xf32, #tpu.memory_space<hbm>> -> memref<128x128xf32, #tpu.memory_space<hbm>>
    %dma_wait3A_101 = arith.constant 0 : i32
    %dma_wait3A_102 = arith.constant 0 : i32
    %dma_wait3A_103 = tpu.memref_slice %arg8[%dma_wait3A_101, %dma_wait3A_102] : memref<128x128xf32, #tpu.memory_space<vmem>> -> memref<128x128xf32, #tpu.memory_space<vmem>>
    tpu.wait_dma2 semaphore(%arg10 : memref<!tpu.dma_semaphore, #tpu.memory_space<semaphore_mem>>) src(%dma_wait3A_103 : memref<128x128xf32, #tpu.memory_space<vmem>>) dst(%dma_wait3A_100 : memref<128x128xf32, #tpu.memory_space<hbm>>)
    %add3A_104 = arith.constant 256 : i32
    %add3A_105 = arith.addi %mul3A_2, %add3A_104 : i32
    "tpu.region"() ({
      %run_scoped3A_208 = tpu.sem_alloc : memref<!tpu.dma_semaphore, #tpu.memory_space<semaphore_mem>>
      %dma_start3A_209 = arith.constant 0 : i32
      %dma_start3A_210 = arith.constant 0 : i32
      %dma_start3A_211 = tpu.memref_slice %arg8[%dma_start3A_209, %dma_start3A_210] : memref<128x128xf32, #tpu.memory_space<vmem>> -> memref<128x128xf32, #tpu.memory_space<vmem>>
      %dma_start3A_212 = arith.constant 0 : i32
      %dma_start3A_213 = tpu.memref_slice %arg5[%add3A_105, %dma_start3A_212] : memref<10112x128xf32, #tpu.memory_space<vmem_shared>> -> memref<128x128xf32, #tpu.memory_space<vmem_shared>>
      %dma_start3A_214 = arith.constant 0 : i32
      %dma_start3A_215 = arith.constant 0 : i32
      %dma_start3A_216 = tpu.memref_slice %arg8[%dma_start3A_214, %dma_start3A_215] : memref<128x128xf32, #tpu.memory_space<vmem>> -> memref<128x128xf32, #tpu.memory_space<vmem>>
      %dma_start3A_217 = arith.constant 0 : i32
      %dma_start3A_218 = tpu.memref_slice %arg5[%add3A_105, %dma_start3A_217] : memref<10112x128xf32, #tpu.memory_space<vmem_shared>> -> memref<128x128xf32, #tpu.memory_space<vmem_shared>>
      tpu.enqueue_dma source(%dma_start3A_218 : memref<128x128xf32, #tpu.memory_space<vmem_shared>>) target(%dma_start3A_216 : memref<128x128xf32, #tpu.memory_space<vmem>>) target_semaphore(%run_scoped3A_208 : memref<!tpu.dma_semaphore, #tpu.memory_space<semaphore_mem>>)
      %dma_wait3A_219 = arith.constant 0 : i32
      %dma_wait3A_220 = arith.constant 0 : i32
      %dma_wait3A_221 = tpu.memref_slice %arg8[%dma_wait3A_219, %dma_wait3A_220] : memref<128x128xf32, #tpu.memory_space<vmem>> -> memref<128x128xf32, #tpu.memory_space<vmem>>
      %dma_wait3A_222 = arith.constant 0 : i32
      %dma_wait3A_223 = tpu.memref_slice %arg5[%add3A_105, %dma_wait3A_222] : memref<10112x128xf32, #tpu.memory_space<vmem_shared>> -> memref<128x128xf32, #tpu.memory_space<vmem_shared>>
      %dma_wait3A_224 = arith.constant 0 : i32
      %dma_wait3A_225 = arith.constant 0 : i32
      %dma_wait3A_226 = tpu.memref_slice %arg8[%dma_wait3A_224, %dma_wait3A_225] : memref<128x128xf32, #tpu.memory_space<vmem>> -> memref<128x128xf32, #tpu.memory_space<vmem>>
      %dma_wait3A_227 = arith.constant 0 : i32
      %dma_wait3A_228 = tpu.memref_slice %arg5[%add3A_105, %dma_wait3A_227] : memref<10112x128xf32, #tpu.memory_space<vmem_shared>> -> memref<128x128xf32, #tpu.memory_space<vmem_shared>>
      tpu.wait_dma2 semaphore(%run_scoped3A_208 : memref<!tpu.dma_semaphore, #tpu.memory_space<semaphore_mem>>) src(%dma_wait3A_228 : memref<128x128xf32, #tpu.memory_space<vmem_shared>>) dst(%dma_wait3A_226 : memref<128x128xf32, #tpu.memory_space<vmem>>)
      tpu.yield
    }) : () -> ()
    %add3A_106 = arith.constant 256 : i32
    %add3A_107 = arith.addi %mul3A_2, %add3A_106 : i32
    %dma_start3A_108 = arith.constant 0 : i32
    %dma_start3A_109 = arith.constant 0 : i32
    %dma_start3A_110 = tpu.memref_slice %arg8[%dma_start3A_108, %dma_start3A_109] : memref<128x128xf32, #tpu.memory_space<vmem>> -> memref<128x128xf32, #tpu.memory_space<vmem>>
    %dma_start3A_111 = arith.constant 0 : i32
    %dma_start3A_112 = tpu.memref_slice %arg4[%arg0, %add3A_107, %dma_start3A_111] : memref<2x10112x128xf32, #tpu.memory_space<hbm>> -> memref<1x128x128xf32, #tpu.memory_space<hbm>>
    %dma_start3A_113 = tpu.memref_squeeze %dma_start3A_112 : memref<1x128x128xf32, #tpu.memory_space<hbm>> -> memref<128x128xf32, #tpu.memory_space<hbm>>
    %dma_start3A_114 = arith.constant 0 : i32
    %dma_start3A_115 = tpu.memref_slice %arg4[%arg0, %add3A_107, %dma_start3A_114] : memref<2x10112x128xf32, #tpu.memory_space<hbm>> -> memref<1x128x128xf32, #tpu.memory_space<hbm>>
    %dma_start3A_116 = tpu.memref_squeeze %dma_start3A_115 : memref<1x128x128xf32, #tpu.memory_space<hbm>> -> memref<128x128xf32, #tpu.memory_space<hbm>>
    %dma_start3A_117 = arith.constant 0 : i32
    %dma_start3A_118 = arith.constant 0 : i32
    %dma_start3A_119 = tpu.memref_slice %arg8[%dma_start3A_117, %dma_start3A_118] : memref<128x128xf32, #tpu.memory_space<vmem>> -> memref<128x128xf32, #tpu.memory_space<vmem>>
    tpu.enqueue_dma source(%dma_start3A_119 : memref<128x128xf32, #tpu.memory_space<vmem>>) target(%dma_start3A_116 : memref<128x128xf32, #tpu.memory_space<hbm>>) target_semaphore(%arg10 : memref<!tpu.dma_semaphore, #tpu.memory_space<semaphore_mem>>)
    %add3A_120 = arith.constant 128 : i32
    %add3A_121 = arith.addi %mul3A_2, %add3A_120 : i32
    %dma_wait3A_122 = arith.constant 0 : i32
    %dma_wait3A_123 = arith.constant 0 : i32
    %dma_wait3A_124 = tpu.memref_slice %arg9[%dma_wait3A_122, %dma_wait3A_123] : memref<128x128xf32, #tpu.memory_space<vmem>> -> memref<128x128xf32, #tpu.memory_space<vmem>>
    %dma_wait3A_125 = arith.constant 0 : i32
    %dma_wait3A_126 = tpu.memref_slice %arg4[%arg0, %add3A_121, %dma_wait3A_125] : memref<2x10112x128xf32, #tpu.memory_space<hbm>> -> memref<1x128x128xf32, #tpu.memory_space<hbm>>
    %dma_wait3A_127 = tpu.memref_squeeze %dma_wait3A_126 : memref<1x128x128xf32, #tpu.memory_space<hbm>> -> memref<128x128xf32, #tpu.memory_space<hbm>>
    %dma_wait3A_128 = arith.constant 0 : i32
    %dma_wait3A_129 = tpu.memref_slice %arg4[%arg0, %add3A_121, %dma_wait3A_128] : memref<2x10112x128xf32, #tpu.memory_space<hbm>> -> memref<1x128x128xf32, #tpu.memory_space<hbm>>
    %dma_wait3A_130 = tpu.memref_squeeze %dma_wait3A_129 : memref<1x128x128xf32, #tpu.memory_space<hbm>> -> memref<128x128xf32, #tpu.memory_space<hbm>>
    %dma_wait3A_131 = arith.constant 0 : i32
    %dma_wait3A_132 = arith.constant 0 : i32
    %dma_wait3A_133 = tpu.memref_slice %arg9[%dma_wait3A_131, %dma_wait3A_132] : memref<128x128xf32, #tpu.memory_space<vmem>> -> memref<128x128xf32, #tpu.memory_space<vmem>>
    tpu.wait_dma2 semaphore(%arg11 : memref<!tpu.dma_semaphore, #tpu.memory_space<semaphore_mem>>) src(%dma_wait3A_133 : memref<128x128xf32, #tpu.memory_space<vmem>>) dst(%dma_wait3A_130 : memref<128x128xf32, #tpu.memory_space<hbm>>)
    %add3A_134 = arith.constant 384 : i32
    %add3A_135 = arith.addi %mul3A_2, %add3A_134 : i32
    "tpu.region"() ({
      %run_scoped3A_208 = tpu.sem_alloc : memref<!tpu.dma_semaphore, #tpu.memory_space<semaphore_mem>>
      %dma_start3A_209 = arith.constant 0 : i32
      %dma_start3A_210 = arith.constant 0 : i32
      %dma_start3A_211 = tpu.memref_slice %arg9[%dma_start3A_209, %dma_start3A_210] : memref<128x128xf32, #tpu.memory_space<vmem>> -> memref<128x128xf32, #tpu.memory_space<vmem>>
      %dma_start3A_212 = arith.constant 0 : i32
      %dma_start3A_213 = tpu.memref_slice %arg5[%add3A_135, %dma_start3A_212] : memref<10112x128xf32, #tpu.memory_space<vmem_shared>> -> memref<128x128xf32, #tpu.memory_space<vmem_shared>>
      %dma_start3A_214 = arith.constant 0 : i32
      %dma_start3A_215 = arith.constant 0 : i32
      %dma_start3A_216 = tpu.memref_slice %arg9[%dma_start3A_214, %dma_start3A_215] : memref<128x128xf32, #tpu.memory_space<vmem>> -> memref<128x128xf32, #tpu.memory_space<vmem>>
      %dma_start3A_217 = arith.constant 0 : i32
      %dma_start3A_218 = tpu.memref_slice %arg5[%add3A_135, %dma_start3A_217] : memref<10112x128xf32, #tpu.memory_space<vmem_shared>> -> memref<128x128xf32, #tpu.memory_space<vmem_shared>>
      tpu.enqueue_dma source(%dma_start3A_218 : memref<128x128xf32, #tpu.memory_space<vmem_shared>>) target(%dma_start3A_216 : memref<128x128xf32, #tpu.memory_space<vmem>>) target_semaphore(%run_scoped3A_208 : memref<!tpu.dma_semaphore, #tpu.memory_space<semaphore_mem>>)
      %dma_wait3A_219 = arith.constant 0 : i32
      %dma_wait3A_220 = arith.constant 0 : i32
      %dma_wait3A_221 = tpu.memref_slice %arg9[%dma_wait3A_219, %dma_wait3A_220] : memref<128x128xf32, #tpu.memory_space<vmem>> -> memref<128x128xf32, #tpu.memory_space<vmem>>
      %dma_wait3A_222 = arith.constant 0 : i32
      %dma_wait3A_223 = tpu.memref_slice %arg5[%add3A_135, %dma_wait3A_222] : memref<10112x128xf32, #tpu.memory_space<vmem_shared>> -> memref<128x128xf32, #tpu.memory_space<vmem_shared>>
      %dma_wait3A_224 = arith.constant 0 : i32
      %dma_wait3A_225 = arith.constant 0 : i32
      %dma_wait3A_226 = tpu.memref_slice %arg9[%dma_wait3A_224, %dma_wait3A_225] : memref<128x128xf32, #tpu.memory_space<vmem>> -> memref<128x128xf32, #tpu.memory_space<vmem>>
      %dma_wait3A_227 = arith.constant 0 : i32
      %dma_wait3A_228 = tpu.memref_slice %arg5[%add3A_135, %dma_wait3A_227] : memref<10112x128xf32, #tpu.memory_space<vmem_shared>> -> memref<128x128xf32, #tpu.memory_space<vmem_shared>>
      tpu.wait_dma2 semaphore(%run_scoped3A_208 : memref<!tpu.dma_semaphore, #tpu.memory_space<semaphore_mem>>) src(%dma_wait3A_228 : memref<128x128xf32, #tpu.memory_space<vmem_shared>>) dst(%dma_wait3A_226 : memref<128x128xf32, #tpu.memory_space<vmem>>)
      tpu.yield
    }) : () -> ()
    %add3A_136 = arith.constant 384 : i32
    %add3A_137 = arith.addi %mul3A_2, %add3A_136 : i32
    %dma_start3A_138 = arith.constant 0 : i32
    %dma_start3A_139 = arith.constant 0 : i32
    %dma_start3A_140 = tpu.memref_slice %arg9[%dma_start3A_138, %dma_start3A_139] : memref<128x128xf32, #tpu.memory_space<vmem>> -> memref<128x128xf32, #tpu.memory_space<vmem>>
    %dma_start3A_141 = arith.constant 0 : i32
    %dma_start3A_142 = tpu.memref_slice %arg4[%arg0, %add3A_137, %dma_start3A_141] : memref<2x10112x128xf32, #tpu.memory_space<hbm>> -> memref<1x128x128xf32, #tpu.memory_space<hbm>>
    %dma_start3A_143 = tpu.memref_squeeze %dma_start3A_142 : memref<1x128x128xf32, #tpu.memory_space<hbm>> -> memref<128x128xf32, #tpu.memory_space<hbm>>
    %dma_start3A_144 = arith.constant 0 : i32
    %dma_start3A_145 = tpu.memref_slice %arg4[%arg0, %add3A_137, %dma_start3A_144] : memref<2x10112x128xf32, #tpu.memory_space<hbm>> -> memref<1x128x128xf32, #tpu.memory_space<hbm>>
    %dma_start3A_146 = tpu.memref_squeeze %dma_start3A_145 : memref<1x128x128xf32, #tpu.memory_space<hbm>> -> memref<128x128xf32, #tpu.memory_space<hbm>>
    %dma_start3A_147 = arith.constant 0 : i32
    %dma_start3A_148 = arith.constant 0 : i32
    %dma_start3A_149 = tpu.memref_slice %arg9[%dma_start3A_147, %dma_start3A_148] : memref<128x128xf32, #tpu.memory_space<vmem>> -> memref<128x128xf32, #tpu.memory_space<vmem>>
    tpu.enqueue_dma source(%dma_start3A_149 : memref<128x128xf32, #tpu.memory_space<vmem>>) target(%dma_start3A_146 : memref<128x128xf32, #tpu.memory_space<hbm>>) target_semaphore(%arg11 : memref<!tpu.dma_semaphore, #tpu.memory_space<semaphore_mem>>)
    %add3A_150 = arith.constant 256 : i32
    %add3A_151 = arith.addi %mul3A_2, %add3A_150 : i32
    %dma_wait3A_152 = arith.constant 0 : i32
    %dma_wait3A_153 = arith.constant 0 : i32
    %dma_wait3A_154 = tpu.memref_slice %arg8[%dma_wait3A_152, %dma_wait3A_153] : memref<128x128xf32, #tpu.memory_space<vmem>> -> memref<128x128xf32, #tpu.memory_space<vmem>>
    %dma_wait3A_155 = arith.constant 0 : i32
    %dma_wait3A_156 = tpu.memref_slice %arg4[%arg0, %add3A_151, %dma_wait3A_155] : memref<2x10112x128xf32, #tpu.memory_space<hbm>> -> memref<1x128x128xf32, #tpu.memory_space<hbm>>
    %dma_wait3A_157 = tpu.memref_squeeze %dma_wait3A_156 : memref<1x128x128xf32, #tpu.memory_space<hbm>> -> memref<128x128xf32, #tpu.memory_space<hbm>>
    %dma_wait3A_158 = arith.constant 0 : i32
    %dma_wait3A_159 = tpu.memref_slice %arg4[%arg0, %add3A_151, %dma_wait3A_158] : memref<2x10112x128xf32, #tpu.memory_space<hbm>> -> memref<1x128x128xf32, #tpu.memory_space<hbm>>
    %dma_wait3A_160 = tpu.memref_squeeze %dma_wait3A_159 : memref<1x128x128xf32, #tpu.memory_space<hbm>> -> memref<128x128xf32, #tpu.memory_space<hbm>>
    %dma_wait3A_161 = arith.constant 0 : i32
    %dma_wait3A_162 = arith.constant 0 : i32
    %dma_wait3A_163 = tpu.memref_slice %arg8[%dma_wait3A_161, %dma_wait3A_162] : memref<128x128xf32, #tpu.memory_space<vmem>> -> memref<128x128xf32, #tpu.memory_space<vmem>>
    tpu.wait_dma2 semaphore(%arg10 : memref<!tpu.dma_semaphore, #tpu.memory_space<semaphore_mem>>) src(%dma_wait3A_163 : memref<128x128xf32, #tpu.memory_space<vmem>>) dst(%dma_wait3A_160 : memref<128x128xf32, #tpu.memory_space<hbm>>)
    %add3A_164 = arith.constant 512 : i32
    %add3A_165 = arith.addi %mul3A_2, %add3A_164 : i32
    "tpu.region"() ({
      %run_scoped3A_208 = tpu.sem_alloc : memref<!tpu.dma_semaphore, #tpu.memory_space<semaphore_mem>>
      %dma_start3A_209 = arith.constant 0 : i32
      %dma_start3A_210 = arith.constant 0 : i32
      %dma_start3A_211 = tpu.memref_slice %arg8[%dma_start3A_209, %dma_start3A_210] : memref<128x128xf32, #tpu.memory_space<vmem>> -> memref<120x128xf32, #tpu.memory_space<vmem>>
      %dma_start3A_212 = arith.constant 0 : i32
      %dma_start3A_213 = tpu.memref_slice %arg5[%add3A_165, %dma_start3A_212] : memref<10112x128xf32, #tpu.memory_space<vmem_shared>> -> memref<120x128xf32, #tpu.memory_space<vmem_shared>>
      %dma_start3A_214 = arith.constant 0 : i32
      %dma_start3A_215 = arith.constant 0 : i32
      %dma_start3A_216 = tpu.memref_slice %arg8[%dma_start3A_214, %dma_start3A_215] : memref<128x128xf32, #tpu.memory_space<vmem>> -> memref<120x128xf32, #tpu.memory_space<vmem>>
      %dma_start3A_217 = arith.constant 0 : i32
      %dma_start3A_218 = tpu.memref_slice %arg5[%add3A_165, %dma_start3A_217] : memref<10112x128xf32, #tpu.memory_space<vmem_shared>> -> memref<120x128xf32, #tpu.memory_space<vmem_shared>>
      tpu.enqueue_dma source(%dma_start3A_218 : memref<120x128xf32, #tpu.memory_space<vmem_shared>>) target(%dma_start3A_216 : memref<120x128xf32, #tpu.memory_space<vmem>>) target_semaphore(%run_scoped3A_208 : memref<!tpu.dma_semaphore, #tpu.memory_space<semaphore_mem>>)
      %dma_wait3A_219 = arith.constant 0 : i32
      %dma_wait3A_220 = arith.constant 0 : i32
      %dma_wait3A_221 = tpu.memref_slice %arg8[%dma_wait3A_219, %dma_wait3A_220] : memref<128x128xf32, #tpu.memory_space<vmem>> -> memref<120x128xf32, #tpu.memory_space<vmem>>
      %dma_wait3A_222 = arith.constant 0 : i32
      %dma_wait3A_223 = tpu.memref_slice %arg5[%add3A_165, %dma_wait3A_222] : memref<10112x128xf32, #tpu.memory_space<vmem_shared>> -> memref<120x128xf32, #tpu.memory_space<vmem_shared>>
      %dma_wait3A_224 = arith.constant 0 : i32
      %dma_wait3A_225 = arith.constant 0 : i32
      %dma_wait3A_226 = tpu.memref_slice %arg8[%dma_wait3A_224, %dma_wait3A_225] : memref<128x128xf32, #tpu.memory_space<vmem>> -> memref<120x128xf32, #tpu.memory_space<vmem>>
      %dma_wait3A_227 = arith.constant 0 : i32
      %dma_wait3A_228 = tpu.memref_slice %arg5[%add3A_165, %dma_wait3A_227] : memref<10112x128xf32, #tpu.memory_space<vmem_shared>> -> memref<120x128xf32, #tpu.memory_space<vmem_shared>>
      tpu.wait_dma2 semaphore(%run_scoped3A_208 : memref<!tpu.dma_semaphore, #tpu.memory_space<semaphore_mem>>) src(%dma_wait3A_228 : memref<120x128xf32, #tpu.memory_space<vmem_shared>>) dst(%dma_wait3A_226 : memref<120x128xf32, #tpu.memory_space<vmem>>)
      tpu.yield
    }) : () -> ()
    %add3A_166 = arith.constant 512 : i32
    %add3A_167 = arith.addi %mul3A_2, %add3A_166 : i32
    %dma_start3A_168 = arith.constant 0 : i32
    %dma_start3A_169 = arith.constant 0 : i32
    %dma_start3A_170 = tpu.memref_slice %arg8[%dma_start3A_168, %dma_start3A_169] : memref<128x128xf32, #tpu.memory_space<vmem>> -> memref<120x128xf32, #tpu.memory_space<vmem>>
    %dma_start3A_171 = arith.constant 0 : i32
    %dma_start3A_172 = tpu.memref_slice %arg4[%arg0, %add3A_167, %dma_start3A_171] : memref<2x10112x128xf32, #tpu.memory_space<hbm>> -> memref<1x120x128xf32, #tpu.memory_space<hbm>>
    %dma_start3A_173 = tpu.memref_squeeze %dma_start3A_172 : memref<1x120x128xf32, #tpu.memory_space<hbm>> -> memref<120x128xf32, #tpu.memory_space<hbm>>
    %dma_start3A_174 = arith.constant 0 : i32
    %dma_start3A_175 = tpu.memref_slice %arg4[%arg0, %add3A_167, %dma_start3A_174] : memref<2x10112x128xf32, #tpu.memory_space<hbm>> -> memref<1x120x128xf32, #tpu.memory_space<hbm>>
    %dma_start3A_176 = tpu.memref_squeeze %dma_start3A_175 : memref<1x120x128xf32, #tpu.memory_space<hbm>> -> memref<120x128xf32, #tpu.memory_space<hbm>>
    %dma_start3A_177 = arith.constant 0 : i32
    %dma_start3A_178 = arith.constant 0 : i32
    %dma_start3A_179 = tpu.memref_slice %arg8[%dma_start3A_177, %dma_start3A_178] : memref<128x128xf32, #tpu.memory_space<vmem>> -> memref<120x128xf32, #tpu.memory_space<vmem>>
    tpu.enqueue_dma source(%dma_start3A_179 : memref<120x128xf32, #tpu.memory_space<vmem>>) target(%dma_start3A_176 : memref<120x128xf32, #tpu.memory_space<hbm>>) target_semaphore(%arg10 : memref<!tpu.dma_semaphore, #tpu.memory_space<semaphore_mem>>)
    %add3A_180 = arith.constant 384 : i32
    %add3A_181 = arith.addi %mul3A_2, %add3A_180 : i32
    %dma_wait3A_182 = arith.constant 0 : i32
    %dma_wait3A_183 = arith.constant 0 : i32
    %dma_wait3A_184 = tpu.memref_slice %arg9[%dma_wait3A_182, %dma_wait3A_183] : memref<128x128xf32, #tpu.memory_space<vmem>> -> memref<128x128xf32, #tpu.memory_space<vmem>>
    %dma_wait3A_185 = arith.constant 0 : i32
    %dma_wait3A_186 = tpu.memref_slice %arg4[%arg0, %add3A_181, %dma_wait3A_185] : memref<2x10112x128xf32, #tpu.memory_space<hbm>> -> memref<1x128x128xf32, #tpu.memory_space<hbm>>
    %dma_wait3A_187 = tpu.memref_squeeze %dma_wait3A_186 : memref<1x128x128xf32, #tpu.memory_space<hbm>> -> memref<128x128xf32, #tpu.memory_space<hbm>>
    %dma_wait3A_188 = arith.constant 0 : i32
    %dma_wait3A_189 = tpu.memref_slice %arg4[%arg0, %add3A_181, %dma_wait3A_188] : memref<2x10112x128xf32, #tpu.memory_space<hbm>> -> memref<1x128x128xf32, #tpu.memory_space<hbm>>
    %dma_wait3A_190 = tpu.memref_squeeze %dma_wait3A_189 : memref<1x128x128xf32, #tpu.memory_space<hbm>> -> memref<128x128xf32, #tpu.memory_space<hbm>>
    %dma_wait3A_191 = arith.constant 0 : i32
    %dma_wait3A_192 = arith.constant 0 : i32
    %dma_wait3A_193 = tpu.memref_slice %arg9[%dma_wait3A_191, %dma_wait3A_192] : memref<128x128xf32, #tpu.memory_space<vmem>> -> memref<128x128xf32, #tpu.memory_space<vmem>>
    tpu.wait_dma2 semaphore(%arg11 : memref<!tpu.dma_semaphore, #tpu.memory_space<semaphore_mem>>) src(%dma_wait3A_193 : memref<128x128xf32, #tpu.memory_space<vmem>>) dst(%dma_wait3A_190 : memref<128x128xf32, #tpu.memory_space<hbm>>)
    %add3A_194 = arith.constant 512 : i32
    %add3A_195 = arith.addi %mul3A_2, %add3A_194 : i32
    %dma_wait3A_196 = arith.constant 0 : i32
    %dma_wait3A_197 = arith.constant 0 : i32
    %dma_wait3A_198 = tpu.memref_slice %arg8[%dma_wait3A_196, %dma_wait3A_197] : memref<128x128xf32, #tpu.memory_space<vmem>> -> memref<120x128xf32, #tpu.memory_space<vmem>>
    %dma_wait3A_199 = arith.constant 0 : i32
    %dma_wait3A_200 = tpu.memref_slice %arg4[%arg0, %add3A_195, %dma_wait3A_199] : memref<2x10112x128xf32, #tpu.memory_space<hbm>> -> memref<1x120x128xf32, #tpu.memory_space<hbm>>
    %dma_wait3A_201 = tpu.memref_squeeze %dma_wait3A_200 : memref<1x120x128xf32, #tpu.memory_space<hbm>> -> memref<120x128xf32, #tpu.memory_space<hbm>>
    %dma_wait3A_202 = arith.constant 0 : i32
    %dma_wait3A_203 = tpu.memref_slice %arg4[%arg0, %add3A_195, %dma_wait3A_202] : memref<2x10112x128xf32, #tpu.memory_space<hbm>> -> memref<1x120x128xf32, #tpu.memory_space<hbm>>
    %dma_wait3A_204 = tpu.memref_squeeze %dma_wait3A_203 : memref<1x120x128xf32, #tpu.memory_space<hbm>> -> memref<120x128xf32, #tpu.memory_space<hbm>>
    %dma_wait3A_205 = arith.constant 0 : i32
    %dma_wait3A_206 = arith.constant 0 : i32
    %dma_wait3A_207 = tpu.memref_slice %arg8[%dma_wait3A_205, %dma_wait3A_206] : memref<128x128xf32, #tpu.memory_space<vmem>> -> memref<120x128xf32, #tpu.memory_space<vmem>>
    tpu.wait_dma2 semaphore(%arg10 : memref<!tpu.dma_semaphore, #tpu.memory_space<semaphore_mem>>) src(%dma_wait3A_207 : memref<120x128xf32, #tpu.memory_space<vmem>>) dst(%dma_wait3A_204 : memref<120x128xf32, #tpu.memory_space<hbm>>)
    return
  }
}

#map = affine_map<(d0, d1) -> (0, 0)>
#map1 = affine_map<(d0, d1) -> (0, 0, 0, 0)>
#map2 = affine_map<(d0, d1) -> (0, 0, 0)>
module attributes {stable_mosaic.version = 14 : i64} {
  func.func @body(%arg0: i32, %arg1: i32, %arg2: memref<10000x128xf32, #tpu.memory_space<hbm>>, %arg3: memref<32x80x2x128xi32, #tpu.memory_space<hbm>>, %arg4: memref<2x10112x128xf32, #tpu.memory_space<hbm>>, %arg5: memref<10112x128xf32, #tpu.memory_space<vmem_shared>>, %arg6: memref<2x128xi32, #tpu.memory_space<vmem>>, %arg7: memref<2x128xi32, #tpu.memory_space<vmem>>, %arg8: memref<128x128xf32, #tpu.memory_space<vmem>>, %arg9: memref<128x128xf32, #tpu.memory_space<vmem>>, %arg10: memref<!tpu.dma_semaphore, #tpu.memory_space<semaphore_mem>>, %arg11: memref<!tpu.dma_semaphore, #tpu.memory_space<semaphore_mem>>, %arg12: memref<!tpu.dma_semaphore, #tpu.memory_space<semaphore_mem>>, %arg13: memref<!tpu.dma_semaphore, #tpu.memory_space<semaphore_mem>>) attributes {dimension_semantics = [#tpu.dimension_semantics<core_parallel>, #tpu.dimension_semantics<subcore_parallel>], iteration_bounds = array<i64: 2, 16>, scalar_prefetch = 0 : i64, scratch_operands = 9 : i64, tpu.core_type = #tpu.core_type<sc_vector_subcore>, window_params = [{transform_indices = #map}, {transform_indices = #map1}, {transform_indices = #map2}]} {
    %mul3A = arith.constant 16 : i32
    %mul3A_0 = arith.muli %arg0, %mul3A : i32
    %add3A = arith.addi %mul3A_0, %arg1 : i32
    %mul3A_1 = arith.constant 632 : i32
    %mul3A_2 = arith.muli %arg1, %mul3A_1 : i32
    %broadcast_in_dim3A = arith.constant 0.000000e+00 : f32
    %broadcast_in_dim3A_3 = vector.broadcast %broadcast_in_dim3A : f32 to vector<16xf32>
    %scan3A = arith.constant 0 : i32
    %scan3A_4 = arith.constant 0 : i32
    %scan3A_5 = arith.constant 128 : i32
    %scan3A_6 = arith.addi %scan3A_4, %scan3A_5 : i32
    %scan3A_7 = arith.constant 1 : i32
    scf.for %scan3A_208 = %scan3A_4 to %scan3A_6 step %scan3A_7  : i32 {
      %swap3A = arith.index_cast %scan3A_208 : i32 to index
      %swap3A_209 = arith.constant 0 : index
      %swap3A_210 = tpu.vector_load %arg8[%swap3A, %swap3A_209] {strides = array<i32>} : memref<128x128xf32, #tpu.memory_space<vmem>>, vector<1x16xf32>,
      %swap3A_211 = vector.shape_cast %swap3A_210 : vector<1x16xf32> to vector<16xf32>
      %swap3A_212 = vector.shape_cast %broadcast_in_dim3A_3 : vector<16xf32> to vector<1x16xf32>
      tpu.vector_store %arg8[%swap3A, %swap3A_209], %swap3A_212 {strides = array<i32>} : memref<128x128xf32, #tpu.memory_space<vmem>>, vector<1x16xf32>,
      %swap3A_213 = arith.index_cast %scan3A_208 : i32 to index
      %swap3A_214 = arith.constant 16 : index
      %swap3A_215 = tpu.vector_load %arg8[%swap3A_213, %swap3A_214] {strides = array<i32>} : memref<128x128xf32, #tpu.memory_space<vmem>>, vector<1x16xf32>,
      %swap3A_216 = vector.shape_cast %swap3A_215 : vector<1x16xf32> to vector<16xf32>
      %swap3A_217 = vector.shape_cast %broadcast_in_dim3A_3 : vector<16xf32> to vector<1x16xf32>
      tpu.vector_store %arg8[%swap3A_213, %swap3A_214], %swap3A_217 {strides = array<i32>} : memref<128x128xf32, #tpu.memory_space<vmem>>, vector<1x16xf32>,
      %swap3A_218 = arith.index_cast %scan3A_208 : i32 to index
      %swap3A_219 = arith.constant 32 : index
      %swap3A_220 = tpu.vector_load %arg8[%swap3A_218, %swap3A_219] {strides = array<i32>} : memref<128x128xf32, #tpu.memory_space<vmem>>, vector<1x16xf32>,
      %swap3A_221 = vector.shape_cast %swap3A_220 : vector<1x16xf32> to vector<16xf32>
      %swap3A_222 = vector.shape_cast %broadcast_in_dim3A_3 : vector<16xf32> to vector<1x16xf32>
      tpu.vector_store %arg8[%swap3A_218, %swap3A_219], %swap3A_222 {strides = array<i32>} : memref<128x128xf32, #tpu.memory_space<vmem>>, vector<1x16xf32>,
      %swap3A_223 = arith.index_cast %scan3A_208 : i32 to index
      %swap3A_224 = arith.constant 48 : index
      %swap3A_225 = tpu.vector_load %arg8[%swap3A_223, %swap3A_224] {strides = array<i32>} : memref<128x128xf32, #tpu.memory_space<vmem>>, vector<1x16xf32>,
      %swap3A_226 = vector.shape_cast %swap3A_225 : vector<1x16xf32> to vector<16xf32>
      %swap3A_227 = vector.shape_cast %broadcast_in_dim3A_3 : vector<16xf32> to vector<1x16xf32>
      tpu.vector_store %arg8[%swap3A_223, %swap3A_224], %swap3A_227 {strides = array<i32>} : memref<128x128xf32, #tpu.memory_space<vmem>>, vector<1x16xf32>,
      %swap3A_228 = arith.index_cast %scan3A_208 : i32 to index
      %swap3A_229 = arith.constant 64 : index
      %swap3A_230 = tpu.vector_load %arg8[%swap3A_228, %swap3A_229] {strides = array<i32>} : memref<128x128xf32, #tpu.memory_space<vmem>>, vector<1x16xf32>,
      %swap3A_231 = vector.shape_cast %swap3A_230 : vector<1x16xf32> to vector<16xf32>
      %swap3A_232 = vector.shape_cast %broadcast_in_dim3A_3 : vector<16xf32> to vector<1x16xf32>
      tpu.vector_store %arg8[%swap3A_228, %swap3A_229], %swap3A_232 {strides = array<i32>} : memref<128x128xf32, #tpu.memory_space<vmem>>, vector<1x16xf32>,
      %swap3A_233 = arith.index_cast %scan3A_208 : i32 to index
      %swap3A_234 = arith.constant 80 : index
      %swap3A_235 = tpu.vector_load %arg8[%swap3A_233, %swap3A_234] {strides = array<i32>} : memref<128x128xf32, #tpu.memory_space<vmem>>, vector<1x16xf32>,
      %swap3A_236 = vector.shape_cast %swap3A_235 : vector<1x16xf32> to vector<16xf32>
      %swap3A_237 = vector.shape_cast %broadcast_in_dim3A_3 : vector<16xf32> to vector<1x16xf32>
      tpu.vector_store %arg8[%swap3A_233, %swap3A_234], %swap3A_237 {strides = array<i32>} : memref<128x128xf32, #tpu.memory_space<vmem>>, vector<1x16xf32>,
      %swap3A_238 = arith.index_cast %scan3A_208 : i32 to index
      %swap3A_239 = arith.constant 96 : index
      %swap3A_240 = tpu.vector_load %arg8[%swap3A_238, %swap3A_239] {strides = array<i32>} : memref<128x128xf32, #tpu.memory_space<vmem>>, vector<1x16xf32>,
      %swap3A_241 = vector.shape_cast %swap3A_240 : vector<1x16xf32> to vector<16xf32>
      %swap3A_242 = vector.shape_cast %broadcast_in_dim3A_3 : vector<16xf32> to vector<1x16xf32>
      tpu.vector_store %arg8[%swap3A_238, %swap3A_239], %swap3A_242 {strides = array<i32>} : memref<128x128xf32, #tpu.memory_space<vmem>>, vector<1x16xf32>,
      %swap3A_243 = arith.index_cast %scan3A_208 : i32 to index
      %swap3A_244 = arith.constant 112 : index
      %swap3A_245 = tpu.vector_load %arg8[%swap3A_243, %swap3A_244] {strides = array<i32>} : memref<128x128xf32, #tpu.memory_space<vmem>>, vector<1x16xf32>,
      %swap3A_246 = vector.shape_cast %swap3A_245 : vector<1x16xf32> to vector<16xf32>
      %swap3A_247 = vector.shape_cast %broadcast_in_dim3A_3 : vector<16xf32> to vector<1x16xf32>
      tpu.vector_store %arg8[%swap3A_243, %swap3A_244], %swap3A_247 {strides = array<i32>} : memref<128x128xf32, #tpu.memory_space<vmem>>, vector<1x16xf32>,
    }
    %scan3A_8 = arith.constant 128 : i32
    %add3A_9 = arith.constant 0 : i32
    %add3A_10 = arith.addi %mul3A_2, %add3A_9 : i32
    "tpu.region"() ({
      %run_scoped3A_208 = tpu.sem_alloc : memref<!tpu.dma_semaphore, #tpu.memory_space<semaphore_mem>>
      %dma_start3A_209 = arith.constant 0 : i32
      %dma_start3A_210 = tpu.memref_slice %arg5[%add3A_10, %dma_start3A_209] : memref<10112x128xf32, #tpu.memory_space<vmem_shared>> -> memref<128x128xf32, #tpu.memory_space<vmem_shared>>
      %dma_start3A_211 = arith.constant 0 : i32
      %dma_start3A_212 = tpu.memref_slice %arg5[%add3A_10, %dma_start3A_211] : memref<10112x128xf32, #tpu.memory_space<vmem_shared>> -> memref<128x128xf32, #tpu.memory_space<vmem_shared>>
      tpu.enqueue_dma source(%arg8 : memref<128x128xf32, #tpu.memory_space<vmem>>) target(%dma_start3A_212 : memref<128x128xf32, #tpu.memory_space<vmem_shared>>) target_semaphore(%run_scoped3A_208 : memref<!tpu.dma_semaphore, #tpu.memory_space<semaphore_mem>>)
      %dma_wait3A_213 = arith.constant 0 : i32
      %dma_wait3A_214 = tpu.memref_slice %arg5[%add3A_10, %dma_wait3A_213] : memref<10112x128xf32, #tpu.memory_space<vmem_shared>> -> memref<128x128xf32, #tpu.memory_space<vmem_shared>>
      %dma_wait3A_215 = arith.constant 0 : i32
      %dma_wait3A_216 = tpu.memref_slice %arg5[%add3A_10, %dma_wait3A_215] : memref<10112x128xf32, #tpu.memory_space<vmem_shared>> -> memref<128x128xf32, #tpu.memory_space<vmem_shared>>
      tpu.wait_dma2 semaphore(%run_scoped3A_208 : memref<!tpu.dma_semaphore, #tpu.memory_space<semaphore_mem>>) src(%arg8 : memref<128x128xf32, #tpu.memory_space<vmem>>) dst(%dma_wait3A_216 : memref<128x128xf32, #tpu.memory_space<vmem_shared>>)
      tpu.yield
    }) : () -> ()
    %add3A_11 = arith.constant 128 : i32
    %add3A_12 = arith.addi %mul3A_2, %add3A_11 : i32
    "tpu.region"() ({
      %run_scoped3A_208 = tpu.sem_alloc : memref<!tpu.dma_semaphore, #tpu.memory_space<semaphore_mem>>
      %dma_start3A_209 = arith.constant 0 : i32
      %dma_start3A_210 = tpu.memref_slice %arg5[%add3A_12, %dma_start3A_209] : memref<10112x128xf32, #tpu.memory_space<vmem_shared>> -> memref<128x128xf32, #tpu.memory_space<vmem_shared>>
      %dma_start3A_211 = arith.constant 0 : i32
      %dma_start3A_212 = tpu.memref_slice %arg5[%add3A_12, %dma_start3A_211] : memref<10112x128xf32, #tpu.memory_space<vmem_shared>> -> memref<128x128xf32, #tpu.memory_space<vmem_shared>>
      tpu.enqueue_dma source(%arg8 : memref<128x128xf32, #tpu.memory_space<vmem>>) target(%dma_start3A_212 : memref<128x128xf32, #tpu.memory_space<vmem_shared>>) target_semaphore(%run_scoped3A_208 : memref<!tpu.dma_semaphore, #tpu.memory_space<semaphore_mem>>)
      %dma_wait3A_213 = arith.constant 0 : i32
      %dma_wait3A_214 = tpu.memref_slice %arg5[%add3A_12, %dma_wait3A_213] : memref<10112x128xf32, #tpu.memory_space<vmem_shared>> -> memref<128x128xf32, #tpu.memory_space<vmem_shared>>
      %dma_wait3A_215 = arith.constant 0 : i32
      %dma_wait3A_216 = tpu.memref_slice %arg5[%add3A_12, %dma_wait3A_215] : memref<10112x128xf32, #tpu.memory_space<vmem_shared>> -> memref<128x128xf32, #tpu.memory_space<vmem_shared>>
      tpu.wait_dma2 semaphore(%run_scoped3A_208 : memref<!tpu.dma_semaphore, #tpu.memory_space<semaphore_mem>>) src(%arg8 : memref<128x128xf32, #tpu.memory_space<vmem>>) dst(%dma_wait3A_216 : memref<128x128xf32, #tpu.memory_space<vmem_shared>>)
      tpu.yield
    }) : () -> ()
    %add3A_13 = arith.constant 256 : i32
    %add3A_14 = arith.addi %mul3A_2, %add3A_13 : i32
    "tpu.region"() ({
      %run_scoped3A_208 = tpu.sem_alloc : memref<!tpu.dma_semaphore, #tpu.memory_space<semaphore_mem>>
      %dma_start3A_209 = arith.constant 0 : i32
      %dma_start3A_210 = tpu.memref_slice %arg5[%add3A_14, %dma_start3A_209] : memref<10112x128xf32, #tpu.memory_space<vmem_shared>> -> memref<128x128xf32, #tpu.memory_space<vmem_shared>>
      %dma_start3A_211 = arith.constant 0 : i32
      %dma_start3A_212 = tpu.memref_slice %arg5[%add3A_14, %dma_start3A_211] : memref<10112x128xf32, #tpu.memory_space<vmem_shared>> -> memref<128x128xf32, #tpu.memory_space<vmem_shared>>
      tpu.enqueue_dma source(%arg8 : memref<128x128xf32, #tpu.memory_space<vmem>>) target(%dma_start3A_212 : memref<128x128xf32, #tpu.memory_space<vmem_shared>>) target_semaphore(%run_scoped3A_208 : memref<!tpu.dma_semaphore, #tpu.memory_space<semaphore_mem>>)
      %dma_wait3A_213 = arith.constant 0 : i32
      %dma_wait3A_214 = tpu.memref_slice %arg5[%add3A_14, %dma_wait3A_213] : memref<10112x128xf32, #tpu.memory_space<vmem_shared>> -> memref<128x128xf32, #tpu.memory_space<vmem_shared>>
      %dma_wait3A_215 = arith.constant 0 : i32
      %dma_wait3A_216 = tpu.memref_slice %arg5[%add3A_14, %dma_wait3A_215] : memref<10112x128xf32, #tpu.memory_space<vmem_shared>> -> memref<128x128xf32, #tpu.memory_space<vmem_shared>>
      tpu.wait_dma2 semaphore(%run_scoped3A_208 : memref<!tpu.dma_semaphore, #tpu.memory_space<semaphore_mem>>) src(%arg8 : memref<128x128xf32, #tpu.memory_space<vmem>>) dst(%dma_wait3A_216 : memref<128x128xf32, #tpu.memory_space<vmem_shared>>)
      tpu.yield
    }) : () -> ()
    %add3A_15 = arith.constant 384 : i32
    %add3A_16 = arith.addi %mul3A_2, %add3A_15 : i32
    "tpu.region"() ({
      %run_scoped3A_208 = tpu.sem_alloc : memref<!tpu.dma_semaphore, #tpu.memory_space<semaphore_mem>>
      %dma_start3A_209 = arith.constant 0 : i32
      %dma_start3A_210 = tpu.memref_slice %arg5[%add3A_16, %dma_start3A_209] : memref<10112x128xf32, #tpu.memory_space<vmem_shared>> -> memref<128x128xf32, #tpu.memory_space<vmem_shared>>
      %dma_start3A_211 = arith.constant 0 : i32
      %dma_start3A_212 = tpu.memref_slice %arg5[%add3A_16, %dma_start3A_211] : memref<10112x128xf32, #tpu.memory_space<vmem_shared>> -> memref<128x128xf32, #tpu.memory_space<vmem_shared>>
      tpu.enqueue_dma source(%arg8 : memref<128x128xf32, #tpu.memory_space<vmem>>) target(%dma_start3A_212 : memref<128x128xf32, #tpu.memory_space<vmem_shared>>) target_semaphore(%run_scoped3A_208 : memref<!tpu.dma_semaphore, #tpu.memory_space<semaphore_mem>>)
      %dma_wait3A_213 = arith.constant 0 : i32
      %dma_wait3A_214 = tpu.memref_slice %arg5[%add3A_16, %dma_wait3A_213] : memref<10112x128xf32, #tpu.memory_space<vmem_shared>> -> memref<128x128xf32, #tpu.memory_space<vmem_shared>>
      %dma_wait3A_215 = arith.constant 0 : i32
      %dma_wait3A_216 = tpu.memref_slice %arg5[%add3A_16, %dma_wait3A_215] : memref<10112x128xf32, #tpu.memory_space<vmem_shared>> -> memref<128x128xf32, #tpu.memory_space<vmem_shared>>
      tpu.wait_dma2 semaphore(%run_scoped3A_208 : memref<!tpu.dma_semaphore, #tpu.memory_space<semaphore_mem>>) src(%arg8 : memref<128x128xf32, #tpu.memory_space<vmem>>) dst(%dma_wait3A_216 : memref<128x128xf32, #tpu.memory_space<vmem_shared>>)
      tpu.yield
    }) : () -> ()
    %add3A_17 = arith.constant 512 : i32
    %add3A_18 = arith.addi %mul3A_2, %add3A_17 : i32
    "tpu.region"() ({
      %run_scoped3A_208 = tpu.sem_alloc : memref<!tpu.dma_semaphore, #tpu.memory_space<semaphore_mem>>
      %dma_start3A_209 = arith.constant 0 : i32
      %dma_start3A_210 = arith.constant 0 : i32
      %dma_start3A_211 = tpu.memref_slice %arg8[%dma_start3A_209, %dma_start3A_210] : memref<128x128xf32, #tpu.memory_space<vmem>> -> memref<120x128xf32, #tpu.memory_space<vmem>>
      %dma_start3A_212 = arith.constant 0 : i32
      %dma_start3A_213 = tpu.memref_slice %arg5[%add3A_18, %dma_start3A_212] : memref<10112x128xf32, #tpu.memory_space<vmem_shared>> -> memref<120x128xf32, #tpu.memory_space<vmem_shared>>
      %dma_start3A_214 = arith.constant 0 : i32
      %dma_start3A_215 = tpu.memref_slice %arg5[%add3A_18, %dma_start3A_214] : memref<10112x128xf32, #tpu.memory_space<vmem_shared>> -> memref<120x128xf32, #tpu.memory_space<vmem_shared>>
      %dma_start3A_216 = arith.constant 0 : i32
      %dma_start3A_217 = arith.constant 0 : i32
      %dma_start3A_218 = tpu.memref_slice %arg8[%dma_start3A_216, %dma_start3A_217] : memref<128x128xf32, #tpu.memory_space<vmem>> -> memref<120x128xf32, #tpu.memory_space<vmem>>
      tpu.enqueue_dma source(%dma_start3A_218 : memref<120x128xf32, #tpu.memory_space<vmem>>) target(%dma_start3A_215 : memref<120x128xf32, #tpu.memory_space<vmem_shared>>) target_semaphore(%run_scoped3A_208 : memref<!tpu.dma_semaphore, #tpu.memory_space<semaphore_mem>>)
      %dma_wait3A_219 = arith.constant 0 : i32
      %dma_wait3A_220 = arith.constant 0 : i32
      %dma_wait3A_221 = tpu.memref_slice %arg8[%dma_wait3A_219, %dma_wait3A_220] : memref<128x128xf32, #tpu.memory_space<vmem>> -> memref<120x128xf32, #tpu.memory_space<vmem>>
      %dma_wait3A_222 = arith.constant 0 : i32
      %dma_wait3A_223 = tpu.memref_slice %arg5[%add3A_18, %dma_wait3A_222] : memref<10112x128xf32, #tpu.memory_space<vmem_shared>> -> memref<120x128xf32, #tpu.memory_space<vmem_shared>>
      %dma_wait3A_224 = arith.constant 0 : i32
      %dma_wait3A_225 = tpu.memref_slice %arg5[%add3A_18, %dma_wait3A_224] : memref<10112x128xf32, #tpu.memory_space<vmem_shared>> -> memref<120x128xf32, #tpu.memory_space<vmem_shared>>
      %dma_wait3A_226 = arith.constant 0 : i32
      %dma_wait3A_227 = arith.constant 0 : i32
      %dma_wait3A_228 = tpu.memref_slice %arg8[%dma_wait3A_226, %dma_wait3A_227] : memref<128x128xf32, #tpu.memory_space<vmem>> -> memref<120x128xf32, #tpu.memory_space<vmem>>
      tpu.wait_dma2 semaphore(%run_scoped3A_208 : memref<!tpu.dma_semaphore, #tpu.memory_space<semaphore_mem>>) src(%dma_wait3A_228 : memref<120x128xf32, #tpu.memory_space<vmem>>) dst(%dma_wait3A_225 : memref<120x128xf32, #tpu.memory_space<vmem_shared>>)
      tpu.yield
    }) : () -> ()
    %barrier3A = arith.constant 0 : index
    tpu.barrier barrier_id(%barrier3A)
    %run_scoped3A = arith.constant 0 : i32
    "tpu.region"() ({
      %run_scoped3A_208 = tpu.sem_alloc : memref<!tpu.dma_semaphore, #tpu.memory_space<semaphore_mem>>
      %dma_start3A_209 = arith.constant 0 : i32
      %dma_start3A_210 = arith.constant 0 : i32
      %dma_start3A_211 = tpu.memref_slice %arg3[%add3A, %run_scoped3A, %dma_start3A_209, %dma_start3A_210] : memref<32x80x2x128xi32, #tpu.memory_space<hbm>> -> memref<1x1x2x128xi32, #tpu.memory_space<hbm>>
      %dma_start3A_212 = tpu.memref_squeeze %dma_start3A_211 : memref<1x1x2x128xi32, #tpu.memory_space<hbm>> -> memref<2x128xi32, #tpu.memory_space<hbm>>
      %dma_start3A_213 = arith.constant 0 : i32
      %dma_start3A_214 = arith.constant 0 : i32
      %dma_start3A_215 = tpu.memref_slice %arg3[%add3A, %run_scoped3A, %dma_start3A_213, %dma_start3A_214] : memref<32x80x2x128xi32, #tpu.memory_space<hbm>> -> memref<1x1x2x128xi32, #tpu.memory_space<hbm>>
      %dma_start3A_216 = tpu.memref_squeeze %dma_start3A_215 : memref<1x1x2x128xi32, #tpu.memory_space<hbm>> -> memref<2x128xi32, #tpu.memory_space<hbm>>
      tpu.enqueue_dma source(%dma_start3A_216 : memref<2x128xi32, #tpu.memory_space<hbm>>) target(%arg6 : memref<2x128xi32, #tpu.memory_space<vmem>>) target_semaphore(%run_scoped3A_208 : memref<!tpu.dma_semaphore, #tpu.memory_space<semaphore_mem>>)
      %dma_wait3A_217 = arith.constant 0 : i32
      %dma_wait3A_218 = arith.constant 0 : i32
      %dma_wait3A_219 = tpu.memref_slice %arg3[%add3A, %run_scoped3A, %dma_wait3A_217, %dma_wait3A_218] : memref<32x80x2x128xi32, #tpu.memory_space<hbm>> -> memref<1x1x2x128xi32, #tpu.memory_space<hbm>>
      %dma_wait3A_220 = tpu.memref_squeeze %dma_wait3A_219 : memref<1x1x2x128xi32, #tpu.memory_space<hbm>> -> memref<2x128xi32, #tpu.memory_space<hbm>>
      %dma_wait3A_221 = arith.constant 0 : i32
      %dma_wait3A_222 = arith.constant 0 : i32
      %dma_wait3A_223 = tpu.memref_slice %arg3[%add3A, %run_scoped3A, %dma_wait3A_221, %dma_wait3A_222] : memref<32x80x2x128xi32, #tpu.memory_space<hbm>> -> memref<1x1x2x128xi32, #tpu.memory_space<hbm>>
      %dma_wait3A_224 = tpu.memref_squeeze %dma_wait3A_223 : memref<1x1x2x128xi32, #tpu.memory_space<hbm>> -> memref<2x128xi32, #tpu.memory_space<hbm>>
      tpu.wait_dma2 semaphore(%run_scoped3A_208 : memref<!tpu.dma_semaphore, #tpu.memory_space<semaphore_mem>>) src(%dma_wait3A_224 : memref<2x128xi32, #tpu.memory_space<hbm>>) dst(%arg6 : memref<2x128xi32, #tpu.memory_space<vmem>>)
      tpu.yield
    }) : () -> ()
    %dma_start3A = arith.constant 1 : i32
    %dma_start3A_19 = arith.constant 0 : i32
    %dma_start3A_20 = arith.constant 0 : i32
    %dma_start3A_21 = tpu.memref_slice %arg3[%add3A, %dma_start3A, %dma_start3A_19, %dma_start3A_20] : memref<32x80x2x128xi32, #tpu.memory_space<hbm>> -> memref<1x1x2x128xi32, #tpu.memory_space<hbm>>
    %dma_start3A_22 = tpu.memref_squeeze %dma_start3A_21 : memref<1x1x2x128xi32, #tpu.memory_space<hbm>> -> memref<2x128xi32, #tpu.memory_space<hbm>>
    %dma_start3A_23 = arith.constant 0 : i32
    %dma_start3A_24 = arith.constant 0 : i32
    %dma_start3A_25 = tpu.memref_slice %arg3[%add3A, %dma_start3A, %dma_start3A_23, %dma_start3A_24] : memref<32x80x2x128xi32, #tpu.memory_space<hbm>> -> memref<1x1x2x128xi32, #tpu.memory_space<hbm>>
    %dma_start3A_26 = tpu.memref_squeeze %dma_start3A_25 : memref<1x1x2x128xi32, #tpu.memory_space<hbm>> -> memref<2x128xi32, #tpu.memory_space<hbm>>
    tpu.enqueue_dma source(%dma_start3A_26 : memref<2x128xi32, #tpu.memory_space<hbm>>) target(%arg7 : memref<2x128xi32, #tpu.memory_space<vmem>>) target_semaphore(%arg13 : memref<!tpu.dma_semaphore, #tpu.memory_space<semaphore_mem>>)
    %dma_start3A_27 = arith.constant 0 : i32
    %dma_start3A_28 = arith.constant 0 : i32
    %dma_start3A_29 = tpu.memref_slice %arg6[%dma_start3A_27, %dma_start3A_28] : memref<2x128xi32, #tpu.memory_space<vmem>> -> memref<1x128xi32, #tpu.memory_space<vmem>>
    %dma_start3A_30 = tpu.memref_squeeze %dma_start3A_29 : memref<1x128xi32, #tpu.memory_space<vmem>> -> memref<128xi32, #tpu.memory_space<vmem>>
    %dma_start3A_31 = arith.constant 0 : i32
    %dma_start3A_32 = arith.constant 0 : i32
    %dma_start3A_33 = tpu.memref_slice %arg2[%dma_start3A_31, %dma_start3A_32] : memref<10000x128xf32, #tpu.memory_space<hbm>> -> memref<10000x128xf32, #tpu.memory_space<hbm>>
    tpu.enqueue_indirect_dma source(%dma_start3A_33 : memref<10000x128xf32, #tpu.memory_space<hbm>>) target(%arg8 : memref<128x128xf32, #tpu.memory_space<vmem>>) offsets(%dma_start3A_30 : memref<128xi32, #tpu.memory_space<vmem>>) semaphore(%arg10 : memref<!tpu.dma_semaphore, #tpu.memory_space<semaphore_mem>>)
    %scan3A_34 = arith.constant 0 : i32
    %scan3A_35 = arith.constant 0 : i32
    %scan3A_36 = arith.constant 39 : i32
    %scan3A_37 = arith.addi %scan3A_35, %scan3A_36 : i32
    %scan3A_38 = arith.constant 1 : i32
    scf.for %scan3A_208 = %scan3A_35 to %scan3A_37 step %scan3A_38  : i32 {
      %mul3A_209 = arith.constant 2 : i32
      %mul3A_210 = arith.muli %mul3A_209, %scan3A_208 : i32
      %dma_wait3A_211 = arith.constant 0 : i32
      %dma_wait3A_212 = arith.constant 0 : i32
      %dma_wait3A_213 = tpu.memref_slice %arg6[%dma_wait3A_211, %dma_wait3A_212] : memref<2x128xi32, #tpu.memory_space<vmem>> -> memref<1x128xi32, #tpu.memory_space<vmem>>
      %dma_wait3A_214 = tpu.memref_squeeze %dma_wait3A_213 : memref<1x128xi32, #tpu.memory_space<vmem>> -> memref<128xi32, #tpu.memory_space<vmem>>
      %dma_wait3A_215 = arith.constant 0 : i32
      %dma_wait3A_216 = arith.constant 0 : i32
      %dma_wait3A_217 = tpu.memref_slice %arg2[%dma_wait3A_215, %dma_wait3A_216] : memref<10000x128xf32, #tpu.memory_space<hbm>> -> memref<10000x128xf32, #tpu.memory_space<hbm>>
      tpu.wait_indirect_dma semaphore(%arg10 : memref<!tpu.dma_semaphore, #tpu.memory_space<semaphore_mem>>) src(%dma_wait3A_217 : memref<10000x128xf32, #tpu.memory_space<hbm>>) dst(%arg8 : memref<128x128xf32, #tpu.memory_space<vmem>>)
      %dma_wait3A_218 = arith.constant 0 : i32
      %dma_wait3A_219 = arith.constant 0 : i32
      %dma_wait3A_220 = arith.constant 0 : i32
      %dma_wait3A_221 = tpu.memref_slice %arg3[%add3A, %dma_wait3A_218, %dma_wait3A_219, %dma_wait3A_220] : memref<32x80x2x128xi32, #tpu.memory_space<hbm>> -> memref<1x1x2x128xi32, #tpu.memory_space<hbm>>
      %dma_wait3A_222 = tpu.memref_squeeze %dma_wait3A_221 : memref<1x1x2x128xi32, #tpu.memory_space<hbm>> -> memref<2x128xi32, #tpu.memory_space<hbm>>
      %dma_wait3A_223 = arith.constant 0 : i32
      %dma_wait3A_224 = arith.constant 0 : i32
      %dma_wait3A_225 = tpu.memref_slice %arg3[%add3A, %dma_wait3A_218, %dma_wait3A_223, %dma_wait3A_224] : memref<32x80x2x128xi32, #tpu.memory_space<hbm>> -> memref<1x1x2x128xi32, #tpu.memory_space<hbm>>
      %dma_wait3A_226 = tpu.memref_squeeze %dma_wait3A_225 : memref<1x1x2x128xi32, #tpu.memory_space<hbm>> -> memref<2x128xi32, #tpu.memory_space<hbm>>
      tpu.wait_dma2 semaphore(%arg13 : memref<!tpu.dma_semaphore, #tpu.memory_space<semaphore_mem>>) src(%dma_wait3A_226 : memref<2x128xi32, #tpu.memory_space<hbm>>) dst(%arg7 : memref<2x128xi32, #tpu.memory_space<vmem>>)
      %dma_start3A_227 = arith.constant 0 : i32
      %dma_start3A_228 = arith.constant 0 : i32
      %dma_start3A_229 = tpu.memref_slice %arg7[%dma_start3A_227, %dma_start3A_228] : memref<2x128xi32, #tpu.memory_space<vmem>> -> memref<1x128xi32, #tpu.memory_space<vmem>>
      %dma_start3A_230 = tpu.memref_squeeze %dma_start3A_229 : memref<1x128xi32, #tpu.memory_space<vmem>> -> memref<128xi32, #tpu.memory_space<vmem>>
      %dma_start3A_231 = arith.constant 0 : i32
      %dma_start3A_232 = arith.constant 0 : i32
      %dma_start3A_233 = tpu.memref_slice %arg2[%dma_start3A_231, %dma_start3A_232] : memref<10000x128xf32, #tpu.memory_space<hbm>> -> memref<10000x128xf32, #tpu.memory_space<hbm>>
      tpu.enqueue_indirect_dma source(%dma_start3A_233 : memref<10000x128xf32, #tpu.memory_space<hbm>>) target(%arg9 : memref<128x128xf32, #tpu.memory_space<vmem>>) offsets(%dma_start3A_230 : memref<128xi32, #tpu.memory_space<vmem>>) semaphore(%arg11 : memref<!tpu.dma_semaphore, #tpu.memory_space<semaphore_mem>>)
      %run_scoped3A_234 = arith.constant 1 : i32
      "tpu.region"() ({
        %run_scoped3A_279 = tpu.sem_alloc : memref<!tpu.dma_semaphore, #tpu.memory_space<semaphore_mem>>
        %dma_start3A_280 = arith.constant 0 : i32
        %dma_start3A_281 = tpu.memref_slice %arg6[%run_scoped3A_234, %dma_start3A_280] : memref<2x128xi32, #tpu.memory_space<vmem>> -> memref<1x128xi32, #tpu.memory_space<vmem>>
        %dma_start3A_282 = tpu.memref_squeeze %dma_start3A_281 : memref<1x128xi32, #tpu.memory_space<vmem>> -> memref<128xi32, #tpu.memory_space<vmem>>
        %dma_start3A_283 = arith.constant 0 : i32
        %dma_start3A_284 = arith.constant 0 : i32
        %dma_start3A_285 = tpu.memref_slice %arg5[%dma_start3A_283, %dma_start3A_284] : memref<10112x128xf32, #tpu.memory_space<vmem_shared>> -> memref<10112x128xf32, #tpu.memory_space<vmem_shared>>
        tpu.enqueue_indirect_dma source(%arg8 : memref<128x128xf32, #tpu.memory_space<vmem>>) target(%dma_start3A_285 : memref<10112x128xf32, #tpu.memory_space<vmem_shared>>) offsets(%dma_start3A_282 : memref<128xi32, #tpu.memory_space<vmem>>) semaphore(%run_scoped3A_279 : memref<!tpu.dma_semaphore, #tpu.memory_space<semaphore_mem>>) {add = true}
        %dma_wait3A_286 = arith.constant 0 : i32
        %dma_wait3A_287 = tpu.memref_slice %arg6[%run_scoped3A_234, %dma_wait3A_286] : memref<2x128xi32, #tpu.memory_space<vmem>> -> memref<1x128xi32, #tpu.memory_space<vmem>>
        %dma_wait3A_288 = tpu.memref_squeeze %dma_wait3A_287 : memref<1x128xi32, #tpu.memory_space<vmem>> -> memref<128xi32, #tpu.memory_space<vmem>>
        %dma_wait3A_289 = arith.constant 0 : i32
        %dma_wait3A_290 = arith.constant 0 : i32
        %dma_wait3A_291 = tpu.memref_slice %arg5[%dma_wait3A_289, %dma_wait3A_290] : memref<10112x128xf32, #tpu.memory_space<vmem_shared>> -> memref<10112x128xf32, #tpu.memory_space<vmem_shared>>
        tpu.wait_indirect_dma semaphore(%run_scoped3A_279 : memref<!tpu.dma_semaphore, #tpu.memory_space<semaphore_mem>>) src(%arg8 : memref<128x128xf32, #tpu.memory_space<vmem>>) dst(%dma_wait3A_291 : memref<10112x128xf32, #tpu.memory_space<vmem_shared>>)
        tpu.yield
      }) : () -> ()
      %add3A_235 = arith.constant 2 : i32
      %add3A_236 = arith.addi %mul3A_210, %add3A_235 : i32
      %dma_start3A_237 = arith.constant 0 : i32
      %dma_start3A_238 = arith.constant 0 : i32
      %dma_start3A_239 = tpu.memref_slice %arg3[%add3A, %add3A_236, %dma_start3A_237, %dma_start3A_238] : memref<32x80x2x128xi32, #tpu.memory_space<hbm>> -> memref<1x1x2x128xi32, #tpu.memory_space<hbm>>
      %dma_start3A_240 = tpu.memref_squeeze %dma_start3A_239 : memref<1x1x2x128xi32, #tpu.memory_space<hbm>> -> memref<2x128xi32, #tpu.memory_space<hbm>>
      %dma_start3A_241 = arith.constant 0 : i32
      %dma_start3A_242 = arith.constant 0 : i32
      %dma_start3A_243 = tpu.memref_slice %arg3[%add3A, %add3A_236, %dma_start3A_241, %dma_start3A_242] : memref<32x80x2x128xi32, #tpu.memory_space<hbm>> -> memref<1x1x2x128xi32, #tpu.memory_space<hbm>>
      %dma_start3A_244 = tpu.memref_squeeze %dma_start3A_243 : memref<1x1x2x128xi32, #tpu.memory_space<hbm>> -> memref<2x128xi32, #tpu.memory_space<hbm>>
      tpu.enqueue_dma source(%dma_start3A_244 : memref<2x128xi32, #tpu.memory_space<hbm>>) target(%arg6 : memref<2x128xi32, #tpu.memory_space<vmem>>) target_semaphore(%arg12 : memref<!tpu.dma_semaphore, #tpu.memory_space<semaphore_mem>>)
      %dma_wait3A_245 = arith.constant 0 : i32
      %dma_wait3A_246 = arith.constant 0 : i32
      %dma_wait3A_247 = tpu.memref_slice %arg7[%dma_wait3A_245, %dma_wait3A_246] : memref<2x128xi32, #tpu.memory_space<vmem>> -> memref<1x128xi32, #tpu.memory_space<vmem>>
      %dma_wait3A_248 = tpu.memref_squeeze %dma_wait3A_247 : memref<1x128xi32, #tpu.memory_space<vmem>> -> memref<128xi32, #tpu.memory_space<vmem>>
      %dma_wait3A_249 = arith.constant 0 : i32
      %dma_wait3A_250 = arith.constant 0 : i32
      %dma_wait3A_251 = tpu.memref_slice %arg2[%dma_wait3A_249, %dma_wait3A_250] : memref<10000x128xf32, #tpu.memory_space<hbm>> -> memref<10000x128xf32, #tpu.memory_space<hbm>>
      tpu.wait_indirect_dma semaphore(%arg11 : memref<!tpu.dma_semaphore, #tpu.memory_space<semaphore_mem>>) src(%dma_wait3A_251 : memref<10000x128xf32, #tpu.memory_space<hbm>>) dst(%arg9 : memref<128x128xf32, #tpu.memory_space<vmem>>)
      %dma_wait3A_252 = arith.constant 0 : i32
      %dma_wait3A_253 = arith.constant 0 : i32
      %dma_wait3A_254 = arith.constant 0 : i32
      %dma_wait3A_255 = tpu.memref_slice %arg3[%add3A, %dma_wait3A_252, %dma_wait3A_253, %dma_wait3A_254] : memref<32x80x2x128xi32, #tpu.memory_space<hbm>> -> memref<1x1x2x128xi32, #tpu.memory_space<hbm>>
      %dma_wait3A_256 = tpu.memref_squeeze %dma_wait3A_255 : memref<1x1x2x128xi32, #tpu.memory_space<hbm>> -> memref<2x128xi32, #tpu.memory_space<hbm>>
      %dma_wait3A_257 = arith.constant 0 : i32
      %dma_wait3A_258 = arith.constant 0 : i32
      %dma_wait3A_259 = tpu.memref_slice %arg3[%add3A, %dma_wait3A_252, %dma_wait3A_257, %dma_wait3A_258] : memref<32x80x2x128xi32, #tpu.memory_space<hbm>> -> memref<1x1x2x128xi32, #tpu.memory_space<hbm>>
      %dma_wait3A_260 = tpu.memref_squeeze %dma_wait3A_259 : memref<1x1x2x128xi32, #tpu.memory_space<hbm>> -> memref<2x128xi32, #tpu.memory_space<hbm>>
      tpu.wait_dma2 semaphore(%arg12 : memref<!tpu.dma_semaphore, #tpu.memory_space<semaphore_mem>>) src(%dma_wait3A_260 : memref<2x128xi32, #tpu.memory_space<hbm>>) dst(%arg6 : memref<2x128xi32, #tpu.memory_space<vmem>>)
      %dma_start3A_261 = arith.constant 0 : i32
      %dma_start3A_262 = arith.constant 0 : i32
      %dma_start3A_263 = tpu.memref_slice %arg6[%dma_start3A_261, %dma_start3A_262] : memref<2x128xi32, #tpu.memory_space<vmem>> -> memref<1x128xi32, #tpu.memory_space<vmem>>
      %dma_start3A_264 = tpu.memref_squeeze %dma_start3A_263 : memref<1x128xi32, #tpu.memory_space<vmem>> -> memref<128xi32, #tpu.memory_space<vmem>>
      %dma_start3A_265 = arith.constant 0 : i32
      %dma_start3A_266 = arith.constant 0 : i32
      %dma_start3A_267 = tpu.memref_slice %arg2[%dma_start3A_265, %dma_start3A_266] : memref<10000x128xf32, #tpu.memory_space<hbm>> -> memref<10000x128xf32, #tpu.memory_space<hbm>>
      tpu.enqueue_indirect_dma source(%dma_start3A_267 : memref<10000x128xf32, #tpu.memory_space<hbm>>) target(%arg8 : memref<128x128xf32, #tpu.memory_space<vmem>>) offsets(%dma_start3A_264 : memref<128xi32, #tpu.memory_space<vmem>>) semaphore(%arg10 : memref<!tpu.dma_semaphore, #tpu.memory_space<semaphore_mem>>)
      %run_scoped3A_268 = arith.constant 1 : i32
      "tpu.region"() ({
        %run_scoped3A_279 = tpu.sem_alloc : memref<!tpu.dma_semaphore, #tpu.memory_space<semaphore_mem>>
        %dma_start3A_280 = arith.constant 0 : i32
        %dma_start3A_281 = tpu.memref_slice %arg7[%run_scoped3A_268, %dma_start3A_280] : memref<2x128xi32, #tpu.memory_space<vmem>> -> memref<1x128xi32, #tpu.memory_space<vmem>>
        %dma_start3A_282 = tpu.memref_squeeze %dma_start3A_281 : memref<1x128xi32, #tpu.memory_space<vmem>> -> memref<128xi32, #tpu.memory_space<vmem>>
        %dma_start3A_283 = arith.constant 0 : i32
        %dma_start3A_284 = arith.constant 0 : i32
        %dma_start3A_285 = tpu.memref_slice %arg5[%dma_start3A_283, %dma_start3A_284] : memref<10112x128xf32, #tpu.memory_space<vmem_shared>> -> memref<10112x128xf32, #tpu.memory_space<vmem_shared>>
        tpu.enqueue_indirect_dma source(%arg9 : memref<128x128xf32, #tpu.memory_space<vmem>>) target(%dma_start3A_285 : memref<10112x128xf32, #tpu.memory_space<vmem_shared>>) offsets(%dma_start3A_282 : memref<128xi32, #tpu.memory_space<vmem>>) semaphore(%run_scoped3A_279 : memref<!tpu.dma_semaphore, #tpu.memory_space<semaphore_mem>>) {add = true}
        %dma_wait3A_286 = arith.constant 0 : i32
        %dma_wait3A_287 = tpu.memref_slice %arg7[%run_scoped3A_268, %dma_wait3A_286] : memref<2x128xi32, #tpu.memory_space<vmem>> -> memref<1x128xi32, #tpu.memory_space<vmem>>
        %dma_wait3A_288 = tpu.memref_squeeze %dma_wait3A_287 : memref<1x128xi32, #tpu.memory_space<vmem>> -> memref<128xi32, #tpu.memory_space<vmem>>
        %dma_wait3A_289 = arith.constant 0 : i32
        %dma_wait3A_290 = arith.constant 0 : i32
        %dma_wait3A_291 = tpu.memref_slice %arg5[%dma_wait3A_289, %dma_wait3A_290] : memref<10112x128xf32, #tpu.memory_space<vmem_shared>> -> memref<10112x128xf32, #tpu.memory_space<vmem_shared>>
        tpu.wait_indirect_dma semaphore(%run_scoped3A_279 : memref<!tpu.dma_semaphore, #tpu.memory_space<semaphore_mem>>) src(%arg9 : memref<128x128xf32, #tpu.memory_space<vmem>>) dst(%dma_wait3A_291 : memref<10112x128xf32, #tpu.memory_space<vmem_shared>>)
        tpu.yield
      }) : () -> ()
      %add3A_269 = arith.constant 3 : i32
      %add3A_270 = arith.addi %mul3A_210, %add3A_269 : i32
      %dma_start3A_271 = arith.constant 0 : i32
      %dma_start3A_272 = arith.constant 0 : i32
      %dma_start3A_273 = tpu.memref_slice %arg3[%add3A, %add3A_270, %dma_start3A_271, %dma_start3A_272] : memref<32x80x2x128xi32, #tpu.memory_space<hbm>> -> memref<1x1x2x128xi32, #tpu.memory_space<hbm>>
      %dma_start3A_274 = tpu.memref_squeeze %dma_start3A_273 : memref<1x1x2x128xi32, #tpu.memory_space<hbm>> -> memref<2x128xi32, #tpu.memory_space<hbm>>
      %dma_start3A_275 = arith.constant 0 : i32
      %dma_start3A_276 = arith.constant 0 : i32
      %dma_start3A_277 = tpu.memref_slice %arg3[%add3A, %add3A_270, %dma_start3A_275, %dma_start3A_276] : memref<32x80x2x128xi32, #tpu.memory_space<hbm>> -> memref<1x1x2x128xi32, #tpu.memory_space<hbm>>
      %dma_start3A_278 = tpu.memref_squeeze %dma_start3A_277 : memref<1x1x2x128xi32, #tpu.memory_space<hbm>> -> memref<2x128xi32, #tpu.memory_space<hbm>>
      tpu.enqueue_dma source(%dma_start3A_278 : memref<2x128xi32, #tpu.memory_space<hbm>>) target(%arg7 : memref<2x128xi32, #tpu.memory_space<vmem>>) target_semaphore(%arg13 : memref<!tpu.dma_semaphore, #tpu.memory_space<semaphore_mem>>)
    }
    %scan3A_39 = arith.constant 39 : i32
    %dma_wait3A = arith.constant 0 : i32
    %dma_wait3A_40 = arith.constant 0 : i32
    %dma_wait3A_41 = tpu.memref_slice %arg6[%dma_wait3A, %dma_wait3A_40] : memref<2x128xi32, #tpu.memory_space<vmem>> -> memref<1x128xi32, #tpu.memory_space<vmem>>
    %dma_wait3A_42 = tpu.memref_squeeze %dma_wait3A_41 : memref<1x128xi32, #tpu.memory_space<vmem>> -> memref<128xi32, #tpu.memory_space<vmem>>
    %dma_wait3A_43 = arith.constant 0 : i32
    %dma_wait3A_44 = arith.constant 0 : i32
    %dma_wait3A_45 = tpu.memref_slice %arg2[%dma_wait3A_43, %dma_wait3A_44] : memref<10000x128xf32, #tpu.memory_space<hbm>> -> memref<10000x128xf32, #tpu.memory_space<hbm>>
    tpu.wait_indirect_dma semaphore(%arg10 : memref<!tpu.dma_semaphore, #tpu.memory_space<semaphore_mem>>) src(%dma_wait3A_45 : memref<10000x128xf32, #tpu.memory_space<hbm>>) dst(%arg8 : memref<128x128xf32, #tpu.memory_space<vmem>>)
    %run_scoped3A_46 = arith.constant 1 : i32
    "tpu.region"() ({
      %run_scoped3A_208 = tpu.sem_alloc : memref<!tpu.dma_semaphore, #tpu.memory_space<semaphore_mem>>
      %dma_start3A_209 = arith.constant 0 : i32
      %dma_start3A_210 = tpu.memref_slice %arg6[%run_scoped3A_46, %dma_start3A_209] : memref<2x128xi32, #tpu.memory_space<vmem>> -> memref<1x128xi32, #tpu.memory_space<vmem>>
      %dma_start3A_211 = tpu.memref_squeeze %dma_start3A_210 : memref<1x128xi32, #tpu.memory_space<vmem>> -> memref<128xi32, #tpu.memory_space<vmem>>
      %dma_start3A_212 = arith.constant 0 : i32
      %dma_start3A_213 = arith.constant 0 : i32
      %dma_start3A_214 = tpu.memref_slice %arg5[%dma_start3A_212, %dma_start3A_213] : memref<10112x128xf32, #tpu.memory_space<vmem_shared>> -> memref<10112x128xf32, #tpu.memory_space<vmem_shared>>
      tpu.enqueue_indirect_dma source(%arg8 : memref<128x128xf32, #tpu.memory_space<vmem>>) target(%dma_start3A_214 : memref<10112x128xf32, #tpu.memory_space<vmem_shared>>) offsets(%dma_start3A_211 : memref<128xi32, #tpu.memory_space<vmem>>) semaphore(%run_scoped3A_208 : memref<!tpu.dma_semaphore, #tpu.memory_space<semaphore_mem>>) {add = true}
      %dma_wait3A_215 = arith.constant 0 : i32
      %dma_wait3A_216 = tpu.memref_slice %arg6[%run_scoped3A_46, %dma_wait3A_215] : memref<2x128xi32, #tpu.memory_space<vmem>> -> memref<1x128xi32, #tpu.memory_space<vmem>>
      %dma_wait3A_217 = tpu.memref_squeeze %dma_wait3A_216 : memref<1x128xi32, #tpu.memory_space<vmem>> -> memref<128xi32, #tpu.memory_space<vmem>>
      %dma_wait3A_218 = arith.constant 0 : i32
      %dma_wait3A_219 = arith.constant 0 : i32
      %dma_wait3A_220 = tpu.memref_slice %arg5[%dma_wait3A_218, %dma_wait3A_219] : memref<10112x128xf32, #tpu.memory_space<vmem_shared>> -> memref<10112x128xf32, #tpu.memory_space<vmem_shared>>
      tpu.wait_indirect_dma semaphore(%run_scoped3A_208 : memref<!tpu.dma_semaphore, #tpu.memory_space<semaphore_mem>>) src(%arg8 : memref<128x128xf32, #tpu.memory_space<vmem>>) dst(%dma_wait3A_220 : memref<10112x128xf32, #tpu.memory_space<vmem_shared>>)
      tpu.yield
    }) : () -> ()
    %dma_wait3A_47 = arith.constant 0 : i32
    %dma_wait3A_48 = arith.constant 0 : i32
    %dma_wait3A_49 = arith.constant 0 : i32
    %dma_wait3A_50 = tpu.memref_slice %arg3[%add3A, %dma_wait3A_47, %dma_wait3A_48, %dma_wait3A_49] : memref<32x80x2x128xi32, #tpu.memory_space<hbm>> -> memref<1x1x2x128xi32, #tpu.memory_space<hbm>>
    %dma_wait3A_51 = tpu.memref_squeeze %dma_wait3A_50 : memref<1x1x2x128xi32, #tpu.memory_space<hbm>> -> memref<2x128xi32, #tpu.memory_space<hbm>>
    %dma_wait3A_52 = arith.constant 0 : i32
    %dma_wait3A_53 = arith.constant 0 : i32
    %dma_wait3A_54 = tpu.memref_slice %arg3[%add3A, %dma_wait3A_47, %dma_wait3A_52, %dma_wait3A_53] : memref<32x80x2x128xi32, #tpu.memory_space<hbm>> -> memref<1x1x2x128xi32, #tpu.memory_space<hbm>>
    %dma_wait3A_55 = tpu.memref_squeeze %dma_wait3A_54 : memref<1x1x2x128xi32, #tpu.memory_space<hbm>> -> memref<2x128xi32, #tpu.memory_space<hbm>>
    tpu.wait_dma2 semaphore(%arg13 : memref<!tpu.dma_semaphore, #tpu.memory_space<semaphore_mem>>) src(%dma_wait3A_55 : memref<2x128xi32, #tpu.memory_space<hbm>>) dst(%arg7 : memref<2x128xi32, #tpu.memory_space<vmem>>)
    %run_scoped3A_56 = arith.constant 1 : i32
    "tpu.region"() ({
      %run_scoped3A_208 = tpu.sem_alloc : memref<!tpu.dma_semaphore, #tpu.memory_space<semaphore_mem>>
      %dma_start3A_209 = arith.constant 0 : i32
      %dma_start3A_210 = tpu.memref_slice %arg6[%run_scoped3A_56, %dma_start3A_209] : memref<2x128xi32, #tpu.memory_space<vmem>> -> memref<1x128xi32, #tpu.memory_space<vmem>>
      %dma_start3A_211 = tpu.memref_squeeze %dma_start3A_210 : memref<1x128xi32, #tpu.memory_space<vmem>> -> memref<128xi32, #tpu.memory_space<vmem>>
      %dma_start3A_212 = arith.constant 0 : i32
      %dma_start3A_213 = arith.constant 0 : i32
      %dma_start3A_214 = tpu.memref_slice %arg5[%dma_start3A_212, %dma_start3A_213] : memref<10112x128xf32, #tpu.memory_space<vmem_shared>> -> memref<10112x128xf32, #tpu.memory_space<vmem_shared>>
      tpu.enqueue_indirect_dma source(%dma_start3A_214 : memref<10112x128xf32, #tpu.memory_space<vmem_shared>>) target(%arg9 : memref<128x128xf32, #tpu.memory_space<vmem>>) offsets(%dma_start3A_211 : memref<128xi32, #tpu.memory_space<vmem>>) semaphore(%run_scoped3A_208 : memref<!tpu.dma_semaphore, #tpu.memory_space<semaphore_mem>>)
      %dma_wait3A_215 = arith.constant 0 : i32
      %dma_wait3A_216 = tpu.memref_slice %arg6[%run_scoped3A_56, %dma_wait3A_215] : memref<2x128xi32, #tpu.memory_space<vmem>> -> memref<1x128xi32, #tpu.memory_space<vmem>>
      %dma_wait3A_217 = tpu.memref_squeeze %dma_wait3A_216 : memref<1x128xi32, #tpu.memory_space<vmem>> -> memref<128xi32, #tpu.memory_space<vmem>>
      %dma_wait3A_218 = arith.constant 0 : i32
      %dma_wait3A_219 = arith.constant 0 : i32
      %dma_wait3A_220 = tpu.memref_slice %arg5[%dma_wait3A_218, %dma_wait3A_219] : memref<10112x128xf32, #tpu.memory_space<vmem_shared>> -> memref<10112x128xf32, #tpu.memory_space<vmem_shared>>
      tpu.wait_indirect_dma semaphore(%run_scoped3A_208 : memref<!tpu.dma_semaphore, #tpu.memory_space<semaphore_mem>>) src(%dma_wait3A_220 : memref<10112x128xf32, #tpu.memory_space<vmem_shared>>) dst(%arg9 : memref<128x128xf32, #tpu.memory_space<vmem>>)
      tpu.yield
    }) : () -> ()
    %barrier3A_57 = arith.constant 0 : index
    tpu.barrier barrier_id(%barrier3A_57)
    %add3A_58 = arith.constant 0 : i32
    %add3A_59 = arith.addi %mul3A_2, %add3A_58 : i32
    "tpu.region"() ({
      %run_scoped3A_208 = tpu.sem_alloc : memref<!tpu.dma_semaphore, #tpu.memory_space<semaphore_mem>>
      %dma_start3A_209 = arith.constant 0 : i32
      %dma_start3A_210 = arith.constant 0 : i32
      %dma_start3A_211 = tpu.memref_slice %arg8[%dma_start3A_209, %dma_start3A_210] : memref<128x128xf32, #tpu.memory_space<vmem>> -> memref<128x128xf32, #tpu.memory_space<vmem>>
      %dma_start3A_212 = arith.constant 0 : i32
      %dma_start3A_213 = tpu.memref_slice %arg5[%add3A_59, %dma_start3A_212] : memref<10112x128xf32, #tpu.memory_space<vmem_shared>> -> memref<128x128xf32, #tpu.memory_space<vmem_shared>>
      %dma_start3A_214 = arith.constant 0 : i32
      %dma_start3A_215 = arith.constant 0 : i32
      %dma_start3A_216 = tpu.memref_slice %arg8[%dma_start3A_214, %dma_start3A_215] : memref<128x128xf32, #tpu.memory_space<vmem>> -> memref<128x128xf32, #tpu.memory_space<vmem>>
      %dma_start3A_217 = arith.constant 0 : i32
      %dma_start3A_218 = tpu.memref_slice %arg5[%add3A_59, %dma_start3A_217] : memref<10112x128xf32, #tpu.memory_space<vmem_shared>> -> memref<128x128xf32, #tpu.memory_space<vmem_shared>>
      tpu.enqueue_dma source(%dma_start3A_218 : memref<128x128xf32, #tpu.memory_space<vmem_shared>>) target(%dma_start3A_216 : memref<128x128xf32, #tpu.memory_space<vmem>>) target_semaphore(%run_scoped3A_208 : memref<!tpu.dma_semaphore, #tpu.memory_space<semaphore_mem>>)
      %dma_wait3A_219 = arith.constant 0 : i32
      %dma_wait3A_220 = arith.constant 0 : i32
      %dma_wait3A_221 = tpu.memref_slice %arg8[%dma_wait3A_219, %dma_wait3A_220] : memref<128x128xf32, #tpu.memory_space<vmem>> -> memref<128x128xf32, #tpu.memory_space<vmem>>
      %dma_wait3A_222 = arith.constant 0 : i32
      %dma_wait3A_223 = tpu.memref_slice %arg5[%add3A_59, %dma_wait3A_222] : memref<10112x128xf32, #tpu.memory_space<vmem_shared>> -> memref<128x128xf32, #tpu.memory_space<vmem_shared>>
      %dma_wait3A_224 = arith.constant 0 : i32
      %dma_wait3A_225 = arith.constant 0 : i32
      %dma_wait3A_226 = tpu.memref_slice %arg8[%dma_wait3A_224, %dma_wait3A_225] : memref<128x128xf32, #tpu.memory_space<vmem>> -> memref<128x128xf32, #tpu.memory_space<vmem>>
      %dma_wait3A_227 = arith.constant 0 : i32
      %dma_wait3A_228 = tpu.memref_slice %arg5[%add3A_59, %dma_wait3A_227] : memref<10112x128xf32, #tpu.memory_space<vmem_shared>> -> memref<128x128xf32, #tpu.memory_space<vmem_shared>>
      tpu.wait_dma2 semaphore(%run_scoped3A_208 : memref<!tpu.dma_semaphore, #tpu.memory_space<semaphore_mem>>) src(%dma_wait3A_228 : memref<128x128xf32, #tpu.memory_space<vmem_shared>>) dst(%dma_wait3A_226 : memref<128x128xf32, #tpu.memory_space<vmem>>)
      tpu.yield
    }) : () -> ()
    %add3A_60 = arith.constant 0 : i32
    %add3A_61 = arith.addi %mul3A_2, %add3A_60 : i32
    %dma_start3A_62 = arith.constant 0 : i32
    %dma_start3A_63 = arith.constant 0 : i32
    %dma_start3A_64 = tpu.memref_slice %arg8[%dma_start3A_62, %dma_start3A_63] : memref<128x128xf32, #tpu.memory_space<vmem>> -> memref<128x128xf32, #tpu.memory_space<vmem>>
    %dma_start3A_65 = arith.constant 0 : i32
    %dma_start3A_66 = tpu.memref_slice %arg4[%arg0, %add3A_61, %dma_start3A_65] : memref<2x10112x128xf32, #tpu.memory_space<hbm>> -> memref<1x128x128xf32, #tpu.memory_space<hbm>>
    %dma_start3A_67 = tpu.memref_squeeze %dma_start3A_66 : memref<1x128x128xf32, #tpu.memory_space<hbm>> -> memref<128x128xf32, #tpu.memory_space<hbm>>
    %dma_start3A_68 = arith.constant 0 : i32
    %dma_start3A_69 = tpu.memref_slice %arg4[%arg0, %add3A_61, %dma_start3A_68] : memref<2x10112x128xf32, #tpu.memory_space<hbm>> -> memref<1x128x128xf32, #tpu.memory_space<hbm>>
    %dma_start3A_70 = tpu.memref_squeeze %dma_start3A_69 : memref<1x128x128xf32, #tpu.memory_space<hbm>> -> memref<128x128xf32, #tpu.memory_space<hbm>>
    %dma_start3A_71 = arith.constant 0 : i32
    %dma_start3A_72 = arith.constant 0 : i32
    %dma_start3A_73 = tpu.memref_slice %arg8[%dma_start3A_71, %dma_start3A_72] : memref<128x128xf32, #tpu.memory_space<vmem>> -> memref<128x128xf32, #tpu.memory_space<vmem>>
    tpu.enqueue_dma source(%dma_start3A_73 : memref<128x128xf32, #tpu.memory_space<vmem>>) target(%dma_start3A_70 : memref<128x128xf32, #tpu.memory_space<hbm>>) target_semaphore(%arg10 : memref<!tpu.dma_semaphore, #tpu.memory_space<semaphore_mem>>)
    %add3A_74 = arith.constant 128 : i32
    %add3A_75 = arith.addi %mul3A_2, %add3A_74 : i32
    "tpu.region"() ({
      %run_scoped3A_208 = tpu.sem_alloc : memref<!tpu.dma_semaphore, #tpu.memory_space<semaphore_mem>>
      %dma_start3A_209 = arith.constant 0 : i32
      %dma_start3A_210 = arith.constant 0 : i32
      %dma_start3A_211 = tpu.memref_slice %arg9[%dma_start3A_209, %dma_start3A_210] : memref<128x128xf32, #tpu.memory_space<vmem>> -> memref<128x128xf32, #tpu.memory_space<vmem>>
      %dma_start3A_212 = arith.constant 0 : i32
      %dma_start3A_213 = tpu.memref_slice %arg5[%add3A_75, %dma_start3A_212] : memref<10112x128xf32, #tpu.memory_space<vmem_shared>> -> memref<128x128xf32, #tpu.memory_space<vmem_shared>>
      %dma_start3A_214 = arith.constant 0 : i32
      %dma_start3A_215 = arith.constant 0 : i32
      %dma_start3A_216 = tpu.memref_slice %arg9[%dma_start3A_214, %dma_start3A_215] : memref<128x128xf32, #tpu.memory_space<vmem>> -> memref<128x128xf32, #tpu.memory_space<vmem>>
      %dma_start3A_217 = arith.constant 0 : i32
      %dma_start3A_218 = tpu.memref_slice %arg5[%add3A_75, %dma_start3A_217] : memref<10112x128xf32, #tpu.memory_space<vmem_shared>> -> memref<128x128xf32, #tpu.memory_space<vmem_shared>>
      tpu.enqueue_dma source(%dma_start3A_218 : memref<128x128xf32, #tpu.memory_space<vmem_shared>>) target(%dma_start3A_216 : memref<128x128xf32, #tpu.memory_space<vmem>>) target_semaphore(%run_scoped3A_208 : memref<!tpu.dma_semaphore, #tpu.memory_space<semaphore_mem>>)
      %dma_wait3A_219 = arith.constant 0 : i32
      %dma_wait3A_220 = arith.constant 0 : i32
      %dma_wait3A_221 = tpu.memref_slice %arg9[%dma_wait3A_219, %dma_wait3A_220] : memref<128x128xf32, #tpu.memory_space<vmem>> -> memref<128x128xf32, #tpu.memory_space<vmem>>
      %dma_wait3A_222 = arith.constant 0 : i32
      %dma_wait3A_223 = tpu.memref_slice %arg5[%add3A_75, %dma_wait3A_222] : memref<10112x128xf32, #tpu.memory_space<vmem_shared>> -> memref<128x128xf32, #tpu.memory_space<vmem_shared>>
      %dma_wait3A_224 = arith.constant 0 : i32
      %dma_wait3A_225 = arith.constant 0 : i32
      %dma_wait3A_226 = tpu.memref_slice %arg9[%dma_wait3A_224, %dma_wait3A_225] : memref<128x128xf32, #tpu.memory_space<vmem>> -> memref<128x128xf32, #tpu.memory_space<vmem>>
      %dma_wait3A_227 = arith.constant 0 : i32
      %dma_wait3A_228 = tpu.memref_slice %arg5[%add3A_75, %dma_wait3A_227] : memref<10112x128xf32, #tpu.memory_space<vmem_shared>> -> memref<128x128xf32, #tpu.memory_space<vmem_shared>>
      tpu.wait_dma2 semaphore(%run_scoped3A_208 : memref<!tpu.dma_semaphore, #tpu.memory_space<semaphore_mem>>) src(%dma_wait3A_228 : memref<128x128xf32, #tpu.memory_space<vmem_shared>>) dst(%dma_wait3A_226 : memref<128x128xf32, #tpu.memory_space<vmem>>)
      tpu.yield
    }) : () -> ()
    %add3A_76 = arith.constant 128 : i32
    %add3A_77 = arith.addi %mul3A_2, %add3A_76 : i32
    %dma_start3A_78 = arith.constant 0 : i32
    %dma_start3A_79 = arith.constant 0 : i32
    %dma_start3A_80 = tpu.memref_slice %arg9[%dma_start3A_78, %dma_start3A_79] : memref<128x128xf32, #tpu.memory_space<vmem>> -> memref<128x128xf32, #tpu.memory_space<vmem>>
    %dma_start3A_81 = arith.constant 0 : i32
    %dma_start3A_82 = tpu.memref_slice %arg4[%arg0, %add3A_77, %dma_start3A_81] : memref<2x10112x128xf32, #tpu.memory_space<hbm>> -> memref<1x128x128xf32, #tpu.memory_space<hbm>>
    %dma_start3A_83 = tpu.memref_squeeze %dma_start3A_82 : memref<1x128x128xf32, #tpu.memory_space<hbm>> -> memref<128x128xf32, #tpu.memory_space<hbm>>
    %dma_start3A_84 = arith.constant 0 : i32
    %dma_start3A_85 = tpu.memref_slice %arg4[%arg0, %add3A_77, %dma_start3A_84] : memref<2x10112x128xf32, #tpu.memory_space<hbm>> -> memref<1x128x128xf32, #tpu.memory_space<hbm>>
    %dma_start3A_86 = tpu.memref_squeeze %dma_start3A_85 : memref<1x128x128xf32, #tpu.memory_space<hbm>> -> memref<128x128xf32, #tpu.memory_space<hbm>>
    %dma_start3A_87 = arith.constant 0 : i32
    %dma_start3A_88 = arith.constant 0 : i32
    %dma_start3A_89 = tpu.memref_slice %arg9[%dma_start3A_87, %dma_start3A_88] : memref<128x128xf32, #tpu.memory_space<vmem>> -> memref<128x128xf32, #tpu.memory_space<vmem>>
    tpu.enqueue_dma source(%dma_start3A_89 : memref<128x128xf32, #tpu.memory_space<vmem>>) target(%dma_start3A_86 : memref<128x128xf32, #tpu.memory_space<hbm>>) target_semaphore(%arg11 : memref<!tpu.dma_semaphore, #tpu.memory_space<semaphore_mem>>)
    %add3A_90 = arith.constant 0 : i32
    %add3A_91 = arith.addi %mul3A_2, %add3A_90 : i32
    %dma_wait3A_92 = arith.constant 0 : i32
    %dma_wait3A_93 = arith.constant 0 : i32
    %dma_wait3A_94 = tpu.memref_slice %arg8[%dma_wait3A_92, %dma_wait3A_93] : memref<128x128xf32, #tpu.memory_space<vmem>> -> memref<128x128xf32, #tpu.memory_space<vmem>>
    %dma_wait3A_95 = arith.constant 0 : i32
    %dma_wait3A_96 = tpu.memref_slice %arg4[%arg0, %add3A_91, %dma_wait3A_95] : memref<2x10112x128xf32, #tpu.memory_space<hbm>> -> memref<1x128x128xf32, #tpu.memory_space<hbm>>
    %dma_wait3A_97 = tpu.memref_squeeze %dma_wait3A_96 : memref<1x128x128xf32, #tpu.memory_space<hbm>> -> memref<128x128xf32, #tpu.memory_space<hbm>>
    %dma_wait3A_98 = arith.constant 0 : i32
    %dma_wait3A_99 = tpu.memref_slice %arg4[%arg0, %add3A_91, %dma_wait3A_98] : memref<2x10112x128xf32, #tpu.memory_space<hbm>> -> memref<1x128x128xf32, #tpu.memory_space<hbm>>
    %dma_wait3A_100 = tpu.memref_squeeze %dma_wait3A_99 : memref<1x128x128xf32, #tpu.memory_space<hbm>> -> memref<128x128xf32, #tpu.memory_space<hbm>>
    %dma_wait3A_101 = arith.constant 0 : i32
    %dma_wait3A_102 = arith.constant 0 : i32
    %dma_wait3A_103 = tpu.memref_slice %arg8[%dma_wait3A_101, %dma_wait3A_102] : memref<128x128xf32, #tpu.memory_space<vmem>> -> memref<128x128xf32, #tpu.memory_space<vmem>>
    tpu.wait_dma2 semaphore(%arg10 : memref<!tpu.dma_semaphore, #tpu.memory_space<semaphore_mem>>) src(%dma_wait3A_103 : memref<128x128xf32, #tpu.memory_space<vmem>>) dst(%dma_wait3A_100 : memref<128x128xf32, #tpu.memory_space<hbm>>)
    %add3A_104 = arith.constant 256 : i32
    %add3A_105 = arith.addi %mul3A_2, %add3A_104 : i32
    "tpu.region"() ({
      %run_scoped3A_208 = tpu.sem_alloc : memref<!tpu.dma_semaphore, #tpu.memory_space<semaphore_mem>>
      %dma_start3A_209 = arith.constant 0 : i32
      %dma_start3A_210 = arith.constant 0 : i32
      %dma_start3A_211 = tpu.memref_slice %arg8[%dma_start3A_209, %dma_start3A_210] : memref<128x128xf32, #tpu.memory_space<vmem>> -> memref<128x128xf32, #tpu.memory_space<vmem>>
      %dma_start3A_212 = arith.constant 0 : i32
      %dma_start3A_213 = tpu.memref_slice %arg5[%add3A_105, %dma_start3A_212] : memref<10112x128xf32, #tpu.memory_space<vmem_shared>> -> memref<128x128xf32, #tpu.memory_space<vmem_shared>>
      %dma_start3A_214 = arith.constant 0 : i32
      %dma_start3A_215 = arith.constant 0 : i32
      %dma_start3A_216 = tpu.memref_slice %arg8[%dma_start3A_214, %dma_start3A_215] : memref<128x128xf32, #tpu.memory_space<vmem>> -> memref<128x128xf32, #tpu.memory_space<vmem>>
      %dma_start3A_217 = arith.constant 0 : i32
      %dma_start3A_218 = tpu.memref_slice %arg5[%add3A_105, %dma_start3A_217] : memref<10112x128xf32, #tpu.memory_space<vmem_shared>> -> memref<128x128xf32, #tpu.memory_space<vmem_shared>>
      tpu.enqueue_dma source(%dma_start3A_218 : memref<128x128xf32, #tpu.memory_space<vmem_shared>>) target(%dma_start3A_216 : memref<128x128xf32, #tpu.memory_space<vmem>>) target_semaphore(%run_scoped3A_208 : memref<!tpu.dma_semaphore, #tpu.memory_space<semaphore_mem>>)
      %dma_wait3A_219 = arith.constant 0 : i32
      %dma_wait3A_220 = arith.constant 0 : i32
      %dma_wait3A_221 = tpu.memref_slice %arg8[%dma_wait3A_219, %dma_wait3A_220] : memref<128x128xf32, #tpu.memory_space<vmem>> -> memref<128x128xf32, #tpu.memory_space<vmem>>
      %dma_wait3A_222 = arith.constant 0 : i32
      %dma_wait3A_223 = tpu.memref_slice %arg5[%add3A_105, %dma_wait3A_222] : memref<10112x128xf32, #tpu.memory_space<vmem_shared>> -> memref<128x128xf32, #tpu.memory_space<vmem_shared>>
      %dma_wait3A_224 = arith.constant 0 : i32
      %dma_wait3A_225 = arith.constant 0 : i32
      %dma_wait3A_226 = tpu.memref_slice %arg8[%dma_wait3A_224, %dma_wait3A_225] : memref<128x128xf32, #tpu.memory_space<vmem>> -> memref<128x128xf32, #tpu.memory_space<vmem>>
      %dma_wait3A_227 = arith.constant 0 : i32
      %dma_wait3A_228 = tpu.memref_slice %arg5[%add3A_105, %dma_wait3A_227] : memref<10112x128xf32, #tpu.memory_space<vmem_shared>> -> memref<128x128xf32, #tpu.memory_space<vmem_shared>>
      tpu.wait_dma2 semaphore(%run_scoped3A_208 : memref<!tpu.dma_semaphore, #tpu.memory_space<semaphore_mem>>) src(%dma_wait3A_228 : memref<128x128xf32, #tpu.memory_space<vmem_shared>>) dst(%dma_wait3A_226 : memref<128x128xf32, #tpu.memory_space<vmem>>)
      tpu.yield
    }) : () -> ()
    %add3A_106 = arith.constant 256 : i32
    %add3A_107 = arith.addi %mul3A_2, %add3A_106 : i32
    %dma_start3A_108 = arith.constant 0 : i32
    %dma_start3A_109 = arith.constant 0 : i32
    %dma_start3A_110 = tpu.memref_slice %arg8[%dma_start3A_108, %dma_start3A_109] : memref<128x128xf32, #tpu.memory_space<vmem>> -> memref<128x128xf32, #tpu.memory_space<vmem>>
    %dma_start3A_111 = arith.constant 0 : i32
    %dma_start3A_112 = tpu.memref_slice %arg4[%arg0, %add3A_107, %dma_start3A_111] : memref<2x10112x128xf32, #tpu.memory_space<hbm>> -> memref<1x128x128xf32, #tpu.memory_space<hbm>>
    %dma_start3A_113 = tpu.memref_squeeze %dma_start3A_112 : memref<1x128x128xf32, #tpu.memory_space<hbm>> -> memref<128x128xf32, #tpu.memory_space<hbm>>
    %dma_start3A_114 = arith.constant 0 : i32
    %dma_start3A_115 = tpu.memref_slice %arg4[%arg0, %add3A_107, %dma_start3A_114] : memref<2x10112x128xf32, #tpu.memory_space<hbm>> -> memref<1x128x128xf32, #tpu.memory_space<hbm>>
    %dma_start3A_116 = tpu.memref_squeeze %dma_start3A_115 : memref<1x128x128xf32, #tpu.memory_space<hbm>> -> memref<128x128xf32, #tpu.memory_space<hbm>>
    %dma_start3A_117 = arith.constant 0 : i32
    %dma_start3A_118 = arith.constant 0 : i32
    %dma_start3A_119 = tpu.memref_slice %arg8[%dma_start3A_117, %dma_start3A_118] : memref<128x128xf32, #tpu.memory_space<vmem>> -> memref<128x128xf32, #tpu.memory_space<vmem>>
    tpu.enqueue_dma source(%dma_start3A_119 : memref<128x128xf32, #tpu.memory_space<vmem>>) target(%dma_start3A_116 : memref<128x128xf32, #tpu.memory_space<hbm>>) target_semaphore(%arg10 : memref<!tpu.dma_semaphore, #tpu.memory_space<semaphore_mem>>)
    %add3A_120 = arith.constant 128 : i32
    %add3A_121 = arith.addi %mul3A_2, %add3A_120 : i32
    %dma_wait3A_122 = arith.constant 0 : i32
    %dma_wait3A_123 = arith.constant 0 : i32
    %dma_wait3A_124 = tpu.memref_slice %arg9[%dma_wait3A_122, %dma_wait3A_123] : memref<128x128xf32, #tpu.memory_space<vmem>> -> memref<128x128xf32, #tpu.memory_space<vmem>>
    %dma_wait3A_125 = arith.constant 0 : i32
    %dma_wait3A_126 = tpu.memref_slice %arg4[%arg0, %add3A_121, %dma_wait3A_125] : memref<2x10112x128xf32, #tpu.memory_space<hbm>> -> memref<1x128x128xf32, #tpu.memory_space<hbm>>
    %dma_wait3A_127 = tpu.memref_squeeze %dma_wait3A_126 : memref<1x128x128xf32, #tpu.memory_space<hbm>> -> memref<128x128xf32, #tpu.memory_space<hbm>>
    %dma_wait3A_128 = arith.constant 0 : i32
    %dma_wait3A_129 = tpu.memref_slice %arg4[%arg0, %add3A_121, %dma_wait3A_128] : memref<2x10112x128xf32, #tpu.memory_space<hbm>> -> memref<1x128x128xf32, #tpu.memory_space<hbm>>
    %dma_wait3A_130 = tpu.memref_squeeze %dma_wait3A_129 : memref<1x128x128xf32, #tpu.memory_space<hbm>> -> memref<128x128xf32, #tpu.memory_space<hbm>>
    %dma_wait3A_131 = arith.constant 0 : i32
    %dma_wait3A_132 = arith.constant 0 : i32
    %dma_wait3A_133 = tpu.memref_slice %arg9[%dma_wait3A_131, %dma_wait3A_132] : memref<128x128xf32, #tpu.memory_space<vmem>> -> memref<128x128xf32, #tpu.memory_space<vmem>>
    tpu.wait_dma2 semaphore(%arg11 : memref<!tpu.dma_semaphore, #tpu.memory_space<semaphore_mem>>) src(%dma_wait3A_133 : memref<128x128xf32, #tpu.memory_space<vmem>>) dst(%dma_wait3A_130 : memref<128x128xf32, #tpu.memory_space<hbm>>)
    %add3A_134 = arith.constant 384 : i32
    %add3A_135 = arith.addi %mul3A_2, %add3A_134 : i32
    "tpu.region"() ({
      %run_scoped3A_208 = tpu.sem_alloc : memref<!tpu.dma_semaphore, #tpu.memory_space<semaphore_mem>>
      %dma_start3A_209 = arith.constant 0 : i32
      %dma_start3A_210 = arith.constant 0 : i32
      %dma_start3A_211 = tpu.memref_slice %arg9[%dma_start3A_209, %dma_start3A_210] : memref<128x128xf32, #tpu.memory_space<vmem>> -> memref<128x128xf32, #tpu.memory_space<vmem>>
      %dma_start3A_212 = arith.constant 0 : i32
      %dma_start3A_213 = tpu.memref_slice %arg5[%add3A_135, %dma_start3A_212] : memref<10112x128xf32, #tpu.memory_space<vmem_shared>> -> memref<128x128xf32, #tpu.memory_space<vmem_shared>>
      %dma_start3A_214 = arith.constant 0 : i32
      %dma_start3A_215 = arith.constant 0 : i32
      %dma_start3A_216 = tpu.memref_slice %arg9[%dma_start3A_214, %dma_start3A_215] : memref<128x128xf32, #tpu.memory_space<vmem>> -> memref<128x128xf32, #tpu.memory_space<vmem>>
      %dma_start3A_217 = arith.constant 0 : i32
      %dma_start3A_218 = tpu.memref_slice %arg5[%add3A_135, %dma_start3A_217] : memref<10112x128xf32, #tpu.memory_space<vmem_shared>> -> memref<128x128xf32, #tpu.memory_space<vmem_shared>>
      tpu.enqueue_dma source(%dma_start3A_218 : memref<128x128xf32, #tpu.memory_space<vmem_shared>>) target(%dma_start3A_216 : memref<128x128xf32, #tpu.memory_space<vmem>>) target_semaphore(%run_scoped3A_208 : memref<!tpu.dma_semaphore, #tpu.memory_space<semaphore_mem>>)
      %dma_wait3A_219 = arith.constant 0 : i32
      %dma_wait3A_220 = arith.constant 0 : i32
      %dma_wait3A_221 = tpu.memref_slice %arg9[%dma_wait3A_219, %dma_wait3A_220] : memref<128x128xf32, #tpu.memory_space<vmem>> -> memref<128x128xf32, #tpu.memory_space<vmem>>
      %dma_wait3A_222 = arith.constant 0 : i32
      %dma_wait3A_223 = tpu.memref_slice %arg5[%add3A_135, %dma_wait3A_222] : memref<10112x128xf32, #tpu.memory_space<vmem_shared>> -> memref<128x128xf32, #tpu.memory_space<vmem_shared>>
      %dma_wait3A_224 = arith.constant 0 : i32
      %dma_wait3A_225 = arith.constant 0 : i32
      %dma_wait3A_226 = tpu.memref_slice %arg9[%dma_wait3A_224, %dma_wait3A_225] : memref<128x128xf32, #tpu.memory_space<vmem>> -> memref<128x128xf32, #tpu.memory_space<vmem>>
      %dma_wait3A_227 = arith.constant 0 : i32
      %dma_wait3A_228 = tpu.memref_slice %arg5[%add3A_135, %dma_wait3A_227] : memref<10112x128xf32, #tpu.memory_space<vmem_shared>> -> memref<128x128xf32, #tpu.memory_space<vmem_shared>>
      tpu.wait_dma2 semaphore(%run_scoped3A_208 : memref<!tpu.dma_semaphore, #tpu.memory_space<semaphore_mem>>) src(%dma_wait3A_228 : memref<128x128xf32, #tpu.memory_space<vmem_shared>>) dst(%dma_wait3A_226 : memref<128x128xf32, #tpu.memory_space<vmem>>)
      tpu.yield
    }) : () -> ()
    %add3A_136 = arith.constant 384 : i32
    %add3A_137 = arith.addi %mul3A_2, %add3A_136 : i32
    %dma_start3A_138 = arith.constant 0 : i32
    %dma_start3A_139 = arith.constant 0 : i32
    %dma_start3A_140 = tpu.memref_slice %arg9[%dma_start3A_138, %dma_start3A_139] : memref<128x128xf32, #tpu.memory_space<vmem>> -> memref<128x128xf32, #tpu.memory_space<vmem>>
    %dma_start3A_141 = arith.constant 0 : i32
    %dma_start3A_142 = tpu.memref_slice %arg4[%arg0, %add3A_137, %dma_start3A_141] : memref<2x10112x128xf32, #tpu.memory_space<hbm>> -> memref<1x128x128xf32, #tpu.memory_space<hbm>>
    %dma_start3A_143 = tpu.memref_squeeze %dma_start3A_142 : memref<1x128x128xf32, #tpu.memory_space<hbm>> -> memref<128x128xf32, #tpu.memory_space<hbm>>
    %dma_start3A_144 = arith.constant 0 : i32
    %dma_start3A_145 = tpu.memref_slice %arg4[%arg0, %add3A_137, %dma_start3A_144] : memref<2x10112x128xf32, #tpu.memory_space<hbm>> -> memref<1x128x128xf32, #tpu.memory_space<hbm>>
    %dma_start3A_146 = tpu.memref_squeeze %dma_start3A_145 : memref<1x128x128xf32, #tpu.memory_space<hbm>> -> memref<128x128xf32, #tpu.memory_space<hbm>>
    %dma_start3A_147 = arith.constant 0 : i32
    %dma_start3A_148 = arith.constant 0 : i32
    %dma_start3A_149 = tpu.memref_slice %arg9[%dma_start3A_147, %dma_start3A_148] : memref<128x128xf32, #tpu.memory_space<vmem>> -> memref<128x128xf32, #tpu.memory_space<vmem>>
    tpu.enqueue_dma source(%dma_start3A_149 : memref<128x128xf32, #tpu.memory_space<vmem>>) target(%dma_start3A_146 : memref<128x128xf32, #tpu.memory_space<hbm>>) target_semaphore(%arg11 : memref<!tpu.dma_semaphore, #tpu.memory_space<semaphore_mem>>)
    %add3A_150 = arith.constant 256 : i32
    %add3A_151 = arith.addi %mul3A_2, %add3A_150 : i32
    %dma_wait3A_152 = arith.constant 0 : i32
    %dma_wait3A_153 = arith.constant 0 : i32
    %dma_wait3A_154 = tpu.memref_slice %arg8[%dma_wait3A_152, %dma_wait3A_153] : memref<128x128xf32, #tpu.memory_space<vmem>> -> memref<128x128xf32, #tpu.memory_space<vmem>>
    %dma_wait3A_155 = arith.constant 0 : i32
    %dma_wait3A_156 = tpu.memref_slice %arg4[%arg0, %add3A_151, %dma_wait3A_155] : memref<2x10112x128xf32, #tpu.memory_space<hbm>> -> memref<1x128x128xf32, #tpu.memory_space<hbm>>
    %dma_wait3A_157 = tpu.memref_squeeze %dma_wait3A_156 : memref<1x128x128xf32, #tpu.memory_space<hbm>> -> memref<128x128xf32, #tpu.memory_space<hbm>>
    %dma_wait3A_158 = arith.constant 0 : i32
    %dma_wait3A_159 = tpu.memref_slice %arg4[%arg0, %add3A_151, %dma_wait3A_158] : memref<2x10112x128xf32, #tpu.memory_space<hbm>> -> memref<1x128x128xf32, #tpu.memory_space<hbm>>
    %dma_wait3A_160 = tpu.memref_squeeze %dma_wait3A_159 : memref<1x128x128xf32, #tpu.memory_space<hbm>> -> memref<128x128xf32, #tpu.memory_space<hbm>>
    %dma_wait3A_161 = arith.constant 0 : i32
    %dma_wait3A_162 = arith.constant 0 : i32
    %dma_wait3A_163 = tpu.memref_slice %arg8[%dma_wait3A_161, %dma_wait3A_162] : memref<128x128xf32, #tpu.memory_space<vmem>> -> memref<128x128xf32, #tpu.memory_space<vmem>>
    tpu.wait_dma2 semaphore(%arg10 : memref<!tpu.dma_semaphore, #tpu.memory_space<semaphore_mem>>) src(%dma_wait3A_163 : memref<128x128xf32, #tpu.memory_space<vmem>>) dst(%dma_wait3A_160 : memref<128x128xf32, #tpu.memory_space<hbm>>)
    %add3A_164 = arith.constant 512 : i32
    %add3A_165 = arith.addi %mul3A_2, %add3A_164 : i32
    "tpu.region"() ({
      %run_scoped3A_208 = tpu.sem_alloc : memref<!tpu.dma_semaphore, #tpu.memory_space<semaphore_mem>>
      %dma_start3A_209 = arith.constant 0 : i32
      %dma_start3A_210 = arith.constant 0 : i32
      %dma_start3A_211 = tpu.memref_slice %arg8[%dma_start3A_209, %dma_start3A_210] : memref<128x128xf32, #tpu.memory_space<vmem>> -> memref<120x128xf32, #tpu.memory_space<vmem>>
      %dma_start3A_212 = arith.constant 0 : i32
      %dma_start3A_213 = tpu.memref_slice %arg5[%add3A_165, %dma_start3A_212] : memref<10112x128xf32, #tpu.memory_space<vmem_shared>> -> memref<120x128xf32, #tpu.memory_space<vmem_shared>>
      %dma_start3A_214 = arith.constant 0 : i32
      %dma_start3A_215 = arith.constant 0 : i32
      %dma_start3A_216 = tpu.memref_slice %arg8[%dma_start3A_214, %dma_start3A_215] : memref<128x128xf32, #tpu.memory_space<vmem>> -> memref<120x128xf32, #tpu.memory_space<vmem>>
      %dma_start3A_217 = arith.constant 0 : i32
      %dma_start3A_218 = tpu.memref_slice %arg5[%add3A_165, %dma_start3A_217] : memref<10112x128xf32, #tpu.memory_space<vmem_shared>> -> memref<120x128xf32, #tpu.memory_space<vmem_shared>>
      tpu.enqueue_dma source(%dma_start3A_218 : memref<120x128xf32, #tpu.memory_space<vmem_shared>>) target(%dma_start3A_216 : memref<120x128xf32, #tpu.memory_space<vmem>>) target_semaphore(%run_scoped3A_208 : memref<!tpu.dma_semaphore, #tpu.memory_space<semaphore_mem>>)
      %dma_wait3A_219 = arith.constant 0 : i32
      %dma_wait3A_220 = arith.constant 0 : i32
      %dma_wait3A_221 = tpu.memref_slice %arg8[%dma_wait3A_219, %dma_wait3A_220] : memref<128x128xf32, #tpu.memory_space<vmem>> -> memref<120x128xf32, #tpu.memory_space<vmem>>
      %dma_wait3A_222 = arith.constant 0 : i32
      %dma_wait3A_223 = tpu.memref_slice %arg5[%add3A_165, %dma_wait3A_222] : memref<10112x128xf32, #tpu.memory_space<vmem_shared>> -> memref<120x128xf32, #tpu.memory_space<vmem_shared>>
      %dma_wait3A_224 = arith.constant 0 : i32
      %dma_wait3A_225 = arith.constant 0 : i32
      %dma_wait3A_226 = tpu.memref_slice %arg8[%dma_wait3A_224, %dma_wait3A_225] : memref<128x128xf32, #tpu.memory_space<vmem>> -> memref<120x128xf32, #tpu.memory_space<vmem>>
      %dma_wait3A_227 = arith.constant 0 : i32
      %dma_wait3A_228 = tpu.memref_slice %arg5[%add3A_165, %dma_wait3A_227] : memref<10112x128xf32, #tpu.memory_space<vmem_shared>> -> memref<120x128xf32, #tpu.memory_space<vmem_shared>>
      tpu.wait_dma2 semaphore(%run_scoped3A_208 : memref<!tpu.dma_semaphore, #tpu.memory_space<semaphore_mem>>) src(%dma_wait3A_228 : memref<120x128xf32, #tpu.memory_space<vmem_shared>>) dst(%dma_wait3A_226 : memref<120x128xf32, #tpu.memory_space<vmem>>)
      tpu.yield
    }) : () -> ()
    %add3A_166 = arith.constant 512 : i32
    %add3A_167 = arith.addi %mul3A_2, %add3A_166 : i32
    %dma_start3A_168 = arith.constant 0 : i32
    %dma_start3A_169 = arith.constant 0 : i32
    %dma_start3A_170 = tpu.memref_slice %arg8[%dma_start3A_168, %dma_start3A_169] : memref<128x128xf32, #tpu.memory_space<vmem>> -> memref<120x128xf32, #tpu.memory_space<vmem>>
    %dma_start3A_171 = arith.constant 0 : i32
    %dma_start3A_172 = tpu.memref_slice %arg4[%arg0, %add3A_167, %dma_start3A_171] : memref<2x10112x128xf32, #tpu.memory_space<hbm>> -> memref<1x120x128xf32, #tpu.memory_space<hbm>>
    %dma_start3A_173 = tpu.memref_squeeze %dma_start3A_172 : memref<1x120x128xf32, #tpu.memory_space<hbm>> -> memref<120x128xf32, #tpu.memory_space<hbm>>
    %dma_start3A_174 = arith.constant 0 : i32
    %dma_start3A_175 = tpu.memref_slice %arg4[%arg0, %add3A_167, %dma_start3A_174] : memref<2x10112x128xf32, #tpu.memory_space<hbm>> -> memref<1x120x128xf32, #tpu.memory_space<hbm>>
    %dma_start3A_176 = tpu.memref_squeeze %dma_start3A_175 : memref<1x120x128xf32, #tpu.memory_space<hbm>> -> memref<120x128xf32, #tpu.memory_space<hbm>>
    %dma_start3A_177 = arith.constant 0 : i32
    %dma_start3A_178 = arith.constant 0 : i32
    %dma_start3A_179 = tpu.memref_slice %arg8[%dma_start3A_177, %dma_start3A_178] : memref<128x128xf32, #tpu.memory_space<vmem>> -> memref<120x128xf32, #tpu.memory_space<vmem>>
    tpu.enqueue_dma source(%dma_start3A_179 : memref<120x128xf32, #tpu.memory_space<vmem>>) target(%dma_start3A_176 : memref<120x128xf32, #tpu.memory_space<hbm>>) target_semaphore(%arg10 : memref<!tpu.dma_semaphore, #tpu.memory_space<semaphore_mem>>)
    %add3A_180 = arith.constant 384 : i32
    %add3A_181 = arith.addi %mul3A_2, %add3A_180 : i32
    %dma_wait3A_182 = arith.constant 0 : i32
    %dma_wait3A_183 = arith.constant 0 : i32
    %dma_wait3A_184 = tpu.memref_slice %arg9[%dma_wait3A_182, %dma_wait3A_183] : memref<128x128xf32, #tpu.memory_space<vmem>> -> memref<128x128xf32, #tpu.memory_space<vmem>>
    %dma_wait3A_185 = arith.constant 0 : i32
    %dma_wait3A_186 = tpu.memref_slice %arg4[%arg0, %add3A_181, %dma_wait3A_185] : memref<2x10112x128xf32, #tpu.memory_space<hbm>> -> memref<1x128x128xf32, #tpu.memory_space<hbm>>
    %dma_wait3A_187 = tpu.memref_squeeze %dma_wait3A_186 : memref<1x128x128xf32, #tpu.memory_space<hbm>> -> memref<128x128xf32, #tpu.memory_space<hbm>>
    %dma_wait3A_188 = arith.constant 0 : i32
    %dma_wait3A_189 = tpu.memref_slice %arg4[%arg0, %add3A_181, %dma_wait3A_188] : memref<2x10112x128xf32, #tpu.memory_space<hbm>> -> memref<1x128x128xf32, #tpu.memory_space<hbm>>
    %dma_wait3A_190 = tpu.memref_squeeze %dma_wait3A_189 : memref<1x128x128xf32, #tpu.memory_space<hbm>> -> memref<128x128xf32, #tpu.memory_space<hbm>>
    %dma_wait3A_191 = arith.constant 0 : i32
    %dma_wait3A_192 = arith.constant 0 : i32
    %dma_wait3A_193 = tpu.memref_slice %arg9[%dma_wait3A_191, %dma_wait3A_192] : memref<128x128xf32, #tpu.memory_space<vmem>> -> memref<128x128xf32, #tpu.memory_space<vmem>>
    tpu.wait_dma2 semaphore(%arg11 : memref<!tpu.dma_semaphore, #tpu.memory_space<semaphore_mem>>) src(%dma_wait3A_193 : memref<128x128xf32, #tpu.memory_space<vmem>>) dst(%dma_wait3A_190 : memref<128x128xf32, #tpu.memory_space<hbm>>)
    %add3A_194 = arith.constant 512 : i32
    %add3A_195 = arith.addi %mul3A_2, %add3A_194 : i32
    %dma_wait3A_196 = arith.constant 0 : i32
    %dma_wait3A_197 = arith.constant 0 : i32
    %dma_wait3A_198 = tpu.memref_slice %arg8[%dma_wait3A_196, %dma_wait3A_197] : memref<128x128xf32, #tpu.memory_space<vmem>> -> memref<120x128xf32, #tpu.memory_space<vmem>>
    %dma_wait3A_199 = arith.constant 0 : i32
    %dma_wait3A_200 = tpu.memref_slice %arg4[%arg0, %add3A_195, %dma_wait3A_199] : memref<2x10112x128xf32, #tpu.memory_space<hbm>> -> memref<1x120x128xf32, #tpu.memory_space<hbm>>
    %dma_wait3A_201 = tpu.memref_squeeze %dma_wait3A_200 : memref<1x120x128xf32, #tpu.memory_space<hbm>> -> memref<120x128xf32, #tpu.memory_space<hbm>>
    %dma_wait3A_202 = arith.constant 0 : i32
    %dma_wait3A_203 = tpu.memref_slice %arg4[%arg0, %add3A_195, %dma_wait3A_202] : memref<2x10112x128xf32, #tpu.memory_space<hbm>> -> memref<1x120x128xf32, #tpu.memory_space<hbm>>
    %dma_wait3A_204 = tpu.memref_squeeze %dma_wait3A_203 : memref<1x120x128xf32, #tpu.memory_space<hbm>> -> memref<120x128xf32, #tpu.memory_space<hbm>>
    %dma_wait3A_205 = arith.constant 0 : i32
    %dma_wait3A_206 = arith.constant 0 : i32
    %dma_wait3A_207 = tpu.memref_slice %arg8[%dma_wait3A_205, %dma_wait3A_206] : memref<128x128xf32, #tpu.memory_space<vmem>> -> memref<120x128xf32, #tpu.memory_space<vmem>>
    tpu.wait_dma2 semaphore(%arg10 : memref<!tpu.dma_semaphore, #tpu.memory_space<semaphore_mem>>) src(%dma_wait3A_207 : memref<120x128xf32, #tpu.memory_space<vmem>>) dst(%dma_wait3A_204 : memref<120x128xf32, #tpu.memory_space<hbm>>)
    return
  }
}

#map = affine_map<(d0, d1) -> (0, 0)>
#map1 = affine_map<(d0, d1) -> (0, 0, 0, 0)>
#map2 = affine_map<(d0, d1) -> (0, 0, 0)>
module attributes {stable_mosaic.version = 14 : i64} {
  func.func @body(%arg0: i32, %arg1: i32, %arg2: memref<10000x128xf32, #tpu.memory_space<hbm>>, %arg3: memref<32x80x2x128xi32, #tpu.memory_space<hbm>>, %arg4: memref<2x10112x128xf32, #tpu.memory_space<hbm>>, %arg5: memref<10112x128xf32, #tpu.memory_space<vmem_shared>>, %arg6: memref<2x128xi32, #tpu.memory_space<vmem>>, %arg7: memref<2x128xi32, #tpu.memory_space<vmem>>, %arg8: memref<128x128xf32, #tpu.memory_space<vmem>>, %arg9: memref<128x128xf32, #tpu.memory_space<vmem>>, %arg10: memref<!tpu.dma_semaphore, #tpu.memory_space<semaphore_mem>>, %arg11: memref<!tpu.dma_semaphore, #tpu.memory_space<semaphore_mem>>, %arg12: memref<!tpu.dma_semaphore, #tpu.memory_space<semaphore_mem>>, %arg13: memref<!tpu.dma_semaphore, #tpu.memory_space<semaphore_mem>>) attributes {dimension_semantics = [#tpu.dimension_semantics<core_parallel>, #tpu.dimension_semantics<subcore_parallel>], iteration_bounds = array<i64: 2, 16>, scalar_prefetch = 0 : i64, scratch_operands = 9 : i64, tpu.core_type = #tpu.core_type<sc_vector_subcore>, window_params = [{transform_indices = #map}, {transform_indices = #map1}, {transform_indices = #map2}]} {
    %mul3A = arith.constant 16 : i32
    %mul3A_0 = arith.muli %arg0, %mul3A : i32
    %add3A = arith.addi %mul3A_0, %arg1 : i32
    %mul3A_1 = arith.constant 632 : i32
    %mul3A_2 = arith.muli %arg1, %mul3A_1 : i32
    %broadcast_in_dim3A = arith.constant 0.000000e+00 : f32
    %broadcast_in_dim3A_3 = vector.broadcast %broadcast_in_dim3A : f32 to vector<16xf32>
    %scan3A = arith.constant 0 : i32
    %scan3A_4 = arith.constant 0 : i32
    %scan3A_5 = arith.constant 128 : i32
    %scan3A_6 = arith.addi %scan3A_4, %scan3A_5 : i32
    %scan3A_7 = arith.constant 1 : i32
    scf.for %scan3A_208 = %scan3A_4 to %scan3A_6 step %scan3A_7  : i32 {
      %swap3A = arith.index_cast %scan3A_208 : i32 to index
      %swap3A_209 = arith.constant 0 : index
      %swap3A_210 = tpu.vector_load %arg8[%swap3A, %swap3A_209] {strides = array<i32>} : memref<128x128xf32, #tpu.memory_space<vmem>>, vector<1x16xf32>,
      %swap3A_211 = vector.shape_cast %swap3A_210 : vector<1x16xf32> to vector<16xf32>
      %swap3A_212 = vector.shape_cast %broadcast_in_dim3A_3 : vector<16xf32> to vector<1x16xf32>
      tpu.vector_store %arg8[%swap3A, %swap3A_209], %swap3A_212 {strides = array<i32>} : memref<128x128xf32, #tpu.memory_space<vmem>>, vector<1x16xf32>,
      %swap3A_213 = arith.index_cast %scan3A_208 : i32 to index
      %swap3A_214 = arith.constant 16 : index
      %swap3A_215 = tpu.vector_load %arg8[%swap3A_213, %swap3A_214] {strides = array<i32>} : memref<128x128xf32, #tpu.memory_space<vmem>>, vector<1x16xf32>,
      %swap3A_216 = vector.shape_cast %swap3A_215 : vector<1x16xf32> to vector<16xf32>
      %swap3A_217 = vector.shape_cast %broadcast_in_dim3A_3 : vector<16xf32> to vector<1x16xf32>
      tpu.vector_store %arg8[%swap3A_213, %swap3A_214], %swap3A_217 {strides = array<i32>} : memref<128x128xf32, #tpu.memory_space<vmem>>, vector<1x16xf32>,
      %swap3A_218 = arith.index_cast %scan3A_208 : i32 to index
      %swap3A_219 = arith.constant 32 : index
      %swap3A_220 = tpu.vector_load %arg8[%swap3A_218, %swap3A_219] {strides = array<i32>} : memref<128x128xf32, #tpu.memory_space<vmem>>, vector<1x16xf32>,
      %swap3A_221 = vector.shape_cast %swap3A_220 : vector<1x16xf32> to vector<16xf32>
      %swap3A_222 = vector.shape_cast %broadcast_in_dim3A_3 : vector<16xf32> to vector<1x16xf32>
      tpu.vector_store %arg8[%swap3A_218, %swap3A_219], %swap3A_222 {strides = array<i32>} : memref<128x128xf32, #tpu.memory_space<vmem>>, vector<1x16xf32>,
      %swap3A_223 = arith.index_cast %scan3A_208 : i32 to index
      %swap3A_224 = arith.constant 48 : index
      %swap3A_225 = tpu.vector_load %arg8[%swap3A_223, %swap3A_224] {strides = array<i32>} : memref<128x128xf32, #tpu.memory_space<vmem>>, vector<1x16xf32>,
      %swap3A_226 = vector.shape_cast %swap3A_225 : vector<1x16xf32> to vector<16xf32>
      %swap3A_227 = vector.shape_cast %broadcast_in_dim3A_3 : vector<16xf32> to vector<1x16xf32>
      tpu.vector_store %arg8[%swap3A_223, %swap3A_224], %swap3A_227 {strides = array<i32>} : memref<128x128xf32, #tpu.memory_space<vmem>>, vector<1x16xf32>,
      %swap3A_228 = arith.index_cast %scan3A_208 : i32 to index
      %swap3A_229 = arith.constant 64 : index
      %swap3A_230 = tpu.vector_load %arg8[%swap3A_228, %swap3A_229] {strides = array<i32>} : memref<128x128xf32, #tpu.memory_space<vmem>>, vector<1x16xf32>,
      %swap3A_231 = vector.shape_cast %swap3A_230 : vector<1x16xf32> to vector<16xf32>
      %swap3A_232 = vector.shape_cast %broadcast_in_dim3A_3 : vector<16xf32> to vector<1x16xf32>
      tpu.vector_store %arg8[%swap3A_228, %swap3A_229], %swap3A_232 {strides = array<i32>} : memref<128x128xf32, #tpu.memory_space<vmem>>, vector<1x16xf32>,
      %swap3A_233 = arith.index_cast %scan3A_208 : i32 to index
      %swap3A_234 = arith.constant 80 : index
      %swap3A_235 = tpu.vector_load %arg8[%swap3A_233, %swap3A_234] {strides = array<i32>} : memref<128x128xf32, #tpu.memory_space<vmem>>, vector<1x16xf32>,
      %swap3A_236 = vector.shape_cast %swap3A_235 : vector<1x16xf32> to vector<16xf32>
      %swap3A_237 = vector.shape_cast %broadcast_in_dim3A_3 : vector<16xf32> to vector<1x16xf32>
      tpu.vector_store %arg8[%swap3A_233, %swap3A_234], %swap3A_237 {strides = array<i32>} : memref<128x128xf32, #tpu.memory_space<vmem>>, vector<1x16xf32>,
      %swap3A_238 = arith.index_cast %scan3A_208 : i32 to index
      %swap3A_239 = arith.constant 96 : index
      %swap3A_240 = tpu.vector_load %arg8[%swap3A_238, %swap3A_239] {strides = array<i32>} : memref<128x128xf32, #tpu.memory_space<vmem>>, vector<1x16xf32>,
      %swap3A_241 = vector.shape_cast %swap3A_240 : vector<1x16xf32> to vector<16xf32>
      %swap3A_242 = vector.shape_cast %broadcast_in_dim3A_3 : vector<16xf32> to vector<1x16xf32>
      tpu.vector_store %arg8[%swap3A_238, %swap3A_239], %swap3A_242 {strides = array<i32>} : memref<128x128xf32, #tpu.memory_space<vmem>>, vector<1x16xf32>,
      %swap3A_243 = arith.index_cast %scan3A_208 : i32 to index
      %swap3A_244 = arith.constant 112 : index
      %swap3A_245 = tpu.vector_load %arg8[%swap3A_243, %swap3A_244] {strides = array<i32>} : memref<128x128xf32, #tpu.memory_space<vmem>>, vector<1x16xf32>,
      %swap3A_246 = vector.shape_cast %swap3A_245 : vector<1x16xf32> to vector<16xf32>
      %swap3A_247 = vector.shape_cast %broadcast_in_dim3A_3 : vector<16xf32> to vector<1x16xf32>
      tpu.vector_store %arg8[%swap3A_243, %swap3A_244], %swap3A_247 {strides = array<i32>} : memref<128x128xf32, #tpu.memory_space<vmem>>, vector<1x16xf32>,
    }
    %scan3A_8 = arith.constant 128 : i32
    %add3A_9 = arith.constant 0 : i32
    %add3A_10 = arith.addi %mul3A_2, %add3A_9 : i32
    "tpu.region"() ({
      %run_scoped3A_208 = tpu.sem_alloc : memref<!tpu.dma_semaphore, #tpu.memory_space<semaphore_mem>>
      %dma_start3A_209 = arith.constant 0 : i32
      %dma_start3A_210 = tpu.memref_slice %arg5[%add3A_10, %dma_start3A_209] : memref<10112x128xf32, #tpu.memory_space<vmem_shared>> -> memref<128x128xf32, #tpu.memory_space<vmem_shared>>
      %dma_start3A_211 = arith.constant 0 : i32
      %dma_start3A_212 = tpu.memref_slice %arg5[%add3A_10, %dma_start3A_211] : memref<10112x128xf32, #tpu.memory_space<vmem_shared>> -> memref<128x128xf32, #tpu.memory_space<vmem_shared>>
      tpu.enqueue_dma source(%arg8 : memref<128x128xf32, #tpu.memory_space<vmem>>) target(%dma_start3A_212 : memref<128x128xf32, #tpu.memory_space<vmem_shared>>) target_semaphore(%run_scoped3A_208 : memref<!tpu.dma_semaphore, #tpu.memory_space<semaphore_mem>>)
      %dma_wait3A_213 = arith.constant 0 : i32
      %dma_wait3A_214 = tpu.memref_slice %arg5[%add3A_10, %dma_wait3A_213] : memref<10112x128xf32, #tpu.memory_space<vmem_shared>> -> memref<128x128xf32, #tpu.memory_space<vmem_shared>>
      %dma_wait3A_215 = arith.constant 0 : i32
      %dma_wait3A_216 = tpu.memref_slice %arg5[%add3A_10, %dma_wait3A_215] : memref<10112x128xf32, #tpu.memory_space<vmem_shared>> -> memref<128x128xf32, #tpu.memory_space<vmem_shared>>
      tpu.wait_dma2 semaphore(%run_scoped3A_208 : memref<!tpu.dma_semaphore, #tpu.memory_space<semaphore_mem>>) src(%arg8 : memref<128x128xf32, #tpu.memory_space<vmem>>) dst(%dma_wait3A_216 : memref<128x128xf32, #tpu.memory_space<vmem_shared>>)
      tpu.yield
    }) : () -> ()
    %add3A_11 = arith.constant 128 : i32
    %add3A_12 = arith.addi %mul3A_2, %add3A_11 : i32
    "tpu.region"() ({
      %run_scoped3A_208 = tpu.sem_alloc : memref<!tpu.dma_semaphore, #tpu.memory_space<semaphore_mem>>
      %dma_start3A_209 = arith.constant 0 : i32
      %dma_start3A_210 = tpu.memref_slice %arg5[%add3A_12, %dma_start3A_209] : memref<10112x128xf32, #tpu.memory_space<vmem_shared>> -> memref<128x128xf32, #tpu.memory_space<vmem_shared>>
      %dma_start3A_211 = arith.constant 0 : i32
      %dma_start3A_212 = tpu.memref_slice %arg5[%add3A_12, %dma_start3A_211] : memref<10112x128xf32, #tpu.memory_space<vmem_shared>> -> memref<128x128xf32, #tpu.memory_space<vmem_shared>>
      tpu.enqueue_dma source(%arg8 : memref<128x128xf32, #tpu.memory_space<vmem>>) target(%dma_start3A_212 : memref<128x128xf32, #tpu.memory_space<vmem_shared>>) target_semaphore(%run_scoped3A_208 : memref<!tpu.dma_semaphore, #tpu.memory_space<semaphore_mem>>)
      %dma_wait3A_213 = arith.constant 0 : i32
      %dma_wait3A_214 = tpu.memref_slice %arg5[%add3A_12, %dma_wait3A_213] : memref<10112x128xf32, #tpu.memory_space<vmem_shared>> -> memref<128x128xf32, #tpu.memory_space<vmem_shared>>
      %dma_wait3A_215 = arith.constant 0 : i32
      %dma_wait3A_216 = tpu.memref_slice %arg5[%add3A_12, %dma_wait3A_215] : memref<10112x128xf32, #tpu.memory_space<vmem_shared>> -> memref<128x128xf32, #tpu.memory_space<vmem_shared>>
      tpu.wait_dma2 semaphore(%run_scoped3A_208 : memref<!tpu.dma_semaphore, #tpu.memory_space<semaphore_mem>>) src(%arg8 : memref<128x128xf32, #tpu.memory_space<vmem>>) dst(%dma_wait3A_216 : memref<128x128xf32, #tpu.memory_space<vmem_shared>>)
      tpu.yield
    }) : () -> ()
    %add3A_13 = arith.constant 256 : i32
    %add3A_14 = arith.addi %mul3A_2, %add3A_13 : i32
    "tpu.region"() ({
      %run_scoped3A_208 = tpu.sem_alloc : memref<!tpu.dma_semaphore, #tpu.memory_space<semaphore_mem>>
      %dma_start3A_209 = arith.constant 0 : i32
      %dma_start3A_210 = tpu.memref_slice %arg5[%add3A_14, %dma_start3A_209] : memref<10112x128xf32, #tpu.memory_space<vmem_shared>> -> memref<128x128xf32, #tpu.memory_space<vmem_shared>>
      %dma_start3A_211 = arith.constant 0 : i32
      %dma_start3A_212 = tpu.memref_slice %arg5[%add3A_14, %dma_start3A_211] : memref<10112x128xf32, #tpu.memory_space<vmem_shared>> -> memref<128x128xf32, #tpu.memory_space<vmem_shared>>
      tpu.enqueue_dma source(%arg8 : memref<128x128xf32, #tpu.memory_space<vmem>>) target(%dma_start3A_212 : memref<128x128xf32, #tpu.memory_space<vmem_shared>>) target_semaphore(%run_scoped3A_208 : memref<!tpu.dma_semaphore, #tpu.memory_space<semaphore_mem>>)
      %dma_wait3A_213 = arith.constant 0 : i32
      %dma_wait3A_214 = tpu.memref_slice %arg5[%add3A_14, %dma_wait3A_213] : memref<10112x128xf32, #tpu.memory_space<vmem_shared>> -> memref<128x128xf32, #tpu.memory_space<vmem_shared>>
      %dma_wait3A_215 = arith.constant 0 : i32
      %dma_wait3A_216 = tpu.memref_slice %arg5[%add3A_14, %dma_wait3A_215] : memref<10112x128xf32, #tpu.memory_space<vmem_shared>> -> memref<128x128xf32, #tpu.memory_space<vmem_shared>>
      tpu.wait_dma2 semaphore(%run_scoped3A_208 : memref<!tpu.dma_semaphore, #tpu.memory_space<semaphore_mem>>) src(%arg8 : memref<128x128xf32, #tpu.memory_space<vmem>>) dst(%dma_wait3A_216 : memref<128x128xf32, #tpu.memory_space<vmem_shared>>)
      tpu.yield
    }) : () -> ()
    %add3A_15 = arith.constant 384 : i32
    %add3A_16 = arith.addi %mul3A_2, %add3A_15 : i32
    "tpu.region"() ({
      %run_scoped3A_208 = tpu.sem_alloc : memref<!tpu.dma_semaphore, #tpu.memory_space<semaphore_mem>>
      %dma_start3A_209 = arith.constant 0 : i32
      %dma_start3A_210 = tpu.memref_slice %arg5[%add3A_16, %dma_start3A_209] : memref<10112x128xf32, #tpu.memory_space<vmem_shared>> -> memref<128x128xf32, #tpu.memory_space<vmem_shared>>
      %dma_start3A_211 = arith.constant 0 : i32
      %dma_start3A_212 = tpu.memref_slice %arg5[%add3A_16, %dma_start3A_211] : memref<10112x128xf32, #tpu.memory_space<vmem_shared>> -> memref<128x128xf32, #tpu.memory_space<vmem_shared>>
      tpu.enqueue_dma source(%arg8 : memref<128x128xf32, #tpu.memory_space<vmem>>) target(%dma_start3A_212 : memref<128x128xf32, #tpu.memory_space<vmem_shared>>) target_semaphore(%run_scoped3A_208 : memref<!tpu.dma_semaphore, #tpu.memory_space<semaphore_mem>>)
      %dma_wait3A_213 = arith.constant 0 : i32
      %dma_wait3A_214 = tpu.memref_slice %arg5[%add3A_16, %dma_wait3A_213] : memref<10112x128xf32, #tpu.memory_space<vmem_shared>> -> memref<128x128xf32, #tpu.memory_space<vmem_shared>>
      %dma_wait3A_215 = arith.constant 0 : i32
      %dma_wait3A_216 = tpu.memref_slice %arg5[%add3A_16, %dma_wait3A_215] : memref<10112x128xf32, #tpu.memory_space<vmem_shared>> -> memref<128x128xf32, #tpu.memory_space<vmem_shared>>
      tpu.wait_dma2 semaphore(%run_scoped3A_208 : memref<!tpu.dma_semaphore, #tpu.memory_space<semaphore_mem>>) src(%arg8 : memref<128x128xf32, #tpu.memory_space<vmem>>) dst(%dma_wait3A_216 : memref<128x128xf32, #tpu.memory_space<vmem_shared>>)
      tpu.yield
    }) : () -> ()
    %add3A_17 = arith.constant 512 : i32
    %add3A_18 = arith.addi %mul3A_2, %add3A_17 : i32
    "tpu.region"() ({
      %run_scoped3A_208 = tpu.sem_alloc : memref<!tpu.dma_semaphore, #tpu.memory_space<semaphore_mem>>
      %dma_start3A_209 = arith.constant 0 : i32
      %dma_start3A_210 = arith.constant 0 : i32
      %dma_start3A_211 = tpu.memref_slice %arg8[%dma_start3A_209, %dma_start3A_210] : memref<128x128xf32, #tpu.memory_space<vmem>> -> memref<120x128xf32, #tpu.memory_space<vmem>>
      %dma_start3A_212 = arith.constant 0 : i32
      %dma_start3A_213 = tpu.memref_slice %arg5[%add3A_18, %dma_start3A_212] : memref<10112x128xf32, #tpu.memory_space<vmem_shared>> -> memref<120x128xf32, #tpu.memory_space<vmem_shared>>
      %dma_start3A_214 = arith.constant 0 : i32
      %dma_start3A_215 = tpu.memref_slice %arg5[%add3A_18, %dma_start3A_214] : memref<10112x128xf32, #tpu.memory_space<vmem_shared>> -> memref<120x128xf32, #tpu.memory_space<vmem_shared>>
      %dma_start3A_216 = arith.constant 0 : i32
      %dma_start3A_217 = arith.constant 0 : i32
      %dma_start3A_218 = tpu.memref_slice %arg8[%dma_start3A_216, %dma_start3A_217] : memref<128x128xf32, #tpu.memory_space<vmem>> -> memref<120x128xf32, #tpu.memory_space<vmem>>
      tpu.enqueue_dma source(%dma_start3A_218 : memref<120x128xf32, #tpu.memory_space<vmem>>) target(%dma_start3A_215 : memref<120x128xf32, #tpu.memory_space<vmem_shared>>) target_semaphore(%run_scoped3A_208 : memref<!tpu.dma_semaphore, #tpu.memory_space<semaphore_mem>>)
      %dma_wait3A_219 = arith.constant 0 : i32
      %dma_wait3A_220 = arith.constant 0 : i32
      %dma_wait3A_221 = tpu.memref_slice %arg8[%dma_wait3A_219, %dma_wait3A_220] : memref<128x128xf32, #tpu.memory_space<vmem>> -> memref<120x128xf32, #tpu.memory_space<vmem>>
      %dma_wait3A_222 = arith.constant 0 : i32
      %dma_wait3A_223 = tpu.memref_slice %arg5[%add3A_18, %dma_wait3A_222] : memref<10112x128xf32, #tpu.memory_space<vmem_shared>> -> memref<120x128xf32, #tpu.memory_space<vmem_shared>>
      %dma_wait3A_224 = arith.constant 0 : i32
      %dma_wait3A_225 = tpu.memref_slice %arg5[%add3A_18, %dma_wait3A_224] : memref<10112x128xf32, #tpu.memory_space<vmem_shared>> -> memref<120x128xf32, #tpu.memory_space<vmem_shared>>
      %dma_wait3A_226 = arith.constant 0 : i32
      %dma_wait3A_227 = arith.constant 0 : i32
      %dma_wait3A_228 = tpu.memref_slice %arg8[%dma_wait3A_226, %dma_wait3A_227] : memref<128x128xf32, #tpu.memory_space<vmem>> -> memref<120x128xf32, #tpu.memory_space<vmem>>
      tpu.wait_dma2 semaphore(%run_scoped3A_208 : memref<!tpu.dma_semaphore, #tpu.memory_space<semaphore_mem>>) src(%dma_wait3A_228 : memref<120x128xf32, #tpu.memory_space<vmem>>) dst(%dma_wait3A_225 : memref<120x128xf32, #tpu.memory_space<vmem_shared>>)
      tpu.yield
    }) : () -> ()
    %barrier3A = arith.constant 0 : index
    tpu.barrier barrier_id(%barrier3A)
    %run_scoped3A = arith.constant 0 : i32
    "tpu.region"() ({
      %run_scoped3A_208 = tpu.sem_alloc : memref<!tpu.dma_semaphore, #tpu.memory_space<semaphore_mem>>
      %dma_start3A_209 = arith.constant 0 : i32
      %dma_start3A_210 = arith.constant 0 : i32
      %dma_start3A_211 = tpu.memref_slice %arg3[%add3A, %run_scoped3A, %dma_start3A_209, %dma_start3A_210] : memref<32x80x2x128xi32, #tpu.memory_space<hbm>> -> memref<1x1x2x128xi32, #tpu.memory_space<hbm>>
      %dma_start3A_212 = tpu.memref_squeeze %dma_start3A_211 : memref<1x1x2x128xi32, #tpu.memory_space<hbm>> -> memref<2x128xi32, #tpu.memory_space<hbm>>
      %dma_start3A_213 = arith.constant 0 : i32
      %dma_start3A_214 = arith.constant 0 : i32
      %dma_start3A_215 = tpu.memref_slice %arg3[%add3A, %run_scoped3A, %dma_start3A_213, %dma_start3A_214] : memref<32x80x2x128xi32, #tpu.memory_space<hbm>> -> memref<1x1x2x128xi32, #tpu.memory_space<hbm>>
      %dma_start3A_216 = tpu.memref_squeeze %dma_start3A_215 : memref<1x1x2x128xi32, #tpu.memory_space<hbm>> -> memref<2x128xi32, #tpu.memory_space<hbm>>
      tpu.enqueue_dma source(%dma_start3A_216 : memref<2x128xi32, #tpu.memory_space<hbm>>) target(%arg6 : memref<2x128xi32, #tpu.memory_space<vmem>>) target_semaphore(%run_scoped3A_208 : memref<!tpu.dma_semaphore, #tpu.memory_space<semaphore_mem>>)
      %dma_wait3A_217 = arith.constant 0 : i32
      %dma_wait3A_218 = arith.constant 0 : i32
      %dma_wait3A_219 = tpu.memref_slice %arg3[%add3A, %run_scoped3A, %dma_wait3A_217, %dma_wait3A_218] : memref<32x80x2x128xi32, #tpu.memory_space<hbm>> -> memref<1x1x2x128xi32, #tpu.memory_space<hbm>>
      %dma_wait3A_220 = tpu.memref_squeeze %dma_wait3A_219 : memref<1x1x2x128xi32, #tpu.memory_space<hbm>> -> memref<2x128xi32, #tpu.memory_space<hbm>>
      %dma_wait3A_221 = arith.constant 0 : i32
      %dma_wait3A_222 = arith.constant 0 : i32
      %dma_wait3A_223 = tpu.memref_slice %arg3[%add3A, %run_scoped3A, %dma_wait3A_221, %dma_wait3A_222] : memref<32x80x2x128xi32, #tpu.memory_space<hbm>> -> memref<1x1x2x128xi32, #tpu.memory_space<hbm>>
      %dma_wait3A_224 = tpu.memref_squeeze %dma_wait3A_223 : memref<1x1x2x128xi32, #tpu.memory_space<hbm>> -> memref<2x128xi32, #tpu.memory_space<hbm>>
      tpu.wait_dma2 semaphore(%run_scoped3A_208 : memref<!tpu.dma_semaphore, #tpu.memory_space<semaphore_mem>>) src(%dma_wait3A_224 : memref<2x128xi32, #tpu.memory_space<hbm>>) dst(%arg6 : memref<2x128xi32, #tpu.memory_space<vmem>>)
      tpu.yield
    }) : () -> ()
    %dma_start3A = arith.constant 1 : i32
    %dma_start3A_19 = arith.constant 0 : i32
    %dma_start3A_20 = arith.constant 0 : i32
    %dma_start3A_21 = tpu.memref_slice %arg3[%add3A, %dma_start3A, %dma_start3A_19, %dma_start3A_20] : memref<32x80x2x128xi32, #tpu.memory_space<hbm>> -> memref<1x1x2x128xi32, #tpu.memory_space<hbm>>
    %dma_start3A_22 = tpu.memref_squeeze %dma_start3A_21 : memref<1x1x2x128xi32, #tpu.memory_space<hbm>> -> memref<2x128xi32, #tpu.memory_space<hbm>>
    %dma_start3A_23 = arith.constant 0 : i32
    %dma_start3A_24 = arith.constant 0 : i32
    %dma_start3A_25 = tpu.memref_slice %arg3[%add3A, %dma_start3A, %dma_start3A_23, %dma_start3A_24] : memref<32x80x2x128xi32, #tpu.memory_space<hbm>> -> memref<1x1x2x128xi32, #tpu.memory_space<hbm>>
    %dma_start3A_26 = tpu.memref_squeeze %dma_start3A_25 : memref<1x1x2x128xi32, #tpu.memory_space<hbm>> -> memref<2x128xi32, #tpu.memory_space<hbm>>
    tpu.enqueue_dma source(%dma_start3A_26 : memref<2x128xi32, #tpu.memory_space<hbm>>) target(%arg7 : memref<2x128xi32, #tpu.memory_space<vmem>>) target_semaphore(%arg13 : memref<!tpu.dma_semaphore, #tpu.memory_space<semaphore_mem>>)
    %dma_start3A_27 = arith.constant 0 : i32
    %dma_start3A_28 = arith.constant 0 : i32
    %dma_start3A_29 = tpu.memref_slice %arg6[%dma_start3A_27, %dma_start3A_28] : memref<2x128xi32, #tpu.memory_space<vmem>> -> memref<1x128xi32, #tpu.memory_space<vmem>>
    %dma_start3A_30 = tpu.memref_squeeze %dma_start3A_29 : memref<1x128xi32, #tpu.memory_space<vmem>> -> memref<128xi32, #tpu.memory_space<vmem>>
    %dma_start3A_31 = arith.constant 0 : i32
    %dma_start3A_32 = arith.constant 0 : i32
    %dma_start3A_33 = tpu.memref_slice %arg2[%dma_start3A_31, %dma_start3A_32] : memref<10000x128xf32, #tpu.memory_space<hbm>> -> memref<10000x128xf32, #tpu.memory_space<hbm>>
    tpu.enqueue_indirect_dma source(%dma_start3A_33 : memref<10000x128xf32, #tpu.memory_space<hbm>>) target(%arg8 : memref<128x128xf32, #tpu.memory_space<vmem>>) offsets(%dma_start3A_30 : memref<128xi32, #tpu.memory_space<vmem>>) semaphore(%arg10 : memref<!tpu.dma_semaphore, #tpu.memory_space<semaphore_mem>>)
    %scan3A_34 = arith.constant 0 : i32
    %scan3A_35 = arith.constant 0 : i32
    %scan3A_36 = arith.constant 39 : i32
    %scan3A_37 = arith.addi %scan3A_35, %scan3A_36 : i32
    %scan3A_38 = arith.constant 1 : i32
    scf.for %scan3A_208 = %scan3A_35 to %scan3A_37 step %scan3A_38  : i32 {
      %mul3A_209 = arith.constant 2 : i32
      %mul3A_210 = arith.muli %mul3A_209, %scan3A_208 : i32
      %dma_wait3A_211 = arith.constant 0 : i32
      %dma_wait3A_212 = arith.constant 0 : i32
      %dma_wait3A_213 = tpu.memref_slice %arg6[%dma_wait3A_211, %dma_wait3A_212] : memref<2x128xi32, #tpu.memory_space<vmem>> -> memref<1x128xi32, #tpu.memory_space<vmem>>
      %dma_wait3A_214 = tpu.memref_squeeze %dma_wait3A_213 : memref<1x128xi32, #tpu.memory_space<vmem>> -> memref<128xi32, #tpu.memory_space<vmem>>
      %dma_wait3A_215 = arith.constant 0 : i32
      %dma_wait3A_216 = arith.constant 0 : i32
      %dma_wait3A_217 = tpu.memref_slice %arg2[%dma_wait3A_215, %dma_wait3A_216] : memref<10000x128xf32, #tpu.memory_space<hbm>> -> memref<10000x128xf32, #tpu.memory_space<hbm>>
      tpu.wait_indirect_dma semaphore(%arg10 : memref<!tpu.dma_semaphore, #tpu.memory_space<semaphore_mem>>) src(%dma_wait3A_217 : memref<10000x128xf32, #tpu.memory_space<hbm>>) dst(%arg8 : memref<128x128xf32, #tpu.memory_space<vmem>>)
      %dma_wait3A_218 = arith.constant 0 : i32
      %dma_wait3A_219 = arith.constant 0 : i32
      %dma_wait3A_220 = arith.constant 0 : i32
      %dma_wait3A_221 = tpu.memref_slice %arg3[%add3A, %dma_wait3A_218, %dma_wait3A_219, %dma_wait3A_220] : memref<32x80x2x128xi32, #tpu.memory_space<hbm>> -> memref<1x1x2x128xi32, #tpu.memory_space<hbm>>
      %dma_wait3A_222 = tpu.memref_squeeze %dma_wait3A_221 : memref<1x1x2x128xi32, #tpu.memory_space<hbm>> -> memref<2x128xi32, #tpu.memory_space<hbm>>
      %dma_wait3A_223 = arith.constant 0 : i32
      %dma_wait3A_224 = arith.constant 0 : i32
      %dma_wait3A_225 = tpu.memref_slice %arg3[%add3A, %dma_wait3A_218, %dma_wait3A_223, %dma_wait3A_224] : memref<32x80x2x128xi32, #tpu.memory_space<hbm>> -> memref<1x1x2x128xi32, #tpu.memory_space<hbm>>
      %dma_wait3A_226 = tpu.memref_squeeze %dma_wait3A_225 : memref<1x1x2x128xi32, #tpu.memory_space<hbm>> -> memref<2x128xi32, #tpu.memory_space<hbm>>
      tpu.wait_dma2 semaphore(%arg13 : memref<!tpu.dma_semaphore, #tpu.memory_space<semaphore_mem>>) src(%dma_wait3A_226 : memref<2x128xi32, #tpu.memory_space<hbm>>) dst(%arg7 : memref<2x128xi32, #tpu.memory_space<vmem>>)
      %dma_start3A_227 = arith.constant 0 : i32
      %dma_start3A_228 = arith.constant 0 : i32
      %dma_start3A_229 = tpu.memref_slice %arg7[%dma_start3A_227, %dma_start3A_228] : memref<2x128xi32, #tpu.memory_space<vmem>> -> memref<1x128xi32, #tpu.memory_space<vmem>>
      %dma_start3A_230 = tpu.memref_squeeze %dma_start3A_229 : memref<1x128xi32, #tpu.memory_space<vmem>> -> memref<128xi32, #tpu.memory_space<vmem>>
      %dma_start3A_231 = arith.constant 0 : i32
      %dma_start3A_232 = arith.constant 0 : i32
      %dma_start3A_233 = tpu.memref_slice %arg2[%dma_start3A_231, %dma_start3A_232] : memref<10000x128xf32, #tpu.memory_space<hbm>> -> memref<10000x128xf32, #tpu.memory_space<hbm>>
      tpu.enqueue_indirect_dma source(%dma_start3A_233 : memref<10000x128xf32, #tpu.memory_space<hbm>>) target(%arg9 : memref<128x128xf32, #tpu.memory_space<vmem>>) offsets(%dma_start3A_230 : memref<128xi32, #tpu.memory_space<vmem>>) semaphore(%arg11 : memref<!tpu.dma_semaphore, #tpu.memory_space<semaphore_mem>>)
      %run_scoped3A_234 = arith.constant 1 : i32
      "tpu.region"() ({
        %run_scoped3A_279 = tpu.sem_alloc : memref<!tpu.dma_semaphore, #tpu.memory_space<semaphore_mem>>
        %dma_start3A_280 = arith.constant 0 : i32
        %dma_start3A_281 = tpu.memref_slice %arg6[%run_scoped3A_234, %dma_start3A_280] : memref<2x128xi32, #tpu.memory_space<vmem>> -> memref<1x128xi32, #tpu.memory_space<vmem>>
        %dma_start3A_282 = tpu.memref_squeeze %dma_start3A_281 : memref<1x128xi32, #tpu.memory_space<vmem>> -> memref<128xi32, #tpu.memory_space<vmem>>
        %dma_start3A_283 = arith.constant 0 : i32
        %dma_start3A_284 = arith.constant 0 : i32
        %dma_start3A_285 = tpu.memref_slice %arg5[%dma_start3A_283, %dma_start3A_284] : memref<10112x128xf32, #tpu.memory_space<vmem_shared>> -> memref<10112x128xf32, #tpu.memory_space<vmem_shared>>
        tpu.enqueue_indirect_dma source(%arg8 : memref<128x128xf32, #tpu.memory_space<vmem>>) target(%dma_start3A_285 : memref<10112x128xf32, #tpu.memory_space<vmem_shared>>) offsets(%dma_start3A_282 : memref<128xi32, #tpu.memory_space<vmem>>) semaphore(%run_scoped3A_279 : memref<!tpu.dma_semaphore, #tpu.memory_space<semaphore_mem>>) {add = true}
        %dma_wait3A_286 = arith.constant 0 : i32
        %dma_wait3A_287 = tpu.memref_slice %arg6[%run_scoped3A_234, %dma_wait3A_286] : memref<2x128xi32, #tpu.memory_space<vmem>> -> memref<1x128xi32, #tpu.memory_space<vmem>>
        %dma_wait3A_288 = tpu.memref_squeeze %dma_wait3A_287 : memref<1x128xi32, #tpu.memory_space<vmem>> -> memref<128xi32, #tpu.memory_space<vmem>>
        %dma_wait3A_289 = arith.constant 0 : i32
        %dma_wait3A_290 = arith.constant 0 : i32
        %dma_wait3A_291 = tpu.memref_slice %arg5[%dma_wait3A_289, %dma_wait3A_290] : memref<10112x128xf32, #tpu.memory_space<vmem_shared>> -> memref<10112x128xf32, #tpu.memory_space<vmem_shared>>
        tpu.wait_indirect_dma semaphore(%run_scoped3A_279 : memref<!tpu.dma_semaphore, #tpu.memory_space<semaphore_mem>>) src(%arg8 : memref<128x128xf32, #tpu.memory_space<vmem>>) dst(%dma_wait3A_291 : memref<10112x128xf32, #tpu.memory_space<vmem_shared>>)
        tpu.yield
      }) : () -> ()
      %add3A_235 = arith.constant 2 : i32
      %add3A_236 = arith.addi %mul3A_210, %add3A_235 : i32
      %dma_start3A_237 = arith.constant 0 : i32
      %dma_start3A_238 = arith.constant 0 : i32
      %dma_start3A_239 = tpu.memref_slice %arg3[%add3A, %add3A_236, %dma_start3A_237, %dma_start3A_238] : memref<32x80x2x128xi32, #tpu.memory_space<hbm>> -> memref<1x1x2x128xi32, #tpu.memory_space<hbm>>
      %dma_start3A_240 = tpu.memref_squeeze %dma_start3A_239 : memref<1x1x2x128xi32, #tpu.memory_space<hbm>> -> memref<2x128xi32, #tpu.memory_space<hbm>>
      %dma_start3A_241 = arith.constant 0 : i32
      %dma_start3A_242 = arith.constant 0 : i32
      %dma_start3A_243 = tpu.memref_slice %arg3[%add3A, %add3A_236, %dma_start3A_241, %dma_start3A_242] : memref<32x80x2x128xi32, #tpu.memory_space<hbm>> -> memref<1x1x2x128xi32, #tpu.memory_space<hbm>>
      %dma_start3A_244 = tpu.memref_squeeze %dma_start3A_243 : memref<1x1x2x128xi32, #tpu.memory_space<hbm>> -> memref<2x128xi32, #tpu.memory_space<hbm>>
      tpu.enqueue_dma source(%dma_start3A_244 : memref<2x128xi32, #tpu.memory_space<hbm>>) target(%arg6 : memref<2x128xi32, #tpu.memory_space<vmem>>) target_semaphore(%arg12 : memref<!tpu.dma_semaphore, #tpu.memory_space<semaphore_mem>>)
      %dma_wait3A_245 = arith.constant 0 : i32
      %dma_wait3A_246 = arith.constant 0 : i32
      %dma_wait3A_247 = tpu.memref_slice %arg7[%dma_wait3A_245, %dma_wait3A_246] : memref<2x128xi32, #tpu.memory_space<vmem>> -> memref<1x128xi32, #tpu.memory_space<vmem>>
      %dma_wait3A_248 = tpu.memref_squeeze %dma_wait3A_247 : memref<1x128xi32, #tpu.memory_space<vmem>> -> memref<128xi32, #tpu.memory_space<vmem>>
      %dma_wait3A_249 = arith.constant 0 : i32
      %dma_wait3A_250 = arith.constant 0 : i32
      %dma_wait3A_251 = tpu.memref_slice %arg2[%dma_wait3A_249, %dma_wait3A_250] : memref<10000x128xf32, #tpu.memory_space<hbm>> -> memref<10000x128xf32, #tpu.memory_space<hbm>>
      tpu.wait_indirect_dma semaphore(%arg11 : memref<!tpu.dma_semaphore, #tpu.memory_space<semaphore_mem>>) src(%dma_wait3A_251 : memref<10000x128xf32, #tpu.memory_space<hbm>>) dst(%arg9 : memref<128x128xf32, #tpu.memory_space<vmem>>)
      %dma_wait3A_252 = arith.constant 0 : i32
      %dma_wait3A_253 = arith.constant 0 : i32
      %dma_wait3A_254 = arith.constant 0 : i32
      %dma_wait3A_255 = tpu.memref_slice %arg3[%add3A, %dma_wait3A_252, %dma_wait3A_253, %dma_wait3A_254] : memref<32x80x2x128xi32, #tpu.memory_space<hbm>> -> memref<1x1x2x128xi32, #tpu.memory_space<hbm>>
      %dma_wait3A_256 = tpu.memref_squeeze %dma_wait3A_255 : memref<1x1x2x128xi32, #tpu.memory_space<hbm>> -> memref<2x128xi32, #tpu.memory_space<hbm>>
      %dma_wait3A_257 = arith.constant 0 : i32
      %dma_wait3A_258 = arith.constant 0 : i32
      %dma_wait3A_259 = tpu.memref_slice %arg3[%add3A, %dma_wait3A_252, %dma_wait3A_257, %dma_wait3A_258] : memref<32x80x2x128xi32, #tpu.memory_space<hbm>> -> memref<1x1x2x128xi32, #tpu.memory_space<hbm>>
      %dma_wait3A_260 = tpu.memref_squeeze %dma_wait3A_259 : memref<1x1x2x128xi32, #tpu.memory_space<hbm>> -> memref<2x128xi32, #tpu.memory_space<hbm>>
      tpu.wait_dma2 semaphore(%arg12 : memref<!tpu.dma_semaphore, #tpu.memory_space<semaphore_mem>>) src(%dma_wait3A_260 : memref<2x128xi32, #tpu.memory_space<hbm>>) dst(%arg6 : memref<2x128xi32, #tpu.memory_space<vmem>>)
      %dma_start3A_261 = arith.constant 0 : i32
      %dma_start3A_262 = arith.constant 0 : i32
      %dma_start3A_263 = tpu.memref_slice %arg6[%dma_start3A_261, %dma_start3A_262] : memref<2x128xi32, #tpu.memory_space<vmem>> -> memref<1x128xi32, #tpu.memory_space<vmem>>
      %dma_start3A_264 = tpu.memref_squeeze %dma_start3A_263 : memref<1x128xi32, #tpu.memory_space<vmem>> -> memref<128xi32, #tpu.memory_space<vmem>>
      %dma_start3A_265 = arith.constant 0 : i32
      %dma_start3A_266 = arith.constant 0 : i32
      %dma_start3A_267 = tpu.memref_slice %arg2[%dma_start3A_265, %dma_start3A_266] : memref<10000x128xf32, #tpu.memory_space<hbm>> -> memref<10000x128xf32, #tpu.memory_space<hbm>>
      tpu.enqueue_indirect_dma source(%dma_start3A_267 : memref<10000x128xf32, #tpu.memory_space<hbm>>) target(%arg8 : memref<128x128xf32, #tpu.memory_space<vmem>>) offsets(%dma_start3A_264 : memref<128xi32, #tpu.memory_space<vmem>>) semaphore(%arg10 : memref<!tpu.dma_semaphore, #tpu.memory_space<semaphore_mem>>)
      %run_scoped3A_268 = arith.constant 1 : i32
      "tpu.region"() ({
        %run_scoped3A_279 = tpu.sem_alloc : memref<!tpu.dma_semaphore, #tpu.memory_space<semaphore_mem>>
        %dma_start3A_280 = arith.constant 0 : i32
        %dma_start3A_281 = tpu.memref_slice %arg7[%run_scoped3A_268, %dma_start3A_280] : memref<2x128xi32, #tpu.memory_space<vmem>> -> memref<1x128xi32, #tpu.memory_space<vmem>>
        %dma_start3A_282 = tpu.memref_squeeze %dma_start3A_281 : memref<1x128xi32, #tpu.memory_space<vmem>> -> memref<128xi32, #tpu.memory_space<vmem>>
        %dma_start3A_283 = arith.constant 0 : i32
        %dma_start3A_284 = arith.constant 0 : i32
        %dma_start3A_285 = tpu.memref_slice %arg5[%dma_start3A_283, %dma_start3A_284] : memref<10112x128xf32, #tpu.memory_space<vmem_shared>> -> memref<10112x128xf32, #tpu.memory_space<vmem_shared>>
        tpu.enqueue_indirect_dma source(%arg9 : memref<128x128xf32, #tpu.memory_space<vmem>>) target(%dma_start3A_285 : memref<10112x128xf32, #tpu.memory_space<vmem_shared>>) offsets(%dma_start3A_282 : memref<128xi32, #tpu.memory_space<vmem>>) semaphore(%run_scoped3A_279 : memref<!tpu.dma_semaphore, #tpu.memory_space<semaphore_mem>>) {add = true}
        %dma_wait3A_286 = arith.constant 0 : i32
        %dma_wait3A_287 = tpu.memref_slice %arg7[%run_scoped3A_268, %dma_wait3A_286] : memref<2x128xi32, #tpu.memory_space<vmem>> -> memref<1x128xi32, #tpu.memory_space<vmem>>
        %dma_wait3A_288 = tpu.memref_squeeze %dma_wait3A_287 : memref<1x128xi32, #tpu.memory_space<vmem>> -> memref<128xi32, #tpu.memory_space<vmem>>
        %dma_wait3A_289 = arith.constant 0 : i32
        %dma_wait3A_290 = arith.constant 0 : i32
        %dma_wait3A_291 = tpu.memref_slice %arg5[%dma_wait3A_289, %dma_wait3A_290] : memref<10112x128xf32, #tpu.memory_space<vmem_shared>> -> memref<10112x128xf32, #tpu.memory_space<vmem_shared>>
        tpu.wait_indirect_dma semaphore(%run_scoped3A_279 : memref<!tpu.dma_semaphore, #tpu.memory_space<semaphore_mem>>) src(%arg9 : memref<128x128xf32, #tpu.memory_space<vmem>>) dst(%dma_wait3A_291 : memref<10112x128xf32, #tpu.memory_space<vmem_shared>>)
        tpu.yield
      }) : () -> ()
      %add3A_269 = arith.constant 3 : i32
      %add3A_270 = arith.addi %mul3A_210, %add3A_269 : i32
      %dma_start3A_271 = arith.constant 0 : i32
      %dma_start3A_272 = arith.constant 0 : i32
      %dma_start3A_273 = tpu.memref_slice %arg3[%add3A, %add3A_270, %dma_start3A_271, %dma_start3A_272] : memref<32x80x2x128xi32, #tpu.memory_space<hbm>> -> memref<1x1x2x128xi32, #tpu.memory_space<hbm>>
      %dma_start3A_274 = tpu.memref_squeeze %dma_start3A_273 : memref<1x1x2x128xi32, #tpu.memory_space<hbm>> -> memref<2x128xi32, #tpu.memory_space<hbm>>
      %dma_start3A_275 = arith.constant 0 : i32
      %dma_start3A_276 = arith.constant 0 : i32
      %dma_start3A_277 = tpu.memref_slice %arg3[%add3A, %add3A_270, %dma_start3A_275, %dma_start3A_276] : memref<32x80x2x128xi32, #tpu.memory_space<hbm>> -> memref<1x1x2x128xi32, #tpu.memory_space<hbm>>
      %dma_start3A_278 = tpu.memref_squeeze %dma_start3A_277 : memref<1x1x2x128xi32, #tpu.memory_space<hbm>> -> memref<2x128xi32, #tpu.memory_space<hbm>>
      tpu.enqueue_dma source(%dma_start3A_278 : memref<2x128xi32, #tpu.memory_space<hbm>>) target(%arg7 : memref<2x128xi32, #tpu.memory_space<vmem>>) target_semaphore(%arg13 : memref<!tpu.dma_semaphore, #tpu.memory_space<semaphore_mem>>)
    }
    %scan3A_39 = arith.constant 39 : i32
    %dma_wait3A = arith.constant 0 : i32
    %dma_wait3A_40 = arith.constant 0 : i32
    %dma_wait3A_41 = tpu.memref_slice %arg6[%dma_wait3A, %dma_wait3A_40] : memref<2x128xi32, #tpu.memory_space<vmem>> -> memref<1x128xi32, #tpu.memory_space<vmem>>
    %dma_wait3A_42 = tpu.memref_squeeze %dma_wait3A_41 : memref<1x128xi32, #tpu.memory_space<vmem>> -> memref<128xi32, #tpu.memory_space<vmem>>
    %dma_wait3A_43 = arith.constant 0 : i32
    %dma_wait3A_44 = arith.constant 0 : i32
    %dma_wait3A_45 = tpu.memref_slice %arg2[%dma_wait3A_43, %dma_wait3A_44] : memref<10000x128xf32, #tpu.memory_space<hbm>> -> memref<10000x128xf32, #tpu.memory_space<hbm>>
    tpu.wait_indirect_dma semaphore(%arg10 : memref<!tpu.dma_semaphore, #tpu.memory_space<semaphore_mem>>) src(%dma_wait3A_45 : memref<10000x128xf32, #tpu.memory_space<hbm>>) dst(%arg8 : memref<128x128xf32, #tpu.memory_space<vmem>>)
    %run_scoped3A_46 = arith.constant 1 : i32
    "tpu.region"() ({
      %run_scoped3A_208 = tpu.sem_alloc : memref<!tpu.dma_semaphore, #tpu.memory_space<semaphore_mem>>
      %dma_start3A_209 = arith.constant 0 : i32
      %dma_start3A_210 = tpu.memref_slice %arg6[%run_scoped3A_46, %dma_start3A_209] : memref<2x128xi32, #tpu.memory_space<vmem>> -> memref<1x128xi32, #tpu.memory_space<vmem>>
      %dma_start3A_211 = tpu.memref_squeeze %dma_start3A_210 : memref<1x128xi32, #tpu.memory_space<vmem>> -> memref<128xi32, #tpu.memory_space<vmem>>
      %dma_start3A_212 = arith.constant 0 : i32
      %dma_start3A_213 = arith.constant 0 : i32
      %dma_start3A_214 = tpu.memref_slice %arg5[%dma_start3A_212, %dma_start3A_213] : memref<10112x128xf32, #tpu.memory_space<vmem_shared>> -> memref<10112x128xf32, #tpu.memory_space<vmem_shared>>
      tpu.enqueue_indirect_dma source(%arg8 : memref<128x128xf32, #tpu.memory_space<vmem>>) target(%dma_start3A_214 : memref<10112x128xf32, #tpu.memory_space<vmem_shared>>) offsets(%dma_start3A_211 : memref<128xi32, #tpu.memory_space<vmem>>) semaphore(%run_scoped3A_208 : memref<!tpu.dma_semaphore, #tpu.memory_space<semaphore_mem>>) {add = true}
      %dma_wait3A_215 = arith.constant 0 : i32
      %dma_wait3A_216 = tpu.memref_slice %arg6[%run_scoped3A_46, %dma_wait3A_215] : memref<2x128xi32, #tpu.memory_space<vmem>> -> memref<1x128xi32, #tpu.memory_space<vmem>>
      %dma_wait3A_217 = tpu.memref_squeeze %dma_wait3A_216 : memref<1x128xi32, #tpu.memory_space<vmem>> -> memref<128xi32, #tpu.memory_space<vmem>>
      %dma_wait3A_218 = arith.constant 0 : i32
      %dma_wait3A_219 = arith.constant 0 : i32
      %dma_wait3A_220 = tpu.memref_slice %arg5[%dma_wait3A_218, %dma_wait3A_219] : memref<10112x128xf32, #tpu.memory_space<vmem_shared>> -> memref<10112x128xf32, #tpu.memory_space<vmem_shared>>
      tpu.wait_indirect_dma semaphore(%run_scoped3A_208 : memref<!tpu.dma_semaphore, #tpu.memory_space<semaphore_mem>>) src(%arg8 : memref<128x128xf32, #tpu.memory_space<vmem>>) dst(%dma_wait3A_220 : memref<10112x128xf32, #tpu.memory_space<vmem_shared>>)
      tpu.yield
    }) : () -> ()
    %dma_wait3A_47 = arith.constant 0 : i32
    %dma_wait3A_48 = arith.constant 0 : i32
    %dma_wait3A_49 = arith.constant 0 : i32
    %dma_wait3A_50 = tpu.memref_slice %arg3[%add3A, %dma_wait3A_47, %dma_wait3A_48, %dma_wait3A_49] : memref<32x80x2x128xi32, #tpu.memory_space<hbm>> -> memref<1x1x2x128xi32, #tpu.memory_space<hbm>>
    %dma_wait3A_51 = tpu.memref_squeeze %dma_wait3A_50 : memref<1x1x2x128xi32, #tpu.memory_space<hbm>> -> memref<2x128xi32, #tpu.memory_space<hbm>>
    %dma_wait3A_52 = arith.constant 0 : i32
    %dma_wait3A_53 = arith.constant 0 : i32
    %dma_wait3A_54 = tpu.memref_slice %arg3[%add3A, %dma_wait3A_47, %dma_wait3A_52, %dma_wait3A_53] : memref<32x80x2x128xi32, #tpu.memory_space<hbm>> -> memref<1x1x2x128xi32, #tpu.memory_space<hbm>>
    %dma_wait3A_55 = tpu.memref_squeeze %dma_wait3A_54 : memref<1x1x2x128xi32, #tpu.memory_space<hbm>> -> memref<2x128xi32, #tpu.memory_space<hbm>>
    tpu.wait_dma2 semaphore(%arg13 : memref<!tpu.dma_semaphore, #tpu.memory_space<semaphore_mem>>) src(%dma_wait3A_55 : memref<2x128xi32, #tpu.memory_space<hbm>>) dst(%arg7 : memref<2x128xi32, #tpu.memory_space<vmem>>)
    %run_scoped3A_56 = arith.constant 1 : i32
    "tpu.region"() ({
      %run_scoped3A_208 = tpu.sem_alloc : memref<!tpu.dma_semaphore, #tpu.memory_space<semaphore_mem>>
      %dma_start3A_209 = arith.constant 0 : i32
      %dma_start3A_210 = tpu.memref_slice %arg6[%run_scoped3A_56, %dma_start3A_209] : memref<2x128xi32, #tpu.memory_space<vmem>> -> memref<1x128xi32, #tpu.memory_space<vmem>>
      %dma_start3A_211 = tpu.memref_squeeze %dma_start3A_210 : memref<1x128xi32, #tpu.memory_space<vmem>> -> memref<128xi32, #tpu.memory_space<vmem>>
      %dma_start3A_212 = arith.constant 0 : i32
      %dma_start3A_213 = arith.constant 0 : i32
      %dma_start3A_214 = tpu.memref_slice %arg5[%dma_start3A_212, %dma_start3A_213] : memref<10112x128xf32, #tpu.memory_space<vmem_shared>> -> memref<10112x128xf32, #tpu.memory_space<vmem_shared>>
      tpu.enqueue_indirect_dma source(%dma_start3A_214 : memref<10112x128xf32, #tpu.memory_space<vmem_shared>>) target(%arg9 : memref<128x128xf32, #tpu.memory_space<vmem>>) offsets(%dma_start3A_211 : memref<128xi32, #tpu.memory_space<vmem>>) semaphore(%run_scoped3A_208 : memref<!tpu.dma_semaphore, #tpu.memory_space<semaphore_mem>>)
      %dma_wait3A_215 = arith.constant 0 : i32
      %dma_wait3A_216 = tpu.memref_slice %arg6[%run_scoped3A_56, %dma_wait3A_215] : memref<2x128xi32, #tpu.memory_space<vmem>> -> memref<1x128xi32, #tpu.memory_space<vmem>>
      %dma_wait3A_217 = tpu.memref_squeeze %dma_wait3A_216 : memref<1x128xi32, #tpu.memory_space<vmem>> -> memref<128xi32, #tpu.memory_space<vmem>>
      %dma_wait3A_218 = arith.constant 0 : i32
      %dma_wait3A_219 = arith.constant 0 : i32
      %dma_wait3A_220 = tpu.memref_slice %arg5[%dma_wait3A_218, %dma_wait3A_219] : memref<10112x128xf32, #tpu.memory_space<vmem_shared>> -> memref<10112x128xf32, #tpu.memory_space<vmem_shared>>
      tpu.wait_indirect_dma semaphore(%run_scoped3A_208 : memref<!tpu.dma_semaphore, #tpu.memory_space<semaphore_mem>>) src(%dma_wait3A_220 : memref<10112x128xf32, #tpu.memory_space<vmem_shared>>) dst(%arg9 : memref<128x128xf32, #tpu.memory_space<vmem>>)
      tpu.yield
    }) : () -> ()
    %barrier3A_57 = arith.constant 0 : index
    tpu.barrier barrier_id(%barrier3A_57)
    %add3A_58 = arith.constant 0 : i32
    %add3A_59 = arith.addi %mul3A_2, %add3A_58 : i32
    "tpu.region"() ({
      %run_scoped3A_208 = tpu.sem_alloc : memref<!tpu.dma_semaphore, #tpu.memory_space<semaphore_mem>>
      %dma_start3A_209 = arith.constant 0 : i32
      %dma_start3A_210 = arith.constant 0 : i32
      %dma_start3A_211 = tpu.memref_slice %arg8[%dma_start3A_209, %dma_start3A_210] : memref<128x128xf32, #tpu.memory_space<vmem>> -> memref<128x128xf32, #tpu.memory_space<vmem>>
      %dma_start3A_212 = arith.constant 0 : i32
      %dma_start3A_213 = tpu.memref_slice %arg5[%add3A_59, %dma_start3A_212] : memref<10112x128xf32, #tpu.memory_space<vmem_shared>> -> memref<128x128xf32, #tpu.memory_space<vmem_shared>>
      %dma_start3A_214 = arith.constant 0 : i32
      %dma_start3A_215 = arith.constant 0 : i32
      %dma_start3A_216 = tpu.memref_slice %arg8[%dma_start3A_214, %dma_start3A_215] : memref<128x128xf32, #tpu.memory_space<vmem>> -> memref<128x128xf32, #tpu.memory_space<vmem>>
      %dma_start3A_217 = arith.constant 0 : i32
      %dma_start3A_218 = tpu.memref_slice %arg5[%add3A_59, %dma_start3A_217] : memref<10112x128xf32, #tpu.memory_space<vmem_shared>> -> memref<128x128xf32, #tpu.memory_space<vmem_shared>>
      tpu.enqueue_dma source(%dma_start3A_218 : memref<128x128xf32, #tpu.memory_space<vmem_shared>>) target(%dma_start3A_216 : memref<128x128xf32, #tpu.memory_space<vmem>>) target_semaphore(%run_scoped3A_208 : memref<!tpu.dma_semaphore, #tpu.memory_space<semaphore_mem>>)
      %dma_wait3A_219 = arith.constant 0 : i32
      %dma_wait3A_220 = arith.constant 0 : i32
      %dma_wait3A_221 = tpu.memref_slice %arg8[%dma_wait3A_219, %dma_wait3A_220] : memref<128x128xf32, #tpu.memory_space<vmem>> -> memref<128x128xf32, #tpu.memory_space<vmem>>
      %dma_wait3A_222 = arith.constant 0 : i32
      %dma_wait3A_223 = tpu.memref_slice %arg5[%add3A_59, %dma_wait3A_222] : memref<10112x128xf32, #tpu.memory_space<vmem_shared>> -> memref<128x128xf32, #tpu.memory_space<vmem_shared>>
      %dma_wait3A_224 = arith.constant 0 : i32
      %dma_wait3A_225 = arith.constant 0 : i32
      %dma_wait3A_226 = tpu.memref_slice %arg8[%dma_wait3A_224, %dma_wait3A_225] : memref<128x128xf32, #tpu.memory_space<vmem>> -> memref<128x128xf32, #tpu.memory_space<vmem>>
      %dma_wait3A_227 = arith.constant 0 : i32
      %dma_wait3A_228 = tpu.memref_slice %arg5[%add3A_59, %dma_wait3A_227] : memref<10112x128xf32, #tpu.memory_space<vmem_shared>> -> memref<128x128xf32, #tpu.memory_space<vmem_shared>>
      tpu.wait_dma2 semaphore(%run_scoped3A_208 : memref<!tpu.dma_semaphore, #tpu.memory_space<semaphore_mem>>) src(%dma_wait3A_228 : memref<128x128xf32, #tpu.memory_space<vmem_shared>>) dst(%dma_wait3A_226 : memref<128x128xf32, #tpu.memory_space<vmem>>)
      tpu.yield
    }) : () -> ()
    %add3A_60 = arith.constant 0 : i32
    %add3A_61 = arith.addi %mul3A_2, %add3A_60 : i32
    %dma_start3A_62 = arith.constant 0 : i32
    %dma_start3A_63 = arith.constant 0 : i32
    %dma_start3A_64 = tpu.memref_slice %arg8[%dma_start3A_62, %dma_start3A_63] : memref<128x128xf32, #tpu.memory_space<vmem>> -> memref<128x128xf32, #tpu.memory_space<vmem>>
    %dma_start3A_65 = arith.constant 0 : i32
    %dma_start3A_66 = tpu.memref_slice %arg4[%arg0, %add3A_61, %dma_start3A_65] : memref<2x10112x128xf32, #tpu.memory_space<hbm>> -> memref<1x128x128xf32, #tpu.memory_space<hbm>>
    %dma_start3A_67 = tpu.memref_squeeze %dma_start3A_66 : memref<1x128x128xf32, #tpu.memory_space<hbm>> -> memref<128x128xf32, #tpu.memory_space<hbm>>
    %dma_start3A_68 = arith.constant 0 : i32
    %dma_start3A_69 = tpu.memref_slice %arg4[%arg0, %add3A_61, %dma_start3A_68] : memref<2x10112x128xf32, #tpu.memory_space<hbm>> -> memref<1x128x128xf32, #tpu.memory_space<hbm>>
    %dma_start3A_70 = tpu.memref_squeeze %dma_start3A_69 : memref<1x128x128xf32, #tpu.memory_space<hbm>> -> memref<128x128xf32, #tpu.memory_space<hbm>>
    %dma_start3A_71 = arith.constant 0 : i32
    %dma_start3A_72 = arith.constant 0 : i32
    %dma_start3A_73 = tpu.memref_slice %arg8[%dma_start3A_71, %dma_start3A_72] : memref<128x128xf32, #tpu.memory_space<vmem>> -> memref<128x128xf32, #tpu.memory_space<vmem>>
    tpu.enqueue_dma source(%dma_start3A_73 : memref<128x128xf32, #tpu.memory_space<vmem>>) target(%dma_start3A_70 : memref<128x128xf32, #tpu.memory_space<hbm>>) target_semaphore(%arg10 : memref<!tpu.dma_semaphore, #tpu.memory_space<semaphore_mem>>)
    %add3A_74 = arith.constant 128 : i32
    %add3A_75 = arith.addi %mul3A_2, %add3A_74 : i32
    "tpu.region"() ({
      %run_scoped3A_208 = tpu.sem_alloc : memref<!tpu.dma_semaphore, #tpu.memory_space<semaphore_mem>>
      %dma_start3A_209 = arith.constant 0 : i32
      %dma_start3A_210 = arith.constant 0 : i32
      %dma_start3A_211 = tpu.memref_slice %arg9[%dma_start3A_209, %dma_start3A_210] : memref<128x128xf32, #tpu.memory_space<vmem>> -> memref<128x128xf32, #tpu.memory_space<vmem>>
      %dma_start3A_212 = arith.constant 0 : i32
      %dma_start3A_213 = tpu.memref_slice %arg5[%add3A_75, %dma_start3A_212] : memref<10112x128xf32, #tpu.memory_space<vmem_shared>> -> memref<128x128xf32, #tpu.memory_space<vmem_shared>>
      %dma_start3A_214 = arith.constant 0 : i32
      %dma_start3A_215 = arith.constant 0 : i32
      %dma_start3A_216 = tpu.memref_slice %arg9[%dma_start3A_214, %dma_start3A_215] : memref<128x128xf32, #tpu.memory_space<vmem>> -> memref<128x128xf32, #tpu.memory_space<vmem>>
      %dma_start3A_217 = arith.constant 0 : i32
      %dma_start3A_218 = tpu.memref_slice %arg5[%add3A_75, %dma_start3A_217] : memref<10112x128xf32, #tpu.memory_space<vmem_shared>> -> memref<128x128xf32, #tpu.memory_space<vmem_shared>>
      tpu.enqueue_dma source(%dma_start3A_218 : memref<128x128xf32, #tpu.memory_space<vmem_shared>>) target(%dma_start3A_216 : memref<128x128xf32, #tpu.memory_space<vmem>>) target_semaphore(%run_scoped3A_208 : memref<!tpu.dma_semaphore, #tpu.memory_space<semaphore_mem>>)
      %dma_wait3A_219 = arith.constant 0 : i32
      %dma_wait3A_220 = arith.constant 0 : i32
      %dma_wait3A_221 = tpu.memref_slice %arg9[%dma_wait3A_219, %dma_wait3A_220] : memref<128x128xf32, #tpu.memory_space<vmem>> -> memref<128x128xf32, #tpu.memory_space<vmem>>
      %dma_wait3A_222 = arith.constant 0 : i32
      %dma_wait3A_223 = tpu.memref_slice %arg5[%add3A_75, %dma_wait3A_222] : memref<10112x128xf32, #tpu.memory_space<vmem_shared>> -> memref<128x128xf32, #tpu.memory_space<vmem_shared>>
      %dma_wait3A_224 = arith.constant 0 : i32
      %dma_wait3A_225 = arith.constant 0 : i32
      %dma_wait3A_226 = tpu.memref_slice %arg9[%dma_wait3A_224, %dma_wait3A_225] : memref<128x128xf32, #tpu.memory_space<vmem>> -> memref<128x128xf32, #tpu.memory_space<vmem>>
      %dma_wait3A_227 = arith.constant 0 : i32
      %dma_wait3A_228 = tpu.memref_slice %arg5[%add3A_75, %dma_wait3A_227] : memref<10112x128xf32, #tpu.memory_space<vmem_shared>> -> memref<128x128xf32, #tpu.memory_space<vmem_shared>>
      tpu.wait_dma2 semaphore(%run_scoped3A_208 : memref<!tpu.dma_semaphore, #tpu.memory_space<semaphore_mem>>) src(%dma_wait3A_228 : memref<128x128xf32, #tpu.memory_space<vmem_shared>>) dst(%dma_wait3A_226 : memref<128x128xf32, #tpu.memory_space<vmem>>)
      tpu.yield
    }) : () -> ()
    %add3A_76 = arith.constant 128 : i32
    %add3A_77 = arith.addi %mul3A_2, %add3A_76 : i32
    %dma_start3A_78 = arith.constant 0 : i32
    %dma_start3A_79 = arith.constant 0 : i32
    %dma_start3A_80 = tpu.memref_slice %arg9[%dma_start3A_78, %dma_start3A_79] : memref<128x128xf32, #tpu.memory_space<vmem>> -> memref<128x128xf32, #tpu.memory_space<vmem>>
    %dma_start3A_81 = arith.constant 0 : i32
    %dma_start3A_82 = tpu.memref_slice %arg4[%arg0, %add3A_77, %dma_start3A_81] : memref<2x10112x128xf32, #tpu.memory_space<hbm>> -> memref<1x128x128xf32, #tpu.memory_space<hbm>>
    %dma_start3A_83 = tpu.memref_squeeze %dma_start3A_82 : memref<1x128x128xf32, #tpu.memory_space<hbm>> -> memref<128x128xf32, #tpu.memory_space<hbm>>
    %dma_start3A_84 = arith.constant 0 : i32
    %dma_start3A_85 = tpu.memref_slice %arg4[%arg0, %add3A_77, %dma_start3A_84] : memref<2x10112x128xf32, #tpu.memory_space<hbm>> -> memref<1x128x128xf32, #tpu.memory_space<hbm>>
    %dma_start3A_86 = tpu.memref_squeeze %dma_start3A_85 : memref<1x128x128xf32, #tpu.memory_space<hbm>> -> memref<128x128xf32, #tpu.memory_space<hbm>>
    %dma_start3A_87 = arith.constant 0 : i32
    %dma_start3A_88 = arith.constant 0 : i32
    %dma_start3A_89 = tpu.memref_slice %arg9[%dma_start3A_87, %dma_start3A_88] : memref<128x128xf32, #tpu.memory_space<vmem>> -> memref<128x128xf32, #tpu.memory_space<vmem>>
    tpu.enqueue_dma source(%dma_start3A_89 : memref<128x128xf32, #tpu.memory_space<vmem>>) target(%dma_start3A_86 : memref<128x128xf32, #tpu.memory_space<hbm>>) target_semaphore(%arg11 : memref<!tpu.dma_semaphore, #tpu.memory_space<semaphore_mem>>)
    %add3A_90 = arith.constant 0 : i32
    %add3A_91 = arith.addi %mul3A_2, %add3A_90 : i32
    %dma_wait3A_92 = arith.constant 0 : i32
    %dma_wait3A_93 = arith.constant 0 : i32
    %dma_wait3A_94 = tpu.memref_slice %arg8[%dma_wait3A_92, %dma_wait3A_93] : memref<128x128xf32, #tpu.memory_space<vmem>> -> memref<128x128xf32, #tpu.memory_space<vmem>>
    %dma_wait3A_95 = arith.constant 0 : i32
    %dma_wait3A_96 = tpu.memref_slice %arg4[%arg0, %add3A_91, %dma_wait3A_95] : memref<2x10112x128xf32, #tpu.memory_space<hbm>> -> memref<1x128x128xf32, #tpu.memory_space<hbm>>
    %dma_wait3A_97 = tpu.memref_squeeze %dma_wait3A_96 : memref<1x128x128xf32, #tpu.memory_space<hbm>> -> memref<128x128xf32, #tpu.memory_space<hbm>>
    %dma_wait3A_98 = arith.constant 0 : i32
    %dma_wait3A_99 = tpu.memref_slice %arg4[%arg0, %add3A_91, %dma_wait3A_98] : memref<2x10112x128xf32, #tpu.memory_space<hbm>> -> memref<1x128x128xf32, #tpu.memory_space<hbm>>
    %dma_wait3A_100 = tpu.memref_squeeze %dma_wait3A_99 : memref<1x128x128xf32, #tpu.memory_space<hbm>> -> memref<128x128xf32, #tpu.memory_space<hbm>>
    %dma_wait3A_101 = arith.constant 0 : i32
    %dma_wait3A_102 = arith.constant 0 : i32
    %dma_wait3A_103 = tpu.memref_slice %arg8[%dma_wait3A_101, %dma_wait3A_102] : memref<128x128xf32, #tpu.memory_space<vmem>> -> memref<128x128xf32, #tpu.memory_space<vmem>>
    tpu.wait_dma2 semaphore(%arg10 : memref<!tpu.dma_semaphore, #tpu.memory_space<semaphore_mem>>) src(%dma_wait3A_103 : memref<128x128xf32, #tpu.memory_space<vmem>>) dst(%dma_wait3A_100 : memref<128x128xf32, #tpu.memory_space<hbm>>)
    %add3A_104 = arith.constant 256 : i32
    %add3A_105 = arith.addi %mul3A_2, %add3A_104 : i32
    "tpu.region"() ({
      %run_scoped3A_208 = tpu.sem_alloc : memref<!tpu.dma_semaphore, #tpu.memory_space<semaphore_mem>>
      %dma_start3A_209 = arith.constant 0 : i32
      %dma_start3A_210 = arith.constant 0 : i32
      %dma_start3A_211 = tpu.memref_slice %arg8[%dma_start3A_209, %dma_start3A_210] : memref<128x128xf32, #tpu.memory_space<vmem>> -> memref<128x128xf32, #tpu.memory_space<vmem>>
      %dma_start3A_212 = arith.constant 0 : i32
      %dma_start3A_213 = tpu.memref_slice %arg5[%add3A_105, %dma_start3A_212] : memref<10112x128xf32, #tpu.memory_space<vmem_shared>> -> memref<128x128xf32, #tpu.memory_space<vmem_shared>>
      %dma_start3A_214 = arith.constant 0 : i32
      %dma_start3A_215 = arith.constant 0 : i32
      %dma_start3A_216 = tpu.memref_slice %arg8[%dma_start3A_214, %dma_start3A_215] : memref<128x128xf32, #tpu.memory_space<vmem>> -> memref<128x128xf32, #tpu.memory_space<vmem>>
      %dma_start3A_217 = arith.constant 0 : i32
      %dma_start3A_218 = tpu.memref_slice %arg5[%add3A_105, %dma_start3A_217] : memref<10112x128xf32, #tpu.memory_space<vmem_shared>> -> memref<128x128xf32, #tpu.memory_space<vmem_shared>>
      tpu.enqueue_dma source(%dma_start3A_218 : memref<128x128xf32, #tpu.memory_space<vmem_shared>>) target(%dma_start3A_216 : memref<128x128xf32, #tpu.memory_space<vmem>>) target_semaphore(%run_scoped3A_208 : memref<!tpu.dma_semaphore, #tpu.memory_space<semaphore_mem>>)
      %dma_wait3A_219 = arith.constant 0 : i32
      %dma_wait3A_220 = arith.constant 0 : i32
      %dma_wait3A_221 = tpu.memref_slice %arg8[%dma_wait3A_219, %dma_wait3A_220] : memref<128x128xf32, #tpu.memory_space<vmem>> -> memref<128x128xf32, #tpu.memory_space<vmem>>
      %dma_wait3A_222 = arith.constant 0 : i32
      %dma_wait3A_223 = tpu.memref_slice %arg5[%add3A_105, %dma_wait3A_222] : memref<10112x128xf32, #tpu.memory_space<vmem_shared>> -> memref<128x128xf32, #tpu.memory_space<vmem_shared>>
      %dma_wait3A_224 = arith.constant 0 : i32
      %dma_wait3A_225 = arith.constant 0 : i32
      %dma_wait3A_226 = tpu.memref_slice %arg8[%dma_wait3A_224, %dma_wait3A_225] : memref<128x128xf32, #tpu.memory_space<vmem>> -> memref<128x128xf32, #tpu.memory_space<vmem>>
      %dma_wait3A_227 = arith.constant 0 : i32
      %dma_wait3A_228 = tpu.memref_slice %arg5[%add3A_105, %dma_wait3A_227] : memref<10112x128xf32, #tpu.memory_space<vmem_shared>> -> memref<128x128xf32, #tpu.memory_space<vmem_shared>>
      tpu.wait_dma2 semaphore(%run_scoped3A_208 : memref<!tpu.dma_semaphore, #tpu.memory_space<semaphore_mem>>) src(%dma_wait3A_228 : memref<128x128xf32, #tpu.memory_space<vmem_shared>>) dst(%dma_wait3A_226 : memref<128x128xf32, #tpu.memory_space<vmem>>)
      tpu.yield
    }) : () -> ()
    %add3A_106 = arith.constant 256 : i32
    %add3A_107 = arith.addi %mul3A_2, %add3A_106 : i32
    %dma_start3A_108 = arith.constant 0 : i32
    %dma_start3A_109 = arith.constant 0 : i32
    %dma_start3A_110 = tpu.memref_slice %arg8[%dma_start3A_108, %dma_start3A_109] : memref<128x128xf32, #tpu.memory_space<vmem>> -> memref<128x128xf32, #tpu.memory_space<vmem>>
    %dma_start3A_111 = arith.constant 0 : i32
    %dma_start3A_112 = tpu.memref_slice %arg4[%arg0, %add3A_107, %dma_start3A_111] : memref<2x10112x128xf32, #tpu.memory_space<hbm>> -> memref<1x128x128xf32, #tpu.memory_space<hbm>>
    %dma_start3A_113 = tpu.memref_squeeze %dma_start3A_112 : memref<1x128x128xf32, #tpu.memory_space<hbm>> -> memref<128x128xf32, #tpu.memory_space<hbm>>
    %dma_start3A_114 = arith.constant 0 : i32
    %dma_start3A_115 = tpu.memref_slice %arg4[%arg0, %add3A_107, %dma_start3A_114] : memref<2x10112x128xf32, #tpu.memory_space<hbm>> -> memref<1x128x128xf32, #tpu.memory_space<hbm>>
    %dma_start3A_116 = tpu.memref_squeeze %dma_start3A_115 : memref<1x128x128xf32, #tpu.memory_space<hbm>> -> memref<128x128xf32, #tpu.memory_space<hbm>>
    %dma_start3A_117 = arith.constant 0 : i32
    %dma_start3A_118 = arith.constant 0 : i32
    %dma_start3A_119 = tpu.memref_slice %arg8[%dma_start3A_117, %dma_start3A_118] : memref<128x128xf32, #tpu.memory_space<vmem>> -> memref<128x128xf32, #tpu.memory_space<vmem>>
    tpu.enqueue_dma source(%dma_start3A_119 : memref<128x128xf32, #tpu.memory_space<vmem>>) target(%dma_start3A_116 : memref<128x128xf32, #tpu.memory_space<hbm>>) target_semaphore(%arg10 : memref<!tpu.dma_semaphore, #tpu.memory_space<semaphore_mem>>)
    %add3A_120 = arith.constant 128 : i32
    %add3A_121 = arith.addi %mul3A_2, %add3A_120 : i32
    %dma_wait3A_122 = arith.constant 0 : i32
    %dma_wait3A_123 = arith.constant 0 : i32
    %dma_wait3A_124 = tpu.memref_slice %arg9[%dma_wait3A_122, %dma_wait3A_123] : memref<128x128xf32, #tpu.memory_space<vmem>> -> memref<128x128xf32, #tpu.memory_space<vmem>>
    %dma_wait3A_125 = arith.constant 0 : i32
    %dma_wait3A_126 = tpu.memref_slice %arg4[%arg0, %add3A_121, %dma_wait3A_125] : memref<2x10112x128xf32, #tpu.memory_space<hbm>> -> memref<1x128x128xf32, #tpu.memory_space<hbm>>
    %dma_wait3A_127 = tpu.memref_squeeze %dma_wait3A_126 : memref<1x128x128xf32, #tpu.memory_space<hbm>> -> memref<128x128xf32, #tpu.memory_space<hbm>>
    %dma_wait3A_128 = arith.constant 0 : i32
    %dma_wait3A_129 = tpu.memref_slice %arg4[%arg0, %add3A_121, %dma_wait3A_128] : memref<2x10112x128xf32, #tpu.memory_space<hbm>> -> memref<1x128x128xf32, #tpu.memory_space<hbm>>
    %dma_wait3A_130 = tpu.memref_squeeze %dma_wait3A_129 : memref<1x128x128xf32, #tpu.memory_space<hbm>> -> memref<128x128xf32, #tpu.memory_space<hbm>>
    %dma_wait3A_131 = arith.constant 0 : i32
    %dma_wait3A_132 = arith.constant 0 : i32
    %dma_wait3A_133 = tpu.memref_slice %arg9[%dma_wait3A_131, %dma_wait3A_132] : memref<128x128xf32, #tpu.memory_space<vmem>> -> memref<128x128xf32, #tpu.memory_space<vmem>>
    tpu.wait_dma2 semaphore(%arg11 : memref<!tpu.dma_semaphore, #tpu.memory_space<semaphore_mem>>) src(%dma_wait3A_133 : memref<128x128xf32, #tpu.memory_space<vmem>>) dst(%dma_wait3A_130 : memref<128x128xf32, #tpu.memory_space<hbm>>)
    %add3A_134 = arith.constant 384 : i32
    %add3A_135 = arith.addi %mul3A_2, %add3A_134 : i32
    "tpu.region"() ({
      %run_scoped3A_208 = tpu.sem_alloc : memref<!tpu.dma_semaphore, #tpu.memory_space<semaphore_mem>>
      %dma_start3A_209 = arith.constant 0 : i32
      %dma_start3A_210 = arith.constant 0 : i32
      %dma_start3A_211 = tpu.memref_slice %arg9[%dma_start3A_209, %dma_start3A_210] : memref<128x128xf32, #tpu.memory_space<vmem>> -> memref<128x128xf32, #tpu.memory_space<vmem>>
      %dma_start3A_212 = arith.constant 0 : i32
      %dma_start3A_213 = tpu.memref_slice %arg5[%add3A_135, %dma_start3A_212] : memref<10112x128xf32, #tpu.memory_space<vmem_shared>> -> memref<128x128xf32, #tpu.memory_space<vmem_shared>>
      %dma_start3A_214 = arith.constant 0 : i32
      %dma_start3A_215 = arith.constant 0 : i32
      %dma_start3A_216 = tpu.memref_slice %arg9[%dma_start3A_214, %dma_start3A_215] : memref<128x128xf32, #tpu.memory_space<vmem>> -> memref<128x128xf32, #tpu.memory_space<vmem>>
      %dma_start3A_217 = arith.constant 0 : i32
      %dma_start3A_218 = tpu.memref_slice %arg5[%add3A_135, %dma_start3A_217] : memref<10112x128xf32, #tpu.memory_space<vmem_shared>> -> memref<128x128xf32, #tpu.memory_space<vmem_shared>>
      tpu.enqueue_dma source(%dma_start3A_218 : memref<128x128xf32, #tpu.memory_space<vmem_shared>>) target(%dma_start3A_216 : memref<128x128xf32, #tpu.memory_space<vmem>>) target_semaphore(%run_scoped3A_208 : memref<!tpu.dma_semaphore, #tpu.memory_space<semaphore_mem>>)
      %dma_wait3A_219 = arith.constant 0 : i32
      %dma_wait3A_220 = arith.constant 0 : i32
      %dma_wait3A_221 = tpu.memref_slice %arg9[%dma_wait3A_219, %dma_wait3A_220] : memref<128x128xf32, #tpu.memory_space<vmem>> -> memref<128x128xf32, #tpu.memory_space<vmem>>
      %dma_wait3A_222 = arith.constant 0 : i32
      %dma_wait3A_223 = tpu.memref_slice %arg5[%add3A_135, %dma_wait3A_222] : memref<10112x128xf32, #tpu.memory_space<vmem_shared>> -> memref<128x128xf32, #tpu.memory_space<vmem_shared>>
      %dma_wait3A_224 = arith.constant 0 : i32
      %dma_wait3A_225 = arith.constant 0 : i32
      %dma_wait3A_226 = tpu.memref_slice %arg9[%dma_wait3A_224, %dma_wait3A_225] : memref<128x128xf32, #tpu.memory_space<vmem>> -> memref<128x128xf32, #tpu.memory_space<vmem>>
      %dma_wait3A_227 = arith.constant 0 : i32
      %dma_wait3A_228 = tpu.memref_slice %arg5[%add3A_135, %dma_wait3A_227] : memref<10112x128xf32, #tpu.memory_space<vmem_shared>> -> memref<128x128xf32, #tpu.memory_space<vmem_shared>>
      tpu.wait_dma2 semaphore(%run_scoped3A_208 : memref<!tpu.dma_semaphore, #tpu.memory_space<semaphore_mem>>) src(%dma_wait3A_228 : memref<128x128xf32, #tpu.memory_space<vmem_shared>>) dst(%dma_wait3A_226 : memref<128x128xf32, #tpu.memory_space<vmem>>)
      tpu.yield
    }) : () -> ()
    %add3A_136 = arith.constant 384 : i32
    %add3A_137 = arith.addi %mul3A_2, %add3A_136 : i32
    %dma_start3A_138 = arith.constant 0 : i32
    %dma_start3A_139 = arith.constant 0 : i32
    %dma_start3A_140 = tpu.memref_slice %arg9[%dma_start3A_138, %dma_start3A_139] : memref<128x128xf32, #tpu.memory_space<vmem>> -> memref<128x128xf32, #tpu.memory_space<vmem>>
    %dma_start3A_141 = arith.constant 0 : i32
    %dma_start3A_142 = tpu.memref_slice %arg4[%arg0, %add3A_137, %dma_start3A_141] : memref<2x10112x128xf32, #tpu.memory_space<hbm>> -> memref<1x128x128xf32, #tpu.memory_space<hbm>>
    %dma_start3A_143 = tpu.memref_squeeze %dma_start3A_142 : memref<1x128x128xf32, #tpu.memory_space<hbm>> -> memref<128x128xf32, #tpu.memory_space<hbm>>
    %dma_start3A_144 = arith.constant 0 : i32
    %dma_start3A_145 = tpu.memref_slice %arg4[%arg0, %add3A_137, %dma_start3A_144] : memref<2x10112x128xf32, #tpu.memory_space<hbm>> -> memref<1x128x128xf32, #tpu.memory_space<hbm>>
    %dma_start3A_146 = tpu.memref_squeeze %dma_start3A_145 : memref<1x128x128xf32, #tpu.memory_space<hbm>> -> memref<128x128xf32, #tpu.memory_space<hbm>>
    %dma_start3A_147 = arith.constant 0 : i32
    %dma_start3A_148 = arith.constant 0 : i32
    %dma_start3A_149 = tpu.memref_slice %arg9[%dma_start3A_147, %dma_start3A_148] : memref<128x128xf32, #tpu.memory_space<vmem>> -> memref<128x128xf32, #tpu.memory_space<vmem>>
    tpu.enqueue_dma source(%dma_start3A_149 : memref<128x128xf32, #tpu.memory_space<vmem>>) target(%dma_start3A_146 : memref<128x128xf32, #tpu.memory_space<hbm>>) target_semaphore(%arg11 : memref<!tpu.dma_semaphore, #tpu.memory_space<semaphore_mem>>)
    %add3A_150 = arith.constant 256 : i32
    %add3A_151 = arith.addi %mul3A_2, %add3A_150 : i32
    %dma_wait3A_152 = arith.constant 0 : i32
    %dma_wait3A_153 = arith.constant 0 : i32
    %dma_wait3A_154 = tpu.memref_slice %arg8[%dma_wait3A_152, %dma_wait3A_153] : memref<128x128xf32, #tpu.memory_space<vmem>> -> memref<128x128xf32, #tpu.memory_space<vmem>>
    %dma_wait3A_155 = arith.constant 0 : i32
    %dma_wait3A_156 = tpu.memref_slice %arg4[%arg0, %add3A_151, %dma_wait3A_155] : memref<2x10112x128xf32, #tpu.memory_space<hbm>> -> memref<1x128x128xf32, #tpu.memory_space<hbm>>
    %dma_wait3A_157 = tpu.memref_squeeze %dma_wait3A_156 : memref<1x128x128xf32, #tpu.memory_space<hbm>> -> memref<128x128xf32, #tpu.memory_space<hbm>>
    %dma_wait3A_158 = arith.constant 0 : i32
    %dma_wait3A_159 = tpu.memref_slice %arg4[%arg0, %add3A_151, %dma_wait3A_158] : memref<2x10112x128xf32, #tpu.memory_space<hbm>> -> memref<1x128x128xf32, #tpu.memory_space<hbm>>
    %dma_wait3A_160 = tpu.memref_squeeze %dma_wait3A_159 : memref<1x128x128xf32, #tpu.memory_space<hbm>> -> memref<128x128xf32, #tpu.memory_space<hbm>>
    %dma_wait3A_161 = arith.constant 0 : i32
    %dma_wait3A_162 = arith.constant 0 : i32
    %dma_wait3A_163 = tpu.memref_slice %arg8[%dma_wait3A_161, %dma_wait3A_162] : memref<128x128xf32, #tpu.memory_space<vmem>> -> memref<128x128xf32, #tpu.memory_space<vmem>>
    tpu.wait_dma2 semaphore(%arg10 : memref<!tpu.dma_semaphore, #tpu.memory_space<semaphore_mem>>) src(%dma_wait3A_163 : memref<128x128xf32, #tpu.memory_space<vmem>>) dst(%dma_wait3A_160 : memref<128x128xf32, #tpu.memory_space<hbm>>)
    %add3A_164 = arith.constant 512 : i32
    %add3A_165 = arith.addi %mul3A_2, %add3A_164 : i32
    "tpu.region"() ({
      %run_scoped3A_208 = tpu.sem_alloc : memref<!tpu.dma_semaphore, #tpu.memory_space<semaphore_mem>>
      %dma_start3A_209 = arith.constant 0 : i32
      %dma_start3A_210 = arith.constant 0 : i32
      %dma_start3A_211 = tpu.memref_slice %arg8[%dma_start3A_209, %dma_start3A_210] : memref<128x128xf32, #tpu.memory_space<vmem>> -> memref<120x128xf32, #tpu.memory_space<vmem>>
      %dma_start3A_212 = arith.constant 0 : i32
      %dma_start3A_213 = tpu.memref_slice %arg5[%add3A_165, %dma_start3A_212] : memref<10112x128xf32, #tpu.memory_space<vmem_shared>> -> memref<120x128xf32, #tpu.memory_space<vmem_shared>>
      %dma_start3A_214 = arith.constant 0 : i32
      %dma_start3A_215 = arith.constant 0 : i32
      %dma_start3A_216 = tpu.memref_slice %arg8[%dma_start3A_214, %dma_start3A_215] : memref<128x128xf32, #tpu.memory_space<vmem>> -> memref<120x128xf32, #tpu.memory_space<vmem>>
      %dma_start3A_217 = arith.constant 0 : i32
      %dma_start3A_218 = tpu.memref_slice %arg5[%add3A_165, %dma_start3A_217] : memref<10112x128xf32, #tpu.memory_space<vmem_shared>> -> memref<120x128xf32, #tpu.memory_space<vmem_shared>>
      tpu.enqueue_dma source(%dma_start3A_218 : memref<120x128xf32, #tpu.memory_space<vmem_shared>>) target(%dma_start3A_216 : memref<120x128xf32, #tpu.memory_space<vmem>>) target_semaphore(%run_scoped3A_208 : memref<!tpu.dma_semaphore, #tpu.memory_space<semaphore_mem>>)
      %dma_wait3A_219 = arith.constant 0 : i32
      %dma_wait3A_220 = arith.constant 0 : i32
      %dma_wait3A_221 = tpu.memref_slice %arg8[%dma_wait3A_219, %dma_wait3A_220] : memref<128x128xf32, #tpu.memory_space<vmem>> -> memref<120x128xf32, #tpu.memory_space<vmem>>
      %dma_wait3A_222 = arith.constant 0 : i32
      %dma_wait3A_223 = tpu.memref_slice %arg5[%add3A_165, %dma_wait3A_222] : memref<10112x128xf32, #tpu.memory_space<vmem_shared>> -> memref<120x128xf32, #tpu.memory_space<vmem_shared>>
      %dma_wait3A_224 = arith.constant 0 : i32
      %dma_wait3A_225 = arith.constant 0 : i32
      %dma_wait3A_226 = tpu.memref_slice %arg8[%dma_wait3A_224, %dma_wait3A_225] : memref<128x128xf32, #tpu.memory_space<vmem>> -> memref<120x128xf32, #tpu.memory_space<vmem>>
      %dma_wait3A_227 = arith.constant 0 : i32
      %dma_wait3A_228 = tpu.memref_slice %arg5[%add3A_165, %dma_wait3A_227] : memref<10112x128xf32, #tpu.memory_space<vmem_shared>> -> memref<120x128xf32, #tpu.memory_space<vmem_shared>>
      tpu.wait_dma2 semaphore(%run_scoped3A_208 : memref<!tpu.dma_semaphore, #tpu.memory_space<semaphore_mem>>) src(%dma_wait3A_228 : memref<120x128xf32, #tpu.memory_space<vmem_shared>>) dst(%dma_wait3A_226 : memref<120x128xf32, #tpu.memory_space<vmem>>)
      tpu.yield
    }) : () -> ()
    %add3A_166 = arith.constant 512 : i32
    %add3A_167 = arith.addi %mul3A_2, %add3A_166 : i32
    %dma_start3A_168 = arith.constant 0 : i32
    %dma_start3A_169 = arith.constant 0 : i32
    %dma_start3A_170 = tpu.memref_slice %arg8[%dma_start3A_168, %dma_start3A_169] : memref<128x128xf32, #tpu.memory_space<vmem>> -> memref<120x128xf32, #tpu.memory_space<vmem>>
    %dma_start3A_171 = arith.constant 0 : i32
    %dma_start3A_172 = tpu.memref_slice %arg4[%arg0, %add3A_167, %dma_start3A_171] : memref<2x10112x128xf32, #tpu.memory_space<hbm>> -> memref<1x120x128xf32, #tpu.memory_space<hbm>>
    %dma_start3A_173 = tpu.memref_squeeze %dma_start3A_172 : memref<1x120x128xf32, #tpu.memory_space<hbm>> -> memref<120x128xf32, #tpu.memory_space<hbm>>
    %dma_start3A_174 = arith.constant 0 : i32
    %dma_start3A_175 = tpu.memref_slice %arg4[%arg0, %add3A_167, %dma_start3A_174] : memref<2x10112x128xf32, #tpu.memory_space<hbm>> -> memref<1x120x128xf32, #tpu.memory_space<hbm>>
    %dma_start3A_176 = tpu.memref_squeeze %dma_start3A_175 : memref<1x120x128xf32, #tpu.memory_space<hbm>> -> memref<120x128xf32, #tpu.memory_space<hbm>>
    %dma_start3A_177 = arith.constant 0 : i32
    %dma_start3A_178 = arith.constant 0 : i32
    %dma_start3A_179 = tpu.memref_slice %arg8[%dma_start3A_177, %dma_start3A_178] : memref<128x128xf32, #tpu.memory_space<vmem>> -> memref<120x128xf32, #tpu.memory_space<vmem>>
    tpu.enqueue_dma source(%dma_start3A_179 : memref<120x128xf32, #tpu.memory_space<vmem>>) target(%dma_start3A_176 : memref<120x128xf32, #tpu.memory_space<hbm>>) target_semaphore(%arg10 : memref<!tpu.dma_semaphore, #tpu.memory_space<semaphore_mem>>)
    %add3A_180 = arith.constant 384 : i32
    %add3A_181 = arith.addi %mul3A_2, %add3A_180 : i32
    %dma_wait3A_182 = arith.constant 0 : i32
    %dma_wait3A_183 = arith.constant 0 : i32
    %dma_wait3A_184 = tpu.memref_slice %arg9[%dma_wait3A_182, %dma_wait3A_183] : memref<128x128xf32, #tpu.memory_space<vmem>> -> memref<128x128xf32, #tpu.memory_space<vmem>>
    %dma_wait3A_185 = arith.constant 0 : i32
    %dma_wait3A_186 = tpu.memref_slice %arg4[%arg0, %add3A_181, %dma_wait3A_185] : memref<2x10112x128xf32, #tpu.memory_space<hbm>> -> memref<1x128x128xf32, #tpu.memory_space<hbm>>
    %dma_wait3A_187 = tpu.memref_squeeze %dma_wait3A_186 : memref<1x128x128xf32, #tpu.memory_space<hbm>> -> memref<128x128xf32, #tpu.memory_space<hbm>>
    %dma_wait3A_188 = arith.constant 0 : i32
    %dma_wait3A_189 = tpu.memref_slice %arg4[%arg0, %add3A_181, %dma_wait3A_188] : memref<2x10112x128xf32, #tpu.memory_space<hbm>> -> memref<1x128x128xf32, #tpu.memory_space<hbm>>
    %dma_wait3A_190 = tpu.memref_squeeze %dma_wait3A_189 : memref<1x128x128xf32, #tpu.memory_space<hbm>> -> memref<128x128xf32, #tpu.memory_space<hbm>>
    %dma_wait3A_191 = arith.constant 0 : i32
    %dma_wait3A_192 = arith.constant 0 : i32
    %dma_wait3A_193 = tpu.memref_slice %arg9[%dma_wait3A_191, %dma_wait3A_192] : memref<128x128xf32, #tpu.memory_space<vmem>> -> memref<128x128xf32, #tpu.memory_space<vmem>>
    tpu.wait_dma2 semaphore(%arg11 : memref<!tpu.dma_semaphore, #tpu.memory_space<semaphore_mem>>) src(%dma_wait3A_193 : memref<128x128xf32, #tpu.memory_space<vmem>>) dst(%dma_wait3A_190 : memref<128x128xf32, #tpu.memory_space<hbm>>)
    %add3A_194 = arith.constant 512 : i32
    %add3A_195 = arith.addi %mul3A_2, %add3A_194 : i32
    %dma_wait3A_196 = arith.constant 0 : i32
    %dma_wait3A_197 = arith.constant 0 : i32
    %dma_wait3A_198 = tpu.memref_slice %arg8[%dma_wait3A_196, %dma_wait3A_197] : memref<128x128xf32, #tpu.memory_space<vmem>> -> memref<120x128xf32, #tpu.memory_space<vmem>>
    %dma_wait3A_199 = arith.constant 0 : i32
    %dma_wait3A_200 = tpu.memref_slice %arg4[%arg0, %add3A_195, %dma_wait3A_199] : memref<2x10112x128xf32, #tpu.memory_space<hbm>> -> memref<1x120x128xf32, #tpu.memory_space<hbm>>
    %dma_wait3A_201 = tpu.memref_squeeze %dma_wait3A_200 : memref<1x120x128xf32, #tpu.memory_space<hbm>> -> memref<120x128xf32, #tpu.memory_space<hbm>>
    %dma_wait3A_202 = arith.constant 0 : i32
    %dma_wait3A_203 = tpu.memref_slice %arg4[%arg0, %add3A_195, %dma_wait3A_202] : memref<2x10112x128xf32, #tpu.memory_space<hbm>> -> memref<1x120x128xf32, #tpu.memory_space<hbm>>
    %dma_wait3A_204 = tpu.memref_squeeze %dma_wait3A_203 : memref<1x120x128xf32, #tpu.memory_space<hbm>> -> memref<120x128xf32, #tpu.memory_space<hbm>>
    %dma_wait3A_205 = arith.constant 0 : i32
    %dma_wait3A_206 = arith.constant 0 : i32
    %dma_wait3A_207 = tpu.memref_slice %arg8[%dma_wait3A_205, %dma_wait3A_206] : memref<128x128xf32, #tpu.memory_space<vmem>> -> memref<120x128xf32, #tpu.memory_space<vmem>>
    tpu.wait_dma2 semaphore(%arg10 : memref<!tpu.dma_semaphore, #tpu.memory_space<semaphore_mem>>) src(%dma_wait3A_207 : memref<120x128xf32, #tpu.memory_space<vmem>>) dst(%dma_wait3A_204 : memref<120x128xf32, #tpu.memory_space<hbm>>)
    return
  }
}

module attributes {stable_mosaic.version = 14 : i64} {
  func.func @body(%arg0: i32, %arg1: memref<1000x128xf32, #tpu.memory_space<vmem>>, %arg2: memref<128x128xf32, #tpu.memory_space<vmem>>, %arg3: memref<1x128xf32, #tpu.memory_space<vmem>>, %arg4: memref<128x128xf32, #tpu.memory_space<vmem>>, %arg5: memref<1000x128xf32, #tpu.memory_space<vmem>>, %arg6: memref<1000x128xf32, #tpu.memory_space<vmem>>) attributes {dimension_semantics = [#tpu.dimension_semantics<arbitrary>], iteration_bounds = array<i64: 10>, scalar_prefetch = 0 : i64, scratch_operands = 0 : i64, tpu.core_type = #tpu.core_type<tc>, window_params = [{transform_indices = @transform_0, window_bounds = array<i64: 1000, 128>}, {pipeline_mode = #tpu.pipeline_mode<synchronous>, transform_indices = @transform_1, window_bounds = array<i64: 128, 128>}, {pipeline_mode = #tpu.pipeline_mode<synchronous>, transform_indices = @transform_2, window_bounds = array<i64: 1, 128>}, {pipeline_mode = #tpu.pipeline_mode<synchronous>, transform_indices = @transform_3, window_bounds = array<i64: 128, 128>}, {transform_indices = @transform_4, window_bounds = array<i64: 1000, 128>}, {transform_indices = @transform_5, window_bounds = array<i64: 1000, 128>}]} {
    %get3A = arith.constant 0 : index
    %get3A_0 = arith.constant 0 : index
    %get3A_1 = vector.load %arg1[%get3A, %get3A_0] : memref<1000x128xf32, #tpu.memory_space<vmem>>, vector<1000x128xf32>
    %get3A_2 = arith.constant 0 : index
    %get3A_3 = arith.constant 0 : index
    %get3A_4 = vector.load %arg2[%get3A_2, %get3A_3] : memref<128x128xf32, #tpu.memory_space<vmem>>, vector<128x128xf32>
    %dot_general3A = arith.constant dense<0.000000e+00> : vector<1000x128xf32>
    %dot_general3A_5 = tpu.matmul %get3A_1, %get3A_4, %dot_general3A {dimension_numbers = #tpu.dot_dimension_numbers<[1], [0], [0], [1], [0, 0, 1, 1], [], []>, precision = #tpu.contract_precision<fp32>, transpose_lhs_hint = false} : vector<1000x128xf32>, vector<128x128xf32>, vector<1000x128xf32> -> vector<1000x128xf32>
    %swap3A = arith.constant 0 : index
    %swap3A_6 = arith.constant 0 : index
    %swap3A_7 = vector.load %arg5[%swap3A, %swap3A_6] : memref<1000x128xf32, #tpu.memory_space<vmem>>, vector<1000x128xf32>
    tpu.vector_store %arg5[%swap3A, %swap3A_6], %dot_general3A_5 {strides = array<i32>} : memref<1000x128xf32, #tpu.memory_space<vmem>>, vector<1000x128xf32>,
    %get3A_8 = arith.constant 0 : index
    %get3A_9 = arith.constant 0 : index
    %get3A_10 = vector.load %arg4[%get3A_8, %get3A_9] : memref<128x128xf32, #tpu.memory_space<vmem>>, vector<128x128xf32>
    %dot_general3A_11 = arith.constant dense<0.000000e+00> : vector<1000x128xf32>
    %dot_general3A_12 = tpu.matmul %get3A_1, %get3A_10, %dot_general3A_11 {dimension_numbers = #tpu.dot_dimension_numbers<[1], [0], [0], [1], [0, 0, 1, 1], [], []>, precision = #tpu.contract_precision<fp32>, transpose_lhs_hint = false} : vector<1000x128xf32>, vector<128x128xf32>, vector<1000x128xf32> -> vector<1000x128xf32>
    %get3A_13 = arith.constant 0 : index
    %get3A_14 = arith.constant 0 : index
    %get3A_15 = vector.load %arg3[%get3A_13, %get3A_14] : memref<1x128xf32, #tpu.memory_space<vmem>>, vector<1x128xf32>
    %add3A = vector.broadcast %get3A_15 : vector<1x128xf32> to vector<1000x128xf32>
    %add3A_16 = arith.addf %dot_general3A_12, %add3A : vector<1000x128xf32>
    %swap3A_17 = arith.constant 0 : index
    %swap3A_18 = arith.constant 0 : index
    %swap3A_19 = vector.load %arg6[%swap3A_17, %swap3A_18] : memref<1000x128xf32, #tpu.memory_space<vmem>>, vector<1000x128xf32>
    tpu.vector_store %arg6[%swap3A_17, %swap3A_18], %add3A_16 {strides = array<i32>} : memref<1000x128xf32, #tpu.memory_space<vmem>>, vector<1000x128xf32>,
    return
  }
  func.func @transform_0(%arg0: i32) -> (i32, i32) {
    %c0_i32 = arith.constant 0 : i32
    %c0_i32_0 = arith.constant 0 : i32
    return %arg0, %c0_i32 : i32, i32
  }
  func.func @transform_1(%arg0: i32) -> (i32, i32) {
    %c0_i32 = arith.constant 0 : i32
    %c0_i32_0 = arith.constant 0 : i32
    %c0_i32_1 = arith.constant 0 : i32
    return %c0_i32, %c0_i32_0 : i32, i32
  }
  func.func @transform_2(%arg0: i32) -> (i32, i32) {
    %c0_i32 = arith.constant 0 : i32
    %c0_i32_0 = arith.constant 0 : i32
    %c0_i32_1 = arith.constant 0 : i32
    return %c0_i32, %c0_i32_0 : i32, i32
  }
  func.func @transform_3(%arg0: i32) -> (i32, i32) {
    %c0_i32 = arith.constant 0 : i32
    %c0_i32_0 = arith.constant 0 : i32
    %c0_i32_1 = arith.constant 0 : i32
    return %c0_i32, %c0_i32_0 : i32, i32
  }
  func.func @transform_4(%arg0: i32) -> (i32, i32) {
    %c0_i32 = arith.constant 0 : i32
    %c0_i32_0 = arith.constant 0 : i32
    return %arg0, %c0_i32 : i32, i32
  }
  func.func @transform_5(%arg0: i32) -> (i32, i32) {
    %c0_i32 = arith.constant 0 : i32
    %c0_i32_0 = arith.constant 0 : i32
    return %arg0, %c0_i32 : i32, i32
  }
}

module attributes {stable_mosaic.version = 14 : i64} {
  func.func @body(%arg0: i32, %arg1: memref<2x1000x128xf32, #tpu.memory_space<vmem>>, %arg2: memref<2x1000x128xf32, #tpu.memory_space<vmem>>, %arg3: memref<1000x128xf32, #tpu.memory_space<vmem>>, %arg4: memref<128x128xf32, #tpu.memory_space<vmem>>, %arg5: memref<1x128xf32, #tpu.memory_space<vmem>>, %arg6: memref<128x128xf32, #tpu.memory_space<vmem>>, %arg7: memref<1000x128xf32, #tpu.memory_space<vmem>>, %arg8: memref<1000x128xf32, #tpu.memory_space<vmem>>) attributes {dimension_semantics = [#tpu.dimension_semantics<arbitrary>], iteration_bounds = array<i64: 10>, scalar_prefetch = 0 : i64, scratch_operands = 0 : i64, tpu.core_type = #tpu.core_type<tc>, window_params = [{transform_indices = @transform_0, window_bounds = array<i64: 2, 1000, 128>}, {transform_indices = @transform_1, window_bounds = array<i64: 2, 1000, 128>}, {transform_indices = @transform_2, window_bounds = array<i64: 1000, 128>}, {pipeline_mode = #tpu.pipeline_mode<synchronous>, transform_indices = @transform_3, window_bounds = array<i64: 128, 128>}, {pipeline_mode = #tpu.pipeline_mode<synchronous>, transform_indices = @transform_4, window_bounds = array<i64: 1, 128>}, {pipeline_mode = #tpu.pipeline_mode<synchronous>, transform_indices = @transform_5, window_bounds = array<i64: 128, 128>}, {transform_indices = @transform_6, window_bounds = array<i64: 1000, 128>}, {transform_indices = @transform_7, window_bounds = array<i64: 1000, 128>}]} {
    %get3A = arith.constant 0 : index
    %get3A_0 = arith.constant 0 : index
    %get3A_1 = arith.constant 0 : index
    %get3A_2 = vector.load %arg1[%get3A, %get3A_0, %get3A_1] : memref<2x1000x128xf32, #tpu.memory_space<vmem>>, vector<1x1000x128xf32>
    %get3A_3 = vector.shape_cast %get3A_2 : vector<1x1000x128xf32> to vector<1000x128xf32>
    %get3A_4 = arith.constant 1 : index
    %get3A_5 = arith.constant 0 : index
    %get3A_6 = arith.constant 0 : index
    %get3A_7 = vector.load %arg1[%get3A_4, %get3A_5, %get3A_6] : memref<2x1000x128xf32, #tpu.memory_space<vmem>>, vector<1x1000x128xf32>
    %get3A_8 = vector.shape_cast %get3A_7 : vector<1x1000x128xf32> to vector<1000x128xf32>
    %add3A = arith.addf %get3A_3, %get3A_8 : vector<1000x128xf32>
    %get3A_9 = arith.constant 0 : index
    %get3A_10 = arith.constant 0 : index
    %get3A_11 = arith.constant 0 : index
    %get3A_12 = vector.load %arg2[%get3A_9, %get3A_10, %get3A_11] : memref<2x1000x128xf32, #tpu.memory_space<vmem>>, vector<1x1000x1xf32>
    %get3A_13 = vector.shape_cast %get3A_12 : vector<1x1000x1xf32> to vector<1000x1xf32>
    %get3A_14 = arith.constant 1 : index
    %get3A_15 = arith.constant 0 : index
    %get3A_16 = arith.constant 0 : index
    %get3A_17 = vector.load %arg2[%get3A_14, %get3A_15, %get3A_16] : memref<2x1000x128xf32, #tpu.memory_space<vmem>>, vector<1x1000x1xf32>
    %get3A_18 = vector.shape_cast %get3A_17 : vector<1x1000x1xf32> to vector<1000x1xf32>
    %add3A_19 = arith.addf %get3A_13, %get3A_18 : vector<1000x1xf32>
    %max3A = arith.constant 1.000000e+00 : f32
    %max3A_20 = vector.broadcast %max3A : f32 to vector<1000x1xf32>
    %max3A_21 = arith.maximumf %add3A_19, %max3A_20 : vector<1000x1xf32>
    %div3A = arith.constant 1.000000e+00 : f32
    %div3A_22 = vector.broadcast %div3A : f32 to vector<1000x1xf32>
    %div3A_23 = arith.divf %div3A_22, %max3A_21 : vector<1000x1xf32>
    %mul3A = vector.broadcast %div3A_23 : vector<1000x1xf32> to vector<1000x128xf32>
    %mul3A_24 = arith.mulf %add3A, %mul3A : vector<1000x128xf32>
    %get3A_25 = arith.constant 0 : index
    %get3A_26 = arith.constant 0 : index
    %get3A_27 = vector.load %arg3[%get3A_25, %get3A_26] : memref<1000x128xf32, #tpu.memory_space<vmem>>, vector<1000x128xf32>
    %add3A_28 = arith.addf %mul3A_24, %get3A_27 : vector<1000x128xf32>
    %max3A_29 = arith.constant 0.000000e+00 : f32
    %max3A_30 = vector.broadcast %max3A_29 : f32 to vector<1000x128xf32>
    %max3A_31 = arith.maximumf %add3A_28, %max3A_30 : vector<1000x128xf32>
    %get3A_32 = arith.constant 0 : index
    %get3A_33 = arith.constant 0 : index
    %get3A_34 = vector.load %arg4[%get3A_32, %get3A_33] : memref<128x128xf32, #tpu.memory_space<vmem>>, vector<128x128xf32>
    %dot_general3A = arith.constant dense<0.000000e+00> : vector<1000x128xf32>
    %dot_general3A_35 = tpu.matmul %max3A_31, %get3A_34, %dot_general3A {dimension_numbers = #tpu.dot_dimension_numbers<[1], [0], [0], [1], [0, 0, 1, 1], [], []>, precision = #tpu.contract_precision<fp32>, transpose_lhs_hint = false} : vector<1000x128xf32>, vector<128x128xf32>, vector<1000x128xf32> -> vector<1000x128xf32>
    %swap3A = arith.constant 0 : index
    %swap3A_36 = arith.constant 0 : index
    %swap3A_37 = vector.load %arg7[%swap3A, %swap3A_36] : memref<1000x128xf32, #tpu.memory_space<vmem>>, vector<1000x128xf32>
    tpu.vector_store %arg7[%swap3A, %swap3A_36], %dot_general3A_35 {strides = array<i32>} : memref<1000x128xf32, #tpu.memory_space<vmem>>, vector<1000x128xf32>,
    %get3A_38 = arith.constant 0 : index
    %get3A_39 = arith.constant 0 : index
    %get3A_40 = vector.load %arg6[%get3A_38, %get3A_39] : memref<128x128xf32, #tpu.memory_space<vmem>>, vector<128x128xf32>
    %dot_general3A_41 = arith.constant dense<0.000000e+00> : vector<1000x128xf32>
    %dot_general3A_42 = tpu.matmul %max3A_31, %get3A_40, %dot_general3A_41 {dimension_numbers = #tpu.dot_dimension_numbers<[1], [0], [0], [1], [0, 0, 1, 1], [], []>, precision = #tpu.contract_precision<fp32>, transpose_lhs_hint = false} : vector<1000x128xf32>, vector<128x128xf32>, vector<1000x128xf32> -> vector<1000x128xf32>
    %get3A_43 = arith.constant 0 : index
    %get3A_44 = arith.constant 0 : index
    %get3A_45 = vector.load %arg5[%get3A_43, %get3A_44] : memref<1x128xf32, #tpu.memory_space<vmem>>, vector<1x128xf32>
    %add3A_46 = vector.broadcast %get3A_45 : vector<1x128xf32> to vector<1000x128xf32>
    %add3A_47 = arith.addf %dot_general3A_42, %add3A_46 : vector<1000x128xf32>
    %swap3A_48 = arith.constant 0 : index
    %swap3A_49 = arith.constant 0 : index
    %swap3A_50 = vector.load %arg8[%swap3A_48, %swap3A_49] : memref<1000x128xf32, #tpu.memory_space<vmem>>, vector<1000x128xf32>
    tpu.vector_store %arg8[%swap3A_48, %swap3A_49], %add3A_47 {strides = array<i32>} : memref<1000x128xf32, #tpu.memory_space<vmem>>, vector<1000x128xf32>,
    return
  }
  func.func @transform_0(%arg0: i32) -> (i32, i32, i32) {
    %c0_i32 = arith.constant 0 : i32
    %c0_i32_0 = arith.constant 0 : i32
    %c0_i32_1 = arith.constant 0 : i32
    return %c0_i32, %arg0, %c0_i32_0 : i32, i32, i32
  }
  func.func @transform_1(%arg0: i32) -> (i32, i32, i32) {
    %c0_i32 = arith.constant 0 : i32
    %c0_i32_0 = arith.constant 0 : i32
    %c0_i32_1 = arith.constant 0 : i32
    return %c0_i32, %arg0, %c0_i32_0 : i32, i32, i32
  }
  func.func @transform_2(%arg0: i32) -> (i32, i32) {
    %c0_i32 = arith.constant 0 : i32
    %c0_i32_0 = arith.constant 0 : i32
    return %arg0, %c0_i32 : i32, i32
  }
  func.func @transform_3(%arg0: i32) -> (i32, i32) {
    %c0_i32 = arith.constant 0 : i32
    %c0_i32_0 = arith.constant 0 : i32
    %c0_i32_1 = arith.constant 0 : i32
    return %c0_i32, %c0_i32_0 : i32, i32
  }
  func.func @transform_4(%arg0: i32) -> (i32, i32) {
    %c0_i32 = arith.constant 0 : i32
    %c0_i32_0 = arith.constant 0 : i32
    %c0_i32_1 = arith.constant 0 : i32
    return %c0_i32, %c0_i32_0 : i32, i32
  }
  func.func @transform_5(%arg0: i32) -> (i32, i32) {
    %c0_i32 = arith.constant 0 : i32
    %c0_i32_0 = arith.constant 0 : i32
    %c0_i32_1 = arith.constant 0 : i32
    return %c0_i32, %c0_i32_0 : i32, i32
  }
  func.func @transform_6(%arg0: i32) -> (i32, i32) {
    %c0_i32 = arith.constant 0 : i32
    %c0_i32_0 = arith.constant 0 : i32
    return %arg0, %c0_i32 : i32, i32
  }
  func.func @transform_7(%arg0: i32) -> (i32, i32) {
    %c0_i32 = arith.constant 0 : i32
    %c0_i32_0 = arith.constant 0 : i32
    return %arg0, %c0_i32 : i32, i32
  }
}

module attributes {stable_mosaic.version = 14 : i64} {
  func.func @body(%arg0: i32, %arg1: memref<2x1000x128xf32, #tpu.memory_space<vmem>>, %arg2: memref<2x1000x128xf32, #tpu.memory_space<vmem>>, %arg3: memref<1000x128xf32, #tpu.memory_space<vmem>>, %arg4: memref<1000x128xf32, #tpu.memory_space<vmem>>) attributes {dimension_semantics = [#tpu.dimension_semantics<arbitrary>], iteration_bounds = array<i64: 10>, scalar_prefetch = 0 : i64, scratch_operands = 0 : i64, tpu.core_type = #tpu.core_type<tc>, window_params = [{transform_indices = @transform_0, window_bounds = array<i64: 2, 1000, 128>}, {transform_indices = @transform_1, window_bounds = array<i64: 2, 1000, 128>}, {transform_indices = @transform_2, window_bounds = array<i64: 1000, 128>}, {transform_indices = @transform_3, window_bounds = array<i64: 1000, 128>}]} {
    %get3A = arith.constant 0 : index
    %get3A_0 = arith.constant 0 : index
    %get3A_1 = arith.constant 0 : index
    %get3A_2 = vector.load %arg1[%get3A, %get3A_0, %get3A_1] : memref<2x1000x128xf32, #tpu.memory_space<vmem>>, vector<1x1000x128xf32>
    %get3A_3 = vector.shape_cast %get3A_2 : vector<1x1000x128xf32> to vector<1000x128xf32>
    %get3A_4 = arith.constant 1 : index
    %get3A_5 = arith.constant 0 : index
    %get3A_6 = arith.constant 0 : index
    %get3A_7 = vector.load %arg1[%get3A_4, %get3A_5, %get3A_6] : memref<2x1000x128xf32, #tpu.memory_space<vmem>>, vector<1x1000x128xf32>
    %get3A_8 = vector.shape_cast %get3A_7 : vector<1x1000x128xf32> to vector<1000x128xf32>
    %add3A = arith.addf %get3A_3, %get3A_8 : vector<1000x128xf32>
    %get3A_9 = arith.constant 0 : index
    %get3A_10 = arith.constant 0 : index
    %get3A_11 = arith.constant 0 : index
    %get3A_12 = vector.load %arg2[%get3A_9, %get3A_10, %get3A_11] : memref<2x1000x128xf32, #tpu.memory_space<vmem>>, vector<1x1000x1xf32>
    %get3A_13 = vector.shape_cast %get3A_12 : vector<1x1000x1xf32> to vector<1000x1xf32>
    %get3A_14 = arith.constant 1 : index
    %get3A_15 = arith.constant 0 : index
    %get3A_16 = arith.constant 0 : index
    %get3A_17 = vector.load %arg2[%get3A_14, %get3A_15, %get3A_16] : memref<2x1000x128xf32, #tpu.memory_space<vmem>>, vector<1x1000x1xf32>
    %get3A_18 = vector.shape_cast %get3A_17 : vector<1x1000x1xf32> to vector<1000x1xf32>
    %add3A_19 = arith.addf %get3A_13, %get3A_18 : vector<1000x1xf32>
    %max3A = arith.constant 1.000000e+00 : f32
    %max3A_20 = vector.broadcast %max3A : f32 to vector<1000x1xf32>
    %max3A_21 = arith.maximumf %add3A_19, %max3A_20 : vector<1000x1xf32>
    %div3A = arith.constant 1.000000e+00 : f32
    %div3A_22 = vector.broadcast %div3A : f32 to vector<1000x1xf32>
    %div3A_23 = arith.divf %div3A_22, %max3A_21 : vector<1000x1xf32>
    %mul3A = vector.broadcast %div3A_23 : vector<1000x1xf32> to vector<1000x128xf32>
    %mul3A_24 = arith.mulf %add3A, %mul3A : vector<1000x128xf32>
    %get3A_25 = arith.constant 0 : index
    %get3A_26 = arith.constant 0 : index
    %get3A_27 = vector.load %arg3[%get3A_25, %get3A_26] : memref<1000x128xf32, #tpu.memory_space<vmem>>, vector<1000x128xf32>
    %add3A_28 = arith.addf %mul3A_24, %get3A_27 : vector<1000x128xf32>
    %swap3A = arith.constant 0 : index
    %swap3A_29 = arith.constant 0 : index
    %swap3A_30 = vector.load %arg4[%swap3A, %swap3A_29] : memref<1000x128xf32, #tpu.memory_space<vmem>>, vector<1000x128xf32>
    tpu.vector_store %arg4[%swap3A, %swap3A_29], %add3A_28 {strides = array<i32>} : memref<1000x128xf32, #tpu.memory_space<vmem>>, vector<1000x128xf32>,
    return
  }
  func.func @transform_0(%arg0: i32) -> (i32, i32, i32) {
    %c0_i32 = arith.constant 0 : i32
    %c0_i32_0 = arith.constant 0 : i32
    %c0_i32_1 = arith.constant 0 : i32
    return %c0_i32, %arg0, %c0_i32_0 : i32, i32, i32
  }
  func.func @transform_1(%arg0: i32) -> (i32, i32, i32) {
    %c0_i32 = arith.constant 0 : i32
    %c0_i32_0 = arith.constant 0 : i32
    %c0_i32_1 = arith.constant 0 : i32
    return %c0_i32, %arg0, %c0_i32_0 : i32, i32, i32
  }
  func.func @transform_2(%arg0: i32) -> (i32, i32) {
    %c0_i32 = arith.constant 0 : i32
    %c0_i32_0 = arith.constant 0 : i32
    return %arg0, %c0_i32 : i32, i32
  }
  func.func @transform_3(%arg0: i32) -> (i32, i32) {
    %c0_i32 = arith.constant 0 : i32
    %c0_i32_0 = arith.constant 0 : i32
    return %arg0, %c0_i32 : i32, i32
  }
}

</mosaic_0001>

<sc_bundles>
// kernel: kernel.10.cloned.1.call-start
scs
__scs_entry_jumppad:
0x0: {  	(pc) =	sbr.rel $0x88, $3  }
0x1: {  	(tag) =	ssettag $0x0;
	lr =	simm.s32 $0x1  }
0x2: {  	[smem:$0x3F96] =	sst lr;
	_ =	strace $0xD0000000  }
0x3: {  	_ = 	snop  }
0x4: {  	_ = 	snop  }
0x5: {  	_ = 	snop  }
0x6: {  	_ = 	snop  }
0x7: {  	_ = 	snop  }
__scs_overlays_trampoline_lowered:
0x8: {  	[smem:$0x3FA5] =	sst s0  }
0x9: {  	[smem:$0x3FA6] =	sst s1  }
0xa: {  	[smem:$0x3FA7] =	sst s2  }
0xb: {  	[smem:$0x3FA8] =	sst s3  }
0xc: {  	[smem:$0x3FA9] =	sst s4  }
0xd: {  	[smem:$0x3FAA] =	sst s5  }
0xe: {  	[smem:$0x3FAB] =	sst s6  }
0xf: {  	[smem:$0x3FAC] =	sst s7  }
0x10: {  	[smem:$0x3FAD] =	sst s8  }
0x11: {  	[smem:$0x3FAE] =	sst s9;
	s0 =	simm.s32 @!p0 $0x0  }
0x12: {  	s1 =	sld [smem:$0x3F94];
	s0 =	simm.s32 @p0 $0x1  }
0x13: {  	[smem:$0x3FAF] =	sst s0;
	s0 =	simm.s32 @!p1 $0x0  }
0x14: {  	s2 =	sld [smem:$0x3F93];
	s0 =	simm.s32 @p1 $0x1  }
0x15: {  	[smem:$0x3FB0] =	sst s0;
	s0 =	simm.s32 @!p2 $0x0  }
0x16: {  	s3 =	sld [smem:$0x3FDB];
	s0 =	simm.s32 @p2 $0x1  }
0x17: {  	s4 =	simm.s32 $0x1BF5;
	[smem:$0x3FB2] =	sst s0  }
0x18: {  	s0 =	sld [smem:$0x3F95];
	_ =	swait.ge [sflag:s4], $0x0  }
0x19: {  	s7 =	sld [smem:$0x3F96]  }
0x1a: {  	s8 =	sadd.s32 $0xFFFFE003, lr  }
0x1b: {  	s9 =	sadd.s32 $0xFFFFFEF7, lr;
	s5 =	simm.s32 $0xFFFFFFFF;
	p2 =	slt.u32 s8, $0xFFFFF086  }
0x1c: {  	p1 =	slt.u32 s9, $0xF7A;
	s5 =	simm.s32 @!p2 $0x0  }
0x1d: {  	s5 =	simm.s32 @p1 $0x1;
	p0 =	seq.s32 s7, s2  }
0x1e: {  	s7 =	smul.u32 @!p0 $0xF7A, s2;
	p2 =	seq.s32 @!p0 s5, $0x0  }
0x1f: {  	s9 =	smul.u32 $0xF7A, s1;
	s8 =	simm.s32 @!p0 $0x1BF5;
	p2 =	por !p2, p0  }
0x20: {  	[sflag:s8] =	ssyncset.s32 @!p0 $0xFFFFF086;
	s6 =	sadd.s32 @!p0 s3, s7;
	s7 =	simm.s32 @!p0 $0x108  }
0x21: {  	s3 =	sadd.s32 s3, s9;
	s6 =	sadd.s32 @!p0 $0x88, s6;
	s7 =	simm.s32 @p2 $0x1082  }
0x22: {  	[simem:s7], [sflag:s8] =	dma.local @!p0 [hbm:s6], $0xF7A  }
0x23: {  	s9 =	sor.u32 $0xD0000000, s2;
	s6 =	simm.s32 $0x108;
	_ =	swait.ge @!p0 [sflag:s8], $0x0  }
0x24: {  	s3 =	sadd.s32 $0x88, s3;
	s6 =	simm.s32 @!p1 $0x1082;
	[sflag:s4] =	ssyncset.s32 $0xFFFFF086  }
0x25: {  	[simem:s6], [sflag:s4] =	dma.local [hbm:s3], $0xF7A  }
0x26: {  	[smem:$0x3F96] =	sst s1;
	(tag) =	ssettag s2;
	_ =	strace s9  }
0x27: {  	s1 =	sld [smem:$0x3FA6]  }
0x28: {  	s2 =	sld [smem:$0x3FA7]  }
0x29: {  	s4 =	sld [smem:$0x3FA9]  }
0x2a: {  	p0 =	seq.s32 s5, $0x0;
	s5 =	sld [smem:$0x3FAA]  }
0x2b: {  	s6 =	sld [smem:$0x3FAB]  }
0x2c: {  	s7 =	sld [smem:$0x3FAC]  }
0x2d: {  	s3 =	simm.s32 $0x108;
	s8 =	sld [smem:$0x3FAD]  }
0x2e: {  	s3 =	simm.s32 @!p0 $0x1082;
	s9 =	sld [smem:$0x3FAE]  }
0x2f: {  	lr =	sadd.s32 s0, s3;
	s0 =	sld [smem:$0x3FA5]  }
0x30: {  	s3 =	sld [smem:$0x3FA8]  }
0x31: {  	[smem:$0x3FB1] =	sst s10  }
0x32: {  	s10 =	sld [smem:$0x3FAF];
	_ =	sdelay $0x3  }
0x33: {  	p0 =	seq.s32 s10, $0x1;
	s10 =	sld [smem:$0x3FB1];
	_ =	sdelay $0x3  }
0x34: {  	[smem:$0x3FB1] =	sst s10  }
0x35: {  	s10 =	sld [smem:$0x3FB0];
	_ =	sdelay $0x3  }
0x36: {  	p1 =	seq.s32 s10, $0x1;
	s10 =	sld [smem:$0x3FB1];
	_ =	sdelay $0x3  }
0x37: {  	[smem:$0x3FB1] =	sst s10  }
0x38: {  	s10 =	sld [smem:$0x3FB2]  }
0x39: {  	_ = 	snop;
	(pc) =	sbr.ind lr, $3  }
0x3a: {  	_ = 	snop  }
0x3b: {  	_ = 	snop  }
0x3c: {  	p2 =	seq.s32 s10, $0x1;
	s10 =	sld [smem:$0x3FB1]  }
0x3d: {  	_ =	shalt  }
0x3e: {  	_ =	shalt  }
0x3f: {  	_ =	shalt  }
0x40: {  	_ =	shalt  }
0x41: {  	_ =	shalt  }
0x42: {  	_ =	shalt  }
0x43: {  	_ =	shalt  }
0x44: {  	_ =	shalt  }
0x45: {  	_ =	shalt  }
0x46: {  	_ =	shalt  }
0x47: {  	_ =	shalt  }
0x48: {  	_ =	shalt  }
0x49: {  	_ =	shalt  }
0x4a: {  	_ =	shalt  }
0x4b: {  	_ =	shalt  }
0x4c: {  	_ =	shalt  }
0x4d: {  	_ =	shalt  }
0x4e: {  	_ =	shalt  }
0x4f: {  	_ =	shalt  }
0x50: {  	_ =	shalt  }
0x51: {  	_ =	shalt  }
0x52: {  	_ =	shalt  }
0x53: {  	_ =	shalt  }
0x54: {  	_ =	shalt  }
0x55: {  	_ =	shalt  }
0x56: {  	_ =	shalt  }
0x57: {  	_ =	shalt  }
0x58: {  	_ =	shalt  }
0x59: {  	_ =	shalt  }
0x5a: {  	_ =	shalt  }
0x5b: {  	_ =	shalt  }
0x5c: {  	_ =	shalt  }
0x5d: {  	_ =	shalt  }
0x5e: {  	_ =	shalt  }
0x5f: {  	_ =	shalt  }
0x60: {  	_ =	shalt  }
0x61: {  	_ =	shalt  }
0x62: {  	_ =	shalt  }
0x63: {  	_ =	shalt  }
0x64: {  	_ =	shalt  }
0x65: {  	_ =	shalt  }
0x66: {  	_ =	shalt  }
0x67: {  	_ =	shalt  }
0x68: {  	_ =	shalt  }
0x69: {  	_ =	shalt  }
0x6a: {  	_ =	shalt  }
0x6b: {  	_ =	shalt  }
0x6c: {  	_ =	shalt  }
0x6d: {  	_ =	shalt  }
0x6e: {  	_ =	shalt  }
0x6f: {  	_ =	shalt  }
0x70: {  	_ =	shalt  }
0x71: {  	_ =	shalt  }
0x72: {  	_ =	shalt  }
0x73: {  	_ =	shalt  }
0x74: {  	_ =	shalt  }
0x75: {  	_ =	shalt  }
0x76: {  	_ =	shalt  }
0x77: {  	_ =	shalt  }
0x78: {  	_ =	shalt  }
0x79: {  	_ =	shalt  }
0x7a: {  	_ =	shalt  }
0x7b: {  	_ =	shalt  }
0x7c: {  	_ =	shalt  }
0x7d: {  	_ =	shalt  }
0x7e: {  	_ =	shalt  }
0x7f: {  	_ =	shalt  }
0x80: {  	_ =	shalt  }
0x81: {  	_ =	shalt  }
0x82: {  	_ =	shalt  }
0x83: {  	_ =	shalt  }
0x84: {  	_ =	shalt  }
0x85: {  	_ =	shalt  }
0x86: {  	_ =	shalt  }
0x87: {  	_ =	shalt  }
.Lfunc_end0:
.L_simem_size_0:
called_computation_lowered:
.L_overlay_start_0:
0x88: {  	s2 =	sld [smem:$0x3FD9]  }
0x89: {  	s3 =	sld [smem:$0x3FFE];
	_ =	sdelay $0x1  }
0x8a: {  	s1 =	srdreg.scid  }
0x8b: {  	s0 =	sand.u32 $0x1, s1  }
0x8c: {  	s17 =	sshll.u32 s0, $0xA;
	s2 =	sadd.s32 s3, s2  }
0x8d: {  	s2 =	sadd.s32 s2, s17  }
0x8e: {  	[smem:$0x3FBD] =	sst s2  }
0x8f: {  	_ = 	snop  }
0x90: {  	(tm) =	ssettm $0x1  }
0x91: {  	s18 =	sld [smem:$0x3FFB];
	_ =	sdelay $0x3  }
0x92: {  	_ =	strace s18  }
0x93: {  	s2 =	sld [smem:$0x3FFC];
	_ =	sdelay $0x3  }
0x94: {  	_ =	strace s2  }
0x95: {  	s2 =	sld [smem:$0x3FFD];
	_ =	sdelay $0x3  }
0x96: {  	_ =	strace s2  }
0x97: {  	_ =	strace $0x8FFFFFFF  }
0x98: {  	s19 =	sld [smem:$0x3FDB];
	_ =	sdelay $0x1  }
0x99: {  	s20 =	simm.s32 $_scs_section_size  }
0x9a: {  	s4 =	simm.s32 $_size__tile_overlayer_lowered;
	s5 =	simm.s32 $_tile_overlayer_lowered  }
0x9b: {  	s6 =	simm.s32 $0x1BFF;
	s21 =	sshll.u32 s5, $0x1;
	s3 =	sadd.s32 s20, s19  }
0x9c: {  	s22 =	simm.s32 $0x0;
	s4 =	sshll.u32 s4, $0x1;
	s5 =	sadd.s32 s21, s3  }
0x9d: {  	[timem:s22], [sflag:s6] =	dma.local [hbm:s5], s4  }
0x9e: {  	_ =	swait.ge [sflag:s6], s4  }
0x9f: {  	s4 =	ssub.s32 $0x0, s4;
	[sflag:s6] =	ssyncset.done $0x0  }
0xa0: {  	[sflag:s6] =	ssyncadd.s32 s4;
	_ =	sdelay $0x1  }
0xa1: {  	s23 =	simm.s32 $0x1B8B  }
0xa2: {  	_ =	swait.ge [sflag:s23], $0x1  }
0xa3: {  	[sflag:s23] =	ssyncset.done $0x0  }
0xa4: {  	[sflag:s23] =	ssyncadd.s32 $0xFFFFFFFF  }
0xa5: {  	s4 =	sld [smem:$0x0]  }
0xa6: {  	s5 =	sand.u32 $0xFFFFFFFE, s1  }
0xa7: {  	p0 =	sne.s32 s1, s5  }
0xa8: {  	s5 =	sshll.u32 @p0 s5, $0xE  }
0xa9: {  	s5 =	sadd.s32 @p0 $0x11B8D, s5;
	s6 =	sshll.u32 @p0 s4, $0x11  }
0xaa: {  	s5 =	sor.u32 @p0 s6, s5  }
0xab: {  	[sflag:s5] =	ssyncadd.remote.s32 @p0 $0x1;
	_ =	sdelay $0x1  }
0xac: {  	s5 =	simm.s32 @p0 $0x1B8D  }
0xad: {  	_ =	swait.eq @p0 [sflag:s5], $0x1  }
0xae: {  	[sflag:s5] =	ssyncadd.s32 @p0 $0xFFFFFFFF  }
0xaf: {  	s6 =	sshll.u32 @!p0 s1, $0xE  }
0xb0: {  	s6 =	sor.u32 @!p0 $0x4000, s6;
	s5 =	simm.s32 @!p0 $0x1B8D  }
0xb1: {  	s4 =	sshll.u32 @!p0 s4, $0x11;
	s6 =	sadd.s32 @!p0 $0x11B8D, s6;
	_ =	swait.eq @!p0 [sflag:s5], $0x1  }
0xb2: {  	s4 =	sor.u32 @!p0 s4, s6;
	[sflag:s5] =	ssyncadd.s32 @!p0 $0xFFFFFFFF  }
0xb3: {  	s25 =	simm.s32 $0x1B8E;
	s24 =	sld [smem:$0x3FFE];
	[sflag:s4] =	ssyncadd.remote.s32 @!p0 $0x1  }
0xb4: {  	s26 =	simm.s32 $execute0_lowered;
	[smem:$0x3FD2] =	sst s25  }
0xb5: {  	s5 =	sshll.u32 s26, $0x1;
	_ =	strace $0x80000049;
	[dreg:$0x1] =	wrdreg $0xFFFFFFFF  }
0xb6: {  	s28 =	simm.s32 $_size_execute0_lowered;
	s3 =	sadd.s32 s3, s5;
	[dreg:$0x0] =	wrdreg $0x0  }
0xb7: {  	s5 =	sshll.u32 s28, $0x1;
	[dreg:$0x2] =	wrdreg s3  }
0xb8: {  	[dreg:$0x3] =	wrdreg s5  }
0xb9: {  	[dreg:$0x4] =	wrdreg $0xC0  }
0xba: {  	_ =	task [dreg:s22], $0x5FFFF  }
0xbb: {  	[dreg:$0x1] =	wrdreg $0xFFFFFFFF  }
0xbc: {  	[dreg:$0x0] =	wrdreg $0x60  }
0xbd: {  	[dreg:$0x2] =	wrdreg s24  }
0xbe: {  	[dreg:$0x3] =	wrdreg $0x0  }
0xbf: {  	[dreg:$0x4] =	wrdreg $0x9  }
0xc0: {  	_ =	task.clear_ibuf [dreg:s22], $0x5FFFF;
	_ =	strace $0x90000049  }
0xc1: {  	s29 =	simm.s32 $0x9;
	_ =	strace $0x8000004B  }
0xc2: {  	_ =	swait.ge [sflag:s29], $0x1  }
0xc3: {  	[sflag:s29] =	ssyncadd.s32 $0xFFFFFFFF  }
0xc4: {  	_ =	strace $0x9000004B  }
0xc5: {  	_ =	sfence  }
0xc6: {  	s30 =	sld [smem:$0x0];
	_ =	sdelay $0x2  }
0xc7: {  	s31 =	sshll.u32 s1, $0xD;
	s1 =	sshrl.u32 s1, $0x2  }
0xc8: {  	s4 =	sand.u32 $0x4000, s31;
	s1 =	sadd.s32 s1, s30  }
0xc9: {  	s0 =	sor.u32 s4, s0;
	s1 =	sshll.u32 s1, $0x11  }
0xca: {  	s0 =	sor.u32 s1, s0  }
0xcb: {  	s0 =	sadd.s32 $0x8F2B, s0  }
0xcc: {  	[sflag:s0] =	ssyncadd.remote.s32 $0x1  }
0xcd: {  	_ =	sfence.sel $0xFFFF  }
0xce: {  	[dreg:$0x0] =	wrdreg $0xFFFFFFFF;
	(pc) =	sbr.abs _section_cstart, $3  }
0xcf: {  	[dreg:$0x1] =	wrdreg $0xFFFFFFFF  }
0xd0: {  	_ =	task.clear_ibuf [dreg:s22], $0x2FFFF;
	_ =	strace $0x9FFFFFFF  }
0xd1: {  	(tm) =	ssettm $0x7FFFFFFF  }
tec
execute0_lowered:
.L_overlay_start_1:
0x0: {  	(tag) =	ssettag $0x1  }
0x1: {  	s0 =	srdreg.scid;
	s4 =	rddreg [dreg:$0x0]  }
0x2: {  	s2 =	rddreg [dreg:$0x1];
	s1 =	stileid.u32  }
0x3: {  	s3 =	simm.s32 $0x0;
	s19 =	simm.s32 $0x80;
	s20 =	simm.s32 $0x1A400  }
0x4: {  	s21 =	simm.s32 $0x2;
	s22 =	simm.s32 $0x1;
	s23 =	simm.s32 $0x0  }
0x5: {  	s5 =	sand.u32 $0x1, s0;
	s0 =	rddreg [dreg:$0x2];
	s7 =	smul.u32 $0x4F000, s1  }
0x6: {  	[smem:$0x7FF] =	sst s3;
	s8 =	smul.u32 $0x13C00, s1;
	s14 =	sadd.s32 $0x70000, s4  }
0x7: {  	s6 =	sshll.u32 s5, $0x4;
	_ =	strace $0x8000004A;
	s30 =	ssub.s32 $0x2, s5  }
0x8: {  	s16 =	smul.u32 $0x13C000, s5;
	s6 =	sor.u32 s1, s6;
	s31 =	sshrl.u32 s30, $0x1  }
0x9: {  	s7 =	sshrl.u32 s7, $0x2;
	s10 =	sadd.s32 $0x4000, s8;
	s12 =	sadd.s32 $0x8000, s8  }
0xa: {  	s13 =	sadd.s32 $0xC000, s8;
	s17 =	sadd.s32 $0x10000, s8;
	s6 =	smul.u32 $0x500, s6  }
0xb: {  	s15 =	ssub.s32 s30, s31;
	s5 =	sadd.s32 s10, s2;
	s11 =	sadd.s32 s8, s16  }
0xc: {  	s10 =	sadd.s32 s16, s10;
	s8 =	sadd.s32 s17, s2;
	s11 =	sshrl.u32 s11, $0x3  }
0xd: {  	s18 =	sshrl.u32 s10, $0x3;
	s15 =	smax.u32 s15, $0x1;
	s9 =	sadd.s32 s6, s4  }
0xe: {  	s4 =	sadd.s32 s7, s2;
	s6 =	sadd.s32 s12, s2;
	s7 =	sadd.s32 s13, s2  }
0xf: {  	s10 =	sadd.s32 s14, s11;
	s11 =	sadd.s32 s14, s18;
	s12 =	sadd.s32 s16, s12  }
0x10: {  	s13 =	sadd.s32 s16, s13;
	s16 =	sadd.s32 s16, s17;
	s17 =	simm.s32 $0x3  }
0x11: {  	s18 =	simm.s32 $0x13C00;
	s9 =	sadd.s32 $0x66000, s9;
	s12 =	sshrl.u32 s12, $0x3  }
0x12: {  	s13 =	sshrl.u32 s13, $0x3;
	s16 =	sshrl.u32 s16, $0x3;
	s12 =	sadd.s32 s14, s12  }
0x13: {  	v0 =	vimm.f32 $0.0e+00;
	v1 =	vimm.f32 $1.000000000e+00;
	s13 =	sadd.s32 s14, s13;
	s14 =	sadd.s32 s14, s16;
	s16 =	simm.s32 $0x16400  }
.LBB2_1:
0x14: {  	s24 =	simm.s32 $0x0;
	s25 =	simm.s32 $0x200  }
.LBB2_2:
0x15: {  	p0 =	sne.s32 s25, $0xFE00;
	[tilespmem:s24+$0x16470] =	vst v0  }
0x16: {  	[tilespmem:s24+$0x16400] =	vst v0  }
0x17: {  	[tilespmem:s24+$0x16410] =	vst v0  }
.Ltmp0:
0x18: {  	[tilespmem:s24+$0x16420] =	vst v0;
	(pc) =	sbr.rel @p0 .LBB2_2-.Ltmp0, $4  }
0x19: {  	[tilespmem:s24+$0x16430] =	vst v0  }
0x1a: {  	[tilespmem:s24+$0x16440] =	vst v0  }
0x1b: {  	[tilespmem:s24+$0x16450] =	vst v0  }
0x1c: {  	[tilespmem:s24+$0x16460] =	vst v0;
	s24 =	sshra.s32 s25, $0x2;
	s25 =	sadd.s32 $0x200, s25  }
0x1d: {  	[tilespmem:s24+$0x16470] =	vst v0  }
0x1e: {  	[tilespmem:s24+$0x16400] =	vst v0  }
0x1f: {  	[tilespmem:s24+$0x16410] =	vst v0  }
0x20: {  	[tilespmem:s24+$0x16420] =	vst v0  }
0x21: {  	[tilespmem:s24+$0x16430] =	vst v0  }
0x22: {  	[tilespmem:s24+$0x16440] =	vst v0  }
0x23: {  	[tilespmem:s24+$0x16450] =	vst v0  }
0x24: {  	[tilespmem:s24+$0x16460] =	vst v0  }
0x25: {  	[spmem:s4] =	stream.linear.scatter [tilespmem:s16], [sflag:$0x3], $0x4000, $0x38;
	[tilespmem:$0x1E400] =	vst v63  }
0x26: {  	_ =	swait.ge [sflag:s17], $0x4000  }
0x27: {  	[sflag:s17] =	ssyncset.done $0x0  }
0x28: {  	[sflag:s17] =	ssyncadd.s32 $0xFFFFC000  }
0x29: {  	[spmem:s5] =	stream.linear.scatter [tilespmem:s16], [sflag:$0x3], $0x4000, $0x38;
	[tilespmem:$0x1E400] =	vst v63  }
0x2a: {  	_ =	swait.ge [sflag:s17], $0x4000  }
0x2b: {  	[sflag:s17] =	ssyncset.done $0x0  }
0x2c: {  	[sflag:s17] =	ssyncadd.s32 $0xFFFFC000  }
0x2d: {  	[spmem:s6] =	stream.linear.scatter [tilespmem:s16], [sflag:$0x3], $0x4000, $0x38;
	[tilespmem:$0x1E400] =	vst v63  }
0x2e: {  	_ =	swait.ge [sflag:s17], $0x4000  }
0x2f: {  	[sflag:s17] =	ssyncset.done $0x0  }
0x30: {  	[sflag:s17] =	ssyncadd.s32 $0xFFFFC000  }
0x31: {  	[spmem:s7] =	stream.linear.scatter [tilespmem:s16], [sflag:$0x3], $0x4000, $0x38;
	[tilespmem:$0x1E400] =	vst v63  }
0x32: {  	_ =	swait.ge [sflag:s17], $0x4000  }
0x33: {  	[sflag:s17] =	ssyncset.done $0x0  }
0x34: {  	[sflag:s17] =	ssyncadd.s32 $0xFFFFC000  }
0x35: {  	[spmem:s8] =	stream.linear.scatter [tilespmem:s16], [sflag:$0x3], $0x3C00, $0x38;
	[tilespmem:$0x1E400] =	vst v63  }
0x36: {  	_ =	swait.ge [sflag:s17], $0x3C00  }
0x37: {  	[sflag:s17] =	ssyncset.done $0x0  }
0x38: {  	s24 =	simm.s32 $0x0;
	s25 =	simm.s32 $0x200;
	[sflag:s17] =	ssyncadd.s32 $0xFFFFC400  }
.LBB2_4:
0x39: {  	p0 =	sne.s32 s25, $0xFE00;
	[tilespmem:s24+$0x16470] =	vst v1  }
0x3a: {  	[tilespmem:s24+$0x16400] =	vst v1  }
0x3b: {  	[tilespmem:s24+$0x16410] =	vst v1  }
.Ltmp1:
0x3c: {  	[tilespmem:s24+$0x16420] =	vst v1;
	(pc) =	sbr.rel @p0 .LBB2_4-.Ltmp1, $4  }
0x3d: {  	[tilespmem:s24+$0x16430] =	vst v1  }
0x3e: {  	[tilespmem:s24+$0x16440] =	vst v1  }
0x3f: {  	[tilespmem:s24+$0x16450] =	vst v1  }
0x40: {  	[tilespmem:s24+$0x16460] =	vst v1;
	s24 =	sshra.s32 s25, $0x2;
	s25 =	sadd.s32 $0x200, s25  }
0x41: {  	[tilespmem:s24+$0x16470] =	vst v1  }
0x42: {  	[tilespmem:s24+$0x16400] =	vst v1  }
0x43: {  	[tilespmem:s24+$0x16410] =	vst v1  }
0x44: {  	[tilespmem:s24+$0x16420] =	vst v1  }
0x45: {  	[tilespmem:s24+$0x16430] =	vst v1  }
0x46: {  	[tilespmem:s24+$0x16440] =	vst v1  }
0x47: {  	[tilespmem:s24+$0x16450] =	vst v1  }
0x48: {  	[tilespmem:s24+$0x16460] =	vst v1;
	s30 =	simm.s32 $0x0  }
0x49: {  	[tilespmem:s18], [sflag:$0x3] =	stream.linear.gather [hbm4b:s9+s30], $0x2800, $0x38;
	[tilespmem:$0x1E400] =	vst v63  }
0x4a: {  	_ =	swait.ge [sflag:s17], $0x2800  }
0x4b: {  	[sflag:s17] =	ssyncset.done $0x0  }
0x4c: {  	[sflag:s17] =	ssyncadd.s32 $0xFFFFD800  }
0x4d: {  	s31 =	simm.s32 $0x13C00;
	[bflag:$0x0] =	sbarrier.arrive $0xFFFF  }
0x4e: {  	[spmem:s2] =	stream.indirect.scatter.add.f32 [tilespmem:s16], [sflag:$0x3], $0x80, s31, s19, $0xb8;
	[tilespmem:$0x1E400] =	vst v63  }
0x4f: {  	s24 =	simm.s32 $0x200;
	_ =	swait.ge [sflag:s17], $0x4000  }
.LBB2_6:
0x50: {  	s25 =	sshra.s32 s24, $0x2;
	[sflag:s17] =	ssyncset.done $0x0;
	p0 =	sne.s32 s24, $0x9C00  }
.Ltmp2:
0x51: {  	s25 =	sadd.s32 $0x13C00, s25;
	[sflag:s17] =	ssyncadd.s32 $0xFFFFC000;
	(pc) =	sbr.rel @p0 .LBB2_6-.Ltmp2, $3  }
0x52: {  	[spmem:s2] =	stream.indirect.scatter.add.f32 [tilespmem:s16], [sflag:$0x3], $0x80, s25, s19, $0xb8;
	[tilespmem:$0x1E400] =	vst v63  }
0x53: {  	s24 =	sadd.s32 $0x200, s24;
	_ =	sdelay $0x1  }
0x54: {  	_ =	swait.ge [sflag:s17], $0x4000  }
0x55: {  	[sflag:s17] =	ssyncset.done $0x0  }
0x56: {  	[sflag:s17] =	ssyncadd.s32 $0xFFFFC000  }
0x57: {  	[tilespmem:s20], [sflag:$0x3] =	stream.indirect.gather [spmem:s2], $0x80, s18, s19, $0xb8;
	[tilespmem:$0x1E400] =	vst v63  }
0x58: {  	_ =	swait.ge [sflag:s17], $0x4000  }
0x59: {  	[sflag:s17] =	ssyncset.done $0x0  }
0x5a: {  	[sflag:s17] =	ssyncadd.s32 $0xFFFFC000  }
0x5b: {  	[bflag:$0x0] =	sbarrier.arrive $0xFFFF  }
0x5c: {  	[tilespmem:s20], [sflag:$0x3] =	stream.linear.gather [spmem:s4], $0x4000, $0x38;
	[tilespmem:$0x1E400] =	vst v63  }
0x5d: {  	_ =	swait.ge [sflag:s17], $0x4000  }
0x5e: {  	[sflag:s17] =	ssyncset.done $0x0  }
0x5f: {  	[sflag:s17] =	ssyncadd.s32 $0xFFFFC000  }
0x60: {  	[hbm4b:s10+s3] =	stream.linear.scatter [tilespmem:s20], [sflag:$0x2], $0x4000, $0x38;
	[tilespmem:$0x1E400] =	vst v63  }
0x61: {  	_ = 	snop  }
0x62: {  	[tilespmem:s16], [sflag:$0x3] =	stream.linear.gather [spmem:s5], $0x4000, $0x38;
	[tilespmem:$0x1E400] =	vst v63  }
0x63: {  	_ =	swait.ge [sflag:s17], $0x4000  }
0x64: {  	[sflag:s17] =	ssyncset.done $0x0  }
0x65: {  	[sflag:s17] =	ssyncadd.s32 $0xFFFFC000  }
0x66: {  	[hbm4b:s11+s3] =	stream.linear.scatter [tilespmem:s16], [sflag:$0x1], $0x4000, $0x38;
	[tilespmem:$0x1E400] =	vst v63  }
0x67: {  	_ =	swait.ge [sflag:s21], $0x4000  }
0x68: {  	[sflag:s21] =	ssyncset.done $0x0  }
0x69: {  	[sflag:s21] =	ssyncadd.s32 $0xFFFFC000  }
0x6a: {  	[tilespmem:s20], [sflag:$0x3] =	stream.linear.gather [spmem:s6], $0x4000, $0x38;
	[tilespmem:$0x1E400] =	vst v63  }
0x6b: {  	_ =	swait.ge [sflag:s17], $0x4000  }
0x6c: {  	[sflag:s17] =	ssyncset.done $0x0  }
0x6d: {  	[sflag:s17] =	ssyncadd.s32 $0xFFFFC000  }
0x6e: {  	[hbm4b:s12+s3] =	stream.linear.scatter [tilespmem:s20], [sflag:$0x2], $0x4000, $0x38;
	[tilespmem:$0x1E400] =	vst v63  }
0x6f: {  	_ =	swait.ge [sflag:s22], $0x4000  }
0x70: {  	[sflag:s22] =	ssyncset.done $0x0  }
0x71: {  	[sflag:s22] =	ssyncadd.s32 $0xFFFFC000  }
0x72: {  	[tilespmem:s16], [sflag:$0x3] =	stream.linear.gather [spmem:s7], $0x4000, $0x38;
	[tilespmem:$0x1E400] =	vst v63  }
0x73: {  	_ =	swait.ge [sflag:s17], $0x4000  }
0x74: {  	[sflag:s17] =	ssyncset.done $0x0  }
0x75: {  	[sflag:s17] =	ssyncadd.s32 $0xFFFFC000  }
0x76: {  	[hbm4b:s13+s3] =	stream.linear.scatter [tilespmem:s16], [sflag:$0x1], $0x4000, $0x38;
	[tilespmem:$0x1E400] =	vst v63  }
0x77: {  	_ =	swait.ge [sflag:s21], $0x4000  }
0x78: {  	[sflag:s21] =	ssyncset.done $0x0  }
0x79: {  	[sflag:s21] =	ssyncadd.s32 $0xFFFFC000  }
0x7a: {  	[tilespmem:s20], [sflag:$0x3] =	stream.linear.gather [spmem:s8], $0x3C00, $0x38;
	[tilespmem:$0x1E400] =	vst v63  }
0x7b: {  	_ =	swait.ge [sflag:s17], $0x3C00  }
0x7c: {  	[sflag:s17] =	ssyncset.done $0x0  }
0x7d: {  	s23 =	sadd.s32 $0x1, s23;
	[sflag:s17] =	ssyncadd.s32 $0xFFFFC400  }
0x7e: {  	[hbm4b:s14+s3] =	stream.linear.scatter [tilespmem:s20], [sflag:$0x2], $0x3C00, $0x38;
	[tilespmem:$0x1E400] =	vst v63  }
0x7f: {  	p0 =	sne.s32 s23, s15;
	_ =	swait.ge [sflag:s22], $0x4000  }
.Ltmp3:
0x80: {  	[sflag:s22] =	ssyncset.done $0x0;
	(pc) =	sbr.rel @p0 .LBB2_1-.Ltmp3, $4  }
0x81: {  	[sflag:s22] =	ssyncadd.s32 $0xFFFFC000  }
0x82: {  	_ =	swait.ge [sflag:s21], $0x3C00  }
0x83: {  	[sflag:s21] =	ssyncset.done $0x0  }
0x84: {  	[sflag:s21] =	ssyncadd.s32 $0xFFFFC400  }
0x85: {  	_ =	sfence.sel $0x180000  }
0x86: {  	[bflag:$0x0] =	sbarrier.arrive $0xFFFF  }
0x87: {  	p0 =	sne.s32 s1, $0x0;
	_ =	strace $0x9000004A  }
0x88: {  	s0 =	sadd.s32 @!p0 $0x100000, s0;
	[bflag:$0x2] =	sbarrier.arrive $0xFFFF  }
0x89: {  	[sflag:s0] =	ssyncadd.tile.s32 @!p0 $0x1;
	_ =	shalt  }
.Lfunc_end2:
_tile_overlayer_lowered:
.L_overlay_start_2:
0x8a: {  	(tag) =	ssettag $0x2  }
0x8b: {  	s0 =	rddreg [dreg:$0x0];
	s2 =	stileid.u32  }
0x8c: {  	s1 =	rddreg [dreg:$0x1];
	p0 =	sne.s32 s2, $0x0  }
0x8d: {  	s3 =	rddreg [dreg:$0x2];
	[bflag:$0x3] =	sbarrier.arrive $0xFFFF;
	s2 =	simm.s32 @!p0 $0x1C03  }
0x8e: {  	[timem:s3], [sflag:s2] =	dma.local @!p0 [hbm:s0], s1  }
0x8f: {  	s0 =	simm.s32 @!p0 $0x3  }
0x90: {  	_ =	swait.ge @!p0 [sflag:s0], s1  }
0x91: {  	s1 =	ssub.s32 @!p0 $0x0, s1;
	[sflag:s0] =	ssyncset.done @!p0 $0x0  }
0x92: {  	[sflag:s0] =	ssyncadd.s32 @!p0 s1  }
0x93: {  	[bflag:$0x3] =	sbarrier.arrive $0xFFFF  }
0x94: {  	_ =	shalt  }

// kernel: kernel.13.cloned.1.call-start
scs
__scs_entry_jumppad:
0x0: {  	(pc) =	sbr.rel $0x88, $3  }
0x1: {  	(tag) =	ssettag $0x0;
	lr =	simm.s32 $0x1  }
0x2: {  	[smem:$0x3F96] =	sst lr;
	_ =	strace $0xD0000000  }
0x3: {  	_ = 	snop  }
0x4: {  	_ = 	snop  }
0x5: {  	_ = 	snop  }
0x6: {  	_ = 	snop  }
0x7: {  	_ = 	snop  }
__scs_overlays_trampoline_lowered:
0x8: {  	[smem:$0x3FA5] =	sst s0  }
0x9: {  	[smem:$0x3FA6] =	sst s1  }
0xa: {  	[smem:$0x3FA7] =	sst s2  }
0xb: {  	[smem:$0x3FA8] =	sst s3  }
0xc: {  	[smem:$0x3FA9] =	sst s4  }
0xd: {  	[smem:$0x3FAA] =	sst s5  }
0xe: {  	[smem:$0x3FAB] =	sst s6  }
0xf: {  	[smem:$0x3FAC] =	sst s7  }
0x10: {  	[smem:$0x3FAD] =	sst s8  }
0x11: {  	[smem:$0x3FAE] =	sst s9;
	s0 =	simm.s32 @!p0 $0x0  }
0x12: {  	s1 =	sld [smem:$0x3F94];
	s0 =	simm.s32 @p0 $0x1  }
0x13: {  	[smem:$0x3FAF] =	sst s0;
	s0 =	simm.s32 @!p1 $0x0  }
0x14: {  	s2 =	sld [smem:$0x3F93];
	s0 =	simm.s32 @p1 $0x1  }
0x15: {  	[smem:$0x3FB0] =	sst s0;
	s0 =	simm.s32 @!p2 $0x0  }
0x16: {  	s3 =	sld [smem:$0x3FDB];
	s0 =	simm.s32 @p2 $0x1  }
0x17: {  	s4 =	simm.s32 $0x1BF5;
	[smem:$0x3FB2] =	sst s0  }
0x18: {  	s0 =	sld [smem:$0x3F95];
	_ =	swait.ge [sflag:s4], $0x0  }
0x19: {  	s7 =	sld [smem:$0x3F96]  }
0x1a: {  	s8 =	sadd.s32 $0xFFFFE003, lr  }
0x1b: {  	s9 =	sadd.s32 $0xFFFFFEF7, lr;
	s5 =	simm.s32 $0xFFFFFFFF;
	p2 =	slt.u32 s8, $0xFFFFF086  }
0x1c: {  	p1 =	slt.u32 s9, $0xF7A;
	s5 =	simm.s32 @!p2 $0x0  }
0x1d: {  	s5 =	simm.s32 @p1 $0x1;
	p0 =	seq.s32 s7, s2  }
0x1e: {  	s7 =	smul.u32 @!p0 $0xF7A, s2;
	p2 =	seq.s32 @!p0 s5, $0x0  }
0x1f: {  	s9 =	smul.u32 $0xF7A, s1;
	s8 =	simm.s32 @!p0 $0x1BF5;
	p2 =	por !p2, p0  }
0x20: {  	[sflag:s8] =	ssyncset.s32 @!p0 $0xFFFFF086;
	s6 =	sadd.s32 @!p0 s3, s7;
	s7 =	simm.s32 @!p0 $0x108  }
0x21: {  	s3 =	sadd.s32 s3, s9;
	s6 =	sadd.s32 @!p0 $0x88, s6;
	s7 =	simm.s32 @p2 $0x1082  }
0x22: {  	[simem:s7], [sflag:s8] =	dma.local @!p0 [hbm:s6], $0xF7A  }
0x23: {  	s9 =	sor.u32 $0xD0000000, s2;
	s6 =	simm.s32 $0x108;
	_ =	swait.ge @!p0 [sflag:s8], $0x0  }
0x24: {  	s3 =	sadd.s32 $0x88, s3;
	s6 =	simm.s32 @!p1 $0x1082;
	[sflag:s4] =	ssyncset.s32 $0xFFFFF086  }
0x25: {  	[simem:s6], [sflag:s4] =	dma.local [hbm:s3], $0xF7A  }
0x26: {  	[smem:$0x3F96] =	sst s1;
	(tag) =	ssettag s2;
	_ =	strace s9  }
0x27: {  	s1 =	sld [smem:$0x3FA6]  }
0x28: {  	s2 =	sld [smem:$0x3FA7]  }
0x29: {  	s4 =	sld [smem:$0x3FA9]  }
0x2a: {  	p0 =	seq.s32 s5, $0x0;
	s5 =	sld [smem:$0x3FAA]  }
0x2b: {  	s6 =	sld [smem:$0x3FAB]  }
0x2c: {  	s7 =	sld [smem:$0x3FAC]  }
0x2d: {  	s3 =	simm.s32 $0x108;
	s8 =	sld [smem:$0x3FAD]  }
0x2e: {  	s3 =	simm.s32 @!p0 $0x1082;
	s9 =	sld [smem:$0x3FAE]  }
0x2f: {  	lr =	sadd.s32 s0, s3;
	s0 =	sld [smem:$0x3FA5]  }
0x30: {  	s3 =	sld [smem:$0x3FA8]  }
0x31: {  	[smem:$0x3FB1] =	sst s10  }
0x32: {  	s10 =	sld [smem:$0x3FAF];
	_ =	sdelay $0x3  }
0x33: {  	p0 =	seq.s32 s10, $0x1;
	s10 =	sld [smem:$0x3FB1];
	_ =	sdelay $0x3  }
0x34: {  	[smem:$0x3FB1] =	sst s10  }
0x35: {  	s10 =	sld [smem:$0x3FB0];
	_ =	sdelay $0x3  }
0x36: {  	p1 =	seq.s32 s10, $0x1;
	s10 =	sld [smem:$0x3FB1];
	_ =	sdelay $0x3  }
0x37: {  	[smem:$0x3FB1] =	sst s10  }
0x38: {  	s10 =	sld [smem:$0x3FB2]  }
0x39: {  	_ = 	snop;
	(pc) =	sbr.ind lr, $3  }
0x3a: {  	_ = 	snop  }
0x3b: {  	_ = 	snop  }
0x3c: {  	p2 =	seq.s32 s10, $0x1;
	s10 =	sld [smem:$0x3FB1]  }
0x3d: {  	_ =	shalt  }
0x3e: {  	_ =	shalt  }
0x3f: {  	_ =	shalt  }
0x40: {  	_ =	shalt  }
0x41: {  	_ =	shalt  }
0x42: {  	_ =	shalt  }
0x43: {  	_ =	shalt  }
0x44: {  	_ =	shalt  }
0x45: {  	_ =	shalt  }
0x46: {  	_ =	shalt  }
0x47: {  	_ =	shalt  }
0x48: {  	_ =	shalt  }
0x49: {  	_ =	shalt  }
0x4a: {  	_ =	shalt  }
0x4b: {  	_ =	shalt  }
0x4c: {  	_ =	shalt  }
0x4d: {  	_ =	shalt  }
0x4e: {  	_ =	shalt  }
0x4f: {  	_ =	shalt  }
0x50: {  	_ =	shalt  }
0x51: {  	_ =	shalt  }
0x52: {  	_ =	shalt  }
0x53: {  	_ =	shalt  }
0x54: {  	_ =	shalt  }
0x55: {  	_ =	shalt  }
0x56: {  	_ =	shalt  }
0x57: {  	_ =	shalt  }
0x58: {  	_ =	shalt  }
0x59: {  	_ =	shalt  }
0x5a: {  	_ =	shalt  }
0x5b: {  	_ =	shalt  }
0x5c: {  	_ =	shalt  }
0x5d: {  	_ =	shalt  }
0x5e: {  	_ =	shalt  }
0x5f: {  	_ =	shalt  }
0x60: {  	_ =	shalt  }
0x61: {  	_ =	shalt  }
0x62: {  	_ =	shalt  }
0x63: {  	_ =	shalt  }
0x64: {  	_ =	shalt  }
0x65: {  	_ =	shalt  }
0x66: {  	_ =	shalt  }
0x67: {  	_ =	shalt  }
0x68: {  	_ =	shalt  }
0x69: {  	_ =	shalt  }
0x6a: {  	_ =	shalt  }
0x6b: {  	_ =	shalt  }
0x6c: {  	_ =	shalt  }
0x6d: {  	_ =	shalt  }
0x6e: {  	_ =	shalt  }
0x6f: {  	_ =	shalt  }
0x70: {  	_ =	shalt  }
0x71: {  	_ =	shalt  }
0x72: {  	_ =	shalt  }
0x73: {  	_ =	shalt  }
0x74: {  	_ =	shalt  }
0x75: {  	_ =	shalt  }
0x76: {  	_ =	shalt  }
0x77: {  	_ =	shalt  }
0x78: {  	_ =	shalt  }
0x79: {  	_ =	shalt  }
0x7a: {  	_ =	shalt  }
0x7b: {  	_ =	shalt  }
0x7c: {  	_ =	shalt  }
0x7d: {  	_ =	shalt  }
0x7e: {  	_ =	shalt  }
0x7f: {  	_ =	shalt  }
0x80: {  	_ =	shalt  }
0x81: {  	_ =	shalt  }
0x82: {  	_ =	shalt  }
0x83: {  	_ =	shalt  }
0x84: {  	_ =	shalt  }
0x85: {  	_ =	shalt  }
0x86: {  	_ =	shalt  }
0x87: {  	_ =	shalt  }
.Lfunc_end0:
.L_simem_size_0:
called_computation.1_lowered:
.L_overlay_start_0:
0x88: {  	s2 =	sld [smem:$0x3FD9]  }
0x89: {  	s3 =	sld [smem:$0x3FFE];
	_ =	sdelay $0x1  }
0x8a: {  	s1 =	srdreg.scid  }
0x8b: {  	s0 =	sand.u32 $0x1, s1  }
0x8c: {  	s17 =	sshll.u32 s0, $0xA;
	s2 =	sadd.s32 s3, s2  }
0x8d: {  	s2 =	sadd.s32 s2, s17  }
0x8e: {  	[smem:$0x3FBD] =	sst s2  }
0x8f: {  	_ = 	snop  }
0x90: {  	s2 =	sld [smem:$0x3FD0];
	(tm) =	ssettm $0x1  }
0x91: {  	s18 =	sld [smem:$0x3FFB];
	_ =	sdelay $0x3  }
0x92: {  	_ =	strace s18  }
0x93: {  	s3 =	sld [smem:$0x3FFC];
	_ =	sdelay $0x3  }
0x94: {  	_ =	strace s3  }
0x95: {  	s3 =	sld [smem:$0x3FFD];
	_ =	sdelay $0x3  }
0x96: {  	_ =	strace s3  }
0x97: {  	_ =	strace $0x8FFFFFFF  }
0x98: {  	s19 =	sld [smem:$0x3FDB];
	_ =	sdelay $0x1  }
0x99: {  	s4 =	simm.s32 $_scs_section_size  }
0x9a: {  	s5 =	simm.s32 $_size__tile_overlayer_lowered;
	s6 =	simm.s32 $_tile_overlayer_lowered  }
0x9b: {  	s22 =	simm.s32 $0x1BFF;
	s21 =	sshll.u32 s6, $0x1;
	s3 =	sadd.s32 s4, s19  }
0x9c: {  	s7 =	simm.s32 $0x0;
	s20 =	sshll.u32 s5, $0x1;
	s5 =	sadd.s32 s21, s3  }
0x9d: {  	[timem:s7], [sflag:s22] =	dma.local [hbm:s5], s20  }
0x9e: {  	_ =	swait.ge [sflag:s22], s20  }
0x9f: {  	s4 =	ssub.s32 $0x0, s20;
	[sflag:s22] =	ssyncset.done $0x0  }
0xa0: {  	[sflag:s22] =	ssyncadd.s32 s4;
	_ =	sdelay $0x1  }
0xa1: {  	s23 =	simm.s32 $0x1B8B  }
0xa2: {  	_ =	swait.ge [sflag:s23], $0x1  }
0xa3: {  	[sflag:s23] =	ssyncset.done $0x0  }
0xa4: {  	s25 =	simm.s32 $0x1B8E;
	s24 =	sld [smem:$0x3FFE];
	[sflag:s23] =	ssyncadd.s32 $0xFFFFFFFF  }
0xa5: {  	s26 =	simm.s32 $execute0_lowered;
	[smem:$0x3FD2] =	sst s25  }
0xa6: {  	s5 =	sshll.u32 s26, $0x1;
	_ =	strace $0x80000046;
	[dreg:$0x1] =	wrdreg $0xFFFFFFFF  }
0xa7: {  	s28 =	simm.s32 $_size_execute0_lowered;
	s3 =	sadd.s32 s3, s5;
	[dreg:$0x0] =	wrdreg $0x0  }
0xa8: {  	s5 =	sshll.u32 s28, $0x1;
	[dreg:$0x2] =	wrdreg s3  }
0xa9: {  	[dreg:$0x3] =	wrdreg s5  }
0xaa: {  	[dreg:$0x4] =	wrdreg $0xC0  }
0xab: {  	_ =	task [dreg:s7], $0x5FFFF  }
0xac: {  	[dreg:$0x1] =	wrdreg $0xFFFFFFFF  }
0xad: {  	[dreg:$0x0] =	wrdreg $0x60  }
0xae: {  	[dreg:$0x2] =	wrdreg s2  }
0xaf: {  	[dreg:$0x3] =	wrdreg s24  }
0xb0: {  	[dreg:$0x4] =	wrdreg $0x0  }
0xb1: {  	[dreg:$0x5] =	wrdreg $0xA  }
0xb2: {  	_ =	task.clear_ibuf [dreg:s7], $0x6FFFF;
	_ =	strace $0x90000046  }
0xb3: {  	s29 =	simm.s32 $0xA;
	_ =	strace $0x80000048  }
0xb4: {  	_ =	swait.ge [sflag:s29], $0x1  }
0xb5: {  	[sflag:s29] =	ssyncadd.s32 $0xFFFFFFFF  }
0xb6: {  	_ =	strace $0x90000048  }
0xb7: {  	_ =	sfence  }
0xb8: {  	s30 =	sld [smem:$0x0];
	_ =	sdelay $0x2  }
0xb9: {  	s31 =	sshll.u32 s1, $0xD;
	s1 =	sshrl.u32 s1, $0x2  }
0xba: {  	s3 =	sand.u32 $0x4000, s31;
	s1 =	sadd.s32 s1, s30  }
0xbb: {  	s0 =	sor.u32 s3, s0;
	s1 =	sshll.u32 s1, $0x11  }
0xbc: {  	s0 =	sor.u32 s1, s0  }
0xbd: {  	s0 =	sadd.s32 $0x8F2B, s0  }
0xbe: {  	[sflag:s0] =	ssyncadd.remote.s32 $0x1  }
0xbf: {  	_ =	sfence.sel $0xFFFF  }
0xc0: {  	[dreg:$0x0] =	wrdreg $0xFFFFFFFF;
	(pc) =	sbr.abs _section_cstart, $3  }
0xc1: {  	[dreg:$0x1] =	wrdreg $0xFFFFFFFF  }
0xc2: {  	_ =	task.clear_ibuf [dreg:s7], $0x2FFFF;
	_ =	strace $0x9FFFFFFF  }
0xc3: {  	(tm) =	ssettm $0x7FFFFFFF  }
tec
execute0_lowered:
.L_overlay_start_1:
0x0: {  	(tag) =	ssettag $0x1  }
0x1: {  	s1 =	rddreg [dreg:$0x0]  }
0x2: {  	s0 =	rddreg [dreg:$0x1]  }
0x3: {  	s2 =	rddreg [dreg:$0x2];
	s4 =	simm.s32 $0x0;
	s3 =	srdreg.scid  }
0x4: {  	s20 =	stileid.u32;
	s28 =	simm.s32 $0x17E00;
	s29 =	simm.s32 $0x13C80  }
0x5: {  	s30 =	simm.s32 $0x2;
	s31 =	simm.s32 $0x3;
	s6 =	smul.u32 $0x4F000, s20  }
0x6: {  	[smem:$0x7FF] =	sst s4;
	s3 =	sand.u32 $0x1, s3;
	s10 =	smul.u32 $0x13C00, s20  }
0x7: {  	s11 =	sadd.s32 $0x3000, s0;
	s0 =	sadd.s32 $0x17000, s0;
	s25 =	smul.u32 $0x5000, s20  }
0x8: {  	_ =	strace $0x80000047;
	s5 =	ssub.s32 $0x2, s3;
	s17 =	sshll.u32 s3, $0x4  }
0x9: {  	s7 =	sshrl.u32 s5, $0x1;
	s18 =	sor.u32 s20, s17;
	s19 =	sshrl.u32 s6, $0x2  }
0xa: {  	s13 =	sadd.s32 $0x4000, s10;
	s15 =	sadd.s32 $0x8000, s10;
	s17 =	smul.u32 $0x13C000, s3  }
0xb: {  	s16 =	sadd.s32 $0xC000, s10;
	s3 =	smul.u32 $0x50000, s3;
	s20 =	simm.s32 $0x13E00  }
0xc: {  	s12 =	ssub.s32 s5, s7;
	s5 =	sadd.s32 s19, s2;
	s6 =	sadd.s32 s13, s2  }
0xd: {  	s14 =	smul.u32 $0x5000, s18;
	s7 =	sadd.s32 s15, s2;
	s18 =	sadd.s32 $0x10000, s10  }
0xe: {  	s8 =	sadd.s32 s16, s2;
	s9 =	sadd.s32 s18, s2;
	s19 =	sadd.s32 s10, s17  }
0xf: {  	s13 =	sadd.s32 s17, s13;
	s23 =	sadd.s32 s17, s15;
	s24 =	sadd.s32 s17, s16  }
0x10: {  	s17 =	sadd.s32 s17, s18;
	s3 =	sadd.s32 s25, s3;
	s25 =	simm.s32 $0x1  }
0x11: {  	s14 =	sshrl.u32 s14, $0x3;
	s21 =	sshrl.u32 s19, $0x3;
	s13 =	sshrl.u32 s13, $0x3  }
0x12: {  	s15 =	sshrl.u32 s24, $0x3;
	s17 =	sshrl.u32 s17, $0x3;
	s26 =	sor.u32 $0x300, s3  }
0x13: {  	s3 =	sor.u32 $0x200, s3;
	s24 =	simm.s32 $0x80;
	s10 =	sadd.s32 s11, s14  }
0x14: {  	s14 =	sadd.s32 s0, s21;
	s13 =	sadd.s32 s0, s13;
	s15 =	sadd.s32 s0, s15  }
0x15: {  	s16 =	sadd.s32 s0, s17;
	s17 =	smax.u32 s12, $0x1;
	s3 =	sshrl.u32 s3, $0x3  }
0x16: {  	s21 =	simm.s32 $0x5;
	s22 =	sadd.s32 $0x20, s10;
	[dreg:$0x5] =	wrdreg s14  }
0x17: {  	[dreg:$0x6] =	wrdreg s13;
	s14 =	sshrl.u32 s23, $0x3;
	s19 =	sadd.s32 s3, s11  }
0x18: {  	s23 =	simm.s32 $0x13D00;
	s3 =	simm.s32 $0x0;
	[dreg:$0x4] =	wrdreg s22  }
0x19: {  	s14 =	sadd.s32 s0, s14;
	s0 =	sshrl.u32 s26, $0x3;
	s22 =	simm.s32 $0x13C00  }
0x1a: {  	v0 =	vimm.f32 $0.0e+00;
	s26 =	simm.s32 $0x4;
	s18 =	sadd.s32 s0, s11;
	s0 =	simm.s32 $0x13D80  }
.LBB2_1:
0x1b: {  	s11 =	simm.s32 $0x0;
	s12 =	simm.s32 $0x200  }
.LBB2_2:
0x1c: {  	p0 =	sne.s32 s12, $0xFE00;
	[tilespmem:s11+$0x13E70] =	vst v0  }
0x1d: {  	[tilespmem:s11+$0x13E00] =	vst v0  }
0x1e: {  	[tilespmem:s11+$0x13E10] =	vst v0  }
.Ltmp0:
0x1f: {  	[tilespmem:s11+$0x13E20] =	vst v0;
	(pc) =	sbr.rel @p0 .LBB2_2-.Ltmp0, $4  }
0x20: {  	[tilespmem:s11+$0x13E30] =	vst v0  }
0x21: {  	[tilespmem:s11+$0x13E40] =	vst v0  }
0x22: {  	[tilespmem:s11+$0x13E50] =	vst v0  }
0x23: {  	[tilespmem:s11+$0x13E60] =	vst v0;
	s11 =	sshra.s32 s12, $0x2;
	s12 =	sadd.s32 $0x200, s12  }
0x24: {  	[tilespmem:s11+$0x13E70] =	vst v0  }
0x25: {  	[tilespmem:s11+$0x13E00] =	vst v0  }
0x26: {  	[tilespmem:s11+$0x13E10] =	vst v0  }
0x27: {  	[tilespmem:s11+$0x13E20] =	vst v0  }
0x28: {  	[tilespmem:s11+$0x13E30] =	vst v0  }
0x29: {  	[tilespmem:s11+$0x13E40] =	vst v0  }
0x2a: {  	[tilespmem:s11+$0x13E50] =	vst v0  }
0x2b: {  	[tilespmem:s11+$0x13E60] =	vst v0  }
0x2c: {  	[spmem:s5] =	stream.linear.scatter [tilespmem:s20], [sflag:$0x5], $0x4000, $0x38;
	[tilespmem:$0x1BE00] =	vst v63  }
0x2d: {  	_ =	swait.ge [sflag:s21], $0x4000  }
0x2e: {  	[sflag:s21] =	ssyncset.done $0x0  }
0x2f: {  	[sflag:s21] =	ssyncadd.s32 $0xFFFFC000  }
0x30: {  	[spmem:s6] =	stream.linear.scatter [tilespmem:s20], [sflag:$0x5], $0x4000, $0x38;
	[tilespmem:$0x1BE00] =	vst v63  }
0x31: {  	_ =	swait.ge [sflag:s21], $0x4000  }
0x32: {  	[sflag:s21] =	ssyncset.done $0x0  }
0x33: {  	[sflag:s21] =	ssyncadd.s32 $0xFFFFC000  }
0x34: {  	[spmem:s7] =	stream.linear.scatter [tilespmem:s20], [sflag:$0x5], $0x4000, $0x38;
	[tilespmem:$0x1BE00] =	vst v63  }
0x35: {  	_ =	swait.ge [sflag:s21], $0x4000  }
0x36: {  	[sflag:s21] =	ssyncset.done $0x0  }
0x37: {  	[sflag:s21] =	ssyncadd.s32 $0xFFFFC000  }
0x38: {  	[spmem:s8] =	stream.linear.scatter [tilespmem:s20], [sflag:$0x5], $0x4000, $0x38;
	[tilespmem:$0x1BE00] =	vst v63  }
0x39: {  	_ =	swait.ge [sflag:s21], $0x4000  }
0x3a: {  	[sflag:s21] =	ssyncset.done $0x0  }
0x3b: {  	[sflag:s21] =	ssyncadd.s32 $0xFFFFC000  }
0x3c: {  	[spmem:s9] =	stream.linear.scatter [tilespmem:s20], [sflag:$0x5], $0x3C00, $0x38;
	[tilespmem:$0x1BE00] =	vst v63  }
0x3d: {  	_ =	swait.ge [sflag:s21], $0x3C00  }
0x3e: {  	[sflag:s21] =	ssyncset.done $0x0  }
0x3f: {  	[sflag:s21] =	ssyncadd.s32 $0xFFFFC400  }
0x40: {  	s13 =	simm.s32 $0x0;
	[bflag:$0x0] =	sbarrier.arrive $0xFFFF  }
0x41: {  	[tilespmem:s22], [sflag:$0x5] =	stream.linear.gather [hbm4b:s10+s13], $0x100, $0x38;
	[tilespmem:$0x1BE00] =	vst v63  }
0x42: {  	_ =	swait.ge [sflag:s21], $0x100  }
0x43: {  	[sflag:s21] =	ssyncset.done $0x0  }
0x44: {  	s12 =	rddreg [dreg:$0x4];
	[sflag:s21] =	ssyncadd.s32 $0xFFFFFF00  }
0x45: {  	[tilespmem:s23], [sflag:$0x4] =	stream.linear.gather [hbm4b:s12+s13], $0x100, $0x38;
	[tilespmem:$0x1BE00] =	vst v63  }
0x46: {  	_ = 	snop  }
0x47: {  	[tilespmem:s20], [sflag:$0x1] =	stream.indirect.gather [hbm4b:s1+s24], $0x80, s22, s24, $0xb8;
	[tilespmem:$0x1BE00] =	vst v63  }
0x48: {  	_ =	swait.ge [sflag:s25], $0x4000  }
0x49: {  	[sflag:s25] =	ssyncset.done $0x0  }
0x4a: {  	[sflag:s25] =	ssyncadd.s32 $0xFFFFC000  }
0x4b: {  	_ =	swait.ge [sflag:s26], $0x100  }
0x4c: {  	[sflag:s26] =	ssyncset.done $0x0  }
0x4d: {  	[sflag:s26] =	ssyncadd.s32 $0xFFFFFF00  }
0x4e: {  	[tilespmem:s28], [sflag:$0x2] =	stream.indirect.gather [hbm4b:s1+s24], $0x80, s23, s24, $0xb8;
	[tilespmem:$0x1BE00] =	vst v63  }
0x4f: {  	_ = 	snop  }
0x50: {  	[spmem:s2] =	stream.indirect.scatter.add.f32 [tilespmem:s20], [sflag:$0x5], $0x80, s29, s24, $0xb8;
	[tilespmem:$0x1BE00] =	vst v63  }
0x51: {  	_ =	swait.ge [sflag:s21], $0x4000  }
0x52: {  	[sflag:s21] =	ssyncset.done $0x0  }
0x53: {  	s13 =	sadd.s32 $0x0, s19;
	[sflag:s21] =	ssyncadd.s32 $0xFFFFC000  }
0x54: {  	[tilespmem:s22], [sflag:$0x3] =	stream.linear.gather [hbm4b:s13+s4], $0x100, $0x38;
	[tilespmem:$0x1BE00] =	vst v63  }
0x55: {  	_ =	swait.ge [sflag:s30], $0x4000  }
0x56: {  	[sflag:s30] =	ssyncset.done $0x0  }
0x57: {  	[sflag:s30] =	ssyncadd.s32 $0xFFFFC000  }
0x58: {  	_ =	swait.ge [sflag:s31], $0x100  }
0x59: {  	[sflag:s31] =	ssyncset.done $0x0  }
0x5a: {  	[sflag:s31] =	ssyncadd.s32 $0xFFFFFF00  }
0x5b: {  	[tilespmem:s20], [sflag:$0x1] =	stream.indirect.gather [hbm4b:s1+s24], $0x80, s22, s24, $0xb8;
	[tilespmem:$0x1BE00] =	vst v63  }
0x5c: {  	_ = 	snop  }
0x5d: {  	[spmem:s2] =	stream.indirect.scatter.add.f32 [tilespmem:s28], [sflag:$0x5], $0x80, s0, s24, $0xb8;
	[tilespmem:$0x1BE00] =	vst v63  }
0x5e: {  	_ =	swait.ge [sflag:s21], $0x4000  }
0x5f: {  	[sflag:s21] =	ssyncset.done $0x0  }
0x60: {  	s11 =	simm.s32 $0x40;
	s12 =	sadd.s32 $0x0, s18;
	[sflag:s21] =	ssyncadd.s32 $0xFFFFC000  }
.LBB2_4:
0x61: {  	[tilespmem:s23], [sflag:$0x4] =	stream.linear.gather [hbm4b:s12+s4], $0x100, $0x38;
	[tilespmem:$0x1BE00] =	vst v63  }
0x62: {  	s12 =	smov.u32 s11  }
0x63: {  	p0 =	sne.s32 s11, $0x980;
	s11 =	sadd.s32 $0x40, s11;
	_ =	swait.ge [sflag:s25], $0x4000  }
0x64: {  	[sflag:s25] =	ssyncset.done $0x0  }
0x65: {  	[sflag:s25] =	ssyncadd.s32 $0xFFFFC000  }
0x66: {  	_ =	swait.ge [sflag:s26], $0x100  }
0x67: {  	[sflag:s26] =	ssyncset.done $0x0  }
0x68: {  	[sflag:s26] =	ssyncadd.s32 $0xFFFFFF00  }
0x69: {  	[tilespmem:s28], [sflag:$0x2] =	stream.indirect.gather [hbm4b:s1+s24], $0x80, s23, s24, $0xb8;
	[tilespmem:$0x1BE00] =	vst v63  }
0x6a: {  	_ = 	snop  }
0x6b: {  	[spmem:s2] =	stream.indirect.scatter.add.f32 [tilespmem:s20], [sflag:$0x5], $0x80, s29, s24, $0xb8;
	[tilespmem:$0x1BE00] =	vst v63  }
0x6c: {  	_ =	swait.ge [sflag:s21], $0x4000  }
0x6d: {  	[sflag:s21] =	ssyncset.done $0x0  }
0x6e: {  	s13 =	sadd.s32 s12, s19;
	[sflag:s21] =	ssyncadd.s32 $0xFFFFC000  }
0x6f: {  	[tilespmem:s22], [sflag:$0x3] =	stream.linear.gather [hbm4b:s13+s4], $0x100, $0x38;
	[tilespmem:$0x1BE00] =	vst v63  }
0x70: {  	_ =	swait.ge [sflag:s30], $0x4000  }
0x71: {  	[sflag:s30] =	ssyncset.done $0x0  }
0x72: {  	[sflag:s30] =	ssyncadd.s32 $0xFFFFC000  }
0x73: {  	_ =	swait.ge [sflag:s31], $0x100  }
0x74: {  	[sflag:s31] =	ssyncset.done $0x0  }
0x75: {  	[sflag:s31] =	ssyncadd.s32 $0xFFFFFF00  }
0x76: {  	[tilespmem:s20], [sflag:$0x1] =	stream.indirect.gather [hbm4b:s1+s24], $0x80, s22, s24, $0xb8;
	[tilespmem:$0x1BE00] =	vst v63  }
.Ltmp1:
0x77: {  	(pc) =	sbr.rel @p0 .LBB2_4-.Ltmp1, $4  }
0x78: {  	[spmem:s2] =	stream.indirect.scatter.add.f32 [tilespmem:s28], [sflag:$0x5], $0x80, s0, s24, $0xb8;
	[tilespmem:$0x1BE00] =	vst v63  }
0x79: {  	_ =	swait.ge [sflag:s21], $0x4000  }
0x7a: {  	[sflag:s21] =	ssyncset.done $0x0  }
0x7b: {  	s12 =	sadd.s32 s12, s18;
	[sflag:s21] =	ssyncadd.s32 $0xFFFFC000  }
0x7c: {  	[tilespmem:s23], [sflag:$0x4] =	stream.linear.gather [hbm4b:s12+s4], $0x100, $0x38;
	[tilespmem:$0x1BE00] =	vst v63  }
0x7d: {  	_ =	swait.ge [sflag:s25], $0x4000  }
0x7e: {  	[sflag:s25] =	ssyncset.done $0x0  }
0x7f: {  	[sflag:s25] =	ssyncadd.s32 $0xFFFFC000  }
0x80: {  	[spmem:s2] =	stream.indirect.scatter.add.f32 [tilespmem:s20], [sflag:$0x5], $0x80, s29, s24, $0xb8;
	[tilespmem:$0x1BE00] =	vst v63  }
0x81: {  	_ =	swait.ge [sflag:s21], $0x4000  }
0x82: {  	[sflag:s21] =	ssyncset.done $0x0  }
0x83: {  	[sflag:s21] =	ssyncadd.s32 $0xFFFFC000  }
0x84: {  	_ =	swait.ge [sflag:s26], $0x100  }
0x85: {  	[sflag:s26] =	ssyncset.done $0x0  }
0x86: {  	[sflag:s26] =	ssyncadd.s32 $0xFFFFFF00  }
0x87: {  	[tilespmem:s28], [sflag:$0x5] =	stream.indirect.gather [spmem:s2], $0x80, s29, s24, $0xb8;
	[tilespmem:$0x1BE00] =	vst v63  }
0x88: {  	_ =	swait.ge [sflag:s21], $0x4000  }
0x89: {  	[sflag:s21] =	ssyncset.done $0x0  }
0x8a: {  	[sflag:s21] =	ssyncadd.s32 $0xFFFFC000  }
0x8b: {  	[bflag:$0x0] =	sbarrier.arrive $0xFFFF  }
0x8c: {  	[tilespmem:s20], [sflag:$0x5] =	stream.linear.gather [spmem:s5], $0x4000, $0x38;
	[tilespmem:$0x1BE00] =	vst v63  }
0x8d: {  	_ =	swait.ge [sflag:s21], $0x4000  }
0x8e: {  	[sflag:s21] =	ssyncset.done $0x0  }
0x8f: {  	s11 =	rddreg [dreg:$0x5];
	[sflag:s21] =	ssyncadd.s32 $0xFFFFC000  }
0x90: {  	[hbm4b:s11+s4] =	stream.linear.scatter [tilespmem:s20], [sflag:$0x1], $0x4000, $0x38;
	[tilespmem:$0x1BE00] =	vst v63  }
0x91: {  	_ = 	snop  }
0x92: {  	[tilespmem:s28], [sflag:$0x5] =	stream.linear.gather [spmem:s6], $0x4000, $0x38;
	[tilespmem:$0x1BE00] =	vst v63  }
0x93: {  	_ =	swait.ge [sflag:s21], $0x4000  }
0x94: {  	[sflag:s21] =	ssyncset.done $0x0  }
0x95: {  	s13 =	rddreg [dreg:$0x6];
	[sflag:s21] =	ssyncadd.s32 $0xFFFFC000  }
0x96: {  	[hbm4b:s13+s4] =	stream.linear.scatter [tilespmem:s28], [sflag:$0x2], $0x4000, $0x38;
	[tilespmem:$0x1BE00] =	vst v63  }
0x97: {  	_ =	swait.ge [sflag:s25], $0x4000  }
0x98: {  	[sflag:s25] =	ssyncset.done $0x0  }
0x99: {  	[sflag:s25] =	ssyncadd.s32 $0xFFFFC000  }
0x9a: {  	[tilespmem:s20], [sflag:$0x5] =	stream.linear.gather [spmem:s7], $0x4000, $0x38;
	[tilespmem:$0x1BE00] =	vst v63  }
0x9b: {  	_ =	swait.ge [sflag:s21], $0x4000  }
0x9c: {  	[sflag:s21] =	ssyncset.done $0x0  }
0x9d: {  	[sflag:s21] =	ssyncadd.s32 $0xFFFFC000  }
0x9e: {  	[hbm4b:s14+s4] =	stream.linear.scatter [tilespmem:s20], [sflag:$0x1], $0x4000, $0x38;
	[tilespmem:$0x1BE00] =	vst v63  }
0x9f: {  	_ =	swait.ge [sflag:s30], $0x4000  }
0xa0: {  	[sflag:s30] =	ssyncset.done $0x0  }
0xa1: {  	[sflag:s30] =	ssyncadd.s32 $0xFFFFC000  }
0xa2: {  	[tilespmem:s28], [sflag:$0x5] =	stream.linear.gather [spmem:s8], $0x4000, $0x38;
	[tilespmem:$0x1BE00] =	vst v63  }
0xa3: {  	_ =	swait.ge [sflag:s21], $0x4000  }
0xa4: {  	[sflag:s21] =	ssyncset.done $0x0  }
0xa5: {  	[sflag:s21] =	ssyncadd.s32 $0xFFFFC000  }
0xa6: {  	[hbm4b:s15+s4] =	stream.linear.scatter [tilespmem:s28], [sflag:$0x2], $0x4000, $0x38;
	[tilespmem:$0x1BE00] =	vst v63  }
0xa7: {  	_ =	swait.ge [sflag:s25], $0x4000  }
0xa8: {  	[sflag:s25] =	ssyncset.done $0x0  }
0xa9: {  	[sflag:s25] =	ssyncadd.s32 $0xFFFFC000  }
0xaa: {  	[tilespmem:s20], [sflag:$0x5] =	stream.linear.gather [spmem:s9], $0x3C00, $0x38;
	[tilespmem:$0x1BE00] =	vst v63  }
0xab: {  	_ =	swait.ge [sflag:s21], $0x3C00  }
0xac: {  	[sflag:s21] =	ssyncset.done $0x0  }
0xad: {  	s3 =	sadd.s32 $0x1, s3;
	[sflag:s21] =	ssyncadd.s32 $0xFFFFC400  }
0xae: {  	[hbm4b:s16+s4] =	stream.linear.scatter [tilespmem:s20], [sflag:$0x1], $0x3C00, $0x38;
	[tilespmem:$0x1BE00] =	vst v63  }
0xaf: {  	p0 =	sne.s32 s3, s17;
	_ =	swait.ge [sflag:s30], $0x4000  }
.Ltmp2:
0xb0: {  	[sflag:s30] =	ssyncset.done $0x0;
	(pc) =	sbr.rel @p0 .LBB2_1-.Ltmp2, $4  }
0xb1: {  	[sflag:s30] =	ssyncadd.s32 $0xFFFFC000  }
0xb2: {  	_ =	swait.ge [sflag:s25], $0x3C00  }
0xb3: {  	[sflag:s25] =	ssyncset.done $0x0  }
0xb4: {  	[sflag:s25] =	ssyncadd.s32 $0xFFFFC400  }
0xb5: {  	_ =	sfence.sel $0x180000  }
0xb6: {  	[bflag:$0x0] =	sbarrier.arrive $0xFFFF  }
0xb7: {  	_ =	strace $0x90000047  }
0xb8: {  	s0 =	stileid.u32;
	[bflag:$0x2] =	sbarrier.arrive $0xFFFF  }
0xb9: {  	p0 =	sne.s32 s0, $0x0;
	s0 =	rddreg [dreg:$0x3]  }
0xba: {  	s0 =	sadd.s32 @!p0 $0x100000, s0  }
0xbb: {  	[sflag:s0] =	ssyncadd.tile.s32 @!p0 $0x1;
	_ =	shalt  }
.Lfunc_end2:
_tile_overlayer_lowered:
.L_overlay_start_2:
0xbc: {  	(tag) =	ssettag $0x2  }
0xbd: {  	s0 =	rddreg [dreg:$0x0];
	s2 =	stileid.u32  }
0xbe: {  	s1 =	rddreg [dreg:$0x1];
	p0 =	sne.s32 s2, $0x0  }
0xbf: {  	s3 =	rddreg [dreg:$0x2];
	[bflag:$0x3] =	sbarrier.arrive $0xFFFF;
	s2 =	simm.s32 @!p0 $0x1C05  }
0xc0: {  	[timem:s3], [sflag:s2] =	dma.local @!p0 [hbm:s0], s1  }
0xc1: {  	s0 =	simm.s32 @!p0 $0x5  }
0xc2: {  	_ =	swait.ge @!p0 [sflag:s0], s1  }
0xc3: {  	s1 =	ssub.s32 @!p0 $0x0, s1;
	[sflag:s0] =	ssyncset.done @!p0 $0x0  }
0xc4: {  	[sflag:s0] =	ssyncadd.s32 @!p0 s1  }
0xc5: {  	[bflag:$0x3] =	sbarrier.arrive $0xFFFF  }
0xc6: {  	_ =	shalt  }

// kernel: kernel.16.cloned.1.call-start
scs
__scs_entry_jumppad:
0x0: {  	(pc) =	sbr.rel $0x88, $3  }
0x1: {  	(tag) =	ssettag $0x0;
	lr =	simm.s32 $0x1  }
0x2: {  	[smem:$0x3F96] =	sst lr;
	_ =	strace $0xD0000000  }
0x3: {  	_ = 	snop  }
0x4: {  	_ = 	snop  }
0x5: {  	_ = 	snop  }
0x6: {  	_ = 	snop  }
0x7: {  	_ = 	snop  }
__scs_overlays_trampoline_lowered:
0x8: {  	[smem:$0x3FA5] =	sst s0  }
0x9: {  	[smem:$0x3FA6] =	sst s1  }
0xa: {  	[smem:$0x3FA7] =	sst s2  }
0xb: {  	[smem:$0x3FA8] =	sst s3  }
0xc: {  	[smem:$0x3FA9] =	sst s4  }
0xd: {  	[smem:$0x3FAA] =	sst s5  }
0xe: {  	[smem:$0x3FAB] =	sst s6  }
0xf: {  	[smem:$0x3FAC] =	sst s7  }
0x10: {  	[smem:$0x3FAD] =	sst s8  }
0x11: {  	[smem:$0x3FAE] =	sst s9;
	s0 =	simm.s32 @!p0 $0x0  }
0x12: {  	s1 =	sld [smem:$0x3F94];
	s0 =	simm.s32 @p0 $0x1  }
0x13: {  	[smem:$0x3FAF] =	sst s0;
	s0 =	simm.s32 @!p1 $0x0  }
0x14: {  	s2 =	sld [smem:$0x3F93];
	s0 =	simm.s32 @p1 $0x1  }
0x15: {  	[smem:$0x3FB0] =	sst s0;
	s0 =	simm.s32 @!p2 $0x0  }
0x16: {  	s3 =	sld [smem:$0x3FDB];
	s0 =	simm.s32 @p2 $0x1  }
0x17: {  	s4 =	simm.s32 $0x1BF5;
	[smem:$0x3FB2] =	sst s0  }
0x18: {  	s0 =	sld [smem:$0x3F95];
	_ =	swait.ge [sflag:s4], $0x0  }
0x19: {  	s7 =	sld [smem:$0x3F96]  }
0x1a: {  	s8 =	sadd.s32 $0xFFFFE003, lr  }
0x1b: {  	s9 =	sadd.s32 $0xFFFFFEF7, lr;
	s5 =	simm.s32 $0xFFFFFFFF;
	p2 =	slt.u32 s8, $0xFFFFF086  }
0x1c: {  	p1 =	slt.u32 s9, $0xF7A;
	s5 =	simm.s32 @!p2 $0x0  }
0x1d: {  	s5 =	simm.s32 @p1 $0x1;
	p0 =	seq.s32 s7, s2  }
0x1e: {  	s7 =	smul.u32 @!p0 $0xF7A, s2;
	p2 =	seq.s32 @!p0 s5, $0x0  }
0x1f: {  	s9 =	smul.u32 $0xF7A, s1;
	s8 =	simm.s32 @!p0 $0x1BF5;
	p2 =	por !p2, p0  }
0x20: {  	[sflag:s8] =	ssyncset.s32 @!p0 $0xFFFFF086;
	s6 =	sadd.s32 @!p0 s3, s7;
	s7 =	simm.s32 @!p0 $0x108  }
0x21: {  	s3 =	sadd.s32 s3, s9;
	s6 =	sadd.s32 @!p0 $0x88, s6;
	s7 =	simm.s32 @p2 $0x1082  }
0x22: {  	[simem:s7], [sflag:s8] =	dma.local @!p0 [hbm:s6], $0xF7A  }
0x23: {  	s9 =	sor.u32 $0xD0000000, s2;
	s6 =	simm.s32 $0x108;
	_ =	swait.ge @!p0 [sflag:s8], $0x0  }
0x24: {  	s3 =	sadd.s32 $0x88, s3;
	s6 =	simm.s32 @!p1 $0x1082;
	[sflag:s4] =	ssyncset.s32 $0xFFFFF086  }
0x25: {  	[simem:s6], [sflag:s4] =	dma.local [hbm:s3], $0xF7A  }
0x26: {  	[smem:$0x3F96] =	sst s1;
	(tag) =	ssettag s2;
	_ =	strace s9  }
0x27: {  	s1 =	sld [smem:$0x3FA6]  }
0x28: {  	s2 =	sld [smem:$0x3FA7]  }
0x29: {  	s4 =	sld [smem:$0x3FA9]  }
0x2a: {  	p0 =	seq.s32 s5, $0x0;
	s5 =	sld [smem:$0x3FAA]  }
0x2b: {  	s6 =	sld [smem:$0x3FAB]  }
0x2c: {  	s7 =	sld [smem:$0x3FAC]  }
0x2d: {  	s3 =	simm.s32 $0x108;
	s8 =	sld [smem:$0x3FAD]  }
0x2e: {  	s3 =	simm.s32 @!p0 $0x1082;
	s9 =	sld [smem:$0x3FAE]  }
0x2f: {  	lr =	sadd.s32 s0, s3;
	s0 =	sld [smem:$0x3FA5]  }
0x30: {  	s3 =	sld [smem:$0x3FA8]  }
0x31: {  	[smem:$0x3FB1] =	sst s10  }
0x32: {  	s10 =	sld [smem:$0x3FAF];
	_ =	sdelay $0x3  }
0x33: {  	p0 =	seq.s32 s10, $0x1;
	s10 =	sld [smem:$0x3FB1];
	_ =	sdelay $0x3  }
0x34: {  	[smem:$0x3FB1] =	sst s10  }
0x35: {  	s10 =	sld [smem:$0x3FB0];
	_ =	sdelay $0x3  }
0x36: {  	p1 =	seq.s32 s10, $0x1;
	s10 =	sld [smem:$0x3FB1];
	_ =	sdelay $0x3  }
0x37: {  	[smem:$0x3FB1] =	sst s10  }
0x38: {  	s10 =	sld [smem:$0x3FB2]  }
0x39: {  	_ = 	snop;
	(pc) =	sbr.ind lr, $3  }
0x3a: {  	_ = 	snop  }
0x3b: {  	_ = 	snop  }
0x3c: {  	p2 =	seq.s32 s10, $0x1;
	s10 =	sld [smem:$0x3FB1]  }
0x3d: {  	_ =	shalt  }
0x3e: {  	_ =	shalt  }
0x3f: {  	_ =	shalt  }
0x40: {  	_ =	shalt  }
0x41: {  	_ =	shalt  }
0x42: {  	_ =	shalt  }
0x43: {  	_ =	shalt  }
0x44: {  	_ =	shalt  }
0x45: {  	_ =	shalt  }
0x46: {  	_ =	shalt  }
0x47: {  	_ =	shalt  }
0x48: {  	_ =	shalt  }
0x49: {  	_ =	shalt  }
0x4a: {  	_ =	shalt  }
0x4b: {  	_ =	shalt  }
0x4c: {  	_ =	shalt  }
0x4d: {  	_ =	shalt  }
0x4e: {  	_ =	shalt  }
0x4f: {  	_ =	shalt  }
0x50: {  	_ =	shalt  }
0x51: {  	_ =	shalt  }
0x52: {  	_ =	shalt  }
0x53: {  	_ =	shalt  }
0x54: {  	_ =	shalt  }
0x55: {  	_ =	shalt  }
0x56: {  	_ =	shalt  }
0x57: {  	_ =	shalt  }
0x58: {  	_ =	shalt  }
0x59: {  	_ =	shalt  }
0x5a: {  	_ =	shalt  }
0x5b: {  	_ =	shalt  }
0x5c: {  	_ =	shalt  }
0x5d: {  	_ =	shalt  }
0x5e: {  	_ =	shalt  }
0x5f: {  	_ =	shalt  }
0x60: {  	_ =	shalt  }
0x61: {  	_ =	shalt  }
0x62: {  	_ =	shalt  }
0x63: {  	_ =	shalt  }
0x64: {  	_ =	shalt  }
0x65: {  	_ =	shalt  }
0x66: {  	_ =	shalt  }
0x67: {  	_ =	shalt  }
0x68: {  	_ =	shalt  }
0x69: {  	_ =	shalt  }
0x6a: {  	_ =	shalt  }
0x6b: {  	_ =	shalt  }
0x6c: {  	_ =	shalt  }
0x6d: {  	_ =	shalt  }
0x6e: {  	_ =	shalt  }
0x6f: {  	_ =	shalt  }
0x70: {  	_ =	shalt  }
0x71: {  	_ =	shalt  }
0x72: {  	_ =	shalt  }
0x73: {  	_ =	shalt  }
0x74: {  	_ =	shalt  }
0x75: {  	_ =	shalt  }
0x76: {  	_ =	shalt  }
0x77: {  	_ =	shalt  }
0x78: {  	_ =	shalt  }
0x79: {  	_ =	shalt  }
0x7a: {  	_ =	shalt  }
0x7b: {  	_ =	shalt  }
0x7c: {  	_ =	shalt  }
0x7d: {  	_ =	shalt  }
0x7e: {  	_ =	shalt  }
0x7f: {  	_ =	shalt  }
0x80: {  	_ =	shalt  }
0x81: {  	_ =	shalt  }
0x82: {  	_ =	shalt  }
0x83: {  	_ =	shalt  }
0x84: {  	_ =	shalt  }
0x85: {  	_ =	shalt  }
0x86: {  	_ =	shalt  }
0x87: {  	_ =	shalt  }
.Lfunc_end0:
.L_simem_size_0:
called_computation.2_lowered:
.L_overlay_start_0:
0x88: {  	s2 =	sld [smem:$0x3FD9]  }
0x89: {  	s3 =	sld [smem:$0x3FFE];
	_ =	sdelay $0x1  }
0x8a: {  	s1 =	srdreg.scid  }
0x8b: {  	s0 =	sand.u32 $0x1, s1  }
0x8c: {  	s17 =	sshll.u32 s0, $0xA;
	s2 =	sadd.s32 s3, s2  }
0x8d: {  	s2 =	sadd.s32 s2, s17  }
0x8e: {  	[smem:$0x3FBD] =	sst s2  }
0x8f: {  	_ = 	snop  }
0x90: {  	s2 =	sld [smem:$0x3FD0];
	(tm) =	ssettm $0x1  }
0x91: {  	s18 =	sld [smem:$0x3FFB];
	_ =	sdelay $0x3  }
0x92: {  	_ =	strace s18  }
0x93: {  	s3 =	sld [smem:$0x3FFC];
	_ =	sdelay $0x3  }
0x94: {  	_ =	strace s3  }
0x95: {  	s3 =	sld [smem:$0x3FFD];
	_ =	sdelay $0x3  }
0x96: {  	_ =	strace s3  }
0x97: {  	_ =	strace $0x8FFFFFFF  }
0x98: {  	s19 =	sld [smem:$0x3FDB];
	_ =	sdelay $0x1  }
0x99: {  	s4 =	simm.s32 $_scs_section_size  }
0x9a: {  	s5 =	simm.s32 $_size__tile_overlayer_lowered;
	s6 =	simm.s32 $_tile_overlayer_lowered  }
0x9b: {  	s22 =	simm.s32 $0x1BFF;
	s21 =	sshll.u32 s6, $0x1;
	s3 =	sadd.s32 s4, s19  }
0x9c: {  	s7 =	simm.s32 $0x0;
	s20 =	sshll.u32 s5, $0x1;
	s5 =	sadd.s32 s21, s3  }
0x9d: {  	[timem:s7], [sflag:s22] =	dma.local [hbm:s5], s20  }
0x9e: {  	_ =	swait.ge [sflag:s22], s20  }
0x9f: {  	s4 =	ssub.s32 $0x0, s20;
	[sflag:s22] =	ssyncset.done $0x0  }
0xa0: {  	[sflag:s22] =	ssyncadd.s32 s4;
	_ =	sdelay $0x1  }
0xa1: {  	s23 =	simm.s32 $0x1B8B  }
0xa2: {  	_ =	swait.ge [sflag:s23], $0x1  }
0xa3: {  	[sflag:s23] =	ssyncset.done $0x0  }
0xa4: {  	s25 =	simm.s32 $0x1B8E;
	s24 =	sld [smem:$0x3FFE];
	[sflag:s23] =	ssyncadd.s32 $0xFFFFFFFF  }
0xa5: {  	s26 =	simm.s32 $execute0_lowered;
	[smem:$0x3FD2] =	sst s25  }
0xa6: {  	s5 =	sshll.u32 s26, $0x1;
	_ =	strace $0x8000004C;
	[dreg:$0x1] =	wrdreg $0xFFFFFFFF  }
0xa7: {  	s28 =	simm.s32 $_size_execute0_lowered;
	s3 =	sadd.s32 s3, s5;
	[dreg:$0x0] =	wrdreg $0x0  }
0xa8: {  	s5 =	sshll.u32 s28, $0x1;
	[dreg:$0x2] =	wrdreg s3  }
0xa9: {  	[dreg:$0x3] =	wrdreg s5  }
0xaa: {  	[dreg:$0x4] =	wrdreg $0xC0  }
0xab: {  	_ =	task [dreg:s7], $0x5FFFF  }
0xac: {  	[dreg:$0x1] =	wrdreg $0xFFFFFFFF  }
0xad: {  	[dreg:$0x0] =	wrdreg $0x60  }
0xae: {  	[dreg:$0x2] =	wrdreg s2  }
0xaf: {  	[dreg:$0x3] =	wrdreg s24  }
0xb0: {  	[dreg:$0x4] =	wrdreg $0x0  }
0xb1: {  	[dreg:$0x5] =	wrdreg $0x9  }
0xb2: {  	_ =	task.clear_ibuf [dreg:s7], $0x6FFFF;
	_ =	strace $0x9000004C  }
0xb3: {  	s29 =	simm.s32 $0x9;
	_ =	strace $0x8000004E  }
0xb4: {  	_ =	swait.ge [sflag:s29], $0x1  }
0xb5: {  	[sflag:s29] =	ssyncadd.s32 $0xFFFFFFFF  }
0xb6: {  	_ =	strace $0x9000004E  }
0xb7: {  	_ =	sfence  }
0xb8: {  	s30 =	sld [smem:$0x0];
	_ =	sdelay $0x2  }
0xb9: {  	s31 =	sshll.u32 s1, $0xD;
	s1 =	sshrl.u32 s1, $0x2  }
0xba: {  	s3 =	sand.u32 $0x4000, s31;
	s1 =	sadd.s32 s1, s30  }
0xbb: {  	s0 =	sor.u32 s3, s0;
	s1 =	sshll.u32 s1, $0x11  }
0xbc: {  	s0 =	sor.u32 s1, s0  }
0xbd: {  	s0 =	sadd.s32 $0x8F2B, s0  }
0xbe: {  	[sflag:s0] =	ssyncadd.remote.s32 $0x1  }
0xbf: {  	_ =	sfence.sel $0xFFFF  }
0xc0: {  	[dreg:$0x0] =	wrdreg $0xFFFFFFFF;
	(pc) =	sbr.abs _section_cstart, $3  }
0xc1: {  	[dreg:$0x1] =	wrdreg $0xFFFFFFFF  }
0xc2: {  	_ =	task.clear_ibuf [dreg:s7], $0x2FFFF;
	_ =	strace $0x9FFFFFFF  }
0xc3: {  	(tm) =	ssettm $0x7FFFFFFF  }
tec
execute0_lowered:
.L_overlay_start_1:
0x0: {  	(tag) =	ssettag $0x1  }
0x1: {  	s1 =	rddreg [dreg:$0x0]  }
0x2: {  	s0 =	rddreg [dreg:$0x1]  }
0x3: {  	s2 =	rddreg [dreg:$0x2];
	s4 =	simm.s32 $0x0;
	s3 =	srdreg.scid  }
0x4: {  	s20 =	stileid.u32;
	s28 =	simm.s32 $0x17E00;
	s29 =	simm.s32 $0x13C80  }
0x5: {  	s30 =	simm.s32 $0x2;
	s31 =	simm.s32 $0x3;
	s6 =	smul.u32 $0x4F000, s20  }
0x6: {  	[smem:$0x7FF] =	sst s4;
	s3 =	sand.u32 $0x1, s3;
	s10 =	smul.u32 $0x13C00, s20  }
0x7: {  	s11 =	sadd.s32 $0x3000, s0;
	s0 =	sadd.s32 $0x17000, s0;
	s25 =	smul.u32 $0x5000, s20  }
0x8: {  	_ =	strace $0x8000004D;
	s5 =	ssub.s32 $0x2, s3;
	s17 =	sshll.u32 s3, $0x4  }
0x9: {  	s7 =	sshrl.u32 s5, $0x1;
	s18 =	sor.u32 s20, s17;
	s19 =	sshrl.u32 s6, $0x2  }
0xa: {  	s13 =	sadd.s32 $0x4000, s10;
	s15 =	sadd.s32 $0x8000, s10;
	s17 =	smul.u32 $0x13C000, s3  }
0xb: {  	s16 =	sadd.s32 $0xC000, s10;
	s3 =	smul.u32 $0x50000, s3;
	s20 =	simm.s32 $0x13E00  }
0xc: {  	s12 =	ssub.s32 s5, s7;
	s5 =	sadd.s32 s19, s2;
	s6 =	sadd.s32 s13, s2  }
0xd: {  	s14 =	smul.u32 $0x5000, s18;
	s7 =	sadd.s32 s15, s2;
	s18 =	sadd.s32 $0x10000, s10  }
0xe: {  	s8 =	sadd.s32 s16, s2;
	s9 =	sadd.s32 s18, s2;
	s19 =	sadd.s32 s10, s17  }
0xf: {  	s13 =	sadd.s32 s17, s13;
	s23 =	sadd.s32 s17, s15;
	s24 =	sadd.s32 s17, s16  }
0x10: {  	s17 =	sadd.s32 s17, s18;
	s3 =	sadd.s32 s25, s3;
	s25 =	simm.s32 $0x1  }
0x11: {  	s14 =	sshrl.u32 s14, $0x3;
	s21 =	sshrl.u32 s19, $0x3;
	s13 =	sshrl.u32 s13, $0x3  }
0x12: {  	s15 =	sshrl.u32 s24, $0x3;
	s17 =	sshrl.u32 s17, $0x3;
	s26 =	sor.u32 $0x300, s3  }
0x13: {  	s3 =	sor.u32 $0x200, s3;
	s24 =	simm.s32 $0x80;
	s10 =	sadd.s32 s11, s14  }
0x14: {  	s14 =	sadd.s32 s0, s21;
	s13 =	sadd.s32 s0, s13;
	s15 =	sadd.s32 s0, s15  }
0x15: {  	s16 =	sadd.s32 s0, s17;
	s17 =	smax.u32 s12, $0x1;
	s3 =	sshrl.u32 s3, $0x3  }
0x16: {  	s21 =	simm.s32 $0x5;
	s22 =	sadd.s32 $0x20, s10;
	[dreg:$0x5] =	wrdreg s14  }
0x17: {  	[dreg:$0x6] =	wrdreg s13;
	s14 =	sshrl.u32 s23, $0x3;
	s19 =	sadd.s32 s3, s11  }
0x18: {  	s23 =	simm.s32 $0x13D00;
	s3 =	simm.s32 $0x0;
	[dreg:$0x4] =	wrdreg s22  }
0x19: {  	s14 =	sadd.s32 s0, s14;
	s0 =	sshrl.u32 s26, $0x3;
	s22 =	simm.s32 $0x13C00  }
0x1a: {  	v0 =	vimm.f32 $0.0e+00;
	s26 =	simm.s32 $0x4;
	s18 =	sadd.s32 s0, s11;
	s0 =	simm.s32 $0x13D80  }
.LBB2_1:
0x1b: {  	s11 =	simm.s32 $0x0;
	s12 =	simm.s32 $0x200  }
.LBB2_2:
0x1c: {  	p0 =	sne.s32 s12, $0xFE00;
	[tilespmem:s11+$0x13E70] =	vst v0  }
0x1d: {  	[tilespmem:s11+$0x13E00] =	vst v0  }
0x1e: {  	[tilespmem:s11+$0x13E10] =	vst v0  }
.Ltmp0:
0x1f: {  	[tilespmem:s11+$0x13E20] =	vst v0;
	(pc) =	sbr.rel @p0 .LBB2_2-.Ltmp0, $4  }
0x20: {  	[tilespmem:s11+$0x13E30] =	vst v0  }
0x21: {  	[tilespmem:s11+$0x13E40] =	vst v0  }
0x22: {  	[tilespmem:s11+$0x13E50] =	vst v0  }
0x23: {  	[tilespmem:s11+$0x13E60] =	vst v0;
	s11 =	sshra.s32 s12, $0x2;
	s12 =	sadd.s32 $0x200, s12  }
0x24: {  	[tilespmem:s11+$0x13E70] =	vst v0  }
0x25: {  	[tilespmem:s11+$0x13E00] =	vst v0  }
0x26: {  	[tilespmem:s11+$0x13E10] =	vst v0  }
0x27: {  	[tilespmem:s11+$0x13E20] =	vst v0  }
0x28: {  	[tilespmem:s11+$0x13E30] =	vst v0  }
0x29: {  	[tilespmem:s11+$0x13E40] =	vst v0  }
0x2a: {  	[tilespmem:s11+$0x13E50] =	vst v0  }
0x2b: {  	[tilespmem:s11+$0x13E60] =	vst v0  }
0x2c: {  	[spmem:s5] =	stream.linear.scatter [tilespmem:s20], [sflag:$0x5], $0x4000, $0x38;
	[tilespmem:$0x1BE00] =	vst v63  }
0x2d: {  	_ =	swait.ge [sflag:s21], $0x4000  }
0x2e: {  	[sflag:s21] =	ssyncset.done $0x0  }
0x2f: {  	[sflag:s21] =	ssyncadd.s32 $0xFFFFC000  }
0x30: {  	[spmem:s6] =	stream.linear.scatter [tilespmem:s20], [sflag:$0x5], $0x4000, $0x38;
	[tilespmem:$0x1BE00] =	vst v63  }
0x31: {  	_ =	swait.ge [sflag:s21], $0x4000  }
0x32: {  	[sflag:s21] =	ssyncset.done $0x0  }
0x33: {  	[sflag:s21] =	ssyncadd.s32 $0xFFFFC000  }
0x34: {  	[spmem:s7] =	stream.linear.scatter [tilespmem:s20], [sflag:$0x5], $0x4000, $0x38;
	[tilespmem:$0x1BE00] =	vst v63  }
0x35: {  	_ =	swait.ge [sflag:s21], $0x4000  }
0x36: {  	[sflag:s21] =	ssyncset.done $0x0  }
0x37: {  	[sflag:s21] =	ssyncadd.s32 $0xFFFFC000  }
0x38: {  	[spmem:s8] =	stream.linear.scatter [tilespmem:s20], [sflag:$0x5], $0x4000, $0x38;
	[tilespmem:$0x1BE00] =	vst v63  }
0x39: {  	_ =	swait.ge [sflag:s21], $0x4000  }
0x3a: {  	[sflag:s21] =	ssyncset.done $0x0  }
0x3b: {  	[sflag:s21] =	ssyncadd.s32 $0xFFFFC000  }
0x3c: {  	[spmem:s9] =	stream.linear.scatter [tilespmem:s20], [sflag:$0x5], $0x3C00, $0x38;
	[tilespmem:$0x1BE00] =	vst v63  }
0x3d: {  	_ =	swait.ge [sflag:s21], $0x3C00  }
0x3e: {  	[sflag:s21] =	ssyncset.done $0x0  }
0x3f: {  	[sflag:s21] =	ssyncadd.s32 $0xFFFFC400  }
0x40: {  	s13 =	simm.s32 $0x0;
	[bflag:$0x0] =	sbarrier.arrive $0xFFFF  }
0x41: {  	[tilespmem:s22], [sflag:$0x5] =	stream.linear.gather [hbm4b:s10+s13], $0x100, $0x38;
	[tilespmem:$0x1BE00] =	vst v63  }
0x42: {  	_ =	swait.ge [sflag:s21], $0x100  }
0x43: {  	[sflag:s21] =	ssyncset.done $0x0  }
0x44: {  	s12 =	rddreg [dreg:$0x4];
	[sflag:s21] =	ssyncadd.s32 $0xFFFFFF00  }
0x45: {  	[tilespmem:s23], [sflag:$0x4] =	stream.linear.gather [hbm4b:s12+s13], $0x100, $0x38;
	[tilespmem:$0x1BE00] =	vst v63  }
0x46: {  	_ = 	snop  }
0x47: {  	[tilespmem:s20], [sflag:$0x1] =	stream.indirect.gather [hbm4b:s1+s24], $0x80, s22, s24, $0xb8;
	[tilespmem:$0x1BE00] =	vst v63  }
0x48: {  	_ =	swait.ge [sflag:s25], $0x4000  }
0x49: {  	[sflag:s25] =	ssyncset.done $0x0  }
0x4a: {  	[sflag:s25] =	ssyncadd.s32 $0xFFFFC000  }
0x4b: {  	_ =	swait.ge [sflag:s26], $0x100  }
0x4c: {  	[sflag:s26] =	ssyncset.done $0x0  }
0x4d: {  	[sflag:s26] =	ssyncadd.s32 $0xFFFFFF00  }
0x4e: {  	[tilespmem:s28], [sflag:$0x2] =	stream.indirect.gather [hbm4b:s1+s24], $0x80, s23, s24, $0xb8;
	[tilespmem:$0x1BE00] =	vst v63  }
0x4f: {  	_ = 	snop  }
0x50: {  	[spmem:s2] =	stream.indirect.scatter.add.f32 [tilespmem:s20], [sflag:$0x5], $0x80, s29, s24, $0xb8;
	[tilespmem:$0x1BE00] =	vst v63  }
0x51: {  	_ =	swait.ge [sflag:s21], $0x4000  }
0x52: {  	[sflag:s21] =	ssyncset.done $0x0  }
0x53: {  	s13 =	sadd.s32 $0x0, s19;
	[sflag:s21] =	ssyncadd.s32 $0xFFFFC000  }
0x54: {  	[tilespmem:s22], [sflag:$0x3] =	stream.linear.gather [hbm4b:s13+s4], $0x100, $0x38;
	[tilespmem:$0x1BE00] =	vst v63  }
0x55: {  	_ =	swait.ge [sflag:s30], $0x4000  }
0x56: {  	[sflag:s30] =	ssyncset.done $0x0  }
0x57: {  	[sflag:s30] =	ssyncadd.s32 $0xFFFFC000  }
0x58: {  	_ =	swait.ge [sflag:s31], $0x100  }
0x59: {  	[sflag:s31] =	ssyncset.done $0x0  }
0x5a: {  	[sflag:s31] =	ssyncadd.s32 $0xFFFFFF00  }
0x5b: {  	[tilespmem:s20], [sflag:$0x1] =	stream.indirect.gather [hbm4b:s1+s24], $0x80, s22, s24, $0xb8;
	[tilespmem:$0x1BE00] =	vst v63  }
0x5c: {  	_ = 	snop  }
0x5d: {  	[spmem:s2] =	stream.indirect.scatter.add.f32 [tilespmem:s28], [sflag:$0x5], $0x80, s0, s24, $0xb8;
	[tilespmem:$0x1BE00] =	vst v63  }
0x5e: {  	_ =	swait.ge [sflag:s21], $0x4000  }
0x5f: {  	[sflag:s21] =	ssyncset.done $0x0  }
0x60: {  	s11 =	simm.s32 $0x40;
	s12 =	sadd.s32 $0x0, s18;
	[sflag:s21] =	ssyncadd.s32 $0xFFFFC000  }
.LBB2_4:
0x61: {  	[tilespmem:s23], [sflag:$0x4] =	stream.linear.gather [hbm4b:s12+s4], $0x100, $0x38;
	[tilespmem:$0x1BE00] =	vst v63  }
0x62: {  	s12 =	smov.u32 s11  }
0x63: {  	p0 =	sne.s32 s11, $0x980;
	s11 =	sadd.s32 $0x40, s11;
	_ =	swait.ge [sflag:s25], $0x4000  }
0x64: {  	[sflag:s25] =	ssyncset.done $0x0  }
0x65: {  	[sflag:s25] =	ssyncadd.s32 $0xFFFFC000  }
0x66: {  	_ =	swait.ge [sflag:s26], $0x100  }
0x67: {  	[sflag:s26] =	ssyncset.done $0x0  }
0x68: {  	[sflag:s26] =	ssyncadd.s32 $0xFFFFFF00  }
0x69: {  	[tilespmem:s28], [sflag:$0x2] =	stream.indirect.gather [hbm4b:s1+s24], $0x80, s23, s24, $0xb8;
	[tilespmem:$0x1BE00] =	vst v63  }
0x6a: {  	_ = 	snop  }
0x6b: {  	[spmem:s2] =	stream.indirect.scatter.add.f32 [tilespmem:s20], [sflag:$0x5], $0x80, s29, s24, $0xb8;
	[tilespmem:$0x1BE00] =	vst v63  }
0x6c: {  	_ =	swait.ge [sflag:s21], $0x4000  }
0x6d: {  	[sflag:s21] =	ssyncset.done $0x0  }
0x6e: {  	s13 =	sadd.s32 s12, s19;
	[sflag:s21] =	ssyncadd.s32 $0xFFFFC000  }
0x6f: {  	[tilespmem:s22], [sflag:$0x3] =	stream.linear.gather [hbm4b:s13+s4], $0x100, $0x38;
	[tilespmem:$0x1BE00] =	vst v63  }
0x70: {  	_ =	swait.ge [sflag:s30], $0x4000  }
0x71: {  	[sflag:s30] =	ssyncset.done $0x0  }
0x72: {  	[sflag:s30] =	ssyncadd.s32 $0xFFFFC000  }
0x73: {  	_ =	swait.ge [sflag:s31], $0x100  }
0x74: {  	[sflag:s31] =	ssyncset.done $0x0  }
0x75: {  	[sflag:s31] =	ssyncadd.s32 $0xFFFFFF00  }
0x76: {  	[tilespmem:s20], [sflag:$0x1] =	stream.indirect.gather [hbm4b:s1+s24], $0x80, s22, s24, $0xb8;
	[tilespmem:$0x1BE00] =	vst v63  }
.Ltmp1:
0x77: {  	(pc) =	sbr.rel @p0 .LBB2_4-.Ltmp1, $4  }
0x78: {  	[spmem:s2] =	stream.indirect.scatter.add.f32 [tilespmem:s28], [sflag:$0x5], $0x80, s0, s24, $0xb8;
	[tilespmem:$0x1BE00] =	vst v63  }
0x79: {  	_ =	swait.ge [sflag:s21], $0x4000  }
0x7a: {  	[sflag:s21] =	ssyncset.done $0x0  }
0x7b: {  	s12 =	sadd.s32 s12, s18;
	[sflag:s21] =	ssyncadd.s32 $0xFFFFC000  }
0x7c: {  	[tilespmem:s23], [sflag:$0x4] =	stream.linear.gather [hbm4b:s12+s4], $0x100, $0x38;
	[tilespmem:$0x1BE00] =	vst v63  }
0x7d: {  	_ =	swait.ge [sflag:s25], $0x4000  }
0x7e: {  	[sflag:s25] =	ssyncset.done $0x0  }
0x7f: {  	[sflag:s25] =	ssyncadd.s32 $0xFFFFC000  }
0x80: {  	[spmem:s2] =	stream.indirect.scatter.add.f32 [tilespmem:s20], [sflag:$0x5], $0x80, s29, s24, $0xb8;
	[tilespmem:$0x1BE00] =	vst v63  }
0x81: {  	_ =	swait.ge [sflag:s21], $0x4000  }
0x82: {  	[sflag:s21] =	ssyncset.done $0x0  }
0x83: {  	[sflag:s21] =	ssyncadd.s32 $0xFFFFC000  }
0x84: {  	_ =	swait.ge [sflag:s26], $0x100  }
0x85: {  	[sflag:s26] =	ssyncset.done $0x0  }
0x86: {  	[sflag:s26] =	ssyncadd.s32 $0xFFFFFF00  }
0x87: {  	[tilespmem:s28], [sflag:$0x5] =	stream.indirect.gather [spmem:s2], $0x80, s29, s24, $0xb8;
	[tilespmem:$0x1BE00] =	vst v63  }
0x88: {  	_ =	swait.ge [sflag:s21], $0x4000  }
0x89: {  	[sflag:s21] =	ssyncset.done $0x0  }
0x8a: {  	[sflag:s21] =	ssyncadd.s32 $0xFFFFC000  }
0x8b: {  	[bflag:$0x0] =	sbarrier.arrive $0xFFFF  }
0x8c: {  	[tilespmem:s20], [sflag:$0x5] =	stream.linear.gather [spmem:s5], $0x4000, $0x38;
	[tilespmem:$0x1BE00] =	vst v63  }
0x8d: {  	_ =	swait.ge [sflag:s21], $0x4000  }
0x8e: {  	[sflag:s21] =	ssyncset.done $0x0  }
0x8f: {  	s11 =	rddreg [dreg:$0x5];
	[sflag:s21] =	ssyncadd.s32 $0xFFFFC000  }
0x90: {  	[hbm4b:s11+s4] =	stream.linear.scatter [tilespmem:s20], [sflag:$0x1], $0x4000, $0x38;
	[tilespmem:$0x1BE00] =	vst v63  }
0x91: {  	_ = 	snop  }
0x92: {  	[tilespmem:s28], [sflag:$0x5] =	stream.linear.gather [spmem:s6], $0x4000, $0x38;
	[tilespmem:$0x1BE00] =	vst v63  }
0x93: {  	_ =	swait.ge [sflag:s21], $0x4000  }
0x94: {  	[sflag:s21] =	ssyncset.done $0x0  }
0x95: {  	s13 =	rddreg [dreg:$0x6];
	[sflag:s21] =	ssyncadd.s32 $0xFFFFC000  }
0x96: {  	[hbm4b:s13+s4] =	stream.linear.scatter [tilespmem:s28], [sflag:$0x2], $0x4000, $0x38;
	[tilespmem:$0x1BE00] =	vst v63  }
0x97: {  	_ =	swait.ge [sflag:s25], $0x4000  }
0x98: {  	[sflag:s25] =	ssyncset.done $0x0  }
0x99: {  	[sflag:s25] =	ssyncadd.s32 $0xFFFFC000  }
0x9a: {  	[tilespmem:s20], [sflag:$0x5] =	stream.linear.gather [spmem:s7], $0x4000, $0x38;
	[tilespmem:$0x1BE00] =	vst v63  }
0x9b: {  	_ =	swait.ge [sflag:s21], $0x4000  }
0x9c: {  	[sflag:s21] =	ssyncset.done $0x0  }
0x9d: {  	[sflag:s21] =	ssyncadd.s32 $0xFFFFC000  }
0x9e: {  	[hbm4b:s14+s4] =	stream.linear.scatter [tilespmem:s20], [sflag:$0x1], $0x4000, $0x38;
	[tilespmem:$0x1BE00] =	vst v63  }
0x9f: {  	_ =	swait.ge [sflag:s30], $0x4000  }
0xa0: {  	[sflag:s30] =	ssyncset.done $0x0  }
0xa1: {  	[sflag:s30] =	ssyncadd.s32 $0xFFFFC000  }
0xa2: {  	[tilespmem:s28], [sflag:$0x5] =	stream.linear.gather [spmem:s8], $0x4000, $0x38;
	[tilespmem:$0x1BE00] =	vst v63  }
0xa3: {  	_ =	swait.ge [sflag:s21], $0x4000  }
0xa4: {  	[sflag:s21] =	ssyncset.done $0x0  }
0xa5: {  	[sflag:s21] =	ssyncadd.s32 $0xFFFFC000  }
0xa6: {  	[hbm4b:s15+s4] =	stream.linear.scatter [tilespmem:s28], [sflag:$0x2], $0x4000, $0x38;
	[tilespmem:$0x1BE00] =	vst v63  }
0xa7: {  	_ =	swait.ge [sflag:s25], $0x4000  }
0xa8: {  	[sflag:s25] =	ssyncset.done $0x0  }
0xa9: {  	[sflag:s25] =	ssyncadd.s32 $0xFFFFC000  }
0xaa: {  	[tilespmem:s20], [sflag:$0x5] =	stream.linear.gather [spmem:s9], $0x3C00, $0x38;
	[tilespmem:$0x1BE00] =	vst v63  }
0xab: {  	_ =	swait.ge [sflag:s21], $0x3C00  }
0xac: {  	[sflag:s21] =	ssyncset.done $0x0  }
0xad: {  	s3 =	sadd.s32 $0x1, s3;
	[sflag:s21] =	ssyncadd.s32 $0xFFFFC400  }
0xae: {  	[hbm4b:s16+s4] =	stream.linear.scatter [tilespmem:s20], [sflag:$0x1], $0x3C00, $0x38;
	[tilespmem:$0x1BE00] =	vst v63  }
0xaf: {  	p0 =	sne.s32 s3, s17;
	_ =	swait.ge [sflag:s30], $0x4000  }
.Ltmp2:
0xb0: {  	[sflag:s30] =	ssyncset.done $0x0;
	(pc) =	sbr.rel @p0 .LBB2_1-.Ltmp2, $4  }
0xb1: {  	[sflag:s30] =	ssyncadd.s32 $0xFFFFC000  }
0xb2: {  	_ =	swait.ge [sflag:s25], $0x3C00  }
0xb3: {  	[sflag:s25] =	ssyncset.done $0x0  }
0xb4: {  	[sflag:s25] =	ssyncadd.s32 $0xFFFFC400  }
0xb5: {  	_ =	sfence.sel $0x180000  }
0xb6: {  	[bflag:$0x0] =	sbarrier.arrive $0xFFFF  }
0xb7: {  	_ =	strace $0x9000004D  }
0xb8: {  	s0 =	stileid.u32;
	[bflag:$0x2] =	sbarrier.arrive $0xFFFF  }
0xb9: {  	p0 =	sne.s32 s0, $0x0;
	s0 =	rddreg [dreg:$0x3]  }
0xba: {  	s0 =	sadd.s32 @!p0 $0x100000, s0  }
0xbb: {  	[sflag:s0] =	ssyncadd.tile.s32 @!p0 $0x1;
	_ =	shalt  }
.Lfunc_end2:
_tile_overlayer_lowered:
.L_overlay_start_2:
0xbc: {  	(tag) =	ssettag $0x2  }
0xbd: {  	s0 =	rddreg [dreg:$0x0];
	s2 =	stileid.u32  }
0xbe: {  	s1 =	rddreg [dreg:$0x1];
	p0 =	sne.s32 s2, $0x0  }
0xbf: {  	s3 =	rddreg [dreg:$0x2];
	[bflag:$0x3] =	sbarrier.arrive $0xFFFF;
	s2 =	simm.s32 @!p0 $0x1C05  }
0xc0: {  	[timem:s3], [sflag:s2] =	dma.local @!p0 [hbm:s0], s1  }
0xc1: {  	s0 =	simm.s32 @!p0 $0x5  }
0xc2: {  	_ =	swait.ge @!p0 [sflag:s0], s1  }
0xc3: {  	s1 =	ssub.s32 @!p0 $0x0, s1;
	[sflag:s0] =	ssyncset.done @!p0 $0x0  }
0xc4: {  	[sflag:s0] =	ssyncadd.s32 @!p0 s1  }
0xc5: {  	[bflag:$0x3] =	sbarrier.arrive $0xFFFF  }
0xc6: {  	_ =	shalt  }

// kernel: kernel.19.cloned.1.call-start
scs
__scs_entry_jumppad:
0x0: {  	(pc) =	sbr.rel $0x88, $3  }
0x1: {  	(tag) =	ssettag $0x0;
	lr =	simm.s32 $0x1  }
0x2: {  	[smem:$0x3F96] =	sst lr;
	_ =	strace $0xD0000000  }
0x3: {  	_ = 	snop  }
0x4: {  	_ = 	snop  }
0x5: {  	_ = 	snop  }
0x6: {  	_ = 	snop  }
0x7: {  	_ = 	snop  }
__scs_overlays_trampoline_lowered:
0x8: {  	[smem:$0x3FA5] =	sst s0  }
0x9: {  	[smem:$0x3FA6] =	sst s1  }
0xa: {  	[smem:$0x3FA7] =	sst s2  }
0xb: {  	[smem:$0x3FA8] =	sst s3  }
0xc: {  	[smem:$0x3FA9] =	sst s4  }
0xd: {  	[smem:$0x3FAA] =	sst s5  }
0xe: {  	[smem:$0x3FAB] =	sst s6  }
0xf: {  	[smem:$0x3FAC] =	sst s7  }
0x10: {  	[smem:$0x3FAD] =	sst s8  }
0x11: {  	[smem:$0x3FAE] =	sst s9;
	s0 =	simm.s32 @!p0 $0x0  }
0x12: {  	s1 =	sld [smem:$0x3F94];
	s0 =	simm.s32 @p0 $0x1  }
0x13: {  	[smem:$0x3FAF] =	sst s0;
	s0 =	simm.s32 @!p1 $0x0  }
0x14: {  	s2 =	sld [smem:$0x3F93];
	s0 =	simm.s32 @p1 $0x1  }
0x15: {  	[smem:$0x3FB0] =	sst s0;
	s0 =	simm.s32 @!p2 $0x0  }
0x16: {  	s3 =	sld [smem:$0x3FDB];
	s0 =	simm.s32 @p2 $0x1  }
0x17: {  	s4 =	simm.s32 $0x1BF5;
	[smem:$0x3FB2] =	sst s0  }
0x18: {  	s0 =	sld [smem:$0x3F95];
	_ =	swait.ge [sflag:s4], $0x0  }
0x19: {  	s7 =	sld [smem:$0x3F96]  }
0x1a: {  	s8 =	sadd.s32 $0xFFFFE003, lr  }
0x1b: {  	s9 =	sadd.s32 $0xFFFFFEF7, lr;
	s5 =	simm.s32 $0xFFFFFFFF;
	p2 =	slt.u32 s8, $0xFFFFF086  }
0x1c: {  	p1 =	slt.u32 s9, $0xF7A;
	s5 =	simm.s32 @!p2 $0x0  }
0x1d: {  	s5 =	simm.s32 @p1 $0x1;
	p0 =	seq.s32 s7, s2  }
0x1e: {  	s7 =	smul.u32 @!p0 $0xF7A, s2;
	p2 =	seq.s32 @!p0 s5, $0x0  }
0x1f: {  	s9 =	smul.u32 $0xF7A, s1;
	s8 =	simm.s32 @!p0 $0x1BF5;
	p2 =	por !p2, p0  }
0x20: {  	[sflag:s8] =	ssyncset.s32 @!p0 $0xFFFFF086;
	s6 =	sadd.s32 @!p0 s3, s7;
	s7 =	simm.s32 @!p0 $0x108  }
0x21: {  	s3 =	sadd.s32 s3, s9;
	s6 =	sadd.s32 @!p0 $0x88, s6;
	s7 =	simm.s32 @p2 $0x1082  }
0x22: {  	[simem:s7], [sflag:s8] =	dma.local @!p0 [hbm:s6], $0xF7A  }
0x23: {  	s9 =	sor.u32 $0xD0000000, s2;
	s6 =	simm.s32 $0x108;
	_ =	swait.ge @!p0 [sflag:s8], $0x0  }
0x24: {  	s3 =	sadd.s32 $0x88, s3;
	s6 =	simm.s32 @!p1 $0x1082;
	[sflag:s4] =	ssyncset.s32 $0xFFFFF086  }
0x25: {  	[simem:s6], [sflag:s4] =	dma.local [hbm:s3], $0xF7A  }
0x26: {  	[smem:$0x3F96] =	sst s1;
	(tag) =	ssettag s2;
	_ =	strace s9  }
0x27: {  	s1 =	sld [smem:$0x3FA6]  }
0x28: {  	s2 =	sld [smem:$0x3FA7]  }
0x29: {  	s4 =	sld [smem:$0x3FA9]  }
0x2a: {  	p0 =	seq.s32 s5, $0x0;
	s5 =	sld [smem:$0x3FAA]  }
0x2b: {  	s6 =	sld [smem:$0x3FAB]  }
0x2c: {  	s7 =	sld [smem:$0x3FAC]  }
0x2d: {  	s3 =	simm.s32 $0x108;
	s8 =	sld [smem:$0x3FAD]  }
0x2e: {  	s3 =	simm.s32 @!p0 $0x1082;
	s9 =	sld [smem:$0x3FAE]  }
0x2f: {  	lr =	sadd.s32 s0, s3;
	s0 =	sld [smem:$0x3FA5]  }
0x30: {  	s3 =	sld [smem:$0x3FA8]  }
0x31: {  	[smem:$0x3FB1] =	sst s10  }
0x32: {  	s10 =	sld [smem:$0x3FAF];
	_ =	sdelay $0x3  }
0x33: {  	p0 =	seq.s32 s10, $0x1;
	s10 =	sld [smem:$0x3FB1];
	_ =	sdelay $0x3  }
0x34: {  	[smem:$0x3FB1] =	sst s10  }
0x35: {  	s10 =	sld [smem:$0x3FB0];
	_ =	sdelay $0x3  }
0x36: {  	p1 =	seq.s32 s10, $0x1;
	s10 =	sld [smem:$0x3FB1];
	_ =	sdelay $0x3  }
0x37: {  	[smem:$0x3FB1] =	sst s10  }
0x38: {  	s10 =	sld [smem:$0x3FB2]  }
0x39: {  	_ = 	snop;
	(pc) =	sbr.ind lr, $3  }
0x3a: {  	_ = 	snop  }
0x3b: {  	_ = 	snop  }
0x3c: {  	p2 =	seq.s32 s10, $0x1;
	s10 =	sld [smem:$0x3FB1]  }
0x3d: {  	_ =	shalt  }
0x3e: {  	_ =	shalt  }
0x3f: {  	_ =	shalt  }
0x40: {  	_ =	shalt  }
0x41: {  	_ =	shalt  }
0x42: {  	_ =	shalt  }
0x43: {  	_ =	shalt  }
0x44: {  	_ =	shalt  }
0x45: {  	_ =	shalt  }
0x46: {  	_ =	shalt  }
0x47: {  	_ =	shalt  }
0x48: {  	_ =	shalt  }
0x49: {  	_ =	shalt  }
0x4a: {  	_ =	shalt  }
0x4b: {  	_ =	shalt  }
0x4c: {  	_ =	shalt  }
0x4d: {  	_ =	shalt  }
0x4e: {  	_ =	shalt  }
0x4f: {  	_ =	shalt  }
0x50: {  	_ =	shalt  }
0x51: {  	_ =	shalt  }
0x52: {  	_ =	shalt  }
0x53: {  	_ =	shalt  }
0x54: {  	_ =	shalt  }
0x55: {  	_ =	shalt  }
0x56: {  	_ =	shalt  }
0x57: {  	_ =	shalt  }
0x58: {  	_ =	shalt  }
0x59: {  	_ =	shalt  }
0x5a: {  	_ =	shalt  }
0x5b: {  	_ =	shalt  }
0x5c: {  	_ =	shalt  }
0x5d: {  	_ =	shalt  }
0x5e: {  	_ =	shalt  }
0x5f: {  	_ =	shalt  }
0x60: {  	_ =	shalt  }
0x61: {  	_ =	shalt  }
0x62: {  	_ =	shalt  }
0x63: {  	_ =	shalt  }
0x64: {  	_ =	shalt  }
0x65: {  	_ =	shalt  }
0x66: {  	_ =	shalt  }
0x67: {  	_ =	shalt  }
0x68: {  	_ =	shalt  }
0x69: {  	_ =	shalt  }
0x6a: {  	_ =	shalt  }
0x6b: {  	_ =	shalt  }
0x6c: {  	_ =	shalt  }
0x6d: {  	_ =	shalt  }
0x6e: {  	_ =	shalt  }
0x6f: {  	_ =	shalt  }
0x70: {  	_ =	shalt  }
0x71: {  	_ =	shalt  }
0x72: {  	_ =	shalt  }
0x73: {  	_ =	shalt  }
0x74: {  	_ =	shalt  }
0x75: {  	_ =	shalt  }
0x76: {  	_ =	shalt  }
0x77: {  	_ =	shalt  }
0x78: {  	_ =	shalt  }
0x79: {  	_ =	shalt  }
0x7a: {  	_ =	shalt  }
0x7b: {  	_ =	shalt  }
0x7c: {  	_ =	shalt  }
0x7d: {  	_ =	shalt  }
0x7e: {  	_ =	shalt  }
0x7f: {  	_ =	shalt  }
0x80: {  	_ =	shalt  }
0x81: {  	_ =	shalt  }
0x82: {  	_ =	shalt  }
0x83: {  	_ =	shalt  }
0x84: {  	_ =	shalt  }
0x85: {  	_ =	shalt  }
0x86: {  	_ =	shalt  }
0x87: {  	_ =	shalt  }
.Lfunc_end0:
.L_simem_size_0:
called_computation.3_lowered:
.L_overlay_start_0:
0x88: {  	s2 =	sld [smem:$0x3FD9]  }
0x89: {  	s3 =	sld [smem:$0x3FFE];
	_ =	sdelay $0x1  }
0x8a: {  	s1 =	srdreg.scid  }
0x8b: {  	s0 =	sand.u32 $0x1, s1  }
0x8c: {  	s17 =	sshll.u32 s0, $0xA;
	s2 =	sadd.s32 s3, s2  }
0x8d: {  	s2 =	sadd.s32 s2, s17  }
0x8e: {  	[smem:$0x3FBD] =	sst s2  }
0x8f: {  	_ = 	snop  }
0x90: {  	s2 =	sld [smem:$0x3FD0];
	(tm) =	ssettm $0x1  }
0x91: {  	s18 =	sld [smem:$0x3FFB];
	_ =	sdelay $0x3  }
0x92: {  	_ =	strace s18  }
0x93: {  	s3 =	sld [smem:$0x3FFC];
	_ =	sdelay $0x3  }
0x94: {  	_ =	strace s3  }
0x95: {  	s3 =	sld [smem:$0x3FFD];
	_ =	sdelay $0x3  }
0x96: {  	_ =	strace s3  }
0x97: {  	_ =	strace $0x8FFFFFFF  }
0x98: {  	s19 =	sld [smem:$0x3FDB];
	_ =	sdelay $0x1  }
0x99: {  	s4 =	simm.s32 $_scs_section_size  }
0x9a: {  	s5 =	simm.s32 $_size__tile_overlayer_lowered;
	s6 =	simm.s32 $_tile_overlayer_lowered  }
0x9b: {  	s22 =	simm.s32 $0x1BFF;
	s21 =	sshll.u32 s6, $0x1;
	s3 =	sadd.s32 s4, s19  }
0x9c: {  	s7 =	simm.s32 $0x0;
	s20 =	sshll.u32 s5, $0x1;
	s5 =	sadd.s32 s21, s3  }
0x9d: {  	[timem:s7], [sflag:s22] =	dma.local [hbm:s5], s20  }
0x9e: {  	_ =	swait.ge [sflag:s22], s20  }
0x9f: {  	s4 =	ssub.s32 $0x0, s20;
	[sflag:s22] =	ssyncset.done $0x0  }
0xa0: {  	[sflag:s22] =	ssyncadd.s32 s4;
	_ =	sdelay $0x1  }
0xa1: {  	s23 =	simm.s32 $0x1B8B  }
0xa2: {  	_ =	swait.ge [sflag:s23], $0x1  }
0xa3: {  	[sflag:s23] =	ssyncset.done $0x0  }
0xa4: {  	s25 =	simm.s32 $0x1B8E;
	s24 =	sld [smem:$0x3FFE];
	[sflag:s23] =	ssyncadd.s32 $0xFFFFFFFF  }
0xa5: {  	s26 =	simm.s32 $execute0_lowered;
	[smem:$0x3FD2] =	sst s25  }
0xa6: {  	s5 =	sshll.u32 s26, $0x1;
	_ =	strace $0x8000004F;
	[dreg:$0x1] =	wrdreg $0xFFFFFFFF  }
0xa7: {  	s28 =	simm.s32 $_size_execute0_lowered;
	s3 =	sadd.s32 s3, s5;
	[dreg:$0x0] =	wrdreg $0x0  }
0xa8: {  	s5 =	sshll.u32 s28, $0x1;
	[dreg:$0x2] =	wrdreg s3  }
0xa9: {  	[dreg:$0x3] =	wrdreg s5  }
0xaa: {  	[dreg:$0x4] =	wrdreg $0xC0  }
0xab: {  	_ =	task [dreg:s7], $0x5FFFF  }
0xac: {  	[dreg:$0x1] =	wrdreg $0xFFFFFFFF  }
0xad: {  	[dreg:$0x0] =	wrdreg $0x60  }
0xae: {  	[dreg:$0x2] =	wrdreg s2  }
0xaf: {  	[dreg:$0x3] =	wrdreg s24  }
0xb0: {  	[dreg:$0x4] =	wrdreg $0x0  }
0xb1: {  	[dreg:$0x5] =	wrdreg $0x9  }
0xb2: {  	_ =	task.clear_ibuf [dreg:s7], $0x6FFFF;
	_ =	strace $0x9000004F  }
0xb3: {  	s29 =	simm.s32 $0x9;
	_ =	strace $0x80000051  }
0xb4: {  	_ =	swait.ge [sflag:s29], $0x1  }
0xb5: {  	[sflag:s29] =	ssyncadd.s32 $0xFFFFFFFF  }
0xb6: {  	_ =	strace $0x90000051  }
0xb7: {  	_ =	sfence  }
0xb8: {  	s30 =	sld [smem:$0x0];
	_ =	sdelay $0x2  }
0xb9: {  	s31 =	sshll.u32 s1, $0xD;
	s1 =	sshrl.u32 s1, $0x2  }
0xba: {  	s3 =	sand.u32 $0x4000, s31;
	s1 =	sadd.s32 s1, s30  }
0xbb: {  	s0 =	sor.u32 s3, s0;
	s1 =	sshll.u32 s1, $0x11  }
0xbc: {  	s0 =	sor.u32 s1, s0  }
0xbd: {  	s0 =	sadd.s32 $0x8F2B, s0  }
0xbe: {  	[sflag:s0] =	ssyncadd.remote.s32 $0x1  }
0xbf: {  	_ =	sfence.sel $0xFFFF  }
0xc0: {  	[dreg:$0x0] =	wrdreg $0xFFFFFFFF;
	(pc) =	sbr.abs _section_cstart, $3  }
0xc1: {  	[dreg:$0x1] =	wrdreg $0xFFFFFFFF  }
0xc2: {  	_ =	task.clear_ibuf [dreg:s7], $0x2FFFF;
	_ =	strace $0x9FFFFFFF  }
0xc3: {  	(tm) =	ssettm $0x7FFFFFFF  }
tec
execute0_lowered:
.L_overlay_start_1:
0x0: {  	(tag) =	ssettag $0x1  }
0x1: {  	s1 =	rddreg [dreg:$0x0]  }
0x2: {  	s0 =	rddreg [dreg:$0x1]  }
0x3: {  	s2 =	rddreg [dreg:$0x2];
	s4 =	simm.s32 $0x0;
	s3 =	srdreg.scid  }
0x4: {  	s20 =	stileid.u32;
	s28 =	simm.s32 $0x17E00;
	s29 =	simm.s32 $0x13C80  }
0x5: {  	s30 =	simm.s32 $0x2;
	s31 =	simm.s32 $0x3;
	s6 =	smul.u32 $0x4F000, s20  }
0x6: {  	[smem:$0x7FF] =	sst s4;
	s3 =	sand.u32 $0x1, s3;
	s10 =	smul.u32 $0x13C00, s20  }
0x7: {  	s11 =	sadd.s32 $0x3000, s0;
	s0 =	sadd.s32 $0x17000, s0;
	s25 =	smul.u32 $0x5000, s20  }
0x8: {  	_ =	strace $0x80000050;
	s5 =	ssub.s32 $0x2, s3;
	s17 =	sshll.u32 s3, $0x4  }
0x9: {  	s7 =	sshrl.u32 s5, $0x1;
	s18 =	sor.u32 s20, s17;
	s19 =	sshrl.u32 s6, $0x2  }
0xa: {  	s13 =	sadd.s32 $0x4000, s10;
	s15 =	sadd.s32 $0x8000, s10;
	s17 =	smul.u32 $0x13C000, s3  }
0xb: {  	s16 =	sadd.s32 $0xC000, s10;
	s3 =	smul.u32 $0x50000, s3;
	s20 =	simm.s32 $0x13E00  }
0xc: {  	s12 =	ssub.s32 s5, s7;
	s5 =	sadd.s32 s19, s2;
	s6 =	sadd.s32 s13, s2  }
0xd: {  	s14 =	smul.u32 $0x5000, s18;
	s7 =	sadd.s32 s15, s2;
	s18 =	sadd.s32 $0x10000, s10  }
0xe: {  	s8 =	sadd.s32 s16, s2;
	s9 =	sadd.s32 s18, s2;
	s19 =	sadd.s32 s10, s17  }
0xf: {  	s13 =	sadd.s32 s17, s13;
	s23 =	sadd.s32 s17, s15;
	s24 =	sadd.s32 s17, s16  }
0x10: {  	s17 =	sadd.s32 s17, s18;
	s3 =	sadd.s32 s25, s3;
	s25 =	simm.s32 $0x1  }
0x11: {  	s14 =	sshrl.u32 s14, $0x3;
	s21 =	sshrl.u32 s19, $0x3;
	s13 =	sshrl.u32 s13, $0x3  }
0x12: {  	s15 =	sshrl.u32 s24, $0x3;
	s17 =	sshrl.u32 s17, $0x3;
	s26 =	sor.u32 $0x300, s3  }
0x13: {  	s3 =	sor.u32 $0x200, s3;
	s24 =	simm.s32 $0x80;
	s10 =	sadd.s32 s11, s14  }
0x14: {  	s14 =	sadd.s32 s0, s21;
	s13 =	sadd.s32 s0, s13;
	s15 =	sadd.s32 s0, s15  }
0x15: {  	s16 =	sadd.s32 s0, s17;
	s17 =	smax.u32 s12, $0x1;
	s3 =	sshrl.u32 s3, $0x3  }
0x16: {  	s21 =	simm.s32 $0x5;
	s22 =	sadd.s32 $0x20, s10;
	[dreg:$0x5] =	wrdreg s14  }
0x17: {  	[dreg:$0x6] =	wrdreg s13;
	s14 =	sshrl.u32 s23, $0x3;
	s19 =	sadd.s32 s3, s11  }
0x18: {  	s23 =	simm.s32 $0x13D00;
	s3 =	simm.s32 $0x0;
	[dreg:$0x4] =	wrdreg s22  }
0x19: {  	s14 =	sadd.s32 s0, s14;
	s0 =	sshrl.u32 s26, $0x3;
	s22 =	simm.s32 $0x13C00  }
0x1a: {  	v0 =	vimm.f32 $0.0e+00;
	s26 =	simm.s32 $0x4;
	s18 =	sadd.s32 s0, s11;
	s0 =	simm.s32 $0x13D80  }
.LBB2_1:
0x1b: {  	s11 =	simm.s32 $0x0;
	s12 =	simm.s32 $0x200  }
.LBB2_2:
0x1c: {  	p0 =	sne.s32 s12, $0xFE00;
	[tilespmem:s11+$0x13E70] =	vst v0  }
0x1d: {  	[tilespmem:s11+$0x13E00] =	vst v0  }
0x1e: {  	[tilespmem:s11+$0x13E10] =	vst v0  }
.Ltmp0:
0x1f: {  	[tilespmem:s11+$0x13E20] =	vst v0;
	(pc) =	sbr.rel @p0 .LBB2_2-.Ltmp0, $4  }
0x20: {  	[tilespmem:s11+$0x13E30] =	vst v0  }
0x21: {  	[tilespmem:s11+$0x13E40] =	vst v0  }
0x22: {  	[tilespmem:s11+$0x13E50] =	vst v0  }
0x23: {  	[tilespmem:s11+$0x13E60] =	vst v0;
	s11 =	sshra.s32 s12, $0x2;
	s12 =	sadd.s32 $0x200, s12  }
0x24: {  	[tilespmem:s11+$0x13E70] =	vst v0  }
0x25: {  	[tilespmem:s11+$0x13E00] =	vst v0  }
0x26: {  	[tilespmem:s11+$0x13E10] =	vst v0  }
0x27: {  	[tilespmem:s11+$0x13E20] =	vst v0  }
0x28: {  	[tilespmem:s11+$0x13E30] =	vst v0  }
0x29: {  	[tilespmem:s11+$0x13E40] =	vst v0  }
0x2a: {  	[tilespmem:s11+$0x13E50] =	vst v0  }
0x2b: {  	[tilespmem:s11+$0x13E60] =	vst v0  }
0x2c: {  	[spmem:s5] =	stream.linear.scatter [tilespmem:s20], [sflag:$0x5], $0x4000, $0x38;
	[tilespmem:$0x1BE00] =	vst v63  }
0x2d: {  	_ =	swait.ge [sflag:s21], $0x4000  }
0x2e: {  	[sflag:s21] =	ssyncset.done $0x0  }
0x2f: {  	[sflag:s21] =	ssyncadd.s32 $0xFFFFC000  }
0x30: {  	[spmem:s6] =	stream.linear.scatter [tilespmem:s20], [sflag:$0x5], $0x4000, $0x38;
	[tilespmem:$0x1BE00] =	vst v63  }
0x31: {  	_ =	swait.ge [sflag:s21], $0x4000  }
0x32: {  	[sflag:s21] =	ssyncset.done $0x0  }
0x33: {  	[sflag:s21] =	ssyncadd.s32 $0xFFFFC000  }
0x34: {  	[spmem:s7] =	stream.linear.scatter [tilespmem:s20], [sflag:$0x5], $0x4000, $0x38;
	[tilespmem:$0x1BE00] =	vst v63  }
0x35: {  	_ =	swait.ge [sflag:s21], $0x4000  }
0x36: {  	[sflag:s21] =	ssyncset.done $0x0  }
0x37: {  	[sflag:s21] =	ssyncadd.s32 $0xFFFFC000  }
0x38: {  	[spmem:s8] =	stream.linear.scatter [tilespmem:s20], [sflag:$0x5], $0x4000, $0x38;
	[tilespmem:$0x1BE00] =	vst v63  }
0x39: {  	_ =	swait.ge [sflag:s21], $0x4000  }
0x3a: {  	[sflag:s21] =	ssyncset.done $0x0  }
0x3b: {  	[sflag:s21] =	ssyncadd.s32 $0xFFFFC000  }
0x3c: {  	[spmem:s9] =	stream.linear.scatter [tilespmem:s20], [sflag:$0x5], $0x3C00, $0x38;
	[tilespmem:$0x1BE00] =	vst v63  }
0x3d: {  	_ =	swait.ge [sflag:s21], $0x3C00  }
0x3e: {  	[sflag:s21] =	ssyncset.done $0x0  }
0x3f: {  	[sflag:s21] =	ssyncadd.s32 $0xFFFFC400  }
0x40: {  	s13 =	simm.s32 $0x0;
	[bflag:$0x0] =	sbarrier.arrive $0xFFFF  }
0x41: {  	[tilespmem:s22], [sflag:$0x5] =	stream.linear.gather [hbm4b:s10+s13], $0x100, $0x38;
	[tilespmem:$0x1BE00] =	vst v63  }
0x42: {  	_ =	swait.ge [sflag:s21], $0x100  }
0x43: {  	[sflag:s21] =	ssyncset.done $0x0  }
0x44: {  	s12 =	rddreg [dreg:$0x4];
	[sflag:s21] =	ssyncadd.s32 $0xFFFFFF00  }
0x45: {  	[tilespmem:s23], [sflag:$0x4] =	stream.linear.gather [hbm4b:s12+s13], $0x100, $0x38;
	[tilespmem:$0x1BE00] =	vst v63  }
0x46: {  	_ = 	snop  }
0x47: {  	[tilespmem:s20], [sflag:$0x1] =	stream.indirect.gather [hbm4b:s1+s24], $0x80, s22, s24, $0xb8;
	[tilespmem:$0x1BE00] =	vst v63  }
0x48: {  	_ =	swait.ge [sflag:s25], $0x4000  }
0x49: {  	[sflag:s25] =	ssyncset.done $0x0  }
0x4a: {  	[sflag:s25] =	ssyncadd.s32 $0xFFFFC000  }
0x4b: {  	_ =	swait.ge [sflag:s26], $0x100  }
0x4c: {  	[sflag:s26] =	ssyncset.done $0x0  }
0x4d: {  	[sflag:s26] =	ssyncadd.s32 $0xFFFFFF00  }
0x4e: {  	[tilespmem:s28], [sflag:$0x2] =	stream.indirect.gather [hbm4b:s1+s24], $0x80, s23, s24, $0xb8;
	[tilespmem:$0x1BE00] =	vst v63  }
0x4f: {  	_ = 	snop  }
0x50: {  	[spmem:s2] =	stream.indirect.scatter.add.f32 [tilespmem:s20], [sflag:$0x5], $0x80, s29, s24, $0xb8;
	[tilespmem:$0x1BE00] =	vst v63  }
0x51: {  	_ =	swait.ge [sflag:s21], $0x4000  }
0x52: {  	[sflag:s21] =	ssyncset.done $0x0  }
0x53: {  	s13 =	sadd.s32 $0x0, s19;
	[sflag:s21] =	ssyncadd.s32 $0xFFFFC000  }
0x54: {  	[tilespmem:s22], [sflag:$0x3] =	stream.linear.gather [hbm4b:s13+s4], $0x100, $0x38;
	[tilespmem:$0x1BE00] =	vst v63  }
0x55: {  	_ =	swait.ge [sflag:s30], $0x4000  }
0x56: {  	[sflag:s30] =	ssyncset.done $0x0  }
0x57: {  	[sflag:s30] =	ssyncadd.s32 $0xFFFFC000  }
0x58: {  	_ =	swait.ge [sflag:s31], $0x100  }
0x59: {  	[sflag:s31] =	ssyncset.done $0x0  }
0x5a: {  	[sflag:s31] =	ssyncadd.s32 $0xFFFFFF00  }
0x5b: {  	[tilespmem:s20], [sflag:$0x1] =	stream.indirect.gather [hbm4b:s1+s24], $0x80, s22, s24, $0xb8;
	[tilespmem:$0x1BE00] =	vst v63  }
0x5c: {  	_ = 	snop  }
0x5d: {  	[spmem:s2] =	stream.indirect.scatter.add.f32 [tilespmem:s28], [sflag:$0x5], $0x80, s0, s24, $0xb8;
	[tilespmem:$0x1BE00] =	vst v63  }
0x5e: {  	_ =	swait.ge [sflag:s21], $0x4000  }
0x5f: {  	[sflag:s21] =	ssyncset.done $0x0  }
0x60: {  	s11 =	simm.s32 $0x40;
	s12 =	sadd.s32 $0x0, s18;
	[sflag:s21] =	ssyncadd.s32 $0xFFFFC000  }
.LBB2_4:
0x61: {  	[tilespmem:s23], [sflag:$0x4] =	stream.linear.gather [hbm4b:s12+s4], $0x100, $0x38;
	[tilespmem:$0x1BE00] =	vst v63  }
0x62: {  	s12 =	smov.u32 s11  }
0x63: {  	p0 =	sne.s32 s11, $0x980;
	s11 =	sadd.s32 $0x40, s11;
	_ =	swait.ge [sflag:s25], $0x4000  }
0x64: {  	[sflag:s25] =	ssyncset.done $0x0  }
0x65: {  	[sflag:s25] =	ssyncadd.s32 $0xFFFFC000  }
0x66: {  	_ =	swait.ge [sflag:s26], $0x100  }
0x67: {  	[sflag:s26] =	ssyncset.done $0x0  }
0x68: {  	[sflag:s26] =	ssyncadd.s32 $0xFFFFFF00  }
0x69: {  	[tilespmem:s28], [sflag:$0x2] =	stream.indirect.gather [hbm4b:s1+s24], $0x80, s23, s24, $0xb8;
	[tilespmem:$0x1BE00] =	vst v63  }
0x6a: {  	_ = 	snop  }
0x6b: {  	[spmem:s2] =	stream.indirect.scatter.add.f32 [tilespmem:s20], [sflag:$0x5], $0x80, s29, s24, $0xb8;
	[tilespmem:$0x1BE00] =	vst v63  }
0x6c: {  	_ =	swait.ge [sflag:s21], $0x4000  }
0x6d: {  	[sflag:s21] =	ssyncset.done $0x0  }
0x6e: {  	s13 =	sadd.s32 s12, s19;
	[sflag:s21] =	ssyncadd.s32 $0xFFFFC000  }
0x6f: {  	[tilespmem:s22], [sflag:$0x3] =	stream.linear.gather [hbm4b:s13+s4], $0x100, $0x38;
	[tilespmem:$0x1BE00] =	vst v63  }
0x70: {  	_ =	swait.ge [sflag:s30], $0x4000  }
0x71: {  	[sflag:s30] =	ssyncset.done $0x0  }
0x72: {  	[sflag:s30] =	ssyncadd.s32 $0xFFFFC000  }
0x73: {  	_ =	swait.ge [sflag:s31], $0x100  }
0x74: {  	[sflag:s31] =	ssyncset.done $0x0  }
0x75: {  	[sflag:s31] =	ssyncadd.s32 $0xFFFFFF00  }
0x76: {  	[tilespmem:s20], [sflag:$0x1] =	stream.indirect.gather [hbm4b:s1+s24], $0x80, s22, s24, $0xb8;
	[tilespmem:$0x1BE00] =	vst v63  }
.Ltmp1:
0x77: {  	(pc) =	sbr.rel @p0 .LBB2_4-.Ltmp1, $4  }
0x78: {  	[spmem:s2] =	stream.indirect.scatter.add.f32 [tilespmem:s28], [sflag:$0x5], $0x80, s0, s24, $0xb8;
	[tilespmem:$0x1BE00] =	vst v63  }
0x79: {  	_ =	swait.ge [sflag:s21], $0x4000  }
0x7a: {  	[sflag:s21] =	ssyncset.done $0x0  }
0x7b: {  	s12 =	sadd.s32 s12, s18;
	[sflag:s21] =	ssyncadd.s32 $0xFFFFC000  }
0x7c: {  	[tilespmem:s23], [sflag:$0x4] =	stream.linear.gather [hbm4b:s12+s4], $0x100, $0x38;
	[tilespmem:$0x1BE00] =	vst v63  }
0x7d: {  	_ =	swait.ge [sflag:s25], $0x4000  }
0x7e: {  	[sflag:s25] =	ssyncset.done $0x0  }
0x7f: {  	[sflag:s25] =	ssyncadd.s32 $0xFFFFC000  }
0x80: {  	[spmem:s2] =	stream.indirect.scatter.add.f32 [tilespmem:s20], [sflag:$0x5], $0x80, s29, s24, $0xb8;
	[tilespmem:$0x1BE00] =	vst v63  }
0x81: {  	_ =	swait.ge [sflag:s21], $0x4000  }
0x82: {  	[sflag:s21] =	ssyncset.done $0x0  }
0x83: {  	[sflag:s21] =	ssyncadd.s32 $0xFFFFC000  }
0x84: {  	_ =	swait.ge [sflag:s26], $0x100  }
0x85: {  	[sflag:s26] =	ssyncset.done $0x0  }
0x86: {  	[sflag:s26] =	ssyncadd.s32 $0xFFFFFF00  }
0x87: {  	[tilespmem:s28], [sflag:$0x5] =	stream.indirect.gather [spmem:s2], $0x80, s29, s24, $0xb8;
	[tilespmem:$0x1BE00] =	vst v63  }
0x88: {  	_ =	swait.ge [sflag:s21], $0x4000  }
0x89: {  	[sflag:s21] =	ssyncset.done $0x0  }
0x8a: {  	[sflag:s21] =	ssyncadd.s32 $0xFFFFC000  }
0x8b: {  	[bflag:$0x0] =	sbarrier.arrive $0xFFFF  }
0x8c: {  	[tilespmem:s20], [sflag:$0x5] =	stream.linear.gather [spmem:s5], $0x4000, $0x38;
	[tilespmem:$0x1BE00] =	vst v63  }
0x8d: {  	_ =	swait.ge [sflag:s21], $0x4000  }
0x8e: {  	[sflag:s21] =	ssyncset.done $0x0  }
0x8f: {  	s11 =	rddreg [dreg:$0x5];
	[sflag:s21] =	ssyncadd.s32 $0xFFFFC000  }
0x90: {  	[hbm4b:s11+s4] =	stream.linear.scatter [tilespmem:s20], [sflag:$0x1], $0x4000, $0x38;
	[tilespmem:$0x1BE00] =	vst v63  }
0x91: {  	_ = 	snop  }
0x92: {  	[tilespmem:s28], [sflag:$0x5] =	stream.linear.gather [spmem:s6], $0x4000, $0x38;
	[tilespmem:$0x1BE00] =	vst v63  }
0x93: {  	_ =	swait.ge [sflag:s21], $0x4000  }
0x94: {  	[sflag:s21] =	ssyncset.done $0x0  }
0x95: {  	s13 =	rddreg [dreg:$0x6];
	[sflag:s21] =	ssyncadd.s32 $0xFFFFC000  }
0x96: {  	[hbm4b:s13+s4] =	stream.linear.scatter [tilespmem:s28], [sflag:$0x2], $0x4000, $0x38;
	[tilespmem:$0x1BE00] =	vst v63  }
0x97: {  	_ =	swait.ge [sflag:s25], $0x4000  }
0x98: {  	[sflag:s25] =	ssyncset.done $0x0  }
0x99: {  	[sflag:s25] =	ssyncadd.s32 $0xFFFFC000  }
0x9a: {  	[tilespmem:s20], [sflag:$0x5] =	stream.linear.gather [spmem:s7], $0x4000, $0x38;
	[tilespmem:$0x1BE00] =	vst v63  }
0x9b: {  	_ =	swait.ge [sflag:s21], $0x4000  }
0x9c: {  	[sflag:s21] =	ssyncset.done $0x0  }
0x9d: {  	[sflag:s21] =	ssyncadd.s32 $0xFFFFC000  }
0x9e: {  	[hbm4b:s14+s4] =	stream.linear.scatter [tilespmem:s20], [sflag:$0x1], $0x4000, $0x38;
	[tilespmem:$0x1BE00] =	vst v63  }
0x9f: {  	_ =	swait.ge [sflag:s30], $0x4000  }
0xa0: {  	[sflag:s30] =	ssyncset.done $0x0  }
0xa1: {  	[sflag:s30] =	ssyncadd.s32 $0xFFFFC000  }
0xa2: {  	[tilespmem:s28], [sflag:$0x5] =	stream.linear.gather [spmem:s8], $0x4000, $0x38;
	[tilespmem:$0x1BE00] =	vst v63  }
0xa3: {  	_ =	swait.ge [sflag:s21], $0x4000  }
0xa4: {  	[sflag:s21] =	ssyncset.done $0x0  }
0xa5: {  	[sflag:s21] =	ssyncadd.s32 $0xFFFFC000  }
0xa6: {  	[hbm4b:s15+s4] =	stream.linear.scatter [tilespmem:s28], [sflag:$0x2], $0x4000, $0x38;
	[tilespmem:$0x1BE00] =	vst v63  }
0xa7: {  	_ =	swait.ge [sflag:s25], $0x4000  }
0xa8: {  	[sflag:s25] =	ssyncset.done $0x0  }
0xa9: {  	[sflag:s25] =	ssyncadd.s32 $0xFFFFC000  }
0xaa: {  	[tilespmem:s20], [sflag:$0x5] =	stream.linear.gather [spmem:s9], $0x3C00, $0x38;
	[tilespmem:$0x1BE00] =	vst v63  }
0xab: {  	_ =	swait.ge [sflag:s21], $0x3C00  }
0xac: {  	[sflag:s21] =	ssyncset.done $0x0  }
0xad: {  	s3 =	sadd.s32 $0x1, s3;
	[sflag:s21] =	ssyncadd.s32 $0xFFFFC400  }
0xae: {  	[hbm4b:s16+s4] =	stream.linear.scatter [tilespmem:s20], [sflag:$0x1], $0x3C00, $0x38;
	[tilespmem:$0x1BE00] =	vst v63  }
0xaf: {  	p0 =	sne.s32 s3, s17;
	_ =	swait.ge [sflag:s30], $0x4000  }
.Ltmp2:
0xb0: {  	[sflag:s30] =	ssyncset.done $0x0;
	(pc) =	sbr.rel @p0 .LBB2_1-.Ltmp2, $4  }
0xb1: {  	[sflag:s30] =	ssyncadd.s32 $0xFFFFC000  }
0xb2: {  	_ =	swait.ge [sflag:s25], $0x3C00  }
0xb3: {  	[sflag:s25] =	ssyncset.done $0x0  }
0xb4: {  	[sflag:s25] =	ssyncadd.s32 $0xFFFFC400  }
0xb5: {  	_ =	sfence.sel $0x180000  }
0xb6: {  	[bflag:$0x0] =	sbarrier.arrive $0xFFFF  }
0xb7: {  	_ =	strace $0x90000050  }
0xb8: {  	s0 =	stileid.u32;
	[bflag:$0x2] =	sbarrier.arrive $0xFFFF  }
0xb9: {  	p0 =	sne.s32 s0, $0x0;
	s0 =	rddreg [dreg:$0x3]  }
0xba: {  	s0 =	sadd.s32 @!p0 $0x100000, s0  }
0xbb: {  	[sflag:s0] =	ssyncadd.tile.s32 @!p0 $0x1;
	_ =	shalt  }
.Lfunc_end2:
_tile_overlayer_lowered:
.L_overlay_start_2:
0xbc: {  	(tag) =	ssettag $0x2  }
0xbd: {  	s0 =	rddreg [dreg:$0x0];
	s2 =	stileid.u32  }
0xbe: {  	s1 =	rddreg [dreg:$0x1];
	p0 =	sne.s32 s2, $0x0  }
0xbf: {  	s3 =	rddreg [dreg:$0x2];
	[bflag:$0x3] =	sbarrier.arrive $0xFFFF;
	s2 =	simm.s32 @!p0 $0x1C05  }
0xc0: {  	[timem:s3], [sflag:s2] =	dma.local @!p0 [hbm:s0], s1  }
0xc1: {  	s0 =	simm.s32 @!p0 $0x5  }
0xc2: {  	_ =	swait.ge @!p0 [sflag:s0], s1  }
0xc3: {  	s1 =	ssub.s32 @!p0 $0x0, s1;
	[sflag:s0] =	ssyncset.done @!p0 $0x0  }
0xc4: {  	[sflag:s0] =	ssyncadd.s32 @!p0 s1  }
0xc5: {  	[bflag:$0x3] =	sbarrier.arrive $0xFFFF  }
0xc6: {  	_ =	shalt  }

</sc_bundles>
